<compile_context>
chip_gen: v7x
topology: tpu7x:2x2x1
jax: 0.10.2.dev20260603
libtpu: 0.0.44.dev20260713+nightly
codegen_flags: <defaults>
</compile_context>

<pallas_src>
import jax
import jax.numpy as jnp
from jax import lax
from jax.experimental import pallas as pl
from jax.experimental.pallas import tpu as pltpu
from jax.experimental.pallas import tpu_sc as plsc

B, S, D = 4, 4096, 1024
ND = 2047
NDP = 2048
NC, NS, L = 2, 16, 16
NW = NC * NS
RPB = NW // B
RD = NDP // RPB
NP = 8
CW = D // NP
TCH = 128
NCH = S // TCH
AR = RD + 8
ZB = 64


def _body(x_hbm, dst_hbm, pos_hbm, out_x, out_pos,
          dst_v, pos_v, cnt_v, ps_v, recip_v, pout_v, idx2,
          tok_a, tok_b, eb_a, eb_b, zbuf, acc_sh,
          sem_a, sem_b, sem_z, sem_r, sem_e0, sem_e1, sem_w):
    cid = lax.axis_index("c")
    sid = lax.axis_index("s")
    wid = sid * NC + cid
    b = wid // RPB
    r = wid % RPB
    r0 = r * RD
    sbase = sid * AR

    pltpu.sync_copy(dst_hbm.at[pl.ds(pl.multiple_of(b * S, S), S)], dst_v)
    pltpu.sync_copy(pos_hbm.at[pl.ds(pl.multiple_of(b * S, S), S)], pos_v)

    zi = jnp.zeros((L,), jnp.int32)

    def cnt_lt(i, carry):
        a0, a1 = carry
        v = dst_v[pl.ds(i * L, L)]
        a0 = a0 + jnp.where(v < r0, 1, 0)
        a1 = a1 + jnp.where(v < r0 + RD, 1, 0)
        return a0, a1

    a0, a1 = lax.fori_loop(0, S // L, cnt_lt, (zi, zi))
    t0 = jnp.sum(a0)
    t1 = jnp.sum(a1)

    zf = jnp.zeros((L,), jnp.float32)

    def zc(i, _):
        cnt_v[pl.ds(i * L, L)] = zi
        ps_v[pl.ds(i * L, L)] = zi
        return 0

    lax.fori_loop(0, RD // L, zc, 0)

    def zz(row, _):
        for cc in range(CW // L):
            zbuf[row, pl.ds(cc * L, L)] = zf
        return 0

    lax.fori_loop(0, ZB, zz, 0)

    lanes = lax.iota(jnp.int32, L)
    ones = jnp.ones((L,), jnp.int32)
    i0 = lax.div(t0, L)
    i1 = lax.div(t1 + (L - 1), L)

    def cvec(i, _):
        g = i * L
        dv = dst_v[pl.ds(g, L)]
        pv = pos_v[pl.ds(g, L)]
        gi = g + lanes
        msk = (gi >= t0) & (gi < t1)
        d = dv - r0
        plsc.addupdate_scatter(cnt_v, [d], ones, mask=msk)
        plsc.addupdate_scatter(ps_v, [d], pv, mask=msk)
        return 0

    lax.fori_loop(i0, i1, cvec, 0)

    onef = jnp.ones((L,), jnp.float32)

    def rc(i, _):
        sl = pl.ds(i * L, L)
        cv = cnt_v[sl]
        cf = cv.astype(jnp.float32)
        recip_v[sl] = onef / jnp.maximum(cf, 1.0)
        pout_v[sl] = lax.div(ps_v[sl], jnp.maximum(cv, 1))
        return 0

    lax.fori_loop(0, RD // L, rc, 0)

    pltpu.sync_copy(pout_v, out_pos.at[pl.ds(pl.multiple_of(b * NDP + r0, RD), RD)])

    def mkidx(ch, _):
        for k in range(TCH // L):
            dv = dst_v[pl.ds(ch * TCH + k * L, L)] - r0
            ok = (dv >= 0) & (dv < RD)
            idx2[ch, pl.ds(k * L, L)] = sbase + jnp.where(ok, dv, RD)
        return 0

    lax.fori_loop(0, NCH, mkidx, 0)

    ch0 = lax.div(t0, TCH)
    ch1 = lax.div(t1 + (TCH - 1), TCH)
    nch = ch1 - ch0

    def src_for(c, p):
        return x_hbm.at[b, pl.ds(pl.multiple_of(c * TCH, TCH), TCH),
                        pl.ds(pl.multiple_of(p * CW, CW), CW)]

    SH = RD // 2

    def acc_half(h, j):
        return acc_sh.at[
            pl.ds(pl.multiple_of(sbase + h * SH + j * ZB, 8), ZB)]

    def acc_slab(h):
        return acc_sh.at[pl.ds(pl.multiple_of(sbase + h * SH, 8), SH)]

    def out_slab(h, p):
        return out_x.at[b, pl.ds(pl.multiple_of(r0 + h * SH, SH), SH),
                        pl.ds(pl.multiple_of(p * CW, CW), CW)]

    def issue_zeros(p):
        pltpu.async_copy(zbuf, acc_half(0, 0), sem_z)
        pltpu.async_copy(zbuf, acc_half(0, 1), sem_z)
        pltpu.async_copy(zbuf, acc_half(1, 0), sem_r)
        pltpu.async_copy(zbuf, acc_half(1, 1), sem_r)

    def wait_zeros():
        pltpu.make_async_copy(zbuf, acc_half(0, 0), sem_z).wait()
        pltpu.make_async_copy(zbuf, acc_half(0, 1), sem_z).wait()
        pltpu.make_async_copy(zbuf, acc_half(1, 0), sem_r).wait()
        pltpu.make_async_copy(zbuf, acc_half(1, 1), sem_r).wait()

    def scale(buf, h):
        def sgr(gr, _):
            rv = recip_v[pl.ds(h * SH + gr * L, L)]
            for j in range(L):
                rcp = rv[j]
                row = gr * L + j
                for cc in range(CW // L):
                    sl = pl.ds(cc * L, L)
                    buf[row, sl] = buf[row, sl] * rcp
            return 0

        lax.fori_loop(0, SH // L, sgr, 0)

    issue_zeros(0)

    @pl.when(nch > 0)
    def _():
        pltpu.async_copy(src_for(ch0, 0), tok_a, sem_a)

    def one_pass(p, _):
        wait_zeros()

        bufs = ((tok_a, sem_a), (tok_b, sem_b))

        def pair(cp, _):
            for k in range(2):
                buf, sem = bufs[k]
                nbuf, nsem = bufs[1 - k]
                c = ch0 + cp * 2 + k

                @pl.when(c < ch1)
                def _():
                    pltpu.make_async_copy(src_for(c, p), buf, sem).wait()

                    @pl.when(c + 1 < ch1)
                    def _():
                        pltpu.async_copy(src_for(c + 1, p), nbuf, nsem)

                    pltpu.sync_copy(buf, acc_sh.at[idx2.at[c]], add=True)

            return 0

        lax.fori_loop(0, lax.div(nch + 1, 2), pair, 0)

        @pl.when(p > 0)
        def _():
            pltpu.make_async_copy(eb_a, out_slab(0, p - 1), sem_w).wait()
            pltpu.make_async_copy(eb_b, out_slab(1, p - 1), sem_w).wait()

        pltpu.async_copy(acc_slab(0), eb_a, sem_e0)
        pltpu.async_copy(acc_slab(1), eb_b, sem_e1)

        pltpu.make_async_copy(acc_slab(0), eb_a, sem_e0).wait()
        scale(eb_a, 0)
        pltpu.async_copy(eb_a, out_slab(0, p), sem_w)

        pltpu.make_async_copy(acc_slab(1), eb_b, sem_e1).wait()

        @pl.when(p + 1 < NP)
        def _():
            issue_zeros(p + 1)

            @pl.when(nch > 0)
            def _():
                pltpu.async_copy(src_for(ch0, p + 1), tok_a, sem_a)

        scale(eb_b, 1)
        pltpu.async_copy(eb_b, out_slab(1, p), sem_w)
        return 0

    lax.fori_loop(0, NP, one_pass, 0)
    pltpu.make_async_copy(eb_a, out_slab(0, NP - 1), sem_w).wait()
    pltpu.make_async_copy(eb_b, out_slab(1, NP - 1), sem_w).wait()


@jax.jit
def _downsample(x, dst, pos):
    mesh = plsc.VectorSubcoreMesh(
        core_axis_name="c", subcore_axis_name="s",
        num_cores=NC, num_subcores=NS)
    f = pl.kernel(
        _body,
        out_type=(jax.ShapeDtypeStruct((B, NDP, D), jnp.float32),
                  jax.ShapeDtypeStruct((B * NDP,), jnp.int32)),
        mesh=mesh,
        compiler_params=pltpu.CompilerParams(
            use_tc_tiling_on_sc=True, needs_layout_passes=False),
        scratch_types=[
            pltpu.VMEM((S,), jnp.int32),
            pltpu.VMEM((S,), jnp.int32),
            pltpu.VMEM((RD,), jnp.int32),
            pltpu.VMEM((RD,), jnp.int32),
            pltpu.VMEM((RD,), jnp.float32),
            pltpu.VMEM((RD,), jnp.int32),
            pltpu.VMEM((NCH, TCH), jnp.int32),
            pltpu.VMEM((TCH, CW), jnp.float32),
            pltpu.VMEM((TCH, CW), jnp.float32),
            pltpu.VMEM((RD // 2, CW), jnp.float32),
            pltpu.VMEM((RD // 2, CW), jnp.float32),
            pltpu.VMEM((ZB, CW), jnp.float32),
            pltpu.VMEM_SHARED((NS * AR, CW), jnp.float32),
            pltpu.SemaphoreType.DMA,
            pltpu.SemaphoreType.DMA,
            pltpu.SemaphoreType.DMA,
            pltpu.SemaphoreType.DMA,
            pltpu.SemaphoreType.DMA,
            pltpu.SemaphoreType.DMA,
            pltpu.SemaphoreType.DMA,
        ],
    )
    return f(x, dst, pos)


def kernel(x, position_ids, down_merge_dst, n_dst):
    xo, po = _downsample(
        x, down_merge_dst.reshape(-1), position_ids.reshape(-1))
    return (xo[:, :ND], po.reshape(B, NDP)[:, :ND])

# --- scband reference (transcript-rebuilt; emitter-appended) ---
"""Pipeline reference for scband-average-token-downsampler-88295937671418 (READ-ONLY COPY).

The authoritative reference and input builder live on the scoring server;
editing this copy changes nothing except your own understanding.
"""

import jax, jax.numpy as jnp
import numpy as np


def setup_inputs(seed: int = 0) -> dict:
    key = jax.random.key(seed)
    B, S, D = 4, 4096, 1024
    MAXD = 2047
    k1, k2 = jax.random.split(key)
    x = jax.random.normal(k1, (B, S, D), dtype=jnp.float32)
    position_ids = jnp.tile(jnp.arange(S, dtype=jnp.int32)[None, :], (B, 1))
    down_merge_dst = jnp.sort(jax.random.randint(k2, (B, S), 0, MAXD, dtype=jnp.int32), axis=1)
    n_dst = jnp.full((B,), MAXD, dtype=jnp.int32)
    return {"x": x, "position_ids": position_ids, "down_merge_dst": down_merge_dst, "n_dst": n_dst}


def reference(x, position_ids, down_merge_dst, n_dst):
    B, S, D = x.shape
    max_n_dst = 2047
    max_n_dst_t = jnp.max(n_dst).astype(jnp.int32)
    # flatten batch into disjoint segment id ranges
    seg = (down_merge_dst.astype(jnp.int32) + jnp.arange(B, dtype=jnp.int32)[:, None] * max_n_dst_t).reshape(-1)
    ns = B * max_n_dst
    ones = jnp.ones((B * S,), dtype=jnp.float32)
    cnt = jax.ops.segment_sum(ones, seg, num_segments=ns)
    xs = jax.ops.segment_sum(x.reshape(B * S, D), seg, num_segments=ns)
    # scatter_reduce mean with include_self=False: untouched slots keep initial zeros
    x_down = jnp.where(cnt[:, None] > 0, xs / jnp.maximum(cnt, 1.0)[:, None], 0.0)
    x_down = x_down.reshape(B, max_n_dst, D)
    ps = jax.ops.segment_sum(position_ids.reshape(-1).astype(jnp.int32), seg, num_segments=ns)
    cnt_i = cnt.astype(jnp.int32)
    pos_down = jnp.where(cnt_i > 0, ps // jnp.maximum(cnt_i, 1), 0)
    pos_down = pos_down.reshape(B, max_n_dst)
    return (x_down, pos_down)

if __name__ == "__main__":
    import jax
    _d = setup_inputs()
    print(jax.jit(kernel)(*tuple(_d.values())))

</pallas_src>

<mosaic_0001>
#map = affine_map<(d0, d1) -> (0, 0, 0)>
#map1 = affine_map<(d0, d1) -> (0)>
module attributes {stable_mosaic.version = 14 : i64} {
  func.func @_body(%arg0: i32, %arg1: i32, %arg2: memref<4x4096x1024xf32, #tpu.memory_space<hbm>>, %arg3: memref<16384xi32, #tpu.memory_space<hbm>>, %arg4: memref<16384xi32, #tpu.memory_space<hbm>>, %arg5: memref<4x2048x1024xf32, #tpu.memory_space<hbm>>, %arg6: memref<8192xi32, #tpu.memory_space<hbm>>, %arg7: memref<4096xi32, #tpu.memory_space<vmem>>, %arg8: memref<4096xi32, #tpu.memory_space<vmem>>, %arg9: memref<256xi32, #tpu.memory_space<vmem>>, %arg10: memref<256xi32, #tpu.memory_space<vmem>>, %arg11: memref<256xf32, #tpu.memory_space<vmem>>, %arg12: memref<256xi32, #tpu.memory_space<vmem>>, %arg13: memref<32x128xi32, #tpu.memory_space<vmem>>, %arg14: memref<128x128xf32, #tpu.memory_space<vmem>>, %arg15: memref<128x128xf32, #tpu.memory_space<vmem>>, %arg16: memref<128x128xf32, #tpu.memory_space<vmem>>, %arg17: memref<128x128xf32, #tpu.memory_space<vmem>>, %arg18: memref<64x128xf32, #tpu.memory_space<vmem>>, %arg19: memref<4224x128xf32, #tpu.memory_space<vmem_shared>>, %arg20: memref<!tpu.dma_semaphore, #tpu.memory_space<semaphore_mem>>, %arg21: memref<!tpu.dma_semaphore, #tpu.memory_space<semaphore_mem>>, %arg22: memref<!tpu.dma_semaphore, #tpu.memory_space<semaphore_mem>>, %arg23: memref<!tpu.dma_semaphore, #tpu.memory_space<semaphore_mem>>, %arg24: memref<!tpu.dma_semaphore, #tpu.memory_space<semaphore_mem>>, %arg25: memref<!tpu.dma_semaphore, #tpu.memory_space<semaphore_mem>>, %arg26: memref<!tpu.dma_semaphore, #tpu.memory_space<semaphore_mem>>) attributes {dimension_semantics = [#tpu.dimension_semantics<core_parallel>, #tpu.dimension_semantics<subcore_parallel>], iteration_bounds = array<i64: 2, 16>, scalar_prefetch = 0 : i64, scratch_operands = 20 : i64, tpu.core_type = #tpu.core_type<sc_vector_subcore>, window_params = [{transform_indices = #map}, {transform_indices = #map1}, {transform_indices = #map1}, {transform_indices = #map}, {transform_indices = #map1}]} {
    %mul3A = arith.constant 2 : i32
    %mul3A_0 = arith.muli %arg1, %mul3A : i32
    %add3A = arith.addi %mul3A_0, %arg0 : i32
    %jit3A = arith.constant 8 : i32
    %div3A = arith.divsi %add3A, %jit3A : i32
    %sign3A = arith.constant 0 : i32
    %sign3A_1 = arith.cmpi sgt, %add3A, %sign3A : i32
    %sign3A_2 = arith.extui %sign3A_1 : i1 to i32
    %sign3A_3 = arith.constant 0 : i32
    %sign3A_4 = arith.cmpi slt, %add3A, %sign3A_3 : i32
    %sign3A_5 = arith.extui %sign3A_4 : i1 to i32
    %sign3A_6 = arith.subi %sign3A_2, %sign3A_5 : i32
    %sign3A_7 = arith.constant 0 : i32
    %sign3A_8 = arith.cmpi sgt, %jit3A, %sign3A_7 : i32
    %sign3A_9 = arith.extui %sign3A_8 : i1 to i32
    %sign3A_10 = arith.constant 0 : i32
    %sign3A_11 = arith.cmpi slt, %jit3A, %sign3A_10 : i32
    %sign3A_12 = arith.extui %sign3A_11 : i1 to i32
    %sign3A_13 = arith.subi %sign3A_9, %sign3A_12 : i32
    %ne3A = arith.cmpi ne, %sign3A_6, %sign3A_13 : i32
    %rem3A = arith.remsi %add3A, %jit3A : i32
    %ne3A_14 = arith.constant 0 : i32
    %ne3A_15 = arith.cmpi ne, %rem3A, %ne3A_14 : i32
    %and3A = arith.andi %ne3A, %ne3A_15 : i1
    %sub3A = arith.constant 1 : i32
    %sub3A_16 = arith.subi %div3A, %sub3A : i32
    %select_n3A = arith.select %and3A, %sub3A_16, %div3A : i32
    %jit3A_17 = arith.constant 8 : i32
    %eq3A = arith.constant 0 : i32
    %eq3A_18 = arith.cmpi eq, %jit3A_17, %eq3A : i32
    %jit3A_19 = arith.constant 1 : i32
    %select_n3A_20 = arith.select %eq3A_18, %jit3A_19, %jit3A_17 : i32
    %rem3A_21 = arith.remsi %add3A, %select_n3A_20 : i32
    %ne3A_22 = arith.constant 0 : i32
    %ne3A_23 = arith.cmpi ne, %rem3A_21, %ne3A_22 : i32
    %lt3A = arith.constant 0 : i32
    %lt3A_24 = arith.cmpi slt, %rem3A_21, %lt3A : i32
    %lt3A_25 = arith.constant 0 : i32
    %lt3A_26 = arith.cmpi slt, %select_n3A_20, %lt3A_25 : i32
    %ne3A_27 = arith.xori %lt3A_24, %lt3A_26 : i1
    %and3A_28 = arith.andi %ne3A_27, %ne3A_23 : i1
    %add3A_29 = arith.addi %rem3A_21, %select_n3A_20 : i32
    %select_n3A_30 = arith.select %and3A_28, %add3A_29, %rem3A_21 : i32
    %mul3A_31 = arith.constant 256 : i32
    %mul3A_32 = arith.muli %select_n3A_30, %mul3A_31 : i32
    %mul3A_33 = arith.constant 264 : i32
    %mul3A_34 = arith.muli %arg1, %mul3A_33 : i32
    %mul3A_35 = arith.constant 4096 : i32
    %mul3A_36 = arith.muli %select_n3A, %mul3A_35 : i32
    %multiple_of3A = tpu.assume_multiple %mul3A_36, 4096 : i32
    "tpu.region"() ({
      %run_scoped3A = tpu.sem_alloc : memref<!tpu.dma_semaphore, #tpu.memory_space<semaphore_mem>>
      %dma_start3A_175 = tpu.memref_slice %arg3[%multiple_of3A] : memref<16384xi32, #tpu.memory_space<hbm>> -> memref<4096xi32, #tpu.memory_space<hbm>>
      %dma_start3A_176 = tpu.memref_slice %arg3[%multiple_of3A] : memref<16384xi32, #tpu.memory_space<hbm>> -> memref<4096xi32, #tpu.memory_space<hbm>>
      tpu.enqueue_dma source(%dma_start3A_176 : memref<4096xi32, #tpu.memory_space<hbm>>) target(%arg7 : memref<4096xi32, #tpu.memory_space<vmem>>) target_semaphore(%run_scoped3A : memref<!tpu.dma_semaphore, #tpu.memory_space<semaphore_mem>>)
      %dma_wait3A_177 = tpu.memref_slice %arg3[%multiple_of3A] : memref<16384xi32, #tpu.memory_space<hbm>> -> memref<4096xi32, #tpu.memory_space<hbm>>
      %dma_wait3A_178 = tpu.memref_slice %arg3[%multiple_of3A] : memref<16384xi32, #tpu.memory_space<hbm>> -> memref<4096xi32, #tpu.memory_space<hbm>>
      tpu.wait_dma2 semaphore(%run_scoped3A : memref<!tpu.dma_semaphore, #tpu.memory_space<semaphore_mem>>) src(%dma_wait3A_178 : memref<4096xi32, #tpu.memory_space<hbm>>) dst(%arg7 : memref<4096xi32, #tpu.memory_space<vmem>>)
      tpu.yield
    }) : () -> ()
    %mul3A_37 = arith.constant 4096 : i32
    %mul3A_38 = arith.muli %select_n3A, %mul3A_37 : i32
    %multiple_of3A_39 = tpu.assume_multiple %mul3A_38, 4096 : i32
    "tpu.region"() ({
      %run_scoped3A = tpu.sem_alloc : memref<!tpu.dma_semaphore, #tpu.memory_space<semaphore_mem>>
      %dma_start3A_175 = tpu.memref_slice %arg4[%multiple_of3A_39] : memref<16384xi32, #tpu.memory_space<hbm>> -> memref<4096xi32, #tpu.memory_space<hbm>>
      %dma_start3A_176 = tpu.memref_slice %arg4[%multiple_of3A_39] : memref<16384xi32, #tpu.memory_space<hbm>> -> memref<4096xi32, #tpu.memory_space<hbm>>
      tpu.enqueue_dma source(%dma_start3A_176 : memref<4096xi32, #tpu.memory_space<hbm>>) target(%arg8 : memref<4096xi32, #tpu.memory_space<vmem>>) target_semaphore(%run_scoped3A : memref<!tpu.dma_semaphore, #tpu.memory_space<semaphore_mem>>)
      %dma_wait3A_177 = tpu.memref_slice %arg4[%multiple_of3A_39] : memref<16384xi32, #tpu.memory_space<hbm>> -> memref<4096xi32, #tpu.memory_space<hbm>>
      %dma_wait3A_178 = tpu.memref_slice %arg4[%multiple_of3A_39] : memref<16384xi32, #tpu.memory_space<hbm>> -> memref<4096xi32, #tpu.memory_space<hbm>>
      tpu.wait_dma2 semaphore(%run_scoped3A : memref<!tpu.dma_semaphore, #tpu.memory_space<semaphore_mem>>) src(%dma_wait3A_178 : memref<4096xi32, #tpu.memory_space<hbm>>) dst(%arg8 : memref<4096xi32, #tpu.memory_space<vmem>>)
      tpu.yield
    }) : () -> ()
    %broadcast_in_dim3A = arith.constant 0 : i32
    %broadcast_in_dim3A_40 = vector.broadcast %broadcast_in_dim3A : i32 to vector<16xi32>
    %scan3A = arith.constant 0 : i32
    %scan3A_41 = arith.constant 256 : i32
    %scan3A_42 = arith.addi %scan3A, %scan3A_41 : i32
    %scan3A_43 = arith.constant 1 : i32
    %scan3A_44:2 = scf.for %scan3A_175 = %scan3A to %scan3A_42 step %scan3A_43 iter_args(%scan3A_176 = %broadcast_in_dim3A_40, %scan3A_177 = %broadcast_in_dim3A_40) -> (vector<16xi32>, vector<16xi32>)  : i32 {
      %mul3A_178 = arith.constant 16 : i32
      %mul3A_179 = arith.muli %scan3A_175, %mul3A_178 : i32
      %get3A = arith.index_cast %mul3A_179 : i32 to index
      %get3A_180 = tpu.vector_load %arg7[%get3A] {strides = array<i32>} : memref<4096xi32, #tpu.memory_space<vmem>>, vector<16xi32>,
      %lt3A_181 = vector.broadcast %mul3A_32 : i32 to vector<16xi32>
      %lt3A_182 = arith.cmpi slt, %get3A_180, %lt3A_181 : vector<16xi32>
      %jit3A_183 = arith.constant 1 : i32
      %jit3A_184 = arith.constant 0 : i32
      %broadcast_in_dim3A_185 = vector.broadcast %jit3A_183 : i32 to vector<16xi32>
      %broadcast_in_dim3A_186 = vector.broadcast %jit3A_184 : i32 to vector<16xi32>
      %select_n3A_187 = arith.select %lt3A_182, %broadcast_in_dim3A_185, %broadcast_in_dim3A_186 : vector<16xi1>, vector<16xi32>
      %add3A_188 = arith.addi %scan3A_176, %select_n3A_187 : vector<16xi32>
      %add3A_189 = arith.constant 256 : i32
      %add3A_190 = arith.addi %mul3A_32, %add3A_189 : i32
      %lt3A_191 = vector.broadcast %add3A_190 : i32 to vector<16xi32>
      %lt3A_192 = arith.cmpi slt, %get3A_180, %lt3A_191 : vector<16xi32>
      %jit3A_193 = arith.constant 1 : i32
      %jit3A_194 = arith.constant 0 : i32
      %broadcast_in_dim3A_195 = vector.broadcast %jit3A_193 : i32 to vector<16xi32>
      %broadcast_in_dim3A_196 = vector.broadcast %jit3A_194 : i32 to vector<16xi32>
      %select_n3A_197 = arith.select %lt3A_192, %broadcast_in_dim3A_195, %broadcast_in_dim3A_196 : vector<16xi1>, vector<16xi32>
      %add3A_198 = arith.addi %scan3A_177, %select_n3A_197 : vector<16xi32>
      scf.yield %add3A_188, %add3A_198 : vector<16xi32>, vector<16xi32>
    }
    %scan3A_45 = arith.constant 256 : i32
    %reduce_sum3A = arith.constant true
    %reduce_sum3A_46 = vector.broadcast %reduce_sum3A : i1 to vector<16xi1>
    %reduce_sum3A_47 = tpu.scan <sum>, %scan3A_44#0 masked %reduce_sum3A_46 : vector<16xi32>, vector<16xi1> -> vector<16xi32>
    %reduce_sum3A_48 = vector.extract %reduce_sum3A_47[15] : i32 from vector<16xi32>
    %reduce_sum3A_49 = arith.constant true
    %reduce_sum3A_50 = vector.broadcast %reduce_sum3A_49 : i1 to vector<16xi1>
    %reduce_sum3A_51 = tpu.scan <sum>, %scan3A_44#1 masked %reduce_sum3A_50 : vector<16xi32>, vector<16xi1> -> vector<16xi32>
    %reduce_sum3A_52 = vector.extract %reduce_sum3A_51[15] : i32 from vector<16xi32>
    %broadcast_in_dim3A_53 = arith.constant 0.000000e+00 : f32
    %broadcast_in_dim3A_54 = vector.broadcast %broadcast_in_dim3A_53 : f32 to vector<16xf32>
    %scan3A_55 = arith.constant 0 : i32
    %scan3A_56 = arith.constant 0 : i32
    %scan3A_57 = arith.constant 16 : i32
    %scan3A_58 = arith.addi %scan3A_56, %scan3A_57 : i32
    %scan3A_59 = arith.constant 1 : i32
    %scan3A_60 = scf.for %scan3A_175 = %scan3A_56 to %scan3A_58 step %scan3A_59 iter_args(%scan3A_176 = %scan3A_55) -> (i32)  : i32 {
      %mul3A_177 = arith.constant 16 : i32
      %mul3A_178 = arith.muli %scan3A_175, %mul3A_177 : i32
      %swap3A = arith.index_cast %mul3A_178 : i32 to index
      %swap3A_179 = tpu.vector_load %arg9[%swap3A] {strides = array<i32>} : memref<256xi32, #tpu.memory_space<vmem>>, vector<16xi32>,
      tpu.vector_store %arg9[%swap3A], %broadcast_in_dim3A_40 {strides = array<i32>} : memref<256xi32, #tpu.memory_space<vmem>>, vector<16xi32>,
      %mul3A_180 = arith.constant 16 : i32
      %mul3A_181 = arith.muli %scan3A_175, %mul3A_180 : i32
      %swap3A_182 = arith.index_cast %mul3A_181 : i32 to index
      %swap3A_183 = tpu.vector_load %arg10[%swap3A_182] {strides = array<i32>} : memref<256xi32, #tpu.memory_space<vmem>>, vector<16xi32>,
      tpu.vector_store %arg10[%swap3A_182], %broadcast_in_dim3A_40 {strides = array<i32>} : memref<256xi32, #tpu.memory_space<vmem>>, vector<16xi32>,
      %scan3A_184 = arith.constant 0 : i32
      scf.yield %scan3A_184 : i32
    }
    %scan3A_61 = arith.constant 16 : i32
    %scan3A_62 = arith.constant 0 : i32
    %scan3A_63 = arith.constant 0 : i32
    %scan3A_64 = arith.constant 64 : i32
    %scan3A_65 = arith.addi %scan3A_63, %scan3A_64 : i32
    %scan3A_66 = arith.constant 1 : i32
    %scan3A_67 = scf.for %scan3A_175 = %scan3A_63 to %scan3A_65 step %scan3A_66 iter_args(%scan3A_176 = %scan3A_62) -> (i32)  : i32 {
      %swap3A = arith.index_cast %scan3A_175 : i32 to index
      %swap3A_177 = arith.constant 0 : index
      %swap3A_178 = tpu.vector_load %arg18[%swap3A, %swap3A_177] {strides = array<i32>} : memref<64x128xf32, #tpu.memory_space<vmem>>, vector<16xf32>,
      tpu.vector_store %arg18[%swap3A, %swap3A_177], %broadcast_in_dim3A_54 {strides = array<i32>} : memref<64x128xf32, #tpu.memory_space<vmem>>, vector<16xf32>,
      %swap3A_179 = arith.index_cast %scan3A_175 : i32 to index
      %swap3A_180 = arith.constant 16 : index
      %swap3A_181 = tpu.vector_load %arg18[%swap3A_179, %swap3A_180] {strides = array<i32>} : memref<64x128xf32, #tpu.memory_space<vmem>>, vector<16xf32>,
      tpu.vector_store %arg18[%swap3A_179, %swap3A_180], %broadcast_in_dim3A_54 {strides = array<i32>} : memref<64x128xf32, #tpu.memory_space<vmem>>, vector<16xf32>,
      %swap3A_182 = arith.index_cast %scan3A_175 : i32 to index
      %swap3A_183 = arith.constant 32 : index
      %swap3A_184 = tpu.vector_load %arg18[%swap3A_182, %swap3A_183] {strides = array<i32>} : memref<64x128xf32, #tpu.memory_space<vmem>>, vector<16xf32>,
      tpu.vector_store %arg18[%swap3A_182, %swap3A_183], %broadcast_in_dim3A_54 {strides = array<i32>} : memref<64x128xf32, #tpu.memory_space<vmem>>, vector<16xf32>,
      %swap3A_185 = arith.index_cast %scan3A_175 : i32 to index
      %swap3A_186 = arith.constant 48 : index
      %swap3A_187 = tpu.vector_load %arg18[%swap3A_185, %swap3A_186] {strides = array<i32>} : memref<64x128xf32, #tpu.memory_space<vmem>>, vector<16xf32>,
      tpu.vector_store %arg18[%swap3A_185, %swap3A_186], %broadcast_in_dim3A_54 {strides = array<i32>} : memref<64x128xf32, #tpu.memory_space<vmem>>, vector<16xf32>,
      %swap3A_188 = arith.index_cast %scan3A_175 : i32 to index
      %swap3A_189 = arith.constant 64 : index
      %swap3A_190 = tpu.vector_load %arg18[%swap3A_188, %swap3A_189] {strides = array<i32>} : memref<64x128xf32, #tpu.memory_space<vmem>>, vector<16xf32>,
      tpu.vector_store %arg18[%swap3A_188, %swap3A_189], %broadcast_in_dim3A_54 {strides = array<i32>} : memref<64x128xf32, #tpu.memory_space<vmem>>, vector<16xf32>,
      %swap3A_191 = arith.index_cast %scan3A_175 : i32 to index
      %swap3A_192 = arith.constant 80 : index
      %swap3A_193 = tpu.vector_load %arg18[%swap3A_191, %swap3A_192] {strides = array<i32>} : memref<64x128xf32, #tpu.memory_space<vmem>>, vector<16xf32>,
      tpu.vector_store %arg18[%swap3A_191, %swap3A_192], %broadcast_in_dim3A_54 {strides = array<i32>} : memref<64x128xf32, #tpu.memory_space<vmem>>, vector<16xf32>,
      %swap3A_194 = arith.index_cast %scan3A_175 : i32 to index
      %swap3A_195 = arith.constant 96 : index
      %swap3A_196 = tpu.vector_load %arg18[%swap3A_194, %swap3A_195] {strides = array<i32>} : memref<64x128xf32, #tpu.memory_space<vmem>>, vector<16xf32>,
      tpu.vector_store %arg18[%swap3A_194, %swap3A_195], %broadcast_in_dim3A_54 {strides = array<i32>} : memref<64x128xf32, #tpu.memory_space<vmem>>, vector<16xf32>,
      %swap3A_197 = arith.index_cast %scan3A_175 : i32 to index
      %swap3A_198 = arith.constant 112 : index
      %swap3A_199 = tpu.vector_load %arg18[%swap3A_197, %swap3A_198] {strides = array<i32>} : memref<64x128xf32, #tpu.memory_space<vmem>>, vector<16xf32>,
      tpu.vector_store %arg18[%swap3A_197, %swap3A_198], %broadcast_in_dim3A_54 {strides = array<i32>} : memref<64x128xf32, #tpu.memory_space<vmem>>, vector<16xf32>,
      %scan3A_200 = arith.constant 0 : i32
      scf.yield %scan3A_200 : i32
    }
    %scan3A_68 = arith.constant 64 : i32
    %iota3A = tpu.iota {dimensions = array<i32: 0>} : vector<16xi32>
    %broadcast_in_dim3A_69 = arith.constant 1 : i32
    %broadcast_in_dim3A_70 = vector.broadcast %broadcast_in_dim3A_69 : i32 to vector<16xi32>
    %div3A_71 = arith.constant 16 : i32
    %div3A_72 = arith.divsi %reduce_sum3A_48, %div3A_71 : i32
    %add3A_73 = arith.constant 15 : i32
    %add3A_74 = arith.addi %reduce_sum3A_52, %add3A_73 : i32
    %div3A_75 = arith.constant 16 : i32
    %div3A_76 = arith.divsi %add3A_74, %div3A_75 : i32
    %while3A = arith.constant 0 : i32
    %while3A_77 = arith.subi %div3A_76, %div3A_72 : i32
    %while3A_78 = arith.addi %div3A_72, %while3A_77 : i32
    %while3A_79 = arith.constant 1 : i32
    %while3A_80 = arith.divsi %while3A_77, %while3A_79 : i32
    %while3A_81 = arith.muli %while3A_80, %while3A_79 : i32
    %while3A_82 = arith.addi %div3A_72, %while3A_81 : i32
    %while3A_83 = arith.constant 1 : i32
    %while3A_84 = scf.for %while3A_175 = %div3A_72 to %while3A_82 step %while3A_83 iter_args(%while3A_176 = %while3A) -> (i32)  : i32 {
      %mul3A_177 = arith.constant 16 : i32
      %mul3A_178 = arith.muli %while3A_175, %mul3A_177 : i32
      %get3A = arith.index_cast %mul3A_178 : i32 to index
      %get3A_179 = tpu.vector_load %arg7[%get3A] {strides = array<i32>} : memref<4096xi32, #tpu.memory_space<vmem>>, vector<16xi32>,
      %get3A_180 = arith.index_cast %mul3A_178 : i32 to index
      %get3A_181 = tpu.vector_load %arg8[%get3A_180] {strides = array<i32>} : memref<4096xi32, #tpu.memory_space<vmem>>, vector<16xi32>,
      %add3A_182 = vector.broadcast %mul3A_178 : i32 to vector<16xi32>
      %add3A_183 = arith.addi %add3A_182, %iota3A : vector<16xi32>
      %ge3A = vector.broadcast %reduce_sum3A_48 : i32 to vector<16xi32>
      %ge3A_184 = arith.cmpi sge, %add3A_183, %ge3A : vector<16xi32>
      %lt3A_185 = vector.broadcast %reduce_sum3A_52 : i32 to vector<16xi32>
      %lt3A_186 = arith.cmpi slt, %add3A_183, %lt3A_185 : vector<16xi32>
      %and3A_187 = arith.andi %ge3A_184, %lt3A_186 : vector<16xi1>
      %sub3A_188 = vector.broadcast %mul3A_32 : i32 to vector<16xi32>
      %sub3A_189 = arith.subi %get3A_179, %sub3A_188 : vector<16xi32>
      tpu.vector_store_idx %arg9[%sub3A_189], %broadcast_in_dim3A_70 masked %and3A_187 {add = true} : memref<256xi32, #tpu.memory_space<vmem>>[vector<16xi32>], vector<16xi32>, vector<16xi1>
      tpu.vector_store_idx %arg10[%sub3A_189], %get3A_181 masked %and3A_187 {add = true} : memref<256xi32, #tpu.memory_space<vmem>>[vector<16xi32>], vector<16xi32>, vector<16xi1>
      %while3A_190 = arith.constant 0 : i32
      scf.yield %while3A_190 : i32
    }
    %while3A_85 = arith.constant 1 : i32
    %while3A_86 = scf.for %while3A_175 = %while3A_82 to %while3A_78 step %while3A_85 iter_args(%while3A_176 = %while3A_84) -> (i32)  : i32 {
      %mul3A_177 = arith.constant 16 : i32
      %mul3A_178 = arith.muli %while3A_175, %mul3A_177 : i32
      %get3A = arith.index_cast %mul3A_178 : i32 to index
      %get3A_179 = tpu.vector_load %arg7[%get3A] {strides = array<i32>} : memref<4096xi32, #tpu.memory_space<vmem>>, vector<16xi32>,
      %get3A_180 = arith.index_cast %mul3A_178 : i32 to index
      %get3A_181 = tpu.vector_load %arg8[%get3A_180] {strides = array<i32>} : memref<4096xi32, #tpu.memory_space<vmem>>, vector<16xi32>,
      %add3A_182 = vector.broadcast %mul3A_178 : i32 to vector<16xi32>
      %add3A_183 = arith.addi %add3A_182, %iota3A : vector<16xi32>
      %ge3A = vector.broadcast %reduce_sum3A_48 : i32 to vector<16xi32>
      %ge3A_184 = arith.cmpi sge, %add3A_183, %ge3A : vector<16xi32>
      %lt3A_185 = vector.broadcast %reduce_sum3A_52 : i32 to vector<16xi32>
      %lt3A_186 = arith.cmpi slt, %add3A_183, %lt3A_185 : vector<16xi32>
      %and3A_187 = arith.andi %ge3A_184, %lt3A_186 : vector<16xi1>
      %sub3A_188 = vector.broadcast %mul3A_32 : i32 to vector<16xi32>
      %sub3A_189 = arith.subi %get3A_179, %sub3A_188 : vector<16xi32>
      tpu.vector_store_idx %arg9[%sub3A_189], %broadcast_in_dim3A_70 masked %and3A_187 {add = true} : memref<256xi32, #tpu.memory_space<vmem>>[vector<16xi32>], vector<16xi32>, vector<16xi1>
      tpu.vector_store_idx %arg10[%sub3A_189], %get3A_181 masked %and3A_187 {add = true} : memref<256xi32, #tpu.memory_space<vmem>>[vector<16xi32>], vector<16xi32>, vector<16xi1>
      %while3A_190 = arith.constant 0 : i32
      scf.yield %while3A_190 : i32
    }
    %broadcast_in_dim3A_87 = arith.constant 1.000000e+00 : f32
    %broadcast_in_dim3A_88 = vector.broadcast %broadcast_in_dim3A_87 : f32 to vector<16xf32>
    %scan3A_89 = arith.constant 0 : i32
    %scan3A_90 = arith.constant 0 : i32
    %scan3A_91 = arith.constant 16 : i32
    %scan3A_92 = arith.addi %scan3A_90, %scan3A_91 : i32
    %scan3A_93 = arith.constant 1 : i32
    %scan3A_94 = scf.for %scan3A_175 = %scan3A_90 to %scan3A_92 step %scan3A_93 iter_args(%scan3A_176 = %scan3A_89) -> (i32)  : i32 {
      %mul3A_177 = arith.constant 16 : i32
      %mul3A_178 = arith.muli %scan3A_175, %mul3A_177 : i32
      %get3A = arith.index_cast %mul3A_178 : i32 to index
      %get3A_179 = tpu.vector_load %arg9[%get3A] {strides = array<i32>} : memref<256xi32, #tpu.memory_space<vmem>>, vector<16xi32>,
      %convert_element_type3A_180 = arith.sitofp %get3A_179 : vector<16xi32> to vector<16xf32>
      %max3A = arith.constant 1.000000e+00 : f32
      %max3A_181 = vector.broadcast %max3A : f32 to vector<16xf32>
      %max3A_182 = arith.maximumf %convert_element_type3A_180, %max3A_181 : vector<16xf32>
      %div3A_183 = arith.divf %broadcast_in_dim3A_88, %max3A_182 : vector<16xf32>
      %swap3A = arith.index_cast %mul3A_178 : i32 to index
      %swap3A_184 = tpu.vector_load %arg11[%swap3A] {strides = array<i32>} : memref<256xf32, #tpu.memory_space<vmem>>, vector<16xf32>,
      tpu.vector_store %arg11[%swap3A], %div3A_183 {strides = array<i32>} : memref<256xf32, #tpu.memory_space<vmem>>, vector<16xf32>,
      %get3A_185 = arith.index_cast %mul3A_178 : i32 to index
      %get3A_186 = tpu.vector_load %arg10[%get3A_185] {strides = array<i32>} : memref<256xi32, #tpu.memory_space<vmem>>, vector<16xi32>,
      %max3A_187 = arith.constant 1 : i32
      %max3A_188 = vector.broadcast %max3A_187 : i32 to vector<16xi32>
      %max3A_189 = arith.maxsi %get3A_179, %max3A_188 : vector<16xi32>
      %div3A_190 = arith.divsi %get3A_186, %max3A_189 : vector<16xi32>
      %swap3A_191 = arith.index_cast %mul3A_178 : i32 to index
      %swap3A_192 = tpu.vector_load %arg12[%swap3A_191] {strides = array<i32>} : memref<256xi32, #tpu.memory_space<vmem>>, vector<16xi32>,
      tpu.vector_store %arg12[%swap3A_191], %div3A_190 {strides = array<i32>} : memref<256xi32, #tpu.memory_space<vmem>>, vector<16xi32>,
      %scan3A_193 = arith.constant 0 : i32
      scf.yield %scan3A_193 : i32
    }
    %scan3A_95 = arith.constant 16 : i32
    %mul3A_96 = arith.constant 2048 : i32
    %mul3A_97 = arith.muli %select_n3A, %mul3A_96 : i32
    %add3A_98 = arith.addi %mul3A_97, %mul3A_32 : i32
    %multiple_of3A_99 = tpu.assume_multiple %add3A_98, 256 : i32
    "tpu.region"() ({
      %run_scoped3A = tpu.sem_alloc : memref<!tpu.dma_semaphore, #tpu.memory_space<semaphore_mem>>
      %dma_start3A_175 = tpu.memref_slice %arg6[%multiple_of3A_99] : memref<8192xi32, #tpu.memory_space<hbm>> -> memref<256xi32, #tpu.memory_space<hbm>>
      %dma_start3A_176 = tpu.memref_slice %arg6[%multiple_of3A_99] : memref<8192xi32, #tpu.memory_space<hbm>> -> memref<256xi32, #tpu.memory_space<hbm>>
      tpu.enqueue_dma source(%arg12 : memref<256xi32, #tpu.memory_space<vmem>>) target(%dma_start3A_176 : memref<256xi32, #tpu.memory_space<hbm>>) target_semaphore(%run_scoped3A : memref<!tpu.dma_semaphore, #tpu.memory_space<semaphore_mem>>)
      %dma_wait3A_177 = tpu.memref_slice %arg6[%multiple_of3A_99] : memref<8192xi32, #tpu.memory_space<hbm>> -> memref<256xi32, #tpu.memory_space<hbm>>
      %dma_wait3A_178 = tpu.memref_slice %arg6[%multiple_of3A_99] : memref<8192xi32, #tpu.memory_space<hbm>> -> memref<256xi32, #tpu.memory_space<hbm>>
      tpu.wait_dma2 semaphore(%run_scoped3A : memref<!tpu.dma_semaphore, #tpu.memory_space<semaphore_mem>>) src(%arg12 : memref<256xi32, #tpu.memory_space<vmem>>) dst(%dma_wait3A_178 : memref<256xi32, #tpu.memory_space<hbm>>)
      tpu.yield
    }) : () -> ()
    %scan3A_100 = arith.constant 0 : i32
    %scan3A_101 = arith.constant 0 : i32
    %scan3A_102 = arith.constant 32 : i32
    %scan3A_103 = arith.addi %scan3A_101, %scan3A_102 : i32
    %scan3A_104 = arith.constant 1 : i32
    %scan3A_105 = scf.for %scan3A_175 = %scan3A_101 to %scan3A_103 step %scan3A_104 iter_args(%scan3A_176 = %scan3A_100) -> (i32)  : i32 {
      %mul3A_177 = arith.constant 128 : i32
      %mul3A_178 = arith.muli %scan3A_175, %mul3A_177 : i32
      %add3A_179 = arith.constant 0 : i32
      %add3A_180 = arith.addi %mul3A_178, %add3A_179 : i32
      %get3A = arith.index_cast %add3A_180 : i32 to index
      %get3A_181 = tpu.vector_load %arg7[%get3A] {strides = array<i32>} : memref<4096xi32, #tpu.memory_space<vmem>>, vector<16xi32>,
      %sub3A_182 = vector.broadcast %mul3A_32 : i32 to vector<16xi32>
      %sub3A_183 = arith.subi %get3A_181, %sub3A_182 : vector<16xi32>
      %ge3A = arith.constant 0 : i32
      %ge3A_184 = vector.broadcast %ge3A : i32 to vector<16xi32>
      %ge3A_185 = arith.cmpi sge, %sub3A_183, %ge3A_184 : vector<16xi32>
      %lt3A_186 = arith.constant 256 : i32
      %lt3A_187 = vector.broadcast %lt3A_186 : i32 to vector<16xi32>
      %lt3A_188 = arith.cmpi slt, %sub3A_183, %lt3A_187 : vector<16xi32>
      %and3A_189 = arith.andi %ge3A_185, %lt3A_188 : vector<16xi1>
      %jit3A_190 = arith.constant 256 : i32
      %broadcast_in_dim3A_191 = vector.broadcast %jit3A_190 : i32 to vector<16xi32>
      %select_n3A_192 = arith.select %and3A_189, %sub3A_183, %broadcast_in_dim3A_191 : vector<16xi1>, vector<16xi32>
      %add3A_193 = vector.broadcast %mul3A_34 : i32 to vector<16xi32>
      %add3A_194 = arith.addi %add3A_193, %select_n3A_192 : vector<16xi32>
      %swap3A = arith.index_cast %scan3A_175 : i32 to index
      %swap3A_195 = arith.constant 0 : index
      %swap3A_196 = tpu.vector_load %arg13[%swap3A, %swap3A_195] {strides = array<i32>} : memref<32x128xi32, #tpu.memory_space<vmem>>, vector<16xi32>,
      tpu.vector_store %arg13[%swap3A, %swap3A_195], %add3A_194 {strides = array<i32>} : memref<32x128xi32, #tpu.memory_space<vmem>>, vector<16xi32>,
      %mul3A_197 = arith.constant 128 : i32
      %mul3A_198 = arith.muli %scan3A_175, %mul3A_197 : i32
      %add3A_199 = arith.constant 16 : i32
      %add3A_200 = arith.addi %mul3A_198, %add3A_199 : i32
      %get3A_201 = arith.index_cast %add3A_200 : i32 to index
      %get3A_202 = tpu.vector_load %arg7[%get3A_201] {strides = array<i32>} : memref<4096xi32, #tpu.memory_space<vmem>>, vector<16xi32>,
      %sub3A_203 = vector.broadcast %mul3A_32 : i32 to vector<16xi32>
      %sub3A_204 = arith.subi %get3A_202, %sub3A_203 : vector<16xi32>
      %ge3A_205 = arith.constant 0 : i32
      %ge3A_206 = vector.broadcast %ge3A_205 : i32 to vector<16xi32>
      %ge3A_207 = arith.cmpi sge, %sub3A_204, %ge3A_206 : vector<16xi32>
      %lt3A_208 = arith.constant 256 : i32
      %lt3A_209 = vector.broadcast %lt3A_208 : i32 to vector<16xi32>
      %lt3A_210 = arith.cmpi slt, %sub3A_204, %lt3A_209 : vector<16xi32>
      %and3A_211 = arith.andi %ge3A_207, %lt3A_210 : vector<16xi1>
      %jit3A_212 = arith.constant 256 : i32
      %broadcast_in_dim3A_213 = vector.broadcast %jit3A_212 : i32 to vector<16xi32>
      %select_n3A_214 = arith.select %and3A_211, %sub3A_204, %broadcast_in_dim3A_213 : vector<16xi1>, vector<16xi32>
      %add3A_215 = vector.broadcast %mul3A_34 : i32 to vector<16xi32>
      %add3A_216 = arith.addi %add3A_215, %select_n3A_214 : vector<16xi32>
      %swap3A_217 = arith.index_cast %scan3A_175 : i32 to index
      %swap3A_218 = arith.constant 16 : index
      %swap3A_219 = tpu.vector_load %arg13[%swap3A_217, %swap3A_218] {strides = array<i32>} : memref<32x128xi32, #tpu.memory_space<vmem>>, vector<16xi32>,
      tpu.vector_store %arg13[%swap3A_217, %swap3A_218], %add3A_216 {strides = array<i32>} : memref<32x128xi32, #tpu.memory_space<vmem>>, vector<16xi32>,
      %mul3A_220 = arith.constant 128 : i32
      %mul3A_221 = arith.muli %scan3A_175, %mul3A_220 : i32
      %add3A_222 = arith.constant 32 : i32
      %add3A_223 = arith.addi %mul3A_221, %add3A_222 : i32
      %get3A_224 = arith.index_cast %add3A_223 : i32 to index
      %get3A_225 = tpu.vector_load %arg7[%get3A_224] {strides = array<i32>} : memref<4096xi32, #tpu.memory_space<vmem>>, vector<16xi32>,
      %sub3A_226 = vector.broadcast %mul3A_32 : i32 to vector<16xi32>
      %sub3A_227 = arith.subi %get3A_225, %sub3A_226 : vector<16xi32>
      %ge3A_228 = arith.constant 0 : i32
      %ge3A_229 = vector.broadcast %ge3A_228 : i32 to vector<16xi32>
      %ge3A_230 = arith.cmpi sge, %sub3A_227, %ge3A_229 : vector<16xi32>
      %lt3A_231 = arith.constant 256 : i32
      %lt3A_232 = vector.broadcast %lt3A_231 : i32 to vector<16xi32>
      %lt3A_233 = arith.cmpi slt, %sub3A_227, %lt3A_232 : vector<16xi32>
      %and3A_234 = arith.andi %ge3A_230, %lt3A_233 : vector<16xi1>
      %jit3A_235 = arith.constant 256 : i32
      %broadcast_in_dim3A_236 = vector.broadcast %jit3A_235 : i32 to vector<16xi32>
      %select_n3A_237 = arith.select %and3A_234, %sub3A_227, %broadcast_in_dim3A_236 : vector<16xi1>, vector<16xi32>
      %add3A_238 = vector.broadcast %mul3A_34 : i32 to vector<16xi32>
      %add3A_239 = arith.addi %add3A_238, %select_n3A_237 : vector<16xi32>
      %swap3A_240 = arith.index_cast %scan3A_175 : i32 to index
      %swap3A_241 = arith.constant 32 : index
      %swap3A_242 = tpu.vector_load %arg13[%swap3A_240, %swap3A_241] {strides = array<i32>} : memref<32x128xi32, #tpu.memory_space<vmem>>, vector<16xi32>,
      tpu.vector_store %arg13[%swap3A_240, %swap3A_241], %add3A_239 {strides = array<i32>} : memref<32x128xi32, #tpu.memory_space<vmem>>, vector<16xi32>,
      %mul3A_243 = arith.constant 128 : i32
      %mul3A_244 = arith.muli %scan3A_175, %mul3A_243 : i32
      %add3A_245 = arith.constant 48 : i32
      %add3A_246 = arith.addi %mul3A_244, %add3A_245 : i32
      %get3A_247 = arith.index_cast %add3A_246 : i32 to index
      %get3A_248 = tpu.vector_load %arg7[%get3A_247] {strides = array<i32>} : memref<4096xi32, #tpu.memory_space<vmem>>, vector<16xi32>,
      %sub3A_249 = vector.broadcast %mul3A_32 : i32 to vector<16xi32>
      %sub3A_250 = arith.subi %get3A_248, %sub3A_249 : vector<16xi32>
      %ge3A_251 = arith.constant 0 : i32
      %ge3A_252 = vector.broadcast %ge3A_251 : i32 to vector<16xi32>
      %ge3A_253 = arith.cmpi sge, %sub3A_250, %ge3A_252 : vector<16xi32>
      %lt3A_254 = arith.constant 256 : i32
      %lt3A_255 = vector.broadcast %lt3A_254 : i32 to vector<16xi32>
      %lt3A_256 = arith.cmpi slt, %sub3A_250, %lt3A_255 : vector<16xi32>
      %and3A_257 = arith.andi %ge3A_253, %lt3A_256 : vector<16xi1>
      %jit3A_258 = arith.constant 256 : i32
      %broadcast_in_dim3A_259 = vector.broadcast %jit3A_258 : i32 to vector<16xi32>
      %select_n3A_260 = arith.select %and3A_257, %sub3A_250, %broadcast_in_dim3A_259 : vector<16xi1>, vector<16xi32>
      %add3A_261 = vector.broadcast %mul3A_34 : i32 to vector<16xi32>
      %add3A_262 = arith.addi %add3A_261, %select_n3A_260 : vector<16xi32>
      %swap3A_263 = arith.index_cast %scan3A_175 : i32 to index
      %swap3A_264 = arith.constant 48 : index
      %swap3A_265 = tpu.vector_load %arg13[%swap3A_263, %swap3A_264] {strides = array<i32>} : memref<32x128xi32, #tpu.memory_space<vmem>>, vector<16xi32>,
      tpu.vector_store %arg13[%swap3A_263, %swap3A_264], %add3A_262 {strides = array<i32>} : memref<32x128xi32, #tpu.memory_space<vmem>>, vector<16xi32>,
      %mul3A_266 = arith.constant 128 : i32
      %mul3A_267 = arith.muli %scan3A_175, %mul3A_266 : i32
      %add3A_268 = arith.constant 64 : i32
      %add3A_269 = arith.addi %mul3A_267, %add3A_268 : i32
      %get3A_270 = arith.index_cast %add3A_269 : i32 to index
      %get3A_271 = tpu.vector_load %arg7[%get3A_270] {strides = array<i32>} : memref<4096xi32, #tpu.memory_space<vmem>>, vector<16xi32>,
      %sub3A_272 = vector.broadcast %mul3A_32 : i32 to vector<16xi32>
      %sub3A_273 = arith.subi %get3A_271, %sub3A_272 : vector<16xi32>
      %ge3A_274 = arith.constant 0 : i32
      %ge3A_275 = vector.broadcast %ge3A_274 : i32 to vector<16xi32>
      %ge3A_276 = arith.cmpi sge, %sub3A_273, %ge3A_275 : vector<16xi32>
      %lt3A_277 = arith.constant 256 : i32
      %lt3A_278 = vector.broadcast %lt3A_277 : i32 to vector<16xi32>
      %lt3A_279 = arith.cmpi slt, %sub3A_273, %lt3A_278 : vector<16xi32>
      %and3A_280 = arith.andi %ge3A_276, %lt3A_279 : vector<16xi1>
      %jit3A_281 = arith.constant 256 : i32
      %broadcast_in_dim3A_282 = vector.broadcast %jit3A_281 : i32 to vector<16xi32>
      %select_n3A_283 = arith.select %and3A_280, %sub3A_273, %broadcast_in_dim3A_282 : vector<16xi1>, vector<16xi32>
      %add3A_284 = vector.broadcast %mul3A_34 : i32 to vector<16xi32>
      %add3A_285 = arith.addi %add3A_284, %select_n3A_283 : vector<16xi32>
      %swap3A_286 = arith.index_cast %scan3A_175 : i32 to index
      %swap3A_287 = arith.constant 64 : index
      %swap3A_288 = tpu.vector_load %arg13[%swap3A_286, %swap3A_287] {strides = array<i32>} : memref<32x128xi32, #tpu.memory_space<vmem>>, vector<16xi32>,
      tpu.vector_store %arg13[%swap3A_286, %swap3A_287], %add3A_285 {strides = array<i32>} : memref<32x128xi32, #tpu.memory_space<vmem>>, vector<16xi32>,
      %mul3A_289 = arith.constant 128 : i32
      %mul3A_290 = arith.muli %scan3A_175, %mul3A_289 : i32
      %add3A_291 = arith.constant 80 : i32
      %add3A_292 = arith.addi %mul3A_290, %add3A_291 : i32
      %get3A_293 = arith.index_cast %add3A_292 : i32 to index
      %get3A_294 = tpu.vector_load %arg7[%get3A_293] {strides = array<i32>} : memref<4096xi32, #tpu.memory_space<vmem>>, vector<16xi32>,
      %sub3A_295 = vector.broadcast %mul3A_32 : i32 to vector<16xi32>
      %sub3A_296 = arith.subi %get3A_294, %sub3A_295 : vector<16xi32>
      %ge3A_297 = arith.constant 0 : i32
      %ge3A_298 = vector.broadcast %ge3A_297 : i32 to vector<16xi32>
      %ge3A_299 = arith.cmpi sge, %sub3A_296, %ge3A_298 : vector<16xi32>
      %lt3A_300 = arith.constant 256 : i32
      %lt3A_301 = vector.broadcast %lt3A_300 : i32 to vector<16xi32>
      %lt3A_302 = arith.cmpi slt, %sub3A_296, %lt3A_301 : vector<16xi32>
      %and3A_303 = arith.andi %ge3A_299, %lt3A_302 : vector<16xi1>
      %jit3A_304 = arith.constant 256 : i32
      %broadcast_in_dim3A_305 = vector.broadcast %jit3A_304 : i32 to vector<16xi32>
      %select_n3A_306 = arith.select %and3A_303, %sub3A_296, %broadcast_in_dim3A_305 : vector<16xi1>, vector<16xi32>
      %add3A_307 = vector.broadcast %mul3A_34 : i32 to vector<16xi32>
      %add3A_308 = arith.addi %add3A_307, %select_n3A_306 : vector<16xi32>
      %swap3A_309 = arith.index_cast %scan3A_175 : i32 to index
      %swap3A_310 = arith.constant 80 : index
      %swap3A_311 = tpu.vector_load %arg13[%swap3A_309, %swap3A_310] {strides = array<i32>} : memref<32x128xi32, #tpu.memory_space<vmem>>, vector<16xi32>,
      tpu.vector_store %arg13[%swap3A_309, %swap3A_310], %add3A_308 {strides = array<i32>} : memref<32x128xi32, #tpu.memory_space<vmem>>, vector<16xi32>,
      %mul3A_312 = arith.constant 128 : i32
      %mul3A_313 = arith.muli %scan3A_175, %mul3A_312 : i32
      %add3A_314 = arith.constant 96 : i32
      %add3A_315 = arith.addi %mul3A_313, %add3A_314 : i32
      %get3A_316 = arith.index_cast %add3A_315 : i32 to index
      %get3A_317 = tpu.vector_load %arg7[%get3A_316] {strides = array<i32>} : memref<4096xi32, #tpu.memory_space<vmem>>, vector<16xi32>,
      %sub3A_318 = vector.broadcast %mul3A_32 : i32 to vector<16xi32>
      %sub3A_319 = arith.subi %get3A_317, %sub3A_318 : vector<16xi32>
      %ge3A_320 = arith.constant 0 : i32
      %ge3A_321 = vector.broadcast %ge3A_320 : i32 to vector<16xi32>
      %ge3A_322 = arith.cmpi sge, %sub3A_319, %ge3A_321 : vector<16xi32>
      %lt3A_323 = arith.constant 256 : i32
      %lt3A_324 = vector.broadcast %lt3A_323 : i32 to vector<16xi32>
      %lt3A_325 = arith.cmpi slt, %sub3A_319, %lt3A_324 : vector<16xi32>
      %and3A_326 = arith.andi %ge3A_322, %lt3A_325 : vector<16xi1>
      %jit3A_327 = arith.constant 256 : i32
      %broadcast_in_dim3A_328 = vector.broadcast %jit3A_327 : i32 to vector<16xi32>
      %select_n3A_329 = arith.select %and3A_326, %sub3A_319, %broadcast_in_dim3A_328 : vector<16xi1>, vector<16xi32>
      %add3A_330 = vector.broadcast %mul3A_34 : i32 to vector<16xi32>
      %add3A_331 = arith.addi %add3A_330, %select_n3A_329 : vector<16xi32>
      %swap3A_332 = arith.index_cast %scan3A_175 : i32 to index
      %swap3A_333 = arith.constant 96 : index
      %swap3A_334 = tpu.vector_load %arg13[%swap3A_332, %swap3A_333] {strides = array<i32>} : memref<32x128xi32, #tpu.memory_space<vmem>>, vector<16xi32>,
      tpu.vector_store %arg13[%swap3A_332, %swap3A_333], %add3A_331 {strides = array<i32>} : memref<32x128xi32, #tpu.memory_space<vmem>>, vector<16xi32>,
      %mul3A_335 = arith.constant 128 : i32
      %mul3A_336 = arith.muli %scan3A_175, %mul3A_335 : i32
      %add3A_337 = arith.constant 112 : i32
      %add3A_338 = arith.addi %mul3A_336, %add3A_337 : i32
      %get3A_339 = arith.index_cast %add3A_338 : i32 to index
      %get3A_340 = tpu.vector_load %arg7[%get3A_339] {strides = array<i32>} : memref<4096xi32, #tpu.memory_space<vmem>>, vector<16xi32>,
      %sub3A_341 = vector.broadcast %mul3A_32 : i32 to vector<16xi32>
      %sub3A_342 = arith.subi %get3A_340, %sub3A_341 : vector<16xi32>
      %ge3A_343 = arith.constant 0 : i32
      %ge3A_344 = vector.broadcast %ge3A_343 : i32 to vector<16xi32>
      %ge3A_345 = arith.cmpi sge, %sub3A_342, %ge3A_344 : vector<16xi32>
      %lt3A_346 = arith.constant 256 : i32
      %lt3A_347 = vector.broadcast %lt3A_346 : i32 to vector<16xi32>
      %lt3A_348 = arith.cmpi slt, %sub3A_342, %lt3A_347 : vector<16xi32>
      %and3A_349 = arith.andi %ge3A_345, %lt3A_348 : vector<16xi1>
      %jit3A_350 = arith.constant 256 : i32
      %broadcast_in_dim3A_351 = vector.broadcast %jit3A_350 : i32 to vector<16xi32>
      %select_n3A_352 = arith.select %and3A_349, %sub3A_342, %broadcast_in_dim3A_351 : vector<16xi1>, vector<16xi32>
      %add3A_353 = vector.broadcast %mul3A_34 : i32 to vector<16xi32>
      %add3A_354 = arith.addi %add3A_353, %select_n3A_352 : vector<16xi32>
      %swap3A_355 = arith.index_cast %scan3A_175 : i32 to index
      %swap3A_356 = arith.constant 112 : index
      %swap3A_357 = tpu.vector_load %arg13[%swap3A_355, %swap3A_356] {strides = array<i32>} : memref<32x128xi32, #tpu.memory_space<vmem>>, vector<16xi32>,
      tpu.vector_store %arg13[%swap3A_355, %swap3A_356], %add3A_354 {strides = array<i32>} : memref<32x128xi32, #tpu.memory_space<vmem>>, vector<16xi32>,
      %scan3A_358 = arith.constant 0 : i32
      scf.yield %scan3A_358 : i32
    }
    %scan3A_106 = arith.constant 32 : i32
    %div3A_107 = arith.constant 128 : i32
    %div3A_108 = arith.divsi %reduce_sum3A_48, %div3A_107 : i32
    %add3A_109 = arith.constant 127 : i32
    %add3A_110 = arith.addi %reduce_sum3A_52, %add3A_109 : i32
    %div3A_111 = arith.constant 128 : i32
    %div3A_112 = arith.divsi %add3A_110, %div3A_111 : i32
    %sub3A_113 = arith.subi %div3A_112, %div3A_108 : i32
    %add3A_114 = arith.constant 0 : i32
    %add3A_115 = arith.addi %mul3A_34, %add3A_114 : i32
    %add3A_116 = arith.constant 0 : i32
    %add3A_117 = arith.addi %add3A_115, %add3A_116 : i32
    %multiple_of3A_118 = tpu.assume_multiple %add3A_117, 8 : i32
    %dma_start3A = arith.constant 0 : i32
    %dma_start3A_119 = tpu.memref_slice %arg19[%multiple_of3A_118, %dma_start3A] : memref<4224x128xf32, #tpu.memory_space<vmem_shared>> -> memref<64x128xf32, #tpu.memory_space<vmem_shared>>
    %dma_start3A_120 = arith.constant 0 : i32
    %dma_start3A_121 = tpu.memref_slice %arg19[%multiple_of3A_118, %dma_start3A_120] : memref<4224x128xf32, #tpu.memory_space<vmem_shared>> -> memref<64x128xf32, #tpu.memory_space<vmem_shared>>
    tpu.enqueue_dma source(%arg18 : memref<64x128xf32, #tpu.memory_space<vmem>>) target(%dma_start3A_121 : memref<64x128xf32, #tpu.memory_space<vmem_shared>>) target_semaphore(%arg22 : memref<!tpu.dma_semaphore, #tpu.memory_space<semaphore_mem>>)
    %add3A_122 = arith.constant 0 : i32
    %add3A_123 = arith.addi %mul3A_34, %add3A_122 : i32
    %add3A_124 = arith.constant 64 : i32
    %add3A_125 = arith.addi %add3A_123, %add3A_124 : i32
    %multiple_of3A_126 = tpu.assume_multiple %add3A_125, 8 : i32
    %dma_start3A_127 = arith.constant 0 : i32
    %dma_start3A_128 = tpu.memref_slice %arg19[%multiple_of3A_126, %dma_start3A_127] : memref<4224x128xf32, #tpu.memory_space<vmem_shared>> -> memref<64x128xf32, #tpu.memory_space<vmem_shared>>
    %dma_start3A_129 = arith.constant 0 : i32
    %dma_start3A_130 = tpu.memref_slice %arg19[%multiple_of3A_126, %dma_start3A_129] : memref<4224x128xf32, #tpu.memory_space<vmem_shared>> -> memref<64x128xf32, #tpu.memory_space<vmem_shared>>
    tpu.enqueue_dma source(%arg18 : memref<64x128xf32, #tpu.memory_space<vmem>>) target(%dma_start3A_130 : memref<64x128xf32, #tpu.memory_space<vmem_shared>>) target_semaphore(%arg22 : memref<!tpu.dma_semaphore, #tpu.memory_space<semaphore_mem>>)
    %add3A_131 = arith.constant 128 : i32
    %add3A_132 = arith.addi %mul3A_34, %add3A_131 : i32
    %add3A_133 = arith.constant 0 : i32
    %add3A_134 = arith.addi %add3A_132, %add3A_133 : i32
    %multiple_of3A_135 = tpu.assume_multiple %add3A_134, 8 : i32
    %dma_start3A_136 = arith.constant 0 : i32
    %dma_start3A_137 = tpu.memref_slice %arg19[%multiple_of3A_135, %dma_start3A_136] : memref<4224x128xf32, #tpu.memory_space<vmem_shared>> -> memref<64x128xf32, #tpu.memory_space<vmem_shared>>
    %dma_start3A_138 = arith.constant 0 : i32
    %dma_start3A_139 = tpu.memref_slice %arg19[%multiple_of3A_135, %dma_start3A_138] : memref<4224x128xf32, #tpu.memory_space<vmem_shared>> -> memref<64x128xf32, #tpu.memory_space<vmem_shared>>
    tpu.enqueue_dma source(%arg18 : memref<64x128xf32, #tpu.memory_space<vmem>>) target(%dma_start3A_139 : memref<64x128xf32, #tpu.memory_space<vmem_shared>>) target_semaphore(%arg23 : memref<!tpu.dma_semaphore, #tpu.memory_space<semaphore_mem>>)
    %add3A_140 = arith.constant 128 : i32
    %add3A_141 = arith.addi %mul3A_34, %add3A_140 : i32
    %add3A_142 = arith.constant 64 : i32
    %add3A_143 = arith.addi %add3A_141, %add3A_142 : i32
    %multiple_of3A_144 = tpu.assume_multiple %add3A_143, 8 : i32
    %dma_start3A_145 = arith.constant 0 : i32
    %dma_start3A_146 = tpu.memref_slice %arg19[%multiple_of3A_144, %dma_start3A_145] : memref<4224x128xf32, #tpu.memory_space<vmem_shared>> -> memref<64x128xf32, #tpu.memory_space<vmem_shared>>
    %dma_start3A_147 = arith.constant 0 : i32
    %dma_start3A_148 = tpu.memref_slice %arg19[%multiple_of3A_144, %dma_start3A_147] : memref<4224x128xf32, #tpu.memory_space<vmem_shared>> -> memref<64x128xf32, #tpu.memory_space<vmem_shared>>
    tpu.enqueue_dma source(%arg18 : memref<64x128xf32, #tpu.memory_space<vmem>>) target(%dma_start3A_148 : memref<64x128xf32, #tpu.memory_space<vmem_shared>>) target_semaphore(%arg23 : memref<!tpu.dma_semaphore, #tpu.memory_space<semaphore_mem>>)
    %gt3A = arith.constant 0 : i32
    %gt3A_149 = arith.cmpi sgt, %sub3A_113, %gt3A : i32
    %convert_element_type3A = arith.extui %gt3A_149 : i1 to i32
    %cond3A = arith.constant 0 : i32
    %cond3A_150 = arith.cmpi ne, %convert_element_type3A, %cond3A : i32
    scf.if %cond3A_150 {
      %mul3A_175 = arith.constant 128 : i32
      %mul3A_176 = arith.muli %div3A_108, %mul3A_175 : i32
      %multiple_of3A_177 = tpu.assume_multiple %mul3A_176, 128 : i32
      %multiple_of3A_178 = arith.constant 0 : i32
      %multiple_of3A_179 = tpu.assume_multiple %multiple_of3A_178, 128 : i32
      %dma_start3A_180 = tpu.memref_slice %arg2[%select_n3A, %multiple_of3A_177, %multiple_of3A_179] : memref<4x4096x1024xf32, #tpu.memory_space<hbm>> -> memref<1x128x128xf32, #tpu.memory_space<hbm>>
      %dma_start3A_181 = tpu.memref_squeeze %dma_start3A_180 : memref<1x128x128xf32, #tpu.memory_space<hbm>> -> memref<128x128xf32, #tpu.memory_space<hbm>>
      %dma_start3A_182 = tpu.memref_slice %arg2[%select_n3A, %multiple_of3A_177, %multiple_of3A_179] : memref<4x4096x1024xf32, #tpu.memory_space<hbm>> -> memref<1x128x128xf32, #tpu.memory_space<hbm>>
      %dma_start3A_183 = tpu.memref_squeeze %dma_start3A_182 : memref<1x128x128xf32, #tpu.memory_space<hbm>> -> memref<128x128xf32, #tpu.memory_space<hbm>>
      tpu.enqueue_dma source(%dma_start3A_183 : memref<128x128xf32, #tpu.memory_space<hbm>>) target(%arg14 : memref<128x128xf32, #tpu.memory_space<vmem>>) target_semaphore(%arg20 : memref<!tpu.dma_semaphore, #tpu.memory_space<semaphore_mem>>)
    } else {
    }
    %scan3A_151 = arith.constant 0 : i32
    %scan3A_152 = arith.constant 0 : i32
    %scan3A_153 = arith.constant 8 : i32
    %scan3A_154 = arith.addi %scan3A_152, %scan3A_153 : i32
    %scan3A_155 = arith.constant 1 : i32
    %scan3A_156 = scf.for %scan3A_175 = %scan3A_152 to %scan3A_154 step %scan3A_155 iter_args(%scan3A_176 = %scan3A_151) -> (i32)  : i32 {
      %add3A_177 = arith.constant 0 : i32
      %add3A_178 = arith.addi %mul3A_34, %add3A_177 : i32
      %add3A_179 = arith.constant 0 : i32
      %add3A_180 = arith.addi %add3A_178, %add3A_179 : i32
      %multiple_of3A_181 = tpu.assume_multiple %add3A_180, 8 : i32
      %dma_wait3A_182 = arith.constant 0 : i32
      %dma_wait3A_183 = tpu.memref_slice %arg19[%multiple_of3A_181, %dma_wait3A_182] : memref<4224x128xf32, #tpu.memory_space<vmem_shared>> -> memref<64x128xf32, #tpu.memory_space<vmem_shared>>
      %dma_wait3A_184 = arith.constant 0 : i32
      %dma_wait3A_185 = tpu.memref_slice %arg19[%multiple_of3A_181, %dma_wait3A_184] : memref<4224x128xf32, #tpu.memory_space<vmem_shared>> -> memref<64x128xf32, #tpu.memory_space<vmem_shared>>
      tpu.wait_dma2 semaphore(%arg22 : memref<!tpu.dma_semaphore, #tpu.memory_space<semaphore_mem>>) src(%arg18 : memref<64x128xf32, #tpu.memory_space<vmem>>) dst(%dma_wait3A_185 : memref<64x128xf32, #tpu.memory_space<vmem_shared>>)
      %add3A_186 = arith.constant 0 : i32
      %add3A_187 = arith.addi %mul3A_34, %add3A_186 : i32
      %add3A_188 = arith.constant 64 : i32
      %add3A_189 = arith.addi %add3A_187, %add3A_188 : i32
      %multiple_of3A_190 = tpu.assume_multiple %add3A_189, 8 : i32
      %dma_wait3A_191 = arith.constant 0 : i32
      %dma_wait3A_192 = tpu.memref_slice %arg19[%multiple_of3A_190, %dma_wait3A_191] : memref<4224x128xf32, #tpu.memory_space<vmem_shared>> -> memref<64x128xf32, #tpu.memory_space<vmem_shared>>
      %dma_wait3A_193 = arith.constant 0 : i32
      %dma_wait3A_194 = tpu.memref_slice %arg19[%multiple_of3A_190, %dma_wait3A_193] : memref<4224x128xf32, #tpu.memory_space<vmem_shared>> -> memref<64x128xf32, #tpu.memory_space<vmem_shared>>
      tpu.wait_dma2 semaphore(%arg22 : memref<!tpu.dma_semaphore, #tpu.memory_space<semaphore_mem>>) src(%arg18 : memref<64x128xf32, #tpu.memory_space<vmem>>) dst(%dma_wait3A_194 : memref<64x128xf32, #tpu.memory_space<vmem_shared>>)
      %add3A_195 = arith.constant 128 : i32
      %add3A_196 = arith.addi %mul3A_34, %add3A_195 : i32
      %add3A_197 = arith.constant 0 : i32
      %add3A_198 = arith.addi %add3A_196, %add3A_197 : i32
      %multiple_of3A_199 = tpu.assume_multiple %add3A_198, 8 : i32
      %dma_wait3A_200 = arith.constant 0 : i32
      %dma_wait3A_201 = tpu.memref_slice %arg19[%multiple_of3A_199, %dma_wait3A_200] : memref<4224x128xf32, #tpu.memory_space<vmem_shared>> -> memref<64x128xf32, #tpu.memory_space<vmem_shared>>
      %dma_wait3A_202 = arith.constant 0 : i32
      %dma_wait3A_203 = tpu.memref_slice %arg19[%multiple_of3A_199, %dma_wait3A_202] : memref<4224x128xf32, #tpu.memory_space<vmem_shared>> -> memref<64x128xf32, #tpu.memory_space<vmem_shared>>
      tpu.wait_dma2 semaphore(%arg23 : memref<!tpu.dma_semaphore, #tpu.memory_space<semaphore_mem>>) src(%arg18 : memref<64x128xf32, #tpu.memory_space<vmem>>) dst(%dma_wait3A_203 : memref<64x128xf32, #tpu.memory_space<vmem_shared>>)
      %add3A_204 = arith.constant 128 : i32
      %add3A_205 = arith.addi %mul3A_34, %add3A_204 : i32
      %add3A_206 = arith.constant 64 : i32
      %add3A_207 = arith.addi %add3A_205, %add3A_206 : i32
      %multiple_of3A_208 = tpu.assume_multiple %add3A_207, 8 : i32
      %dma_wait3A_209 = arith.constant 0 : i32
      %dma_wait3A_210 = tpu.memref_slice %arg19[%multiple_of3A_208, %dma_wait3A_209] : memref<4224x128xf32, #tpu.memory_space<vmem_shared>> -> memref<64x128xf32, #tpu.memory_space<vmem_shared>>
      %dma_wait3A_211 = arith.constant 0 : i32
      %dma_wait3A_212 = tpu.memref_slice %arg19[%multiple_of3A_208, %dma_wait3A_211] : memref<4224x128xf32, #tpu.memory_space<vmem_shared>> -> memref<64x128xf32, #tpu.memory_space<vmem_shared>>
      tpu.wait_dma2 semaphore(%arg23 : memref<!tpu.dma_semaphore, #tpu.memory_space<semaphore_mem>>) src(%arg18 : memref<64x128xf32, #tpu.memory_space<vmem>>) dst(%dma_wait3A_212 : memref<64x128xf32, #tpu.memory_space<vmem_shared>>)
      %add3A_213 = arith.constant 1 : i32
      %add3A_214 = arith.addi %sub3A_113, %add3A_213 : i32
      %div3A_215 = arith.constant 2 : i32
      %div3A_216 = arith.divsi %add3A_214, %div3A_215 : i32
      %while3A_217 = arith.constant 0 : i32
      %while3A_218 = arith.constant 0 : i32
      %while3A_219 = arith.subi %div3A_216, %while3A_217 : i32
      %while3A_220 = arith.addi %while3A_217, %while3A_219 : i32
      %while3A_221 = arith.constant 1 : i32
      %while3A_222 = arith.divsi %while3A_219, %while3A_221 : i32
      %while3A_223 = arith.muli %while3A_222, %while3A_221 : i32
      %while3A_224 = arith.addi %while3A_217, %while3A_223 : i32
      %while3A_225 = arith.constant 1 : i32
      %while3A_226 = scf.for %while3A_304 = %while3A_217 to %while3A_224 step %while3A_225 iter_args(%while3A_305 = %while3A_218) -> (i32)  : i32 {
        %mul3A_306 = arith.constant 2 : i32
        %mul3A_307 = arith.muli %while3A_304, %mul3A_306 : i32
        %add3A_308 = arith.addi %div3A_108, %mul3A_307 : i32
        %add3A_309 = arith.constant 0 : i32
        %add3A_310 = arith.addi %add3A_308, %add3A_309 : i32
        %lt3A_311 = arith.cmpi slt, %add3A_310, %div3A_112 : i32
        %convert_element_type3A_312 = arith.extui %lt3A_311 : i1 to i32
        %cond3A_313 = arith.constant 0 : i32
        %cond3A_314 = arith.cmpi ne, %convert_element_type3A_312, %cond3A_313 : i32
        scf.if %cond3A_314 {
          %mul3A_325 = arith.constant 128 : i32
          %mul3A_326 = arith.muli %add3A_310, %mul3A_325 : i32
          %multiple_of3A_327 = tpu.assume_multiple %mul3A_326, 128 : i32
          %mul3A_328 = arith.constant 128 : i32
          %mul3A_329 = arith.muli %scan3A_175, %mul3A_328 : i32
          %multiple_of3A_330 = tpu.assume_multiple %mul3A_329, 128 : i32
          %dma_wait3A_331 = tpu.memref_slice %arg2[%select_n3A, %multiple_of3A_327, %multiple_of3A_330] : memref<4x4096x1024xf32, #tpu.memory_space<hbm>> -> memref<1x128x128xf32, #tpu.memory_space<hbm>>
          %dma_wait3A_332 = tpu.memref_squeeze %dma_wait3A_331 : memref<1x128x128xf32, #tpu.memory_space<hbm>> -> memref<128x128xf32, #tpu.memory_space<hbm>>
          %dma_wait3A_333 = tpu.memref_slice %arg2[%select_n3A, %multiple_of3A_327, %multiple_of3A_330] : memref<4x4096x1024xf32, #tpu.memory_space<hbm>> -> memref<1x128x128xf32, #tpu.memory_space<hbm>>
          %dma_wait3A_334 = tpu.memref_squeeze %dma_wait3A_333 : memref<1x128x128xf32, #tpu.memory_space<hbm>> -> memref<128x128xf32, #tpu.memory_space<hbm>>
          tpu.wait_dma2 semaphore(%arg20 : memref<!tpu.dma_semaphore, #tpu.memory_space<semaphore_mem>>) src(%dma_wait3A_334 : memref<128x128xf32, #tpu.memory_space<hbm>>) dst(%arg14 : memref<128x128xf32, #tpu.memory_space<vmem>>)
          %add3A_335 = arith.constant 1 : i32
          %add3A_336 = arith.addi %add3A_310, %add3A_335 : i32
          %lt3A_337 = arith.cmpi slt, %add3A_336, %div3A_112 : i32
          %convert_element_type3A_338 = arith.extui %lt3A_337 : i1 to i32
          %cond3A_339 = arith.constant 0 : i32
          %cond3A_340 = arith.cmpi ne, %convert_element_type3A_338, %cond3A_339 : i32
          scf.if %cond3A_340 {
            %add3A_341 = arith.constant 1 : i32
            %add3A_342 = arith.addi %add3A_310, %add3A_341 : i32
            %mul3A_343 = arith.constant 128 : i32
            %mul3A_344 = arith.muli %add3A_342, %mul3A_343 : i32
            %multiple_of3A_345 = tpu.assume_multiple %mul3A_344, 128 : i32
            %mul3A_346 = arith.constant 128 : i32
            %mul3A_347 = arith.muli %scan3A_175, %mul3A_346 : i32
            %multiple_of3A_348 = tpu.assume_multiple %mul3A_347, 128 : i32
            %dma_start3A_349 = tpu.memref_slice %arg2[%select_n3A, %multiple_of3A_345, %multiple_of3A_348] : memref<4x4096x1024xf32, #tpu.memory_space<hbm>> -> memref<1x128x128xf32, #tpu.memory_space<hbm>>
            %dma_start3A_350 = tpu.memref_squeeze %dma_start3A_349 : memref<1x128x128xf32, #tpu.memory_space<hbm>> -> memref<128x128xf32, #tpu.memory_space<hbm>>
            %dma_start3A_351 = tpu.memref_slice %arg2[%select_n3A, %multiple_of3A_345, %multiple_of3A_348] : memref<4x4096x1024xf32, #tpu.memory_space<hbm>> -> memref<1x128x128xf32, #tpu.memory_space<hbm>>
            %dma_start3A_352 = tpu.memref_squeeze %dma_start3A_351 : memref<1x128x128xf32, #tpu.memory_space<hbm>> -> memref<128x128xf32, #tpu.memory_space<hbm>>
            tpu.enqueue_dma source(%dma_start3A_352 : memref<128x128xf32, #tpu.memory_space<hbm>>) target(%arg15 : memref<128x128xf32, #tpu.memory_space<vmem>>) target_semaphore(%arg21 : memref<!tpu.dma_semaphore, #tpu.memory_space<semaphore_mem>>)
          } else {
          }
          "tpu.region"() ({
            %run_scoped3A = tpu.sem_alloc : memref<!tpu.dma_semaphore, #tpu.memory_space<semaphore_mem>>
            %dma_start3A_341 = arith.constant 0 : i32
            %dma_start3A_342 = tpu.memref_slice %arg13[%add3A_310, %dma_start3A_341] : memref<32x128xi32, #tpu.memory_space<vmem>> -> memref<1x128xi32, #tpu.memory_space<vmem>>
            %dma_start3A_343 = tpu.memref_squeeze %dma_start3A_342 : memref<1x128xi32, #tpu.memory_space<vmem>> -> memref<128xi32, #tpu.memory_space<vmem>>
            %dma_start3A_344 = arith.constant 0 : i32
            %dma_start3A_345 = arith.constant 0 : i32
            %dma_start3A_346 = tpu.memref_slice %arg19[%dma_start3A_344, %dma_start3A_345] : memref<4224x128xf32, #tpu.memory_space<vmem_shared>> -> memref<4224x128xf32, #tpu.memory_space<vmem_shared>>
            tpu.enqueue_indirect_dma source(%arg14 : memref<128x128xf32, #tpu.memory_space<vmem>>) target(%dma_start3A_346 : memref<4224x128xf32, #tpu.memory_space<vmem_shared>>) offsets(%dma_start3A_343 : memref<128xi32, #tpu.memory_space<vmem>>) semaphore(%run_scoped3A : memref<!tpu.dma_semaphore, #tpu.memory_space<semaphore_mem>>) {add = true}
            %dma_wait3A_347 = arith.constant 0 : i32
            %dma_wait3A_348 = tpu.memref_slice %arg13[%add3A_310, %dma_wait3A_347] : memref<32x128xi32, #tpu.memory_space<vmem>> -> memref<1x128xi32, #tpu.memory_space<vmem>>
            %dma_wait3A_349 = tpu.memref_squeeze %dma_wait3A_348 : memref<1x128xi32, #tpu.memory_space<vmem>> -> memref<128xi32, #tpu.memory_space<vmem>>
            %dma_wait3A_350 = arith.constant 0 : i32
            %dma_wait3A_351 = arith.constant 0 : i32
            %dma_wait3A_352 = tpu.memref_slice %arg19[%dma_wait3A_350, %dma_wait3A_351] : memref<4224x128xf32, #tpu.memory_space<vmem_shared>> -> memref<4224x128xf32, #tpu.memory_space<vmem_shared>>
            tpu.wait_indirect_dma semaphore(%run_scoped3A : memref<!tpu.dma_semaphore, #tpu.memory_space<semaphore_mem>>) src(%arg14 : memref<128x128xf32, #tpu.memory_space<vmem>>) dst(%dma_wait3A_352 : memref<4224x128xf32, #tpu.memory_space<vmem_shared>>)
            tpu.yield
          }) : () -> ()
        } else {
        }
        %mul3A_315 = arith.constant 2 : i32
        %mul3A_316 = arith.muli %while3A_304, %mul3A_315 : i32
        %add3A_317 = arith.addi %div3A_108, %mul3A_316 : i32
        %add3A_318 = arith.constant 1 : i32
        %add3A_319 = arith.addi %add3A_317, %add3A_318 : i32
        %lt3A_320 = arith.cmpi slt, %add3A_319, %div3A_112 : i32
        %convert_element_type3A_321 = arith.extui %lt3A_320 : i1 to i32
        %cond3A_322 = arith.constant 0 : i32
        %cond3A_323 = arith.cmpi ne, %convert_element_type3A_321, %cond3A_322 : i32
        scf.if %cond3A_323 {
          %mul3A_325 = arith.constant 128 : i32
          %mul3A_326 = arith.muli %add3A_319, %mul3A_325 : i32
          %multiple_of3A_327 = tpu.assume_multiple %mul3A_326, 128 : i32
          %mul3A_328 = arith.constant 128 : i32
          %mul3A_329 = arith.muli %scan3A_175, %mul3A_328 : i32
          %multiple_of3A_330 = tpu.assume_multiple %mul3A_329, 128 : i32
          %dma_wait3A_331 = tpu.memref_slice %arg2[%select_n3A, %multiple_of3A_327, %multiple_of3A_330] : memref<4x4096x1024xf32, #tpu.memory_space<hbm>> -> memref<1x128x128xf32, #tpu.memory_space<hbm>>
          %dma_wait3A_332 = tpu.memref_squeeze %dma_wait3A_331 : memref<1x128x128xf32, #tpu.memory_space<hbm>> -> memref<128x128xf32, #tpu.memory_space<hbm>>
          %dma_wait3A_333 = tpu.memref_slice %arg2[%select_n3A, %multiple_of3A_327, %multiple_of3A_330] : memref<4x4096x1024xf32, #tpu.memory_space<hbm>> -> memref<1x128x128xf32, #tpu.memory_space<hbm>>
          %dma_wait3A_334 = tpu.memref_squeeze %dma_wait3A_333 : memref<1x128x128xf32, #tpu.memory_space<hbm>> -> memref<128x128xf32, #tpu.memory_space<hbm>>
          tpu.wait_dma2 semaphore(%arg21 : memref<!tpu.dma_semaphore, #tpu.memory_space<semaphore_mem>>) src(%dma_wait3A_334 : memref<128x128xf32, #tpu.memory_space<hbm>>) dst(%arg15 : memref<128x128xf32, #tpu.memory_space<vmem>>)
          %add3A_335 = arith.constant 1 : i32
          %add3A_336 = arith.addi %add3A_319, %add3A_335 : i32
          %lt3A_337 = arith.cmpi slt, %add3A_336, %div3A_112 : i32
          %convert_element_type3A_338 = arith.extui %lt3A_337 : i1 to i32
          %cond3A_339 = arith.constant 0 : i32
          %cond3A_340 = arith.cmpi ne, %convert_element_type3A_338, %cond3A_339 : i32
          scf.if %cond3A_340 {
            %add3A_341 = arith.constant 1 : i32
            %add3A_342 = arith.addi %add3A_319, %add3A_341 : i32
            %mul3A_343 = arith.constant 128 : i32
            %mul3A_344 = arith.muli %add3A_342, %mul3A_343 : i32
            %multiple_of3A_345 = tpu.assume_multiple %mul3A_344, 128 : i32
            %mul3A_346 = arith.constant 128 : i32
            %mul3A_347 = arith.muli %scan3A_175, %mul3A_346 : i32
            %multiple_of3A_348 = tpu.assume_multiple %mul3A_347, 128 : i32
            %dma_start3A_349 = tpu.memref_slice %arg2[%select_n3A, %multiple_of3A_345, %multiple_of3A_348] : memref<4x4096x1024xf32, #tpu.memory_space<hbm>> -> memref<1x128x128xf32, #tpu.memory_space<hbm>>
            %dma_start3A_350 = tpu.memref_squeeze %dma_start3A_349 : memref<1x128x128xf32, #tpu.memory_space<hbm>> -> memref<128x128xf32, #tpu.memory_space<hbm>>
            %dma_start3A_351 = tpu.memref_slice %arg2[%select_n3A, %multiple_of3A_345, %multiple_of3A_348] : memref<4x4096x1024xf32, #tpu.memory_space<hbm>> -> memref<1x128x128xf32, #tpu.memory_space<hbm>>
            %dma_start3A_352 = tpu.memref_squeeze %dma_start3A_351 : memref<1x128x128xf32, #tpu.memory_space<hbm>> -> memref<128x128xf32, #tpu.memory_space<hbm>>
            tpu.enqueue_dma source(%dma_start3A_352 : memref<128x128xf32, #tpu.memory_space<hbm>>) target(%arg14 : memref<128x128xf32, #tpu.memory_space<vmem>>) target_semaphore(%arg20 : memref<!tpu.dma_semaphore, #tpu.memory_space<semaphore_mem>>)
          } else {
          }
          "tpu.region"() ({
            %run_scoped3A = tpu.sem_alloc : memref<!tpu.dma_semaphore, #tpu.memory_space<semaphore_mem>>
            %dma_start3A_341 = arith.constant 0 : i32
            %dma_start3A_342 = tpu.memref_slice %arg13[%add3A_319, %dma_start3A_341] : memref<32x128xi32, #tpu.memory_space<vmem>> -> memref<1x128xi32, #tpu.memory_space<vmem>>
            %dma_start3A_343 = tpu.memref_squeeze %dma_start3A_342 : memref<1x128xi32, #tpu.memory_space<vmem>> -> memref<128xi32, #tpu.memory_space<vmem>>
            %dma_start3A_344 = arith.constant 0 : i32
            %dma_start3A_345 = arith.constant 0 : i32
            %dma_start3A_346 = tpu.memref_slice %arg19[%dma_start3A_344, %dma_start3A_345] : memref<4224x128xf32, #tpu.memory_space<vmem_shared>> -> memref<4224x128xf32, #tpu.memory_space<vmem_shared>>
            tpu.enqueue_indirect_dma source(%arg15 : memref<128x128xf32, #tpu.memory_space<vmem>>) target(%dma_start3A_346 : memref<4224x128xf32, #tpu.memory_space<vmem_shared>>) offsets(%dma_start3A_343 : memref<128xi32, #tpu.memory_space<vmem>>) semaphore(%run_scoped3A : memref<!tpu.dma_semaphore, #tpu.memory_space<semaphore_mem>>) {add = true}
            %dma_wait3A_347 = arith.constant 0 : i32
            %dma_wait3A_348 = tpu.memref_slice %arg13[%add3A_319, %dma_wait3A_347] : memref<32x128xi32, #tpu.memory_space<vmem>> -> memref<1x128xi32, #tpu.memory_space<vmem>>
            %dma_wait3A_349 = tpu.memref_squeeze %dma_wait3A_348 : memref<1x128xi32, #tpu.memory_space<vmem>> -> memref<128xi32, #tpu.memory_space<vmem>>
            %dma_wait3A_350 = arith.constant 0 : i32
            %dma_wait3A_351 = arith.constant 0 : i32
            %dma_wait3A_352 = tpu.memref_slice %arg19[%dma_wait3A_350, %dma_wait3A_351] : memref<4224x128xf32, #tpu.memory_space<vmem_shared>> -> memref<4224x128xf32, #tpu.memory_space<vmem_shared>>
            tpu.wait_indirect_dma semaphore(%run_scoped3A : memref<!tpu.dma_semaphore, #tpu.memory_space<semaphore_mem>>) src(%arg15 : memref<128x128xf32, #tpu.memory_space<vmem>>) dst(%dma_wait3A_352 : memref<4224x128xf32, #tpu.memory_space<vmem_shared>>)
            tpu.yield
          }) : () -> ()
        } else {
        }
        %while3A_324 = arith.constant 0 : i32
        scf.yield %while3A_324 : i32
      }
      %while3A_227 = arith.constant 1 : i32
      %while3A_228 = scf.for %while3A_304 = %while3A_224 to %while3A_220 step %while3A_227 iter_args(%while3A_305 = %while3A_226) -> (i32)  : i32 {
        %mul3A_306 = arith.constant 2 : i32
        %mul3A_307 = arith.muli %while3A_304, %mul3A_306 : i32
        %add3A_308 = arith.addi %div3A_108, %mul3A_307 : i32
        %add3A_309 = arith.constant 0 : i32
        %add3A_310 = arith.addi %add3A_308, %add3A_309 : i32
        %lt3A_311 = arith.cmpi slt, %add3A_310, %div3A_112 : i32
        %convert_element_type3A_312 = arith.extui %lt3A_311 : i1 to i32
        %cond3A_313 = arith.constant 0 : i32
        %cond3A_314 = arith.cmpi ne, %convert_element_type3A_312, %cond3A_313 : i32
        scf.if %cond3A_314 {
          %mul3A_325 = arith.constant 128 : i32
          %mul3A_326 = arith.muli %add3A_310, %mul3A_325 : i32
          %multiple_of3A_327 = tpu.assume_multiple %mul3A_326, 128 : i32
          %mul3A_328 = arith.constant 128 : i32
          %mul3A_329 = arith.muli %scan3A_175, %mul3A_328 : i32
          %multiple_of3A_330 = tpu.assume_multiple %mul3A_329, 128 : i32
          %dma_wait3A_331 = tpu.memref_slice %arg2[%select_n3A, %multiple_of3A_327, %multiple_of3A_330] : memref<4x4096x1024xf32, #tpu.memory_space<hbm>> -> memref<1x128x128xf32, #tpu.memory_space<hbm>>
          %dma_wait3A_332 = tpu.memref_squeeze %dma_wait3A_331 : memref<1x128x128xf32, #tpu.memory_space<hbm>> -> memref<128x128xf32, #tpu.memory_space<hbm>>
          %dma_wait3A_333 = tpu.memref_slice %arg2[%select_n3A, %multiple_of3A_327, %multiple_of3A_330] : memref<4x4096x1024xf32, #tpu.memory_space<hbm>> -> memref<1x128x128xf32, #tpu.memory_space<hbm>>
          %dma_wait3A_334 = tpu.memref_squeeze %dma_wait3A_333 : memref<1x128x128xf32, #tpu.memory_space<hbm>> -> memref<128x128xf32, #tpu.memory_space<hbm>>
          tpu.wait_dma2 semaphore(%arg20 : memref<!tpu.dma_semaphore, #tpu.memory_space<semaphore_mem>>) src(%dma_wait3A_334 : memref<128x128xf32, #tpu.memory_space<hbm>>) dst(%arg14 : memref<128x128xf32, #tpu.memory_space<vmem>>)
          %add3A_335 = arith.constant 1 : i32
          %add3A_336 = arith.addi %add3A_310, %add3A_335 : i32
          %lt3A_337 = arith.cmpi slt, %add3A_336, %div3A_112 : i32
          %convert_element_type3A_338 = arith.extui %lt3A_337 : i1 to i32
          %cond3A_339 = arith.constant 0 : i32
          %cond3A_340 = arith.cmpi ne, %convert_element_type3A_338, %cond3A_339 : i32
          scf.if %cond3A_340 {
            %add3A_341 = arith.constant 1 : i32
            %add3A_342 = arith.addi %add3A_310, %add3A_341 : i32
            %mul3A_343 = arith.constant 128 : i32
            %mul3A_344 = arith.muli %add3A_342, %mul3A_343 : i32
            %multiple_of3A_345 = tpu.assume_multiple %mul3A_344, 128 : i32
            %mul3A_346 = arith.constant 128 : i32
            %mul3A_347 = arith.muli %scan3A_175, %mul3A_346 : i32
            %multiple_of3A_348 = tpu.assume_multiple %mul3A_347, 128 : i32
            %dma_start3A_349 = tpu.memref_slice %arg2[%select_n3A, %multiple_of3A_345, %multiple_of3A_348] : memref<4x4096x1024xf32, #tpu.memory_space<hbm>> -> memref<1x128x128xf32, #tpu.memory_space<hbm>>
            %dma_start3A_350 = tpu.memref_squeeze %dma_start3A_349 : memref<1x128x128xf32, #tpu.memory_space<hbm>> -> memref<128x128xf32, #tpu.memory_space<hbm>>
            %dma_start3A_351 = tpu.memref_slice %arg2[%select_n3A, %multiple_of3A_345, %multiple_of3A_348] : memref<4x4096x1024xf32, #tpu.memory_space<hbm>> -> memref<1x128x128xf32, #tpu.memory_space<hbm>>
            %dma_start3A_352 = tpu.memref_squeeze %dma_start3A_351 : memref<1x128x128xf32, #tpu.memory_space<hbm>> -> memref<128x128xf32, #tpu.memory_space<hbm>>
            tpu.enqueue_dma source(%dma_start3A_352 : memref<128x128xf32, #tpu.memory_space<hbm>>) target(%arg15 : memref<128x128xf32, #tpu.memory_space<vmem>>) target_semaphore(%arg21 : memref<!tpu.dma_semaphore, #tpu.memory_space<semaphore_mem>>)
          } else {
          }
          "tpu.region"() ({
            %run_scoped3A = tpu.sem_alloc : memref<!tpu.dma_semaphore, #tpu.memory_space<semaphore_mem>>
            %dma_start3A_341 = arith.constant 0 : i32
            %dma_start3A_342 = tpu.memref_slice %arg13[%add3A_310, %dma_start3A_341] : memref<32x128xi32, #tpu.memory_space<vmem>> -> memref<1x128xi32, #tpu.memory_space<vmem>>
            %dma_start3A_343 = tpu.memref_squeeze %dma_start3A_342 : memref<1x128xi32, #tpu.memory_space<vmem>> -> memref<128xi32, #tpu.memory_space<vmem>>
            %dma_start3A_344 = arith.constant 0 : i32
            %dma_start3A_345 = arith.constant 0 : i32
            %dma_start3A_346 = tpu.memref_slice %arg19[%dma_start3A_344, %dma_start3A_345] : memref<4224x128xf32, #tpu.memory_space<vmem_shared>> -> memref<4224x128xf32, #tpu.memory_space<vmem_shared>>
            tpu.enqueue_indirect_dma source(%arg14 : memref<128x128xf32, #tpu.memory_space<vmem>>) target(%dma_start3A_346 : memref<4224x128xf32, #tpu.memory_space<vmem_shared>>) offsets(%dma_start3A_343 : memref<128xi32, #tpu.memory_space<vmem>>) semaphore(%run_scoped3A : memref<!tpu.dma_semaphore, #tpu.memory_space<semaphore_mem>>) {add = true}
            %dma_wait3A_347 = arith.constant 0 : i32
            %dma_wait3A_348 = tpu.memref_slice %arg13[%add3A_310, %dma_wait3A_347] : memref<32x128xi32, #tpu.memory_space<vmem>> -> memref<1x128xi32, #tpu.memory_space<vmem>>
            %dma_wait3A_349 = tpu.memref_squeeze %dma_wait3A_348 : memref<1x128xi32, #tpu.memory_space<vmem>> -> memref<128xi32, #tpu.memory_space<vmem>>
            %dma_wait3A_350 = arith.constant 0 : i32
            %dma_wait3A_351 = arith.constant 0 : i32
            %dma_wait3A_352 = tpu.memref_slice %arg19[%dma_wait3A_350, %dma_wait3A_351] : memref<4224x128xf32, #tpu.memory_space<vmem_shared>> -> memref<4224x128xf32, #tpu.memory_space<vmem_shared>>
            tpu.wait_indirect_dma semaphore(%run_scoped3A : memref<!tpu.dma_semaphore, #tpu.memory_space<semaphore_mem>>) src(%arg14 : memref<128x128xf32, #tpu.memory_space<vmem>>) dst(%dma_wait3A_352 : memref<4224x128xf32, #tpu.memory_space<vmem_shared>>)
            tpu.yield
          }) : () -> ()
        } else {
        }
        %mul3A_315 = arith.constant 2 : i32
        %mul3A_316 = arith.muli %while3A_304, %mul3A_315 : i32
        %add3A_317 = arith.addi %div3A_108, %mul3A_316 : i32
        %add3A_318 = arith.constant 1 : i32
        %add3A_319 = arith.addi %add3A_317, %add3A_318 : i32
        %lt3A_320 = arith.cmpi slt, %add3A_319, %div3A_112 : i32
        %convert_element_type3A_321 = arith.extui %lt3A_320 : i1 to i32
        %cond3A_322 = arith.constant 0 : i32
        %cond3A_323 = arith.cmpi ne, %convert_element_type3A_321, %cond3A_322 : i32
        scf.if %cond3A_323 {
          %mul3A_325 = arith.constant 128 : i32
          %mul3A_326 = arith.muli %add3A_319, %mul3A_325 : i32
          %multiple_of3A_327 = tpu.assume_multiple %mul3A_326, 128 : i32
          %mul3A_328 = arith.constant 128 : i32
          %mul3A_329 = arith.muli %scan3A_175, %mul3A_328 : i32
          %multiple_of3A_330 = tpu.assume_multiple %mul3A_329, 128 : i32
          %dma_wait3A_331 = tpu.memref_slice %arg2[%select_n3A, %multiple_of3A_327, %multiple_of3A_330] : memref<4x4096x1024xf32, #tpu.memory_space<hbm>> -> memref<1x128x128xf32, #tpu.memory_space<hbm>>
          %dma_wait3A_332 = tpu.memref_squeeze %dma_wait3A_331 : memref<1x128x128xf32, #tpu.memory_space<hbm>> -> memref<128x128xf32, #tpu.memory_space<hbm>>
          %dma_wait3A_333 = tpu.memref_slice %arg2[%select_n3A, %multiple_of3A_327, %multiple_of3A_330] : memref<4x4096x1024xf32, #tpu.memory_space<hbm>> -> memref<1x128x128xf32, #tpu.memory_space<hbm>>
          %dma_wait3A_334 = tpu.memref_squeeze %dma_wait3A_333 : memref<1x128x128xf32, #tpu.memory_space<hbm>> -> memref<128x128xf32, #tpu.memory_space<hbm>>
          tpu.wait_dma2 semaphore(%arg21 : memref<!tpu.dma_semaphore, #tpu.memory_space<semaphore_mem>>) src(%dma_wait3A_334 : memref<128x128xf32, #tpu.memory_space<hbm>>) dst(%arg15 : memref<128x128xf32, #tpu.memory_space<vmem>>)
          %add3A_335 = arith.constant 1 : i32
          %add3A_336 = arith.addi %add3A_319, %add3A_335 : i32
          %lt3A_337 = arith.cmpi slt, %add3A_336, %div3A_112 : i32
          %convert_element_type3A_338 = arith.extui %lt3A_337 : i1 to i32
          %cond3A_339 = arith.constant 0 : i32
          %cond3A_340 = arith.cmpi ne, %convert_element_type3A_338, %cond3A_339 : i32
          scf.if %cond3A_340 {
            %add3A_341 = arith.constant 1 : i32
            %add3A_342 = arith.addi %add3A_319, %add3A_341 : i32
            %mul3A_343 = arith.constant 128 : i32
            %mul3A_344 = arith.muli %add3A_342, %mul3A_343 : i32
            %multiple_of3A_345 = tpu.assume_multiple %mul3A_344, 128 : i32
            %mul3A_346 = arith.constant 128 : i32
            %mul3A_347 = arith.muli %scan3A_175, %mul3A_346 : i32
            %multiple_of3A_348 = tpu.assume_multiple %mul3A_347, 128 : i32
            %dma_start3A_349 = tpu.memref_slice %arg2[%select_n3A, %multiple_of3A_345, %multiple_of3A_348] : memref<4x4096x1024xf32, #tpu.memory_space<hbm>> -> memref<1x128x128xf32, #tpu.memory_space<hbm>>
            %dma_start3A_350 = tpu.memref_squeeze %dma_start3A_349 : memref<1x128x128xf32, #tpu.memory_space<hbm>> -> memref<128x128xf32, #tpu.memory_space<hbm>>
            %dma_start3A_351 = tpu.memref_slice %arg2[%select_n3A, %multiple_of3A_345, %multiple_of3A_348] : memref<4x4096x1024xf32, #tpu.memory_space<hbm>> -> memref<1x128x128xf32, #tpu.memory_space<hbm>>
            %dma_start3A_352 = tpu.memref_squeeze %dma_start3A_351 : memref<1x128x128xf32, #tpu.memory_space<hbm>> -> memref<128x128xf32, #tpu.memory_space<hbm>>
            tpu.enqueue_dma source(%dma_start3A_352 : memref<128x128xf32, #tpu.memory_space<hbm>>) target(%arg14 : memref<128x128xf32, #tpu.memory_space<vmem>>) target_semaphore(%arg20 : memref<!tpu.dma_semaphore, #tpu.memory_space<semaphore_mem>>)
          } else {
          }
          "tpu.region"() ({
            %run_scoped3A = tpu.sem_alloc : memref<!tpu.dma_semaphore, #tpu.memory_space<semaphore_mem>>
            %dma_start3A_341 = arith.constant 0 : i32
            %dma_start3A_342 = tpu.memref_slice %arg13[%add3A_319, %dma_start3A_341] : memref<32x128xi32, #tpu.memory_space<vmem>> -> memref<1x128xi32, #tpu.memory_space<vmem>>
            %dma_start3A_343 = tpu.memref_squeeze %dma_start3A_342 : memref<1x128xi32, #tpu.memory_space<vmem>> -> memref<128xi32, #tpu.memory_space<vmem>>
            %dma_start3A_344 = arith.constant 0 : i32
            %dma_start3A_345 = arith.constant 0 : i32
            %dma_start3A_346 = tpu.memref_slice %arg19[%dma_start3A_344, %dma_start3A_345] : memref<4224x128xf32, #tpu.memory_space<vmem_shared>> -> memref<4224x128xf32, #tpu.memory_space<vmem_shared>>
            tpu.enqueue_indirect_dma source(%arg15 : memref<128x128xf32, #tpu.memory_space<vmem>>) target(%dma_start3A_346 : memref<4224x128xf32, #tpu.memory_space<vmem_shared>>) offsets(%dma_start3A_343 : memref<128xi32, #tpu.memory_space<vmem>>) semaphore(%run_scoped3A : memref<!tpu.dma_semaphore, #tpu.memory_space<semaphore_mem>>) {add = true}
            %dma_wait3A_347 = arith.constant 0 : i32
            %dma_wait3A_348 = tpu.memref_slice %arg13[%add3A_319, %dma_wait3A_347] : memref<32x128xi32, #tpu.memory_space<vmem>> -> memref<1x128xi32, #tpu.memory_space<vmem>>
            %dma_wait3A_349 = tpu.memref_squeeze %dma_wait3A_348 : memref<1x128xi32, #tpu.memory_space<vmem>> -> memref<128xi32, #tpu.memory_space<vmem>>
            %dma_wait3A_350 = arith.constant 0 : i32
            %dma_wait3A_351 = arith.constant 0 : i32
            %dma_wait3A_352 = tpu.memref_slice %arg19[%dma_wait3A_350, %dma_wait3A_351] : memref<4224x128xf32, #tpu.memory_space<vmem_shared>> -> memref<4224x128xf32, #tpu.memory_space<vmem_shared>>
            tpu.wait_indirect_dma semaphore(%run_scoped3A : memref<!tpu.dma_semaphore, #tpu.memory_space<semaphore_mem>>) src(%arg15 : memref<128x128xf32, #tpu.memory_space<vmem>>) dst(%dma_wait3A_352 : memref<4224x128xf32, #tpu.memory_space<vmem_shared>>)
            tpu.yield
          }) : () -> ()
        } else {
        }
        %while3A_324 = arith.constant 0 : i32
        scf.yield %while3A_324 : i32
      }
      %gt3A_229 = arith.constant 0 : i32
      %gt3A_230 = arith.cmpi sgt, %scan3A_175, %gt3A_229 : i32
      %convert_element_type3A_231 = arith.extui %gt3A_230 : i1 to i32
      %cond3A_232 = arith.constant 0 : i32
      %cond3A_233 = arith.cmpi ne, %convert_element_type3A_231, %cond3A_232 : i32
      scf.if %cond3A_233 {
        %sub3A_304 = arith.constant 1 : i32
        %sub3A_305 = arith.subi %scan3A_175, %sub3A_304 : i32
        %add3A_306 = arith.constant 0 : i32
        %add3A_307 = arith.addi %mul3A_32, %add3A_306 : i32
        %multiple_of3A_308 = tpu.assume_multiple %add3A_307, 128 : i32
        %mul3A_309 = arith.constant 128 : i32
        %mul3A_310 = arith.muli %sub3A_305, %mul3A_309 : i32
        %multiple_of3A_311 = tpu.assume_multiple %mul3A_310, 128 : i32
        %dma_wait3A_312 = tpu.memref_slice %arg5[%select_n3A, %multiple_of3A_308, %multiple_of3A_311] : memref<4x2048x1024xf32, #tpu.memory_space<hbm>> -> memref<1x128x128xf32, #tpu.memory_space<hbm>>
        %dma_wait3A_313 = tpu.memref_squeeze %dma_wait3A_312 : memref<1x128x128xf32, #tpu.memory_space<hbm>> -> memref<128x128xf32, #tpu.memory_space<hbm>>
        %dma_wait3A_314 = tpu.memref_slice %arg5[%select_n3A, %multiple_of3A_308, %multiple_of3A_311] : memref<4x2048x1024xf32, #tpu.memory_space<hbm>> -> memref<1x128x128xf32, #tpu.memory_space<hbm>>
        %dma_wait3A_315 = tpu.memref_squeeze %dma_wait3A_314 : memref<1x128x128xf32, #tpu.memory_space<hbm>> -> memref<128x128xf32, #tpu.memory_space<hbm>>
        tpu.wait_dma2 semaphore(%arg26 : memref<!tpu.dma_semaphore, #tpu.memory_space<semaphore_mem>>) src(%arg16 : memref<128x128xf32, #tpu.memory_space<vmem>>) dst(%dma_wait3A_315 : memref<128x128xf32, #tpu.memory_space<hbm>>)
        %sub3A_316 = arith.constant 1 : i32
        %sub3A_317 = arith.subi %scan3A_175, %sub3A_316 : i32
        %add3A_318 = arith.constant 128 : i32
        %add3A_319 = arith.addi %mul3A_32, %add3A_318 : i32
        %multiple_of3A_320 = tpu.assume_multiple %add3A_319, 128 : i32
        %mul3A_321 = arith.constant 128 : i32
        %mul3A_322 = arith.muli %sub3A_317, %mul3A_321 : i32
        %multiple_of3A_323 = tpu.assume_multiple %mul3A_322, 128 : i32
        %dma_wait3A_324 = tpu.memref_slice %arg5[%select_n3A, %multiple_of3A_320, %multiple_of3A_323] : memref<4x2048x1024xf32, #tpu.memory_space<hbm>> -> memref<1x128x128xf32, #tpu.memory_space<hbm>>
        %dma_wait3A_325 = tpu.memref_squeeze %dma_wait3A_324 : memref<1x128x128xf32, #tpu.memory_space<hbm>> -> memref<128x128xf32, #tpu.memory_space<hbm>>
        %dma_wait3A_326 = tpu.memref_slice %arg5[%select_n3A, %multiple_of3A_320, %multiple_of3A_323] : memref<4x2048x1024xf32, #tpu.memory_space<hbm>> -> memref<1x128x128xf32, #tpu.memory_space<hbm>>
        %dma_wait3A_327 = tpu.memref_squeeze %dma_wait3A_326 : memref<1x128x128xf32, #tpu.memory_space<hbm>> -> memref<128x128xf32, #tpu.memory_space<hbm>>
        tpu.wait_dma2 semaphore(%arg26 : memref<!tpu.dma_semaphore, #tpu.memory_space<semaphore_mem>>) src(%arg17 : memref<128x128xf32, #tpu.memory_space<vmem>>) dst(%dma_wait3A_327 : memref<128x128xf32, #tpu.memory_space<hbm>>)
      } else {
      }
      %add3A_234 = arith.constant 0 : i32
      %add3A_235 = arith.addi %mul3A_34, %add3A_234 : i32
      %multiple_of3A_236 = tpu.assume_multiple %add3A_235, 8 : i32
      %dma_start3A_237 = arith.constant 0 : i32
      %dma_start3A_238 = tpu.memref_slice %arg19[%multiple_of3A_236, %dma_start3A_237] : memref<4224x128xf32, #tpu.memory_space<vmem_shared>> -> memref<128x128xf32, #tpu.memory_space<vmem_shared>>
      %dma_start3A_239 = arith.constant 0 : i32
      %dma_start3A_240 = tpu.memref_slice %arg19[%multiple_of3A_236, %dma_start3A_239] : memref<4224x128xf32, #tpu.memory_space<vmem_shared>> -> memref<128x128xf32, #tpu.memory_space<vmem_shared>>
      tpu.enqueue_dma source(%dma_start3A_240 : memref<128x128xf32, #tpu.memory_space<vmem_shared>>) target(%arg16 : memref<128x128xf32, #tpu.memory_space<vmem>>) target_semaphore(%arg24 : memref<!tpu.dma_semaphore, #tpu.memory_space<semaphore_mem>>)
      %add3A_241 = arith.constant 128 : i32
      %add3A_242 = arith.addi %mul3A_34, %add3A_241 : i32
      %multiple_of3A_243 = tpu.assume_multiple %add3A_242, 8 : i32
      %dma_start3A_244 = arith.constant 0 : i32
      %dma_start3A_245 = tpu.memref_slice %arg19[%multiple_of3A_243, %dma_start3A_244] : memref<4224x128xf32, #tpu.memory_space<vmem_shared>> -> memref<128x128xf32, #tpu.memory_space<vmem_shared>>
      %dma_start3A_246 = arith.constant 0 : i32
      %dma_start3A_247 = tpu.memref_slice %arg19[%multiple_of3A_243, %dma_start3A_246] : memref<4224x128xf32, #tpu.memory_space<vmem_shared>> -> memref<128x128xf32, #tpu.memory_space<vmem_shared>>
      tpu.enqueue_dma source(%dma_start3A_247 : memref<128x128xf32, #tpu.memory_space<vmem_shared>>) target(%arg17 : memref<128x128xf32, #tpu.memory_space<vmem>>) target_semaphore(%arg25 : memref<!tpu.dma_semaphore, #tpu.memory_space<semaphore_mem>>)
      %add3A_248 = arith.constant 0 : i32
      %add3A_249 = arith.addi %mul3A_34, %add3A_248 : i32
      %multiple_of3A_250 = tpu.assume_multiple %add3A_249, 8 : i32
      %dma_wait3A_251 = arith.constant 0 : i32
      %dma_wait3A_252 = tpu.memref_slice %arg19[%multiple_of3A_250, %dma_wait3A_251] : memref<4224x128xf32, #tpu.memory_space<vmem_shared>> -> memref<128x128xf32, #tpu.memory_space<vmem_shared>>
      %dma_wait3A_253 = arith.constant 0 : i32
      %dma_wait3A_254 = tpu.memref_slice %arg19[%multiple_of3A_250, %dma_wait3A_253] : memref<4224x128xf32, #tpu.memory_space<vmem_shared>> -> memref<128x128xf32, #tpu.memory_space<vmem_shared>>
      tpu.wait_dma2 semaphore(%arg24 : memref<!tpu.dma_semaphore, #tpu.memory_space<semaphore_mem>>) src(%dma_wait3A_254 : memref<128x128xf32, #tpu.memory_space<vmem_shared>>) dst(%arg16 : memref<128x128xf32, #tpu.memory_space<vmem>>)
      %scan3A_255 = arith.constant 0 : i32
      %scan3A_256 = arith.constant 0 : i32
      %scan3A_257 = arith.constant 8 : i32
      %scan3A_258 = arith.addi %scan3A_256, %scan3A_257 : i32
      %scan3A_259 = arith.constant 1 : i32
      %scan3A_260 = scf.for %scan3A_304 = %scan3A_256 to %scan3A_258 step %scan3A_259 iter_args(%scan3A_305 = %scan3A_255) -> (i32)  : i32 {
        %mul3A_306 = arith.constant 16 : i32
        %mul3A_307 = arith.muli %scan3A_304, %mul3A_306 : i32
        %add3A_308 = arith.constant 0 : i32
        %add3A_309 = arith.addi %add3A_308, %mul3A_307 : i32
        %get3A = arith.index_cast %add3A_309 : i32 to index
        %get3A_310 = tpu.vector_load %arg11[%get3A] {strides = array<i32>} : memref<256xf32, #tpu.memory_space<vmem>>, vector<16xf32>,
        %slice3A = vector.extract_strided_slice %get3A_310 {offsets = [0], sizes = [1], strides = [1]} : vector<16xf32> to vector<1xf32>
        %squeeze3A = vector.extract %slice3A[0] : f32 from vector<1xf32>
        %mul3A_311 = arith.constant 16 : i32
        %mul3A_312 = arith.muli %scan3A_304, %mul3A_311 : i32
        %add3A_313 = arith.constant 0 : i32
        %add3A_314 = arith.addi %mul3A_312, %add3A_313 : i32
        %get3A_315 = arith.index_cast %add3A_314 : i32 to index
        %get3A_316 = arith.constant 0 : index
        %get3A_317 = tpu.vector_load %arg16[%get3A_315, %get3A_316] {strides = array<i32>} : memref<128x128xf32, #tpu.memory_space<vmem>>, vector<16xf32>,
        %mul3A_318 = vector.broadcast %squeeze3A : f32 to vector<16xf32>
        %mul3A_319 = arith.mulf %get3A_317, %mul3A_318 : vector<16xf32>
        %swap3A = arith.index_cast %add3A_314 : i32 to index
        %swap3A_320 = arith.constant 0 : index
        %swap3A_321 = tpu.vector_load %arg16[%swap3A, %swap3A_320] {strides = array<i32>} : memref<128x128xf32, #tpu.memory_space<vmem>>, vector<16xf32>,
        tpu.vector_store %arg16[%swap3A, %swap3A_320], %mul3A_319 {strides = array<i32>} : memref<128x128xf32, #tpu.memory_space<vmem>>, vector<16xf32>,
        %get3A_322 = arith.index_cast %add3A_314 : i32 to index
        %get3A_323 = arith.constant 16 : index
        %get3A_324 = tpu.vector_load %arg16[%get3A_322, %get3A_323] {strides = array<i32>} : memref<128x128xf32, #tpu.memory_space<vmem>>, vector<16xf32>,
        %mul3A_325 = vector.broadcast %squeeze3A : f32 to vector<16xf32>
        %mul3A_326 = arith.mulf %get3A_324, %mul3A_325 : vector<16xf32>
        %swap3A_327 = arith.index_cast %add3A_314 : i32 to index
        %swap3A_328 = arith.constant 16 : index
        %swap3A_329 = tpu.vector_load %arg16[%swap3A_327, %swap3A_328] {strides = array<i32>} : memref<128x128xf32, #tpu.memory_space<vmem>>, vector<16xf32>,
        tpu.vector_store %arg16[%swap3A_327, %swap3A_328], %mul3A_326 {strides = array<i32>} : memref<128x128xf32, #tpu.memory_space<vmem>>, vector<16xf32>,
        %get3A_330 = arith.index_cast %add3A_314 : i32 to index
        %get3A_331 = arith.constant 32 : index
        %get3A_332 = tpu.vector_load %arg16[%get3A_330, %get3A_331] {strides = array<i32>} : memref<128x128xf32, #tpu.memory_space<vmem>>, vector<16xf32>,
        %mul3A_333 = vector.broadcast %squeeze3A : f32 to vector<16xf32>
        %mul3A_334 = arith.mulf %get3A_332, %mul3A_333 : vector<16xf32>
        %swap3A_335 = arith.index_cast %add3A_314 : i32 to index
        %swap3A_336 = arith.constant 32 : index
        %swap3A_337 = tpu.vector_load %arg16[%swap3A_335, %swap3A_336] {strides = array<i32>} : memref<128x128xf32, #tpu.memory_space<vmem>>, vector<16xf32>,
        tpu.vector_store %arg16[%swap3A_335, %swap3A_336], %mul3A_334 {strides = array<i32>} : memref<128x128xf32, #tpu.memory_space<vmem>>, vector<16xf32>,
        %get3A_338 = arith.index_cast %add3A_314 : i32 to index
        %get3A_339 = arith.constant 48 : index
        %get3A_340 = tpu.vector_load %arg16[%get3A_338, %get3A_339] {strides = array<i32>} : memref<128x128xf32, #tpu.memory_space<vmem>>, vector<16xf32>,
        %mul3A_341 = vector.broadcast %squeeze3A : f32 to vector<16xf32>
        %mul3A_342 = arith.mulf %get3A_340, %mul3A_341 : vector<16xf32>
        %swap3A_343 = arith.index_cast %add3A_314 : i32 to index
        %swap3A_344 = arith.constant 48 : index
        %swap3A_345 = tpu.vector_load %arg16[%swap3A_343, %swap3A_344] {strides = array<i32>} : memref<128x128xf32, #tpu.memory_space<vmem>>, vector<16xf32>,
        tpu.vector_store %arg16[%swap3A_343, %swap3A_344], %mul3A_342 {strides = array<i32>} : memref<128x128xf32, #tpu.memory_space<vmem>>, vector<16xf32>,
        %get3A_346 = arith.index_cast %add3A_314 : i32 to index
        %get3A_347 = arith.constant 64 : index
        %get3A_348 = tpu.vector_load %arg16[%get3A_346, %get3A_347] {strides = array<i32>} : memref<128x128xf32, #tpu.memory_space<vmem>>, vector<16xf32>,
        %mul3A_349 = vector.broadcast %squeeze3A : f32 to vector<16xf32>
        %mul3A_350 = arith.mulf %get3A_348, %mul3A_349 : vector<16xf32>
        %swap3A_351 = arith.index_cast %add3A_314 : i32 to index
        %swap3A_352 = arith.constant 64 : index
        %swap3A_353 = tpu.vector_load %arg16[%swap3A_351, %swap3A_352] {strides = array<i32>} : memref<128x128xf32, #tpu.memory_space<vmem>>, vector<16xf32>,
        tpu.vector_store %arg16[%swap3A_351, %swap3A_352], %mul3A_350 {strides = array<i32>} : memref<128x128xf32, #tpu.memory_space<vmem>>, vector<16xf32>,
        %get3A_354 = arith.index_cast %add3A_314 : i32 to index
        %get3A_355 = arith.constant 80 : index
        %get3A_356 = tpu.vector_load %arg16[%get3A_354, %get3A_355] {strides = array<i32>} : memref<128x128xf32, #tpu.memory_space<vmem>>, vector<16xf32>,
        %mul3A_357 = vector.broadcast %squeeze3A : f32 to vector<16xf32>
        %mul3A_358 = arith.mulf %get3A_356, %mul3A_357 : vector<16xf32>
        %swap3A_359 = arith.index_cast %add3A_314 : i32 to index
        %swap3A_360 = arith.constant 80 : index
        %swap3A_361 = tpu.vector_load %arg16[%swap3A_359, %swap3A_360] {strides = array<i32>} : memref<128x128xf32, #tpu.memory_space<vmem>>, vector<16xf32>,
        tpu.vector_store %arg16[%swap3A_359, %swap3A_360], %mul3A_358 {strides = array<i32>} : memref<128x128xf32, #tpu.memory_space<vmem>>, vector<16xf32>,
        %get3A_362 = arith.index_cast %add3A_314 : i32 to index
        %get3A_363 = arith.constant 96 : index
        %get3A_364 = tpu.vector_load %arg16[%get3A_362, %get3A_363] {strides = array<i32>} : memref<128x128xf32, #tpu.memory_space<vmem>>, vector<16xf32>,
        %mul3A_365 = vector.broadcast %squeeze3A : f32 to vector<16xf32>
        %mul3A_366 = arith.mulf %get3A_364, %mul3A_365 : vector<16xf32>
        %swap3A_367 = arith.index_cast %add3A_314 : i32 to index
        %swap3A_368 = arith.constant 96 : index
        %swap3A_369 = tpu.vector_load %arg16[%swap3A_367, %swap3A_368] {strides = array<i32>} : memref<128x128xf32, #tpu.memory_space<vmem>>, vector<16xf32>,
        tpu.vector_store %arg16[%swap3A_367, %swap3A_368], %mul3A_366 {strides = array<i32>} : memref<128x128xf32, #tpu.memory_space<vmem>>, vector<16xf32>,
        %get3A_370 = arith.index_cast %add3A_314 : i32 to index
        %get3A_371 = arith.constant 112 : index
        %get3A_372 = tpu.vector_load %arg16[%get3A_370, %get3A_371] {strides = array<i32>} : memref<128x128xf32, #tpu.memory_space<vmem>>, vector<16xf32>,
        %mul3A_373 = vector.broadcast %squeeze3A : f32 to vector<16xf32>
        %mul3A_374 = arith.mulf %get3A_372, %mul3A_373 : vector<16xf32>
        %swap3A_375 = arith.index_cast %add3A_314 : i32 to index
        %swap3A_376 = arith.constant 112 : index
        %swap3A_377 = tpu.vector_load %arg16[%swap3A_375, %swap3A_376] {strides = array<i32>} : memref<128x128xf32, #tpu.memory_space<vmem>>, vector<16xf32>,
        tpu.vector_store %arg16[%swap3A_375, %swap3A_376], %mul3A_374 {strides = array<i32>} : memref<128x128xf32, #tpu.memory_space<vmem>>, vector<16xf32>,
        %slice3A_378 = vector.extract_strided_slice %get3A_310 {offsets = [1], sizes = [1], strides = [1]} : vector<16xf32> to vector<1xf32>
        %squeeze3A_379 = vector.extract %slice3A_378[0] : f32 from vector<1xf32>
        %mul3A_380 = arith.constant 16 : i32
        %mul3A_381 = arith.muli %scan3A_304, %mul3A_380 : i32
        %add3A_382 = arith.constant 1 : i32
        %add3A_383 = arith.addi %mul3A_381, %add3A_382 : i32
        %get3A_384 = arith.index_cast %add3A_383 : i32 to index
        %get3A_385 = arith.constant 0 : index
        %get3A_386 = tpu.vector_load %arg16[%get3A_384, %get3A_385] {strides = array<i32>} : memref<128x128xf32, #tpu.memory_space<vmem>>, vector<16xf32>,
        %mul3A_387 = vector.broadcast %squeeze3A_379 : f32 to vector<16xf32>
        %mul3A_388 = arith.mulf %get3A_386, %mul3A_387 : vector<16xf32>
        %swap3A_389 = arith.index_cast %add3A_383 : i32 to index
        %swap3A_390 = arith.constant 0 : index
        %swap3A_391 = tpu.vector_load %arg16[%swap3A_389, %swap3A_390] {strides = array<i32>} : memref<128x128xf32, #tpu.memory_space<vmem>>, vector<16xf32>,
        tpu.vector_store %arg16[%swap3A_389, %swap3A_390], %mul3A_388 {strides = array<i32>} : memref<128x128xf32, #tpu.memory_space<vmem>>, vector<16xf32>,
        %get3A_392 = arith.index_cast %add3A_383 : i32 to index
        %get3A_393 = arith.constant 16 : index
        %get3A_394 = tpu.vector_load %arg16[%get3A_392, %get3A_393] {strides = array<i32>} : memref<128x128xf32, #tpu.memory_space<vmem>>, vector<16xf32>,
        %mul3A_395 = vector.broadcast %squeeze3A_379 : f32 to vector<16xf32>
        %mul3A_396 = arith.mulf %get3A_394, %mul3A_395 : vector<16xf32>
        %swap3A_397 = arith.index_cast %add3A_383 : i32 to index
        %swap3A_398 = arith.constant 16 : index
        %swap3A_399 = tpu.vector_load %arg16[%swap3A_397, %swap3A_398] {strides = array<i32>} : memref<128x128xf32, #tpu.memory_space<vmem>>, vector<16xf32>,
        tpu.vector_store %arg16[%swap3A_397, %swap3A_398], %mul3A_396 {strides = array<i32>} : memref<128x128xf32, #tpu.memory_space<vmem>>, vector<16xf32>,
        %get3A_400 = arith.index_cast %add3A_383 : i32 to index
        %get3A_401 = arith.constant 32 : index
        %get3A_402 = tpu.vector_load %arg16[%get3A_400, %get3A_401] {strides = array<i32>} : memref<128x128xf32, #tpu.memory_space<vmem>>, vector<16xf32>,
        %mul3A_403 = vector.broadcast %squeeze3A_379 : f32 to vector<16xf32>
        %mul3A_404 = arith.mulf %get3A_402, %mul3A_403 : vector<16xf32>
        %swap3A_405 = arith.index_cast %add3A_383 : i32 to index
        %swap3A_406 = arith.constant 32 : index
        %swap3A_407 = tpu.vector_load %arg16[%swap3A_405, %swap3A_406] {strides = array<i32>} : memref<128x128xf32, #tpu.memory_space<vmem>>, vector<16xf32>,
        tpu.vector_store %arg16[%swap3A_405, %swap3A_406], %mul3A_404 {strides = array<i32>} : memref<128x128xf32, #tpu.memory_space<vmem>>, vector<16xf32>,
        %get3A_408 = arith.index_cast %add3A_383 : i32 to index
        %get3A_409 = arith.constant 48 : index
        %get3A_410 = tpu.vector_load %arg16[%get3A_408, %get3A_409] {strides = array<i32>} : memref<128x128xf32, #tpu.memory_space<vmem>>, vector<16xf32>,
        %mul3A_411 = vector.broadcast %squeeze3A_379 : f32 to vector<16xf32>
        %mul3A_412 = arith.mulf %get3A_410, %mul3A_411 : vector<16xf32>
        %swap3A_413 = arith.index_cast %add3A_383 : i32 to index
        %swap3A_414 = arith.constant 48 : index
        %swap3A_415 = tpu.vector_load %arg16[%swap3A_413, %swap3A_414] {strides = array<i32>} : memref<128x128xf32, #tpu.memory_space<vmem>>, vector<16xf32>,
        tpu.vector_store %arg16[%swap3A_413, %swap3A_414], %mul3A_412 {strides = array<i32>} : memref<128x128xf32, #tpu.memory_space<vmem>>, vector<16xf32>,
        %get3A_416 = arith.index_cast %add3A_383 : i32 to index
        %get3A_417 = arith.constant 64 : index
        %get3A_418 = tpu.vector_load %arg16[%get3A_416, %get3A_417] {strides = array<i32>} : memref<128x128xf32, #tpu.memory_space<vmem>>, vector<16xf32>,
        %mul3A_419 = vector.broadcast %squeeze3A_379 : f32 to vector<16xf32>
        %mul3A_420 = arith.mulf %get3A_418, %mul3A_419 : vector<16xf32>
        %swap3A_421 = arith.index_cast %add3A_383 : i32 to index
        %swap3A_422 = arith.constant 64 : index
        %swap3A_423 = tpu.vector_load %arg16[%swap3A_421, %swap3A_422] {strides = array<i32>} : memref<128x128xf32, #tpu.memory_space<vmem>>, vector<16xf32>,
        tpu.vector_store %arg16[%swap3A_421, %swap3A_422], %mul3A_420 {strides = array<i32>} : memref<128x128xf32, #tpu.memory_space<vmem>>, vector<16xf32>,
        %get3A_424 = arith.index_cast %add3A_383 : i32 to index
        %get3A_425 = arith.constant 80 : index
        %get3A_426 = tpu.vector_load %arg16[%get3A_424, %get3A_425] {strides = array<i32>} : memref<128x128xf32, #tpu.memory_space<vmem>>, vector<16xf32>,
        %mul3A_427 = vector.broadcast %squeeze3A_379 : f32 to vector<16xf32>
        %mul3A_428 = arith.mulf %get3A_426, %mul3A_427 : vector<16xf32>
        %swap3A_429 = arith.index_cast %add3A_383 : i32 to index
        %swap3A_430 = arith.constant 80 : index
        %swap3A_431 = tpu.vector_load %arg16[%swap3A_429, %swap3A_430] {strides = array<i32>} : memref<128x128xf32, #tpu.memory_space<vmem>>, vector<16xf32>,
        tpu.vector_store %arg16[%swap3A_429, %swap3A_430], %mul3A_428 {strides = array<i32>} : memref<128x128xf32, #tpu.memory_space<vmem>>, vector<16xf32>,
        %get3A_432 = arith.index_cast %add3A_383 : i32 to index
        %get3A_433 = arith.constant 96 : index
        %get3A_434 = tpu.vector_load %arg16[%get3A_432, %get3A_433] {strides = array<i32>} : memref<128x128xf32, #tpu.memory_space<vmem>>, vector<16xf32>,
        %mul3A_435 = vector.broadcast %squeeze3A_379 : f32 to vector<16xf32>
        %mul3A_436 = arith.mulf %get3A_434, %mul3A_435 : vector<16xf32>
        %swap3A_437 = arith.index_cast %add3A_383 : i32 to index
        %swap3A_438 = arith.constant 96 : index
        %swap3A_439 = tpu.vector_load %arg16[%swap3A_437, %swap3A_438] {strides = array<i32>} : memref<128x128xf32, #tpu.memory_space<vmem>>, vector<16xf32>,
        tpu.vector_store %arg16[%swap3A_437, %swap3A_438], %mul3A_436 {strides = array<i32>} : memref<128x128xf32, #tpu.memory_space<vmem>>, vector<16xf32>,
        %get3A_440 = arith.index_cast %add3A_383 : i32 to index
        %get3A_441 = arith.constant 112 : index
        %get3A_442 = tpu.vector_load %arg16[%get3A_440, %get3A_441] {strides = array<i32>} : memref<128x128xf32, #tpu.memory_space<vmem>>, vector<16xf32>,
        %mul3A_443 = vector.broadcast %squeeze3A_379 : f32 to vector<16xf32>
        %mul3A_444 = arith.mulf %get3A_442, %mul3A_443 : vector<16xf32>
        %swap3A_445 = arith.index_cast %add3A_383 : i32 to index
        %swap3A_446 = arith.constant 112 : index
        %swap3A_447 = tpu.vector_load %arg16[%swap3A_445, %swap3A_446] {strides = array<i32>} : memref<128x128xf32, #tpu.memory_space<vmem>>, vector<16xf32>,
        tpu.vector_store %arg16[%swap3A_445, %swap3A_446], %mul3A_444 {strides = array<i32>} : memref<128x128xf32, #tpu.memory_space<vmem>>, vector<16xf32>,
        %slice3A_448 = vector.extract_strided_slice %get3A_310 {offsets = [2], sizes = [1], strides = [1]} : vector<16xf32> to vector<1xf32>
        %squeeze3A_449 = vector.extract %slice3A_448[0] : f32 from vector<1xf32>
        %mul3A_450 = arith.constant 16 : i32
        %mul3A_451 = arith.muli %scan3A_304, %mul3A_450 : i32
        %add3A_452 = arith.constant 2 : i32
        %add3A_453 = arith.addi %mul3A_451, %add3A_452 : i32
        %get3A_454 = arith.index_cast %add3A_453 : i32 to index
        %get3A_455 = arith.constant 0 : index
        %get3A_456 = tpu.vector_load %arg16[%get3A_454, %get3A_455] {strides = array<i32>} : memref<128x128xf32, #tpu.memory_space<vmem>>, vector<16xf32>,
        %mul3A_457 = vector.broadcast %squeeze3A_449 : f32 to vector<16xf32>
        %mul3A_458 = arith.mulf %get3A_456, %mul3A_457 : vector<16xf32>
        %swap3A_459 = arith.index_cast %add3A_453 : i32 to index
        %swap3A_460 = arith.constant 0 : index
        %swap3A_461 = tpu.vector_load %arg16[%swap3A_459, %swap3A_460] {strides = array<i32>} : memref<128x128xf32, #tpu.memory_space<vmem>>, vector<16xf32>,
        tpu.vector_store %arg16[%swap3A_459, %swap3A_460], %mul3A_458 {strides = array<i32>} : memref<128x128xf32, #tpu.memory_space<vmem>>, vector<16xf32>,
        %get3A_462 = arith.index_cast %add3A_453 : i32 to index
        %get3A_463 = arith.constant 16 : index
        %get3A_464 = tpu.vector_load %arg16[%get3A_462, %get3A_463] {strides = array<i32>} : memref<128x128xf32, #tpu.memory_space<vmem>>, vector<16xf32>,
        %mul3A_465 = vector.broadcast %squeeze3A_449 : f32 to vector<16xf32>
        %mul3A_466 = arith.mulf %get3A_464, %mul3A_465 : vector<16xf32>
        %swap3A_467 = arith.index_cast %add3A_453 : i32 to index
        %swap3A_468 = arith.constant 16 : index
        %swap3A_469 = tpu.vector_load %arg16[%swap3A_467, %swap3A_468] {strides = array<i32>} : memref<128x128xf32, #tpu.memory_space<vmem>>, vector<16xf32>,
        tpu.vector_store %arg16[%swap3A_467, %swap3A_468], %mul3A_466 {strides = array<i32>} : memref<128x128xf32, #tpu.memory_space<vmem>>, vector<16xf32>,
        %get3A_470 = arith.index_cast %add3A_453 : i32 to index
        %get3A_471 = arith.constant 32 : index
        %get3A_472 = tpu.vector_load %arg16[%get3A_470, %get3A_471] {strides = array<i32>} : memref<128x128xf32, #tpu.memory_space<vmem>>, vector<16xf32>,
        %mul3A_473 = vector.broadcast %squeeze3A_449 : f32 to vector<16xf32>
        %mul3A_474 = arith.mulf %get3A_472, %mul3A_473 : vector<16xf32>
        %swap3A_475 = arith.index_cast %add3A_453 : i32 to index
        %swap3A_476 = arith.constant 32 : index
        %swap3A_477 = tpu.vector_load %arg16[%swap3A_475, %swap3A_476] {strides = array<i32>} : memref<128x128xf32, #tpu.memory_space<vmem>>, vector<16xf32>,
        tpu.vector_store %arg16[%swap3A_475, %swap3A_476], %mul3A_474 {strides = array<i32>} : memref<128x128xf32, #tpu.memory_space<vmem>>, vector<16xf32>,
        %get3A_478 = arith.index_cast %add3A_453 : i32 to index
        %get3A_479 = arith.constant 48 : index
        %get3A_480 = tpu.vector_load %arg16[%get3A_478, %get3A_479] {strides = array<i32>} : memref<128x128xf32, #tpu.memory_space<vmem>>, vector<16xf32>,
        %mul3A_481 = vector.broadcast %squeeze3A_449 : f32 to vector<16xf32>
        %mul3A_482 = arith.mulf %get3A_480, %mul3A_481 : vector<16xf32>
        %swap3A_483 = arith.index_cast %add3A_453 : i32 to index
        %swap3A_484 = arith.constant 48 : index
        %swap3A_485 = tpu.vector_load %arg16[%swap3A_483, %swap3A_484] {strides = array<i32>} : memref<128x128xf32, #tpu.memory_space<vmem>>, vector<16xf32>,
        tpu.vector_store %arg16[%swap3A_483, %swap3A_484], %mul3A_482 {strides = array<i32>} : memref<128x128xf32, #tpu.memory_space<vmem>>, vector<16xf32>,
        %get3A_486 = arith.index_cast %add3A_453 : i32 to index
        %get3A_487 = arith.constant 64 : index
        %get3A_488 = tpu.vector_load %arg16[%get3A_486, %get3A_487] {strides = array<i32>} : memref<128x128xf32, #tpu.memory_space<vmem>>, vector<16xf32>,
        %mul3A_489 = vector.broadcast %squeeze3A_449 : f32 to vector<16xf32>
        %mul3A_490 = arith.mulf %get3A_488, %mul3A_489 : vector<16xf32>
        %swap3A_491 = arith.index_cast %add3A_453 : i32 to index
        %swap3A_492 = arith.constant 64 : index
        %swap3A_493 = tpu.vector_load %arg16[%swap3A_491, %swap3A_492] {strides = array<i32>} : memref<128x128xf32, #tpu.memory_space<vmem>>, vector<16xf32>,
        tpu.vector_store %arg16[%swap3A_491, %swap3A_492], %mul3A_490 {strides = array<i32>} : memref<128x128xf32, #tpu.memory_space<vmem>>, vector<16xf32>,
        %get3A_494 = arith.index_cast %add3A_453 : i32 to index
        %get3A_495 = arith.constant 80 : index
        %get3A_496 = tpu.vector_load %arg16[%get3A_494, %get3A_495] {strides = array<i32>} : memref<128x128xf32, #tpu.memory_space<vmem>>, vector<16xf32>,
        %mul3A_497 = vector.broadcast %squeeze3A_449 : f32 to vector<16xf32>
        %mul3A_498 = arith.mulf %get3A_496, %mul3A_497 : vector<16xf32>
        %swap3A_499 = arith.index_cast %add3A_453 : i32 to index
        %swap3A_500 = arith.constant 80 : index
        %swap3A_501 = tpu.vector_load %arg16[%swap3A_499, %swap3A_500] {strides = array<i32>} : memref<128x128xf32, #tpu.memory_space<vmem>>, vector<16xf32>,
        tpu.vector_store %arg16[%swap3A_499, %swap3A_500], %mul3A_498 {strides = array<i32>} : memref<128x128xf32, #tpu.memory_space<vmem>>, vector<16xf32>,
        %get3A_502 = arith.index_cast %add3A_453 : i32 to index
        %get3A_503 = arith.constant 96 : index
        %get3A_504 = tpu.vector_load %arg16[%get3A_502, %get3A_503] {strides = array<i32>} : memref<128x128xf32, #tpu.memory_space<vmem>>, vector<16xf32>,
        %mul3A_505 = vector.broadcast %squeeze3A_449 : f32 to vector<16xf32>
        %mul3A_506 = arith.mulf %get3A_504, %mul3A_505 : vector<16xf32>
        %swap3A_507 = arith.index_cast %add3A_453 : i32 to index
        %swap3A_508 = arith.constant 96 : index
        %swap3A_509 = tpu.vector_load %arg16[%swap3A_507, %swap3A_508] {strides = array<i32>} : memref<128x128xf32, #tpu.memory_space<vmem>>, vector<16xf32>,
        tpu.vector_store %arg16[%swap3A_507, %swap3A_508], %mul3A_506 {strides = array<i32>} : memref<128x128xf32, #tpu.memory_space<vmem>>, vector<16xf32>,
        %get3A_510 = arith.index_cast %add3A_453 : i32 to index
        %get3A_511 = arith.constant 112 : index
        %get3A_512 = tpu.vector_load %arg16[%get3A_510, %get3A_511] {strides = array<i32>} : memref<128x128xf32, #tpu.memory_space<vmem>>, vector<16xf32>,
        %mul3A_513 = vector.broadcast %squeeze3A_449 : f32 to vector<16xf32>
        %mul3A_514 = arith.mulf %get3A_512, %mul3A_513 : vector<16xf32>
        %swap3A_515 = arith.index_cast %add3A_453 : i32 to index
        %swap3A_516 = arith.constant 112 : index
        %swap3A_517 = tpu.vector_load %arg16[%swap3A_515, %swap3A_516] {strides = array<i32>} : memref<128x128xf32, #tpu.memory_space<vmem>>, vector<16xf32>,
        tpu.vector_store %arg16[%swap3A_515, %swap3A_516], %mul3A_514 {strides = array<i32>} : memref<128x128xf32, #tpu.memory_space<vmem>>, vector<16xf32>,
        %slice3A_518 = vector.extract_strided_slice %get3A_310 {offsets = [3], sizes = [1], strides = [1]} : vector<16xf32> to vector<1xf32>
        %squeeze3A_519 = vector.extract %slice3A_518[0] : f32 from vector<1xf32>
        %mul3A_520 = arith.constant 16 : i32
        %mul3A_521 = arith.muli %scan3A_304, %mul3A_520 : i32
        %add3A_522 = arith.constant 3 : i32
        %add3A_523 = arith.addi %mul3A_521, %add3A_522 : i32
        %get3A_524 = arith.index_cast %add3A_523 : i32 to index
        %get3A_525 = arith.constant 0 : index
        %get3A_526 = tpu.vector_load %arg16[%get3A_524, %get3A_525] {strides = array<i32>} : memref<128x128xf32, #tpu.memory_space<vmem>>, vector<16xf32>,
        %mul3A_527 = vector.broadcast %squeeze3A_519 : f32 to vector<16xf32>
        %mul3A_528 = arith.mulf %get3A_526, %mul3A_527 : vector<16xf32>
        %swap3A_529 = arith.index_cast %add3A_523 : i32 to index
        %swap3A_530 = arith.constant 0 : index
        %swap3A_531 = tpu.vector_load %arg16[%swap3A_529, %swap3A_530] {strides = array<i32>} : memref<128x128xf32, #tpu.memory_space<vmem>>, vector<16xf32>,
        tpu.vector_store %arg16[%swap3A_529, %swap3A_530], %mul3A_528 {strides = array<i32>} : memref<128x128xf32, #tpu.memory_space<vmem>>, vector<16xf32>,
        %get3A_532 = arith.index_cast %add3A_523 : i32 to index
        %get3A_533 = arith.constant 16 : index
        %get3A_534 = tpu.vector_load %arg16[%get3A_532, %get3A_533] {strides = array<i32>} : memref<128x128xf32, #tpu.memory_space<vmem>>, vector<16xf32>,
        %mul3A_535 = vector.broadcast %squeeze3A_519 : f32 to vector<16xf32>
        %mul3A_536 = arith.mulf %get3A_534, %mul3A_535 : vector<16xf32>
        %swap3A_537 = arith.index_cast %add3A_523 : i32 to index
        %swap3A_538 = arith.constant 16 : index
        %swap3A_539 = tpu.vector_load %arg16[%swap3A_537, %swap3A_538] {strides = array<i32>} : memref<128x128xf32, #tpu.memory_space<vmem>>, vector<16xf32>,
        tpu.vector_store %arg16[%swap3A_537, %swap3A_538], %mul3A_536 {strides = array<i32>} : memref<128x128xf32, #tpu.memory_space<vmem>>, vector<16xf32>,
        %get3A_540 = arith.index_cast %add3A_523 : i32 to index
        %get3A_541 = arith.constant 32 : index
        %get3A_542 = tpu.vector_load %arg16[%get3A_540, %get3A_541] {strides = array<i32>} : memref<128x128xf32, #tpu.memory_space<vmem>>, vector<16xf32>,
        %mul3A_543 = vector.broadcast %squeeze3A_519 : f32 to vector<16xf32>
        %mul3A_544 = arith.mulf %get3A_542, %mul3A_543 : vector<16xf32>
        %swap3A_545 = arith.index_cast %add3A_523 : i32 to index
        %swap3A_546 = arith.constant 32 : index
        %swap3A_547 = tpu.vector_load %arg16[%swap3A_545, %swap3A_546] {strides = array<i32>} : memref<128x128xf32, #tpu.memory_space<vmem>>, vector<16xf32>,
        tpu.vector_store %arg16[%swap3A_545, %swap3A_546], %mul3A_544 {strides = array<i32>} : memref<128x128xf32, #tpu.memory_space<vmem>>, vector<16xf32>,
        %get3A_548 = arith.index_cast %add3A_523 : i32 to index
        %get3A_549 = arith.constant 48 : index
        %get3A_550 = tpu.vector_load %arg16[%get3A_548, %get3A_549] {strides = array<i32>} : memref<128x128xf32, #tpu.memory_space<vmem>>, vector<16xf32>,
        %mul3A_551 = vector.broadcast %squeeze3A_519 : f32 to vector<16xf32>
        %mul3A_552 = arith.mulf %get3A_550, %mul3A_551 : vector<16xf32>
        %swap3A_553 = arith.index_cast %add3A_523 : i32 to index
        %swap3A_554 = arith.constant 48 : index
        %swap3A_555 = tpu.vector_load %arg16[%swap3A_553, %swap3A_554] {strides = array<i32>} : memref<128x128xf32, #tpu.memory_space<vmem>>, vector<16xf32>,
        tpu.vector_store %arg16[%swap3A_553, %swap3A_554], %mul3A_552 {strides = array<i32>} : memref<128x128xf32, #tpu.memory_space<vmem>>, vector<16xf32>,
        %get3A_556 = arith.index_cast %add3A_523 : i32 to index
        %get3A_557 = arith.constant 64 : index
        %get3A_558 = tpu.vector_load %arg16[%get3A_556, %get3A_557] {strides = array<i32>} : memref<128x128xf32, #tpu.memory_space<vmem>>, vector<16xf32>,
        %mul3A_559 = vector.broadcast %squeeze3A_519 : f32 to vector<16xf32>
        %mul3A_560 = arith.mulf %get3A_558, %mul3A_559 : vector<16xf32>
        %swap3A_561 = arith.index_cast %add3A_523 : i32 to index
        %swap3A_562 = arith.constant 64 : index
        %swap3A_563 = tpu.vector_load %arg16[%swap3A_561, %swap3A_562] {strides = array<i32>} : memref<128x128xf32, #tpu.memory_space<vmem>>, vector<16xf32>,
        tpu.vector_store %arg16[%swap3A_561, %swap3A_562], %mul3A_560 {strides = array<i32>} : memref<128x128xf32, #tpu.memory_space<vmem>>, vector<16xf32>,
        %get3A_564 = arith.index_cast %add3A_523 : i32 to index
        %get3A_565 = arith.constant 80 : index
        %get3A_566 = tpu.vector_load %arg16[%get3A_564, %get3A_565] {strides = array<i32>} : memref<128x128xf32, #tpu.memory_space<vmem>>, vector<16xf32>,
        %mul3A_567 = vector.broadcast %squeeze3A_519 : f32 to vector<16xf32>
        %mul3A_568 = arith.mulf %get3A_566, %mul3A_567 : vector<16xf32>
        %swap3A_569 = arith.index_cast %add3A_523 : i32 to index
        %swap3A_570 = arith.constant 80 : index
        %swap3A_571 = tpu.vector_load %arg16[%swap3A_569, %swap3A_570] {strides = array<i32>} : memref<128x128xf32, #tpu.memory_space<vmem>>, vector<16xf32>,
        tpu.vector_store %arg16[%swap3A_569, %swap3A_570], %mul3A_568 {strides = array<i32>} : memref<128x128xf32, #tpu.memory_space<vmem>>, vector<16xf32>,
        %get3A_572 = arith.index_cast %add3A_523 : i32 to index
        %get3A_573 = arith.constant 96 : index
        %get3A_574 = tpu.vector_load %arg16[%get3A_572, %get3A_573] {strides = array<i32>} : memref<128x128xf32, #tpu.memory_space<vmem>>, vector<16xf32>,
        %mul3A_575 = vector.broadcast %squeeze3A_519 : f32 to vector<16xf32>
        %mul3A_576 = arith.mulf %get3A_574, %mul3A_575 : vector<16xf32>
        %swap3A_577 = arith.index_cast %add3A_523 : i32 to index
        %swap3A_578 = arith.constant 96 : index
        %swap3A_579 = tpu.vector_load %arg16[%swap3A_577, %swap3A_578] {strides = array<i32>} : memref<128x128xf32, #tpu.memory_space<vmem>>, vector<16xf32>,
        tpu.vector_store %arg16[%swap3A_577, %swap3A_578], %mul3A_576 {strides = array<i32>} : memref<128x128xf32, #tpu.memory_space<vmem>>, vector<16xf32>,
        %get3A_580 = arith.index_cast %add3A_523 : i32 to index
        %get3A_581 = arith.constant 112 : index
        %get3A_582 = tpu.vector_load %arg16[%get3A_580, %get3A_581] {strides = array<i32>} : memref<128x128xf32, #tpu.memory_space<vmem>>, vector<16xf32>,
        %mul3A_583 = vector.broadcast %squeeze3A_519 : f32 to vector<16xf32>
        %mul3A_584 = arith.mulf %get3A_582, %mul3A_583 : vector<16xf32>
        %swap3A_585 = arith.index_cast %add3A_523 : i32 to index
        %swap3A_586 = arith.constant 112 : index
        %swap3A_587 = tpu.vector_load %arg16[%swap3A_585, %swap3A_586] {strides = array<i32>} : memref<128x128xf32, #tpu.memory_space<vmem>>, vector<16xf32>,
        tpu.vector_store %arg16[%swap3A_585, %swap3A_586], %mul3A_584 {strides = array<i32>} : memref<128x128xf32, #tpu.memory_space<vmem>>, vector<16xf32>,
        %slice3A_588 = vector.extract_strided_slice %get3A_310 {offsets = [4], sizes = [1], strides = [1]} : vector<16xf32> to vector<1xf32>
        %squeeze3A_589 = vector.extract %slice3A_588[0] : f32 from vector<1xf32>
        %mul3A_590 = arith.constant 16 : i32
        %mul3A_591 = arith.muli %scan3A_304, %mul3A_590 : i32
        %add3A_592 = arith.constant 4 : i32
        %add3A_593 = arith.addi %mul3A_591, %add3A_592 : i32
        %get3A_594 = arith.index_cast %add3A_593 : i32 to index
        %get3A_595 = arith.constant 0 : index
        %get3A_596 = tpu.vector_load %arg16[%get3A_594, %get3A_595] {strides = array<i32>} : memref<128x128xf32, #tpu.memory_space<vmem>>, vector<16xf32>,
        %mul3A_597 = vector.broadcast %squeeze3A_589 : f32 to vector<16xf32>
        %mul3A_598 = arith.mulf %get3A_596, %mul3A_597 : vector<16xf32>
        %swap3A_599 = arith.index_cast %add3A_593 : i32 to index
        %swap3A_600 = arith.constant 0 : index
        %swap3A_601 = tpu.vector_load %arg16[%swap3A_599, %swap3A_600] {strides = array<i32>} : memref<128x128xf32, #tpu.memory_space<vmem>>, vector<16xf32>,
        tpu.vector_store %arg16[%swap3A_599, %swap3A_600], %mul3A_598 {strides = array<i32>} : memref<128x128xf32, #tpu.memory_space<vmem>>, vector<16xf32>,
        %get3A_602 = arith.index_cast %add3A_593 : i32 to index
        %get3A_603 = arith.constant 16 : index
        %get3A_604 = tpu.vector_load %arg16[%get3A_602, %get3A_603] {strides = array<i32>} : memref<128x128xf32, #tpu.memory_space<vmem>>, vector<16xf32>,
        %mul3A_605 = vector.broadcast %squeeze3A_589 : f32 to vector<16xf32>
        %mul3A_606 = arith.mulf %get3A_604, %mul3A_605 : vector<16xf32>
        %swap3A_607 = arith.index_cast %add3A_593 : i32 to index
        %swap3A_608 = arith.constant 16 : index
        %swap3A_609 = tpu.vector_load %arg16[%swap3A_607, %swap3A_608] {strides = array<i32>} : memref<128x128xf32, #tpu.memory_space<vmem>>, vector<16xf32>,
        tpu.vector_store %arg16[%swap3A_607, %swap3A_608], %mul3A_606 {strides = array<i32>} : memref<128x128xf32, #tpu.memory_space<vmem>>, vector<16xf32>,
        %get3A_610 = arith.index_cast %add3A_593 : i32 to index
        %get3A_611 = arith.constant 32 : index
        %get3A_612 = tpu.vector_load %arg16[%get3A_610, %get3A_611] {strides = array<i32>} : memref<128x128xf32, #tpu.memory_space<vmem>>, vector<16xf32>,
        %mul3A_613 = vector.broadcast %squeeze3A_589 : f32 to vector<16xf32>
        %mul3A_614 = arith.mulf %get3A_612, %mul3A_613 : vector<16xf32>
        %swap3A_615 = arith.index_cast %add3A_593 : i32 to index
        %swap3A_616 = arith.constant 32 : index
        %swap3A_617 = tpu.vector_load %arg16[%swap3A_615, %swap3A_616] {strides = array<i32>} : memref<128x128xf32, #tpu.memory_space<vmem>>, vector<16xf32>,
        tpu.vector_store %arg16[%swap3A_615, %swap3A_616], %mul3A_614 {strides = array<i32>} : memref<128x128xf32, #tpu.memory_space<vmem>>, vector<16xf32>,
        %get3A_618 = arith.index_cast %add3A_593 : i32 to index
        %get3A_619 = arith.constant 48 : index
        %get3A_620 = tpu.vector_load %arg16[%get3A_618, %get3A_619] {strides = array<i32>} : memref<128x128xf32, #tpu.memory_space<vmem>>, vector<16xf32>,
        %mul3A_621 = vector.broadcast %squeeze3A_589 : f32 to vector<16xf32>
        %mul3A_622 = arith.mulf %get3A_620, %mul3A_621 : vector<16xf32>
        %swap3A_623 = arith.index_cast %add3A_593 : i32 to index
        %swap3A_624 = arith.constant 48 : index
        %swap3A_625 = tpu.vector_load %arg16[%swap3A_623, %swap3A_624] {strides = array<i32>} : memref<128x128xf32, #tpu.memory_space<vmem>>, vector<16xf32>,
        tpu.vector_store %arg16[%swap3A_623, %swap3A_624], %mul3A_622 {strides = array<i32>} : memref<128x128xf32, #tpu.memory_space<vmem>>, vector<16xf32>,
        %get3A_626 = arith.index_cast %add3A_593 : i32 to index
        %get3A_627 = arith.constant 64 : index
        %get3A_628 = tpu.vector_load %arg16[%get3A_626, %get3A_627] {strides = array<i32>} : memref<128x128xf32, #tpu.memory_space<vmem>>, vector<16xf32>,
        %mul3A_629 = vector.broadcast %squeeze3A_589 : f32 to vector<16xf32>
        %mul3A_630 = arith.mulf %get3A_628, %mul3A_629 : vector<16xf32>
        %swap3A_631 = arith.index_cast %add3A_593 : i32 to index
        %swap3A_632 = arith.constant 64 : index
        %swap3A_633 = tpu.vector_load %arg16[%swap3A_631, %swap3A_632] {strides = array<i32>} : memref<128x128xf32, #tpu.memory_space<vmem>>, vector<16xf32>,
        tpu.vector_store %arg16[%swap3A_631, %swap3A_632], %mul3A_630 {strides = array<i32>} : memref<128x128xf32, #tpu.memory_space<vmem>>, vector<16xf32>,
        %get3A_634 = arith.index_cast %add3A_593 : i32 to index
        %get3A_635 = arith.constant 80 : index
        %get3A_636 = tpu.vector_load %arg16[%get3A_634, %get3A_635] {strides = array<i32>} : memref<128x128xf32, #tpu.memory_space<vmem>>, vector<16xf32>,
        %mul3A_637 = vector.broadcast %squeeze3A_589 : f32 to vector<16xf32>
        %mul3A_638 = arith.mulf %get3A_636, %mul3A_637 : vector<16xf32>
        %swap3A_639 = arith.index_cast %add3A_593 : i32 to index
        %swap3A_640 = arith.constant 80 : index
        %swap3A_641 = tpu.vector_load %arg16[%swap3A_639, %swap3A_640] {strides = array<i32>} : memref<128x128xf32, #tpu.memory_space<vmem>>, vector<16xf32>,
        tpu.vector_store %arg16[%swap3A_639, %swap3A_640], %mul3A_638 {strides = array<i32>} : memref<128x128xf32, #tpu.memory_space<vmem>>, vector<16xf32>,
        %get3A_642 = arith.index_cast %add3A_593 : i32 to index
        %get3A_643 = arith.constant 96 : index
        %get3A_644 = tpu.vector_load %arg16[%get3A_642, %get3A_643] {strides = array<i32>} : memref<128x128xf32, #tpu.memory_space<vmem>>, vector<16xf32>,
        %mul3A_645 = vector.broadcast %squeeze3A_589 : f32 to vector<16xf32>
        %mul3A_646 = arith.mulf %get3A_644, %mul3A_645 : vector<16xf32>
        %swap3A_647 = arith.index_cast %add3A_593 : i32 to index
        %swap3A_648 = arith.constant 96 : index
        %swap3A_649 = tpu.vector_load %arg16[%swap3A_647, %swap3A_648] {strides = array<i32>} : memref<128x128xf32, #tpu.memory_space<vmem>>, vector<16xf32>,
        tpu.vector_store %arg16[%swap3A_647, %swap3A_648], %mul3A_646 {strides = array<i32>} : memref<128x128xf32, #tpu.memory_space<vmem>>, vector<16xf32>,
        %get3A_650 = arith.index_cast %add3A_593 : i32 to index
        %get3A_651 = arith.constant 112 : index
        %get3A_652 = tpu.vector_load %arg16[%get3A_650, %get3A_651] {strides = array<i32>} : memref<128x128xf32, #tpu.memory_space<vmem>>, vector<16xf32>,
        %mul3A_653 = vector.broadcast %squeeze3A_589 : f32 to vector<16xf32>
        %mul3A_654 = arith.mulf %get3A_652, %mul3A_653 : vector<16xf32>
        %swap3A_655 = arith.index_cast %add3A_593 : i32 to index
        %swap3A_656 = arith.constant 112 : index
        %swap3A_657 = tpu.vector_load %arg16[%swap3A_655, %swap3A_656] {strides = array<i32>} : memref<128x128xf32, #tpu.memory_space<vmem>>, vector<16xf32>,
        tpu.vector_store %arg16[%swap3A_655, %swap3A_656], %mul3A_654 {strides = array<i32>} : memref<128x128xf32, #tpu.memory_space<vmem>>, vector<16xf32>,
        %slice3A_658 = vector.extract_strided_slice %get3A_310 {offsets = [5], sizes = [1], strides = [1]} : vector<16xf32> to vector<1xf32>
        %squeeze3A_659 = vector.extract %slice3A_658[0] : f32 from vector<1xf32>
        %mul3A_660 = arith.constant 16 : i32
        %mul3A_661 = arith.muli %scan3A_304, %mul3A_660 : i32
        %add3A_662 = arith.constant 5 : i32
        %add3A_663 = arith.addi %mul3A_661, %add3A_662 : i32
        %get3A_664 = arith.index_cast %add3A_663 : i32 to index
        %get3A_665 = arith.constant 0 : index
        %get3A_666 = tpu.vector_load %arg16[%get3A_664, %get3A_665] {strides = array<i32>} : memref<128x128xf32, #tpu.memory_space<vmem>>, vector<16xf32>,
        %mul3A_667 = vector.broadcast %squeeze3A_659 : f32 to vector<16xf32>
        %mul3A_668 = arith.mulf %get3A_666, %mul3A_667 : vector<16xf32>
        %swap3A_669 = arith.index_cast %add3A_663 : i32 to index
        %swap3A_670 = arith.constant 0 : index
        %swap3A_671 = tpu.vector_load %arg16[%swap3A_669, %swap3A_670] {strides = array<i32>} : memref<128x128xf32, #tpu.memory_space<vmem>>, vector<16xf32>,
        tpu.vector_store %arg16[%swap3A_669, %swap3A_670], %mul3A_668 {strides = array<i32>} : memref<128x128xf32, #tpu.memory_space<vmem>>, vector<16xf32>,
        %get3A_672 = arith.index_cast %add3A_663 : i32 to index
        %get3A_673 = arith.constant 16 : index
        %get3A_674 = tpu.vector_load %arg16[%get3A_672, %get3A_673] {strides = array<i32>} : memref<128x128xf32, #tpu.memory_space<vmem>>, vector<16xf32>,
        %mul3A_675 = vector.broadcast %squeeze3A_659 : f32 to vector<16xf32>
        %mul3A_676 = arith.mulf %get3A_674, %mul3A_675 : vector<16xf32>
        %swap3A_677 = arith.index_cast %add3A_663 : i32 to index
        %swap3A_678 = arith.constant 16 : index
        %swap3A_679 = tpu.vector_load %arg16[%swap3A_677, %swap3A_678] {strides = array<i32>} : memref<128x128xf32, #tpu.memory_space<vmem>>, vector<16xf32>,
        tpu.vector_store %arg16[%swap3A_677, %swap3A_678], %mul3A_676 {strides = array<i32>} : memref<128x128xf32, #tpu.memory_space<vmem>>, vector<16xf32>,
        %get3A_680 = arith.index_cast %add3A_663 : i32 to index
        %get3A_681 = arith.constant 32 : index
        %get3A_682 = tpu.vector_load %arg16[%get3A_680, %get3A_681] {strides = array<i32>} : memref<128x128xf32, #tpu.memory_space<vmem>>, vector<16xf32>,
        %mul3A_683 = vector.broadcast %squeeze3A_659 : f32 to vector<16xf32>
        %mul3A_684 = arith.mulf %get3A_682, %mul3A_683 : vector<16xf32>
        %swap3A_685 = arith.index_cast %add3A_663 : i32 to index
        %swap3A_686 = arith.constant 32 : index
        %swap3A_687 = tpu.vector_load %arg16[%swap3A_685, %swap3A_686] {strides = array<i32>} : memref<128x128xf32, #tpu.memory_space<vmem>>, vector<16xf32>,
        tpu.vector_store %arg16[%swap3A_685, %swap3A_686], %mul3A_684 {strides = array<i32>} : memref<128x128xf32, #tpu.memory_space<vmem>>, vector<16xf32>,
        %get3A_688 = arith.index_cast %add3A_663 : i32 to index
        %get3A_689 = arith.constant 48 : index
        %get3A_690 = tpu.vector_load %arg16[%get3A_688, %get3A_689] {strides = array<i32>} : memref<128x128xf32, #tpu.memory_space<vmem>>, vector<16xf32>,
        %mul3A_691 = vector.broadcast %squeeze3A_659 : f32 to vector<16xf32>
        %mul3A_692 = arith.mulf %get3A_690, %mul3A_691 : vector<16xf32>
        %swap3A_693 = arith.index_cast %add3A_663 : i32 to index
        %swap3A_694 = arith.constant 48 : index
        %swap3A_695 = tpu.vector_load %arg16[%swap3A_693, %swap3A_694] {strides = array<i32>} : memref<128x128xf32, #tpu.memory_space<vmem>>, vector<16xf32>,
        tpu.vector_store %arg16[%swap3A_693, %swap3A_694], %mul3A_692 {strides = array<i32>} : memref<128x128xf32, #tpu.memory_space<vmem>>, vector<16xf32>,
        %get3A_696 = arith.index_cast %add3A_663 : i32 to index
        %get3A_697 = arith.constant 64 : index
        %get3A_698 = tpu.vector_load %arg16[%get3A_696, %get3A_697] {strides = array<i32>} : memref<128x128xf32, #tpu.memory_space<vmem>>, vector<16xf32>,
        %mul3A_699 = vector.broadcast %squeeze3A_659 : f32 to vector<16xf32>
        %mul3A_700 = arith.mulf %get3A_698, %mul3A_699 : vector<16xf32>
        %swap3A_701 = arith.index_cast %add3A_663 : i32 to index
        %swap3A_702 = arith.constant 64 : index
        %swap3A_703 = tpu.vector_load %arg16[%swap3A_701, %swap3A_702] {strides = array<i32>} : memref<128x128xf32, #tpu.memory_space<vmem>>, vector<16xf32>,
        tpu.vector_store %arg16[%swap3A_701, %swap3A_702], %mul3A_700 {strides = array<i32>} : memref<128x128xf32, #tpu.memory_space<vmem>>, vector<16xf32>,
        %get3A_704 = arith.index_cast %add3A_663 : i32 to index
        %get3A_705 = arith.constant 80 : index
        %get3A_706 = tpu.vector_load %arg16[%get3A_704, %get3A_705] {strides = array<i32>} : memref<128x128xf32, #tpu.memory_space<vmem>>, vector<16xf32>,
        %mul3A_707 = vector.broadcast %squeeze3A_659 : f32 to vector<16xf32>
        %mul3A_708 = arith.mulf %get3A_706, %mul3A_707 : vector<16xf32>
        %swap3A_709 = arith.index_cast %add3A_663 : i32 to index
        %swap3A_710 = arith.constant 80 : index
        %swap3A_711 = tpu.vector_load %arg16[%swap3A_709, %swap3A_710] {strides = array<i32>} : memref<128x128xf32, #tpu.memory_space<vmem>>, vector<16xf32>,
        tpu.vector_store %arg16[%swap3A_709, %swap3A_710], %mul3A_708 {strides = array<i32>} : memref<128x128xf32, #tpu.memory_space<vmem>>, vector<16xf32>,
        %get3A_712 = arith.index_cast %add3A_663 : i32 to index
        %get3A_713 = arith.constant 96 : index
        %get3A_714 = tpu.vector_load %arg16[%get3A_712, %get3A_713] {strides = array<i32>} : memref<128x128xf32, #tpu.memory_space<vmem>>, vector<16xf32>,
        %mul3A_715 = vector.broadcast %squeeze3A_659 : f32 to vector<16xf32>
        %mul3A_716 = arith.mulf %get3A_714, %mul3A_715 : vector<16xf32>
        %swap3A_717 = arith.index_cast %add3A_663 : i32 to index
        %swap3A_718 = arith.constant 96 : index
        %swap3A_719 = tpu.vector_load %arg16[%swap3A_717, %swap3A_718] {strides = array<i32>} : memref<128x128xf32, #tpu.memory_space<vmem>>, vector<16xf32>,
        tpu.vector_store %arg16[%swap3A_717, %swap3A_718], %mul3A_716 {strides = array<i32>} : memref<128x128xf32, #tpu.memory_space<vmem>>, vector<16xf32>,
        %get3A_720 = arith.index_cast %add3A_663 : i32 to index
        %get3A_721 = arith.constant 112 : index
        %get3A_722 = tpu.vector_load %arg16[%get3A_720, %get3A_721] {strides = array<i32>} : memref<128x128xf32, #tpu.memory_space<vmem>>, vector<16xf32>,
        %mul3A_723 = vector.broadcast %squeeze3A_659 : f32 to vector<16xf32>
        %mul3A_724 = arith.mulf %get3A_722, %mul3A_723 : vector<16xf32>
        %swap3A_725 = arith.index_cast %add3A_663 : i32 to index
        %swap3A_726 = arith.constant 112 : index
        %swap3A_727 = tpu.vector_load %arg16[%swap3A_725, %swap3A_726] {strides = array<i32>} : memref<128x128xf32, #tpu.memory_space<vmem>>, vector<16xf32>,
        tpu.vector_store %arg16[%swap3A_725, %swap3A_726], %mul3A_724 {strides = array<i32>} : memref<128x128xf32, #tpu.memory_space<vmem>>, vector<16xf32>,
        %slice3A_728 = vector.extract_strided_slice %get3A_310 {offsets = [6], sizes = [1], strides = [1]} : vector<16xf32> to vector<1xf32>
        %squeeze3A_729 = vector.extract %slice3A_728[0] : f32 from vector<1xf32>
        %mul3A_730 = arith.constant 16 : i32
        %mul3A_731 = arith.muli %scan3A_304, %mul3A_730 : i32
        %add3A_732 = arith.constant 6 : i32
        %add3A_733 = arith.addi %mul3A_731, %add3A_732 : i32
        %get3A_734 = arith.index_cast %add3A_733 : i32 to index
        %get3A_735 = arith.constant 0 : index
        %get3A_736 = tpu.vector_load %arg16[%get3A_734, %get3A_735] {strides = array<i32>} : memref<128x128xf32, #tpu.memory_space<vmem>>, vector<16xf32>,
        %mul3A_737 = vector.broadcast %squeeze3A_729 : f32 to vector<16xf32>
        %mul3A_738 = arith.mulf %get3A_736, %mul3A_737 : vector<16xf32>
        %swap3A_739 = arith.index_cast %add3A_733 : i32 to index
        %swap3A_740 = arith.constant 0 : index
        %swap3A_741 = tpu.vector_load %arg16[%swap3A_739, %swap3A_740] {strides = array<i32>} : memref<128x128xf32, #tpu.memory_space<vmem>>, vector<16xf32>,
        tpu.vector_store %arg16[%swap3A_739, %swap3A_740], %mul3A_738 {strides = array<i32>} : memref<128x128xf32, #tpu.memory_space<vmem>>, vector<16xf32>,
        %get3A_742 = arith.index_cast %add3A_733 : i32 to index
        %get3A_743 = arith.constant 16 : index
        %get3A_744 = tpu.vector_load %arg16[%get3A_742, %get3A_743] {strides = array<i32>} : memref<128x128xf32, #tpu.memory_space<vmem>>, vector<16xf32>,
        %mul3A_745 = vector.broadcast %squeeze3A_729 : f32 to vector<16xf32>
        %mul3A_746 = arith.mulf %get3A_744, %mul3A_745 : vector<16xf32>
        %swap3A_747 = arith.index_cast %add3A_733 : i32 to index
        %swap3A_748 = arith.constant 16 : index
        %swap3A_749 = tpu.vector_load %arg16[%swap3A_747, %swap3A_748] {strides = array<i32>} : memref<128x128xf32, #tpu.memory_space<vmem>>, vector<16xf32>,
        tpu.vector_store %arg16[%swap3A_747, %swap3A_748], %mul3A_746 {strides = array<i32>} : memref<128x128xf32, #tpu.memory_space<vmem>>, vector<16xf32>,
        %get3A_750 = arith.index_cast %add3A_733 : i32 to index
        %get3A_751 = arith.constant 32 : index
        %get3A_752 = tpu.vector_load %arg16[%get3A_750, %get3A_751] {strides = array<i32>} : memref<128x128xf32, #tpu.memory_space<vmem>>, vector<16xf32>,
        %mul3A_753 = vector.broadcast %squeeze3A_729 : f32 to vector<16xf32>
        %mul3A_754 = arith.mulf %get3A_752, %mul3A_753 : vector<16xf32>
        %swap3A_755 = arith.index_cast %add3A_733 : i32 to index
        %swap3A_756 = arith.constant 32 : index
        %swap3A_757 = tpu.vector_load %arg16[%swap3A_755, %swap3A_756] {strides = array<i32>} : memref<128x128xf32, #tpu.memory_space<vmem>>, vector<16xf32>,
        tpu.vector_store %arg16[%swap3A_755, %swap3A_756], %mul3A_754 {strides = array<i32>} : memref<128x128xf32, #tpu.memory_space<vmem>>, vector<16xf32>,
        %get3A_758 = arith.index_cast %add3A_733 : i32 to index
        %get3A_759 = arith.constant 48 : index
        %get3A_760 = tpu.vector_load %arg16[%get3A_758, %get3A_759] {strides = array<i32>} : memref<128x128xf32, #tpu.memory_space<vmem>>, vector<16xf32>,
        %mul3A_761 = vector.broadcast %squeeze3A_729 : f32 to vector<16xf32>
        %mul3A_762 = arith.mulf %get3A_760, %mul3A_761 : vector<16xf32>
        %swap3A_763 = arith.index_cast %add3A_733 : i32 to index
        %swap3A_764 = arith.constant 48 : index
        %swap3A_765 = tpu.vector_load %arg16[%swap3A_763, %swap3A_764] {strides = array<i32>} : memref<128x128xf32, #tpu.memory_space<vmem>>, vector<16xf32>,
        tpu.vector_store %arg16[%swap3A_763, %swap3A_764], %mul3A_762 {strides = array<i32>} : memref<128x128xf32, #tpu.memory_space<vmem>>, vector<16xf32>,
        %get3A_766 = arith.index_cast %add3A_733 : i32 to index
        %get3A_767 = arith.constant 64 : index
        %get3A_768 = tpu.vector_load %arg16[%get3A_766, %get3A_767] {strides = array<i32>} : memref<128x128xf32, #tpu.memory_space<vmem>>, vector<16xf32>,
        %mul3A_769 = vector.broadcast %squeeze3A_729 : f32 to vector<16xf32>
        %mul3A_770 = arith.mulf %get3A_768, %mul3A_769 : vector<16xf32>
        %swap3A_771 = arith.index_cast %add3A_733 : i32 to index
        %swap3A_772 = arith.constant 64 : index
        %swap3A_773 = tpu.vector_load %arg16[%swap3A_771, %swap3A_772] {strides = array<i32>} : memref<128x128xf32, #tpu.memory_space<vmem>>, vector<16xf32>,
        tpu.vector_store %arg16[%swap3A_771, %swap3A_772], %mul3A_770 {strides = array<i32>} : memref<128x128xf32, #tpu.memory_space<vmem>>, vector<16xf32>,
        %get3A_774 = arith.index_cast %add3A_733 : i32 to index
        %get3A_775 = arith.constant 80 : index
        %get3A_776 = tpu.vector_load %arg16[%get3A_774, %get3A_775] {strides = array<i32>} : memref<128x128xf32, #tpu.memory_space<vmem>>, vector<16xf32>,
        %mul3A_777 = vector.broadcast %squeeze3A_729 : f32 to vector<16xf32>
        %mul3A_778 = arith.mulf %get3A_776, %mul3A_777 : vector<16xf32>
        %swap3A_779 = arith.index_cast %add3A_733 : i32 to index
        %swap3A_780 = arith.constant 80 : index
        %swap3A_781 = tpu.vector_load %arg16[%swap3A_779, %swap3A_780] {strides = array<i32>} : memref<128x128xf32, #tpu.memory_space<vmem>>, vector<16xf32>,
        tpu.vector_store %arg16[%swap3A_779, %swap3A_780], %mul3A_778 {strides = array<i32>} : memref<128x128xf32, #tpu.memory_space<vmem>>, vector<16xf32>,
        %get3A_782 = arith.index_cast %add3A_733 : i32 to index
        %get3A_783 = arith.constant 96 : index
        %get3A_784 = tpu.vector_load %arg16[%get3A_782, %get3A_783] {strides = array<i32>} : memref<128x128xf32, #tpu.memory_space<vmem>>, vector<16xf32>,
        %mul3A_785 = vector.broadcast %squeeze3A_729 : f32 to vector<16xf32>
        %mul3A_786 = arith.mulf %get3A_784, %mul3A_785 : vector<16xf32>
        %swap3A_787 = arith.index_cast %add3A_733 : i32 to index
        %swap3A_788 = arith.constant 96 : index
        %swap3A_789 = tpu.vector_load %arg16[%swap3A_787, %swap3A_788] {strides = array<i32>} : memref<128x128xf32, #tpu.memory_space<vmem>>, vector<16xf32>,
        tpu.vector_store %arg16[%swap3A_787, %swap3A_788], %mul3A_786 {strides = array<i32>} : memref<128x128xf32, #tpu.memory_space<vmem>>, vector<16xf32>,
        %get3A_790 = arith.index_cast %add3A_733 : i32 to index
        %get3A_791 = arith.constant 112 : index
        %get3A_792 = tpu.vector_load %arg16[%get3A_790, %get3A_791] {strides = array<i32>} : memref<128x128xf32, #tpu.memory_space<vmem>>, vector<16xf32>,
        %mul3A_793 = vector.broadcast %squeeze3A_729 : f32 to vector<16xf32>
        %mul3A_794 = arith.mulf %get3A_792, %mul3A_793 : vector<16xf32>
        %swap3A_795 = arith.index_cast %add3A_733 : i32 to index
        %swap3A_796 = arith.constant 112 : index
        %swap3A_797 = tpu.vector_load %arg16[%swap3A_795, %swap3A_796] {strides = array<i32>} : memref<128x128xf32, #tpu.memory_space<vmem>>, vector<16xf32>,
        tpu.vector_store %arg16[%swap3A_795, %swap3A_796], %mul3A_794 {strides = array<i32>} : memref<128x128xf32, #tpu.memory_space<vmem>>, vector<16xf32>,
        %slice3A_798 = vector.extract_strided_slice %get3A_310 {offsets = [7], sizes = [1], strides = [1]} : vector<16xf32> to vector<1xf32>
        %squeeze3A_799 = vector.extract %slice3A_798[0] : f32 from vector<1xf32>
        %mul3A_800 = arith.constant 16 : i32
        %mul3A_801 = arith.muli %scan3A_304, %mul3A_800 : i32
        %add3A_802 = arith.constant 7 : i32
        %add3A_803 = arith.addi %mul3A_801, %add3A_802 : i32
        %get3A_804 = arith.index_cast %add3A_803 : i32 to index
        %get3A_805 = arith.constant 0 : index
        %get3A_806 = tpu.vector_load %arg16[%get3A_804, %get3A_805] {strides = array<i32>} : memref<128x128xf32, #tpu.memory_space<vmem>>, vector<16xf32>,
        %mul3A_807 = vector.broadcast %squeeze3A_799 : f32 to vector<16xf32>
        %mul3A_808 = arith.mulf %get3A_806, %mul3A_807 : vector<16xf32>
        %swap3A_809 = arith.index_cast %add3A_803 : i32 to index
        %swap3A_810 = arith.constant 0 : index
        %swap3A_811 = tpu.vector_load %arg16[%swap3A_809, %swap3A_810] {strides = array<i32>} : memref<128x128xf32, #tpu.memory_space<vmem>>, vector<16xf32>,
        tpu.vector_store %arg16[%swap3A_809, %swap3A_810], %mul3A_808 {strides = array<i32>} : memref<128x128xf32, #tpu.memory_space<vmem>>, vector<16xf32>,
        %get3A_812 = arith.index_cast %add3A_803 : i32 to index
        %get3A_813 = arith.constant 16 : index
        %get3A_814 = tpu.vector_load %arg16[%get3A_812, %get3A_813] {strides = array<i32>} : memref<128x128xf32, #tpu.memory_space<vmem>>, vector<16xf32>,
        %mul3A_815 = vector.broadcast %squeeze3A_799 : f32 to vector<16xf32>
        %mul3A_816 = arith.mulf %get3A_814, %mul3A_815 : vector<16xf32>
        %swap3A_817 = arith.index_cast %add3A_803 : i32 to index
        %swap3A_818 = arith.constant 16 : index
        %swap3A_819 = tpu.vector_load %arg16[%swap3A_817, %swap3A_818] {strides = array<i32>} : memref<128x128xf32, #tpu.memory_space<vmem>>, vector<16xf32>,
        tpu.vector_store %arg16[%swap3A_817, %swap3A_818], %mul3A_816 {strides = array<i32>} : memref<128x128xf32, #tpu.memory_space<vmem>>, vector<16xf32>,
        %get3A_820 = arith.index_cast %add3A_803 : i32 to index
        %get3A_821 = arith.constant 32 : index
        %get3A_822 = tpu.vector_load %arg16[%get3A_820, %get3A_821] {strides = array<i32>} : memref<128x128xf32, #tpu.memory_space<vmem>>, vector<16xf32>,
        %mul3A_823 = vector.broadcast %squeeze3A_799 : f32 to vector<16xf32>
        %mul3A_824 = arith.mulf %get3A_822, %mul3A_823 : vector<16xf32>
        %swap3A_825 = arith.index_cast %add3A_803 : i32 to index
        %swap3A_826 = arith.constant 32 : index
        %swap3A_827 = tpu.vector_load %arg16[%swap3A_825, %swap3A_826] {strides = array<i32>} : memref<128x128xf32, #tpu.memory_space<vmem>>, vector<16xf32>,
        tpu.vector_store %arg16[%swap3A_825, %swap3A_826], %mul3A_824 {strides = array<i32>} : memref<128x128xf32, #tpu.memory_space<vmem>>, vector<16xf32>,
        %get3A_828 = arith.index_cast %add3A_803 : i32 to index
        %get3A_829 = arith.constant 48 : index
        %get3A_830 = tpu.vector_load %arg16[%get3A_828, %get3A_829] {strides = array<i32>} : memref<128x128xf32, #tpu.memory_space<vmem>>, vector<16xf32>,
        %mul3A_831 = vector.broadcast %squeeze3A_799 : f32 to vector<16xf32>
        %mul3A_832 = arith.mulf %get3A_830, %mul3A_831 : vector<16xf32>
        %swap3A_833 = arith.index_cast %add3A_803 : i32 to index
        %swap3A_834 = arith.constant 48 : index
        %swap3A_835 = tpu.vector_load %arg16[%swap3A_833, %swap3A_834] {strides = array<i32>} : memref<128x128xf32, #tpu.memory_space<vmem>>, vector<16xf32>,
        tpu.vector_store %arg16[%swap3A_833, %swap3A_834], %mul3A_832 {strides = array<i32>} : memref<128x128xf32, #tpu.memory_space<vmem>>, vector<16xf32>,
        %get3A_836 = arith.index_cast %add3A_803 : i32 to index
        %get3A_837 = arith.constant 64 : index
        %get3A_838 = tpu.vector_load %arg16[%get3A_836, %get3A_837] {strides = array<i32>} : memref<128x128xf32, #tpu.memory_space<vmem>>, vector<16xf32>,
        %mul3A_839 = vector.broadcast %squeeze3A_799 : f32 to vector<16xf32>
        %mul3A_840 = arith.mulf %get3A_838, %mul3A_839 : vector<16xf32>
        %swap3A_841 = arith.index_cast %add3A_803 : i32 to index
        %swap3A_842 = arith.constant 64 : index
        %swap3A_843 = tpu.vector_load %arg16[%swap3A_841, %swap3A_842] {strides = array<i32>} : memref<128x128xf32, #tpu.memory_space<vmem>>, vector<16xf32>,
        tpu.vector_store %arg16[%swap3A_841, %swap3A_842], %mul3A_840 {strides = array<i32>} : memref<128x128xf32, #tpu.memory_space<vmem>>, vector<16xf32>,
        %get3A_844 = arith.index_cast %add3A_803 : i32 to index
        %get3A_845 = arith.constant 80 : index
        %get3A_846 = tpu.vector_load %arg16[%get3A_844, %get3A_845] {strides = array<i32>} : memref<128x128xf32, #tpu.memory_space<vmem>>, vector<16xf32>,
        %mul3A_847 = vector.broadcast %squeeze3A_799 : f32 to vector<16xf32>
        %mul3A_848 = arith.mulf %get3A_846, %mul3A_847 : vector<16xf32>
        %swap3A_849 = arith.index_cast %add3A_803 : i32 to index
        %swap3A_850 = arith.constant 80 : index
        %swap3A_851 = tpu.vector_load %arg16[%swap3A_849, %swap3A_850] {strides = array<i32>} : memref<128x128xf32, #tpu.memory_space<vmem>>, vector<16xf32>,
        tpu.vector_store %arg16[%swap3A_849, %swap3A_850], %mul3A_848 {strides = array<i32>} : memref<128x128xf32, #tpu.memory_space<vmem>>, vector<16xf32>,
        %get3A_852 = arith.index_cast %add3A_803 : i32 to index
        %get3A_853 = arith.constant 96 : index
        %get3A_854 = tpu.vector_load %arg16[%get3A_852, %get3A_853] {strides = array<i32>} : memref<128x128xf32, #tpu.memory_space<vmem>>, vector<16xf32>,
        %mul3A_855 = vector.broadcast %squeeze3A_799 : f32 to vector<16xf32>
        %mul3A_856 = arith.mulf %get3A_854, %mul3A_855 : vector<16xf32>
        %swap3A_857 = arith.index_cast %add3A_803 : i32 to index
        %swap3A_858 = arith.constant 96 : index
        %swap3A_859 = tpu.vector_load %arg16[%swap3A_857, %swap3A_858] {strides = array<i32>} : memref<128x128xf32, #tpu.memory_space<vmem>>, vector<16xf32>,
        tpu.vector_store %arg16[%swap3A_857, %swap3A_858], %mul3A_856 {strides = array<i32>} : memref<128x128xf32, #tpu.memory_space<vmem>>, vector<16xf32>,
        %get3A_860 = arith.index_cast %add3A_803 : i32 to index
        %get3A_861 = arith.constant 112 : index
        %get3A_862 = tpu.vector_load %arg16[%get3A_860, %get3A_861] {strides = array<i32>} : memref<128x128xf32, #tpu.memory_space<vmem>>, vector<16xf32>,
        %mul3A_863 = vector.broadcast %squeeze3A_799 : f32 to vector<16xf32>
        %mul3A_864 = arith.mulf %get3A_862, %mul3A_863 : vector<16xf32>
        %swap3A_865 = arith.index_cast %add3A_803 : i32 to index
        %swap3A_866 = arith.constant 112 : index
        %swap3A_867 = tpu.vector_load %arg16[%swap3A_865, %swap3A_866] {strides = array<i32>} : memref<128x128xf32, #tpu.memory_space<vmem>>, vector<16xf32>,
        tpu.vector_store %arg16[%swap3A_865, %swap3A_866], %mul3A_864 {strides = array<i32>} : memref<128x128xf32, #tpu.memory_space<vmem>>, vector<16xf32>,
        %slice3A_868 = vector.extract_strided_slice %get3A_310 {offsets = [8], sizes = [1], strides = [1]} : vector<16xf32> to vector<1xf32>
        %squeeze3A_869 = vector.extract %slice3A_868[0] : f32 from vector<1xf32>
        %mul3A_870 = arith.constant 16 : i32
        %mul3A_871 = arith.muli %scan3A_304, %mul3A_870 : i32
        %add3A_872 = arith.constant 8 : i32
        %add3A_873 = arith.addi %mul3A_871, %add3A_872 : i32
        %get3A_874 = arith.index_cast %add3A_873 : i32 to index
        %get3A_875 = arith.constant 0 : index
        %get3A_876 = tpu.vector_load %arg16[%get3A_874, %get3A_875] {strides = array<i32>} : memref<128x128xf32, #tpu.memory_space<vmem>>, vector<16xf32>,
        %mul3A_877 = vector.broadcast %squeeze3A_869 : f32 to vector<16xf32>
        %mul3A_878 = arith.mulf %get3A_876, %mul3A_877 : vector<16xf32>
        %swap3A_879 = arith.index_cast %add3A_873 : i32 to index
        %swap3A_880 = arith.constant 0 : index
        %swap3A_881 = tpu.vector_load %arg16[%swap3A_879, %swap3A_880] {strides = array<i32>} : memref<128x128xf32, #tpu.memory_space<vmem>>, vector<16xf32>,
        tpu.vector_store %arg16[%swap3A_879, %swap3A_880], %mul3A_878 {strides = array<i32>} : memref<128x128xf32, #tpu.memory_space<vmem>>, vector<16xf32>,
        %get3A_882 = arith.index_cast %add3A_873 : i32 to index
        %get3A_883 = arith.constant 16 : index
        %get3A_884 = tpu.vector_load %arg16[%get3A_882, %get3A_883] {strides = array<i32>} : memref<128x128xf32, #tpu.memory_space<vmem>>, vector<16xf32>,
        %mul3A_885 = vector.broadcast %squeeze3A_869 : f32 to vector<16xf32>
        %mul3A_886 = arith.mulf %get3A_884, %mul3A_885 : vector<16xf32>
        %swap3A_887 = arith.index_cast %add3A_873 : i32 to index
        %swap3A_888 = arith.constant 16 : index
        %swap3A_889 = tpu.vector_load %arg16[%swap3A_887, %swap3A_888] {strides = array<i32>} : memref<128x128xf32, #tpu.memory_space<vmem>>, vector<16xf32>,
        tpu.vector_store %arg16[%swap3A_887, %swap3A_888], %mul3A_886 {strides = array<i32>} : memref<128x128xf32, #tpu.memory_space<vmem>>, vector<16xf32>,
        %get3A_890 = arith.index_cast %add3A_873 : i32 to index
        %get3A_891 = arith.constant 32 : index
        %get3A_892 = tpu.vector_load %arg16[%get3A_890, %get3A_891] {strides = array<i32>} : memref<128x128xf32, #tpu.memory_space<vmem>>, vector<16xf32>,
        %mul3A_893 = vector.broadcast %squeeze3A_869 : f32 to vector<16xf32>
        %mul3A_894 = arith.mulf %get3A_892, %mul3A_893 : vector<16xf32>
        %swap3A_895 = arith.index_cast %add3A_873 : i32 to index
        %swap3A_896 = arith.constant 32 : index
        %swap3A_897 = tpu.vector_load %arg16[%swap3A_895, %swap3A_896] {strides = array<i32>} : memref<128x128xf32, #tpu.memory_space<vmem>>, vector<16xf32>,
        tpu.vector_store %arg16[%swap3A_895, %swap3A_896], %mul3A_894 {strides = array<i32>} : memref<128x128xf32, #tpu.memory_space<vmem>>, vector<16xf32>,
        %get3A_898 = arith.index_cast %add3A_873 : i32 to index
        %get3A_899 = arith.constant 48 : index
        %get3A_900 = tpu.vector_load %arg16[%get3A_898, %get3A_899] {strides = array<i32>} : memref<128x128xf32, #tpu.memory_space<vmem>>, vector<16xf32>,
        %mul3A_901 = vector.broadcast %squeeze3A_869 : f32 to vector<16xf32>
        %mul3A_902 = arith.mulf %get3A_900, %mul3A_901 : vector<16xf32>
        %swap3A_903 = arith.index_cast %add3A_873 : i32 to index
        %swap3A_904 = arith.constant 48 : index
        %swap3A_905 = tpu.vector_load %arg16[%swap3A_903, %swap3A_904] {strides = array<i32>} : memref<128x128xf32, #tpu.memory_space<vmem>>, vector<16xf32>,
        tpu.vector_store %arg16[%swap3A_903, %swap3A_904], %mul3A_902 {strides = array<i32>} : memref<128x128xf32, #tpu.memory_space<vmem>>, vector<16xf32>,
        %get3A_906 = arith.index_cast %add3A_873 : i32 to index
        %get3A_907 = arith.constant 64 : index
        %get3A_908 = tpu.vector_load %arg16[%get3A_906, %get3A_907] {strides = array<i32>} : memref<128x128xf32, #tpu.memory_space<vmem>>, vector<16xf32>,
        %mul3A_909 = vector.broadcast %squeeze3A_869 : f32 to vector<16xf32>
        %mul3A_910 = arith.mulf %get3A_908, %mul3A_909 : vector<16xf32>
        %swap3A_911 = arith.index_cast %add3A_873 : i32 to index
        %swap3A_912 = arith.constant 64 : index
        %swap3A_913 = tpu.vector_load %arg16[%swap3A_911, %swap3A_912] {strides = array<i32>} : memref<128x128xf32, #tpu.memory_space<vmem>>, vector<16xf32>,
        tpu.vector_store %arg16[%swap3A_911, %swap3A_912], %mul3A_910 {strides = array<i32>} : memref<128x128xf32, #tpu.memory_space<vmem>>, vector<16xf32>,
        %get3A_914 = arith.index_cast %add3A_873 : i32 to index
        %get3A_915 = arith.constant 80 : index
        %get3A_916 = tpu.vector_load %arg16[%get3A_914, %get3A_915] {strides = array<i32>} : memref<128x128xf32, #tpu.memory_space<vmem>>, vector<16xf32>,
        %mul3A_917 = vector.broadcast %squeeze3A_869 : f32 to vector<16xf32>
        %mul3A_918 = arith.mulf %get3A_916, %mul3A_917 : vector<16xf32>
        %swap3A_919 = arith.index_cast %add3A_873 : i32 to index
        %swap3A_920 = arith.constant 80 : index
        %swap3A_921 = tpu.vector_load %arg16[%swap3A_919, %swap3A_920] {strides = array<i32>} : memref<128x128xf32, #tpu.memory_space<vmem>>, vector<16xf32>,
        tpu.vector_store %arg16[%swap3A_919, %swap3A_920], %mul3A_918 {strides = array<i32>} : memref<128x128xf32, #tpu.memory_space<vmem>>, vector<16xf32>,
        %get3A_922 = arith.index_cast %add3A_873 : i32 to index
        %get3A_923 = arith.constant 96 : index
        %get3A_924 = tpu.vector_load %arg16[%get3A_922, %get3A_923] {strides = array<i32>} : memref<128x128xf32, #tpu.memory_space<vmem>>, vector<16xf32>,
        %mul3A_925 = vector.broadcast %squeeze3A_869 : f32 to vector<16xf32>
        %mul3A_926 = arith.mulf %get3A_924, %mul3A_925 : vector<16xf32>
        %swap3A_927 = arith.index_cast %add3A_873 : i32 to index
        %swap3A_928 = arith.constant 96 : index
        %swap3A_929 = tpu.vector_load %arg16[%swap3A_927, %swap3A_928] {strides = array<i32>} : memref<128x128xf32, #tpu.memory_space<vmem>>, vector<16xf32>,
        tpu.vector_store %arg16[%swap3A_927, %swap3A_928], %mul3A_926 {strides = array<i32>} : memref<128x128xf32, #tpu.memory_space<vmem>>, vector<16xf32>,
        %get3A_930 = arith.index_cast %add3A_873 : i32 to index
        %get3A_931 = arith.constant 112 : index
        %get3A_932 = tpu.vector_load %arg16[%get3A_930, %get3A_931] {strides = array<i32>} : memref<128x128xf32, #tpu.memory_space<vmem>>, vector<16xf32>,
        %mul3A_933 = vector.broadcast %squeeze3A_869 : f32 to vector<16xf32>
        %mul3A_934 = arith.mulf %get3A_932, %mul3A_933 : vector<16xf32>
        %swap3A_935 = arith.index_cast %add3A_873 : i32 to index
        %swap3A_936 = arith.constant 112 : index
        %swap3A_937 = tpu.vector_load %arg16[%swap3A_935, %swap3A_936] {strides = array<i32>} : memref<128x128xf32, #tpu.memory_space<vmem>>, vector<16xf32>,
        tpu.vector_store %arg16[%swap3A_935, %swap3A_936], %mul3A_934 {strides = array<i32>} : memref<128x128xf32, #tpu.memory_space<vmem>>, vector<16xf32>,
        %slice3A_938 = vector.extract_strided_slice %get3A_310 {offsets = [9], sizes = [1], strides = [1]} : vector<16xf32> to vector<1xf32>
        %squeeze3A_939 = vector.extract %slice3A_938[0] : f32 from vector<1xf32>
        %mul3A_940 = arith.constant 16 : i32
        %mul3A_941 = arith.muli %scan3A_304, %mul3A_940 : i32
        %add3A_942 = arith.constant 9 : i32
        %add3A_943 = arith.addi %mul3A_941, %add3A_942 : i32
        %get3A_944 = arith.index_cast %add3A_943 : i32 to index
        %get3A_945 = arith.constant 0 : index
        %get3A_946 = tpu.vector_load %arg16[%get3A_944, %get3A_945] {strides = array<i32>} : memref<128x128xf32, #tpu.memory_space<vmem>>, vector<16xf32>,
        %mul3A_947 = vector.broadcast %squeeze3A_939 : f32 to vector<16xf32>
        %mul3A_948 = arith.mulf %get3A_946, %mul3A_947 : vector<16xf32>
        %swap3A_949 = arith.index_cast %add3A_943 : i32 to index
        %swap3A_950 = arith.constant 0 : index
        %swap3A_951 = tpu.vector_load %arg16[%swap3A_949, %swap3A_950] {strides = array<i32>} : memref<128x128xf32, #tpu.memory_space<vmem>>, vector<16xf32>,
        tpu.vector_store %arg16[%swap3A_949, %swap3A_950], %mul3A_948 {strides = array<i32>} : memref<128x128xf32, #tpu.memory_space<vmem>>, vector<16xf32>,
        %get3A_952 = arith.index_cast %add3A_943 : i32 to index
        %get3A_953 = arith.constant 16 : index
        %get3A_954 = tpu.vector_load %arg16[%get3A_952, %get3A_953] {strides = array<i32>} : memref<128x128xf32, #tpu.memory_space<vmem>>, vector<16xf32>,
        %mul3A_955 = vector.broadcast %squeeze3A_939 : f32 to vector<16xf32>
        %mul3A_956 = arith.mulf %get3A_954, %mul3A_955 : vector<16xf32>
        %swap3A_957 = arith.index_cast %add3A_943 : i32 to index
        %swap3A_958 = arith.constant 16 : index
        %swap3A_959 = tpu.vector_load %arg16[%swap3A_957, %swap3A_958] {strides = array<i32>} : memref<128x128xf32, #tpu.memory_space<vmem>>, vector<16xf32>,
        tpu.vector_store %arg16[%swap3A_957, %swap3A_958], %mul3A_956 {strides = array<i32>} : memref<128x128xf32, #tpu.memory_space<vmem>>, vector<16xf32>,
        %get3A_960 = arith.index_cast %add3A_943 : i32 to index
        %get3A_961 = arith.constant 32 : index
        %get3A_962 = tpu.vector_load %arg16[%get3A_960, %get3A_961] {strides = array<i32>} : memref<128x128xf32, #tpu.memory_space<vmem>>, vector<16xf32>,
        %mul3A_963 = vector.broadcast %squeeze3A_939 : f32 to vector<16xf32>
        %mul3A_964 = arith.mulf %get3A_962, %mul3A_963 : vector<16xf32>
        %swap3A_965 = arith.index_cast %add3A_943 : i32 to index
        %swap3A_966 = arith.constant 32 : index
        %swap3A_967 = tpu.vector_load %arg16[%swap3A_965, %swap3A_966] {strides = array<i32>} : memref<128x128xf32, #tpu.memory_space<vmem>>, vector<16xf32>,
        tpu.vector_store %arg16[%swap3A_965, %swap3A_966], %mul3A_964 {strides = array<i32>} : memref<128x128xf32, #tpu.memory_space<vmem>>, vector<16xf32>,
        %get3A_968 = arith.index_cast %add3A_943 : i32 to index
        %get3A_969 = arith.constant 48 : index
        %get3A_970 = tpu.vector_load %arg16[%get3A_968, %get3A_969] {strides = array<i32>} : memref<128x128xf32, #tpu.memory_space<vmem>>, vector<16xf32>,
        %mul3A_971 = vector.broadcast %squeeze3A_939 : f32 to vector<16xf32>
        %mul3A_972 = arith.mulf %get3A_970, %mul3A_971 : vector<16xf32>
        %swap3A_973 = arith.index_cast %add3A_943 : i32 to index
        %swap3A_974 = arith.constant 48 : index
        %swap3A_975 = tpu.vector_load %arg16[%swap3A_973, %swap3A_974] {strides = array<i32>} : memref<128x128xf32, #tpu.memory_space<vmem>>, vector<16xf32>,
        tpu.vector_store %arg16[%swap3A_973, %swap3A_974], %mul3A_972 {strides = array<i32>} : memref<128x128xf32, #tpu.memory_space<vmem>>, vector<16xf32>,
        %get3A_976 = arith.index_cast %add3A_943 : i32 to index
        %get3A_977 = arith.constant 64 : index
        %get3A_978 = tpu.vector_load %arg16[%get3A_976, %get3A_977] {strides = array<i32>} : memref<128x128xf32, #tpu.memory_space<vmem>>, vector<16xf32>,
        %mul3A_979 = vector.broadcast %squeeze3A_939 : f32 to vector<16xf32>
        %mul3A_980 = arith.mulf %get3A_978, %mul3A_979 : vector<16xf32>
        %swap3A_981 = arith.index_cast %add3A_943 : i32 to index
        %swap3A_982 = arith.constant 64 : index
        %swap3A_983 = tpu.vector_load %arg16[%swap3A_981, %swap3A_982] {strides = array<i32>} : memref<128x128xf32, #tpu.memory_space<vmem>>, vector<16xf32>,
        tpu.vector_store %arg16[%swap3A_981, %swap3A_982], %mul3A_980 {strides = array<i32>} : memref<128x128xf32, #tpu.memory_space<vmem>>, vector<16xf32>,
        %get3A_984 = arith.index_cast %add3A_943 : i32 to index
        %get3A_985 = arith.constant 80 : index
        %get3A_986 = tpu.vector_load %arg16[%get3A_984, %get3A_985] {strides = array<i32>} : memref<128x128xf32, #tpu.memory_space<vmem>>, vector<16xf32>,
        %mul3A_987 = vector.broadcast %squeeze3A_939 : f32 to vector<16xf32>
        %mul3A_988 = arith.mulf %get3A_986, %mul3A_987 : vector<16xf32>
        %swap3A_989 = arith.index_cast %add3A_943 : i32 to index
        %swap3A_990 = arith.constant 80 : index
        %swap3A_991 = tpu.vector_load %arg16[%swap3A_989, %swap3A_990] {strides = array<i32>} : memref<128x128xf32, #tpu.memory_space<vmem>>, vector<16xf32>,
        tpu.vector_store %arg16[%swap3A_989, %swap3A_990], %mul3A_988 {strides = array<i32>} : memref<128x128xf32, #tpu.memory_space<vmem>>, vector<16xf32>,
        %get3A_992 = arith.index_cast %add3A_943 : i32 to index
        %get3A_993 = arith.constant 96 : index
        %get3A_994 = tpu.vector_load %arg16[%get3A_992, %get3A_993] {strides = array<i32>} : memref<128x128xf32, #tpu.memory_space<vmem>>, vector<16xf32>,
        %mul3A_995 = vector.broadcast %squeeze3A_939 : f32 to vector<16xf32>
        %mul3A_996 = arith.mulf %get3A_994, %mul3A_995 : vector<16xf32>
        %swap3A_997 = arith.index_cast %add3A_943 : i32 to index
        %swap3A_998 = arith.constant 96 : index
        %swap3A_999 = tpu.vector_load %arg16[%swap3A_997, %swap3A_998] {strides = array<i32>} : memref<128x128xf32, #tpu.memory_space<vmem>>, vector<16xf32>,
        tpu.vector_store %arg16[%swap3A_997, %swap3A_998], %mul3A_996 {strides = array<i32>} : memref<128x128xf32, #tpu.memory_space<vmem>>, vector<16xf32>,
        %get3A_1000 = arith.index_cast %add3A_943 : i32 to index
        %get3A_1001 = arith.constant 112 : index
        %get3A_1002 = tpu.vector_load %arg16[%get3A_1000, %get3A_1001] {strides = array<i32>} : memref<128x128xf32, #tpu.memory_space<vmem>>, vector<16xf32>,
        %mul3A_1003 = vector.broadcast %squeeze3A_939 : f32 to vector<16xf32>
        %mul3A_1004 = arith.mulf %get3A_1002, %mul3A_1003 : vector<16xf32>
        %swap3A_1005 = arith.index_cast %add3A_943 : i32 to index
        %swap3A_1006 = arith.constant 112 : index
        %swap3A_1007 = tpu.vector_load %arg16[%swap3A_1005, %swap3A_1006] {strides = array<i32>} : memref<128x128xf32, #tpu.memory_space<vmem>>, vector<16xf32>,
        tpu.vector_store %arg16[%swap3A_1005, %swap3A_1006], %mul3A_1004 {strides = array<i32>} : memref<128x128xf32, #tpu.memory_space<vmem>>, vector<16xf32>,
        %slice3A_1008 = vector.extract_strided_slice %get3A_310 {offsets = [10], sizes = [1], strides = [1]} : vector<16xf32> to vector<1xf32>
        %squeeze3A_1009 = vector.extract %slice3A_1008[0] : f32 from vector<1xf32>
        %mul3A_1010 = arith.constant 16 : i32
        %mul3A_1011 = arith.muli %scan3A_304, %mul3A_1010 : i32
        %add3A_1012 = arith.constant 10 : i32
        %add3A_1013 = arith.addi %mul3A_1011, %add3A_1012 : i32
        %get3A_1014 = arith.index_cast %add3A_1013 : i32 to index
        %get3A_1015 = arith.constant 0 : index
        %get3A_1016 = tpu.vector_load %arg16[%get3A_1014, %get3A_1015] {strides = array<i32>} : memref<128x128xf32, #tpu.memory_space<vmem>>, vector<16xf32>,
        %mul3A_1017 = vector.broadcast %squeeze3A_1009 : f32 to vector<16xf32>
        %mul3A_1018 = arith.mulf %get3A_1016, %mul3A_1017 : vector<16xf32>
        %swap3A_1019 = arith.index_cast %add3A_1013 : i32 to index
        %swap3A_1020 = arith.constant 0 : index
        %swap3A_1021 = tpu.vector_load %arg16[%swap3A_1019, %swap3A_1020] {strides = array<i32>} : memref<128x128xf32, #tpu.memory_space<vmem>>, vector<16xf32>,
        tpu.vector_store %arg16[%swap3A_1019, %swap3A_1020], %mul3A_1018 {strides = array<i32>} : memref<128x128xf32, #tpu.memory_space<vmem>>, vector<16xf32>,
        %get3A_1022 = arith.index_cast %add3A_1013 : i32 to index
        %get3A_1023 = arith.constant 16 : index
        %get3A_1024 = tpu.vector_load %arg16[%get3A_1022, %get3A_1023] {strides = array<i32>} : memref<128x128xf32, #tpu.memory_space<vmem>>, vector<16xf32>,
        %mul3A_1025 = vector.broadcast %squeeze3A_1009 : f32 to vector<16xf32>
        %mul3A_1026 = arith.mulf %get3A_1024, %mul3A_1025 : vector<16xf32>
        %swap3A_1027 = arith.index_cast %add3A_1013 : i32 to index
        %swap3A_1028 = arith.constant 16 : index
        %swap3A_1029 = tpu.vector_load %arg16[%swap3A_1027, %swap3A_1028] {strides = array<i32>} : memref<128x128xf32, #tpu.memory_space<vmem>>, vector<16xf32>,
        tpu.vector_store %arg16[%swap3A_1027, %swap3A_1028], %mul3A_1026 {strides = array<i32>} : memref<128x128xf32, #tpu.memory_space<vmem>>, vector<16xf32>,
        %get3A_1030 = arith.index_cast %add3A_1013 : i32 to index
        %get3A_1031 = arith.constant 32 : index
        %get3A_1032 = tpu.vector_load %arg16[%get3A_1030, %get3A_1031] {strides = array<i32>} : memref<128x128xf32, #tpu.memory_space<vmem>>, vector<16xf32>,
        %mul3A_1033 = vector.broadcast %squeeze3A_1009 : f32 to vector<16xf32>
        %mul3A_1034 = arith.mulf %get3A_1032, %mul3A_1033 : vector<16xf32>
        %swap3A_1035 = arith.index_cast %add3A_1013 : i32 to index
        %swap3A_1036 = arith.constant 32 : index
        %swap3A_1037 = tpu.vector_load %arg16[%swap3A_1035, %swap3A_1036] {strides = array<i32>} : memref<128x128xf32, #tpu.memory_space<vmem>>, vector<16xf32>,
        tpu.vector_store %arg16[%swap3A_1035, %swap3A_1036], %mul3A_1034 {strides = array<i32>} : memref<128x128xf32, #tpu.memory_space<vmem>>, vector<16xf32>,
        %get3A_1038 = arith.index_cast %add3A_1013 : i32 to index
        %get3A_1039 = arith.constant 48 : index
        %get3A_1040 = tpu.vector_load %arg16[%get3A_1038, %get3A_1039] {strides = array<i32>} : memref<128x128xf32, #tpu.memory_space<vmem>>, vector<16xf32>,
        %mul3A_1041 = vector.broadcast %squeeze3A_1009 : f32 to vector<16xf32>
        %mul3A_1042 = arith.mulf %get3A_1040, %mul3A_1041 : vector<16xf32>
        %swap3A_1043 = arith.index_cast %add3A_1013 : i32 to index
        %swap3A_1044 = arith.constant 48 : index
        %swap3A_1045 = tpu.vector_load %arg16[%swap3A_1043, %swap3A_1044] {strides = array<i32>} : memref<128x128xf32, #tpu.memory_space<vmem>>, vector<16xf32>,
        tpu.vector_store %arg16[%swap3A_1043, %swap3A_1044], %mul3A_1042 {strides = array<i32>} : memref<128x128xf32, #tpu.memory_space<vmem>>, vector<16xf32>,
        %get3A_1046 = arith.index_cast %add3A_1013 : i32 to index
        %get3A_1047 = arith.constant 64 : index
        %get3A_1048 = tpu.vector_load %arg16[%get3A_1046, %get3A_1047] {strides = array<i32>} : memref<128x128xf32, #tpu.memory_space<vmem>>, vector<16xf32>,
        %mul3A_1049 = vector.broadcast %squeeze3A_1009 : f32 to vector<16xf32>
        %mul3A_1050 = arith.mulf %get3A_1048, %mul3A_1049 : vector<16xf32>
        %swap3A_1051 = arith.index_cast %add3A_1013 : i32 to index
        %swap3A_1052 = arith.constant 64 : index
        %swap3A_1053 = tpu.vector_load %arg16[%swap3A_1051, %swap3A_1052] {strides = array<i32>} : memref<128x128xf32, #tpu.memory_space<vmem>>, vector<16xf32>,
        tpu.vector_store %arg16[%swap3A_1051, %swap3A_1052], %mul3A_1050 {strides = array<i32>} : memref<128x128xf32, #tpu.memory_space<vmem>>, vector<16xf32>,
        %get3A_1054 = arith.index_cast %add3A_1013 : i32 to index
        %get3A_1055 = arith.constant 80 : index
        %get3A_1056 = tpu.vector_load %arg16[%get3A_1054, %get3A_1055] {strides = array<i32>} : memref<128x128xf32, #tpu.memory_space<vmem>>, vector<16xf32>,
        %mul3A_1057 = vector.broadcast %squeeze3A_1009 : f32 to vector<16xf32>
        %mul3A_1058 = arith.mulf %get3A_1056, %mul3A_1057 : vector<16xf32>
        %swap3A_1059 = arith.index_cast %add3A_1013 : i32 to index
        %swap3A_1060 = arith.constant 80 : index
        %swap3A_1061 = tpu.vector_load %arg16[%swap3A_1059, %swap3A_1060] {strides = array<i32>} : memref<128x128xf32, #tpu.memory_space<vmem>>, vector<16xf32>,
        tpu.vector_store %arg16[%swap3A_1059, %swap3A_1060], %mul3A_1058 {strides = array<i32>} : memref<128x128xf32, #tpu.memory_space<vmem>>, vector<16xf32>,
        %get3A_1062 = arith.index_cast %add3A_1013 : i32 to index
        %get3A_1063 = arith.constant 96 : index
        %get3A_1064 = tpu.vector_load %arg16[%get3A_1062, %get3A_1063] {strides = array<i32>} : memref<128x128xf32, #tpu.memory_space<vmem>>, vector<16xf32>,
        %mul3A_1065 = vector.broadcast %squeeze3A_1009 : f32 to vector<16xf32>
        %mul3A_1066 = arith.mulf %get3A_1064, %mul3A_1065 : vector<16xf32>
        %swap3A_1067 = arith.index_cast %add3A_1013 : i32 to index
        %swap3A_1068 = arith.constant 96 : index
        %swap3A_1069 = tpu.vector_load %arg16[%swap3A_1067, %swap3A_1068] {strides = array<i32>} : memref<128x128xf32, #tpu.memory_space<vmem>>, vector<16xf32>,
        tpu.vector_store %arg16[%swap3A_1067, %swap3A_1068], %mul3A_1066 {strides = array<i32>} : memref<128x128xf32, #tpu.memory_space<vmem>>, vector<16xf32>,
        %get3A_1070 = arith.index_cast %add3A_1013 : i32 to index
        %get3A_1071 = arith.constant 112 : index
        %get3A_1072 = tpu.vector_load %arg16[%get3A_1070, %get3A_1071] {strides = array<i32>} : memref<128x128xf32, #tpu.memory_space<vmem>>, vector<16xf32>,
        %mul3A_1073 = vector.broadcast %squeeze3A_1009 : f32 to vector<16xf32>
        %mul3A_1074 = arith.mulf %get3A_1072, %mul3A_1073 : vector<16xf32>
        %swap3A_1075 = arith.index_cast %add3A_1013 : i32 to index
        %swap3A_1076 = arith.constant 112 : index
        %swap3A_1077 = tpu.vector_load %arg16[%swap3A_1075, %swap3A_1076] {strides = array<i32>} : memref<128x128xf32, #tpu.memory_space<vmem>>, vector<16xf32>,
        tpu.vector_store %arg16[%swap3A_1075, %swap3A_1076], %mul3A_1074 {strides = array<i32>} : memref<128x128xf32, #tpu.memory_space<vmem>>, vector<16xf32>,
        %slice3A_1078 = vector.extract_strided_slice %get3A_310 {offsets = [11], sizes = [1], strides = [1]} : vector<16xf32> to vector<1xf32>
        %squeeze3A_1079 = vector.extract %slice3A_1078[0] : f32 from vector<1xf32>
        %mul3A_1080 = arith.constant 16 : i32
        %mul3A_1081 = arith.muli %scan3A_304, %mul3A_1080 : i32
        %add3A_1082 = arith.constant 11 : i32
        %add3A_1083 = arith.addi %mul3A_1081, %add3A_1082 : i32
        %get3A_1084 = arith.index_cast %add3A_1083 : i32 to index
        %get3A_1085 = arith.constant 0 : index
        %get3A_1086 = tpu.vector_load %arg16[%get3A_1084, %get3A_1085] {strides = array<i32>} : memref<128x128xf32, #tpu.memory_space<vmem>>, vector<16xf32>,
        %mul3A_1087 = vector.broadcast %squeeze3A_1079 : f32 to vector<16xf32>
        %mul3A_1088 = arith.mulf %get3A_1086, %mul3A_1087 : vector<16xf32>
        %swap3A_1089 = arith.index_cast %add3A_1083 : i32 to index
        %swap3A_1090 = arith.constant 0 : index
        %swap3A_1091 = tpu.vector_load %arg16[%swap3A_1089, %swap3A_1090] {strides = array<i32>} : memref<128x128xf32, #tpu.memory_space<vmem>>, vector<16xf32>,
        tpu.vector_store %arg16[%swap3A_1089, %swap3A_1090], %mul3A_1088 {strides = array<i32>} : memref<128x128xf32, #tpu.memory_space<vmem>>, vector<16xf32>,
        %get3A_1092 = arith.index_cast %add3A_1083 : i32 to index
        %get3A_1093 = arith.constant 16 : index
        %get3A_1094 = tpu.vector_load %arg16[%get3A_1092, %get3A_1093] {strides = array<i32>} : memref<128x128xf32, #tpu.memory_space<vmem>>, vector<16xf32>,
        %mul3A_1095 = vector.broadcast %squeeze3A_1079 : f32 to vector<16xf32>
        %mul3A_1096 = arith.mulf %get3A_1094, %mul3A_1095 : vector<16xf32>
        %swap3A_1097 = arith.index_cast %add3A_1083 : i32 to index
        %swap3A_1098 = arith.constant 16 : index
        %swap3A_1099 = tpu.vector_load %arg16[%swap3A_1097, %swap3A_1098] {strides = array<i32>} : memref<128x128xf32, #tpu.memory_space<vmem>>, vector<16xf32>,
        tpu.vector_store %arg16[%swap3A_1097, %swap3A_1098], %mul3A_1096 {strides = array<i32>} : memref<128x128xf32, #tpu.memory_space<vmem>>, vector<16xf32>,
        %get3A_1100 = arith.index_cast %add3A_1083 : i32 to index
        %get3A_1101 = arith.constant 32 : index
        %get3A_1102 = tpu.vector_load %arg16[%get3A_1100, %get3A_1101] {strides = array<i32>} : memref<128x128xf32, #tpu.memory_space<vmem>>, vector<16xf32>,
        %mul3A_1103 = vector.broadcast %squeeze3A_1079 : f32 to vector<16xf32>
        %mul3A_1104 = arith.mulf %get3A_1102, %mul3A_1103 : vector<16xf32>
        %swap3A_1105 = arith.index_cast %add3A_1083 : i32 to index
        %swap3A_1106 = arith.constant 32 : index
        %swap3A_1107 = tpu.vector_load %arg16[%swap3A_1105, %swap3A_1106] {strides = array<i32>} : memref<128x128xf32, #tpu.memory_space<vmem>>, vector<16xf32>,
        tpu.vector_store %arg16[%swap3A_1105, %swap3A_1106], %mul3A_1104 {strides = array<i32>} : memref<128x128xf32, #tpu.memory_space<vmem>>, vector<16xf32>,
        %get3A_1108 = arith.index_cast %add3A_1083 : i32 to index
        %get3A_1109 = arith.constant 48 : index
        %get3A_1110 = tpu.vector_load %arg16[%get3A_1108, %get3A_1109] {strides = array<i32>} : memref<128x128xf32, #tpu.memory_space<vmem>>, vector<16xf32>,
        %mul3A_1111 = vector.broadcast %squeeze3A_1079 : f32 to vector<16xf32>
        %mul3A_1112 = arith.mulf %get3A_1110, %mul3A_1111 : vector<16xf32>
        %swap3A_1113 = arith.index_cast %add3A_1083 : i32 to index
        %swap3A_1114 = arith.constant 48 : index
        %swap3A_1115 = tpu.vector_load %arg16[%swap3A_1113, %swap3A_1114] {strides = array<i32>} : memref<128x128xf32, #tpu.memory_space<vmem>>, vector<16xf32>,
        tpu.vector_store %arg16[%swap3A_1113, %swap3A_1114], %mul3A_1112 {strides = array<i32>} : memref<128x128xf32, #tpu.memory_space<vmem>>, vector<16xf32>,
        %get3A_1116 = arith.index_cast %add3A_1083 : i32 to index
        %get3A_1117 = arith.constant 64 : index
        %get3A_1118 = tpu.vector_load %arg16[%get3A_1116, %get3A_1117] {strides = array<i32>} : memref<128x128xf32, #tpu.memory_space<vmem>>, vector<16xf32>,
        %mul3A_1119 = vector.broadcast %squeeze3A_1079 : f32 to vector<16xf32>
        %mul3A_1120 = arith.mulf %get3A_1118, %mul3A_1119 : vector<16xf32>
        %swap3A_1121 = arith.index_cast %add3A_1083 : i32 to index
        %swap3A_1122 = arith.constant 64 : index
        %swap3A_1123 = tpu.vector_load %arg16[%swap3A_1121, %swap3A_1122] {strides = array<i32>} : memref<128x128xf32, #tpu.memory_space<vmem>>, vector<16xf32>,
        tpu.vector_store %arg16[%swap3A_1121, %swap3A_1122], %mul3A_1120 {strides = array<i32>} : memref<128x128xf32, #tpu.memory_space<vmem>>, vector<16xf32>,
        %get3A_1124 = arith.index_cast %add3A_1083 : i32 to index
        %get3A_1125 = arith.constant 80 : index
        %get3A_1126 = tpu.vector_load %arg16[%get3A_1124, %get3A_1125] {strides = array<i32>} : memref<128x128xf32, #tpu.memory_space<vmem>>, vector<16xf32>,
        %mul3A_1127 = vector.broadcast %squeeze3A_1079 : f32 to vector<16xf32>
        %mul3A_1128 = arith.mulf %get3A_1126, %mul3A_1127 : vector<16xf32>
        %swap3A_1129 = arith.index_cast %add3A_1083 : i32 to index
        %swap3A_1130 = arith.constant 80 : index
        %swap3A_1131 = tpu.vector_load %arg16[%swap3A_1129, %swap3A_1130] {strides = array<i32>} : memref<128x128xf32, #tpu.memory_space<vmem>>, vector<16xf32>,
        tpu.vector_store %arg16[%swap3A_1129, %swap3A_1130], %mul3A_1128 {strides = array<i32>} : memref<128x128xf32, #tpu.memory_space<vmem>>, vector<16xf32>,
        %get3A_1132 = arith.index_cast %add3A_1083 : i32 to index
        %get3A_1133 = arith.constant 96 : index
        %get3A_1134 = tpu.vector_load %arg16[%get3A_1132, %get3A_1133] {strides = array<i32>} : memref<128x128xf32, #tpu.memory_space<vmem>>, vector<16xf32>,
        %mul3A_1135 = vector.broadcast %squeeze3A_1079 : f32 to vector<16xf32>
        %mul3A_1136 = arith.mulf %get3A_1134, %mul3A_1135 : vector<16xf32>
        %swap3A_1137 = arith.index_cast %add3A_1083 : i32 to index
        %swap3A_1138 = arith.constant 96 : index
        %swap3A_1139 = tpu.vector_load %arg16[%swap3A_1137, %swap3A_1138] {strides = array<i32>} : memref<128x128xf32, #tpu.memory_space<vmem>>, vector<16xf32>,
        tpu.vector_store %arg16[%swap3A_1137, %swap3A_1138], %mul3A_1136 {strides = array<i32>} : memref<128x128xf32, #tpu.memory_space<vmem>>, vector<16xf32>,
        %get3A_1140 = arith.index_cast %add3A_1083 : i32 to index
        %get3A_1141 = arith.constant 112 : index
        %get3A_1142 = tpu.vector_load %arg16[%get3A_1140, %get3A_1141] {strides = array<i32>} : memref<128x128xf32, #tpu.memory_space<vmem>>, vector<16xf32>,
        %mul3A_1143 = vector.broadcast %squeeze3A_1079 : f32 to vector<16xf32>
        %mul3A_1144 = arith.mulf %get3A_1142, %mul3A_1143 : vector<16xf32>
        %swap3A_1145 = arith.index_cast %add3A_1083 : i32 to index
        %swap3A_1146 = arith.constant 112 : index
        %swap3A_1147 = tpu.vector_load %arg16[%swap3A_1145, %swap3A_1146] {strides = array<i32>} : memref<128x128xf32, #tpu.memory_space<vmem>>, vector<16xf32>,
        tpu.vector_store %arg16[%swap3A_1145, %swap3A_1146], %mul3A_1144 {strides = array<i32>} : memref<128x128xf32, #tpu.memory_space<vmem>>, vector<16xf32>,
        %slice3A_1148 = vector.extract_strided_slice %get3A_310 {offsets = [12], sizes = [1], strides = [1]} : vector<16xf32> to vector<1xf32>
        %squeeze3A_1149 = vector.extract %slice3A_1148[0] : f32 from vector<1xf32>
        %mul3A_1150 = arith.constant 16 : i32
        %mul3A_1151 = arith.muli %scan3A_304, %mul3A_1150 : i32
        %add3A_1152 = arith.constant 12 : i32
        %add3A_1153 = arith.addi %mul3A_1151, %add3A_1152 : i32
        %get3A_1154 = arith.index_cast %add3A_1153 : i32 to index
        %get3A_1155 = arith.constant 0 : index
        %get3A_1156 = tpu.vector_load %arg16[%get3A_1154, %get3A_1155] {strides = array<i32>} : memref<128x128xf32, #tpu.memory_space<vmem>>, vector<16xf32>,
        %mul3A_1157 = vector.broadcast %squeeze3A_1149 : f32 to vector<16xf32>
        %mul3A_1158 = arith.mulf %get3A_1156, %mul3A_1157 : vector<16xf32>
        %swap3A_1159 = arith.index_cast %add3A_1153 : i32 to index
        %swap3A_1160 = arith.constant 0 : index
        %swap3A_1161 = tpu.vector_load %arg16[%swap3A_1159, %swap3A_1160] {strides = array<i32>} : memref<128x128xf32, #tpu.memory_space<vmem>>, vector<16xf32>,
        tpu.vector_store %arg16[%swap3A_1159, %swap3A_1160], %mul3A_1158 {strides = array<i32>} : memref<128x128xf32, #tpu.memory_space<vmem>>, vector<16xf32>,
        %get3A_1162 = arith.index_cast %add3A_1153 : i32 to index
        %get3A_1163 = arith.constant 16 : index
        %get3A_1164 = tpu.vector_load %arg16[%get3A_1162, %get3A_1163] {strides = array<i32>} : memref<128x128xf32, #tpu.memory_space<vmem>>, vector<16xf32>,
        %mul3A_1165 = vector.broadcast %squeeze3A_1149 : f32 to vector<16xf32>
        %mul3A_1166 = arith.mulf %get3A_1164, %mul3A_1165 : vector<16xf32>
        %swap3A_1167 = arith.index_cast %add3A_1153 : i32 to index
        %swap3A_1168 = arith.constant 16 : index
        %swap3A_1169 = tpu.vector_load %arg16[%swap3A_1167, %swap3A_1168] {strides = array<i32>} : memref<128x128xf32, #tpu.memory_space<vmem>>, vector<16xf32>,
        tpu.vector_store %arg16[%swap3A_1167, %swap3A_1168], %mul3A_1166 {strides = array<i32>} : memref<128x128xf32, #tpu.memory_space<vmem>>, vector<16xf32>,
        %get3A_1170 = arith.index_cast %add3A_1153 : i32 to index
        %get3A_1171 = arith.constant 32 : index
        %get3A_1172 = tpu.vector_load %arg16[%get3A_1170, %get3A_1171] {strides = array<i32>} : memref<128x128xf32, #tpu.memory_space<vmem>>, vector<16xf32>,
        %mul3A_1173 = vector.broadcast %squeeze3A_1149 : f32 to vector<16xf32>
        %mul3A_1174 = arith.mulf %get3A_1172, %mul3A_1173 : vector<16xf32>
        %swap3A_1175 = arith.index_cast %add3A_1153 : i32 to index
        %swap3A_1176 = arith.constant 32 : index
        %swap3A_1177 = tpu.vector_load %arg16[%swap3A_1175, %swap3A_1176] {strides = array<i32>} : memref<128x128xf32, #tpu.memory_space<vmem>>, vector<16xf32>,
        tpu.vector_store %arg16[%swap3A_1175, %swap3A_1176], %mul3A_1174 {strides = array<i32>} : memref<128x128xf32, #tpu.memory_space<vmem>>, vector<16xf32>,
        %get3A_1178 = arith.index_cast %add3A_1153 : i32 to index
        %get3A_1179 = arith.constant 48 : index
        %get3A_1180 = tpu.vector_load %arg16[%get3A_1178, %get3A_1179] {strides = array<i32>} : memref<128x128xf32, #tpu.memory_space<vmem>>, vector<16xf32>,
        %mul3A_1181 = vector.broadcast %squeeze3A_1149 : f32 to vector<16xf32>
        %mul3A_1182 = arith.mulf %get3A_1180, %mul3A_1181 : vector<16xf32>
        %swap3A_1183 = arith.index_cast %add3A_1153 : i32 to index
        %swap3A_1184 = arith.constant 48 : index
        %swap3A_1185 = tpu.vector_load %arg16[%swap3A_1183, %swap3A_1184] {strides = array<i32>} : memref<128x128xf32, #tpu.memory_space<vmem>>, vector<16xf32>,
        tpu.vector_store %arg16[%swap3A_1183, %swap3A_1184], %mul3A_1182 {strides = array<i32>} : memref<128x128xf32, #tpu.memory_space<vmem>>, vector<16xf32>,
        %get3A_1186 = arith.index_cast %add3A_1153 : i32 to index
        %get3A_1187 = arith.constant 64 : index
        %get3A_1188 = tpu.vector_load %arg16[%get3A_1186, %get3A_1187] {strides = array<i32>} : memref<128x128xf32, #tpu.memory_space<vmem>>, vector<16xf32>,
        %mul3A_1189 = vector.broadcast %squeeze3A_1149 : f32 to vector<16xf32>
        %mul3A_1190 = arith.mulf %get3A_1188, %mul3A_1189 : vector<16xf32>
        %swap3A_1191 = arith.index_cast %add3A_1153 : i32 to index
        %swap3A_1192 = arith.constant 64 : index
        %swap3A_1193 = tpu.vector_load %arg16[%swap3A_1191, %swap3A_1192] {strides = array<i32>} : memref<128x128xf32, #tpu.memory_space<vmem>>, vector<16xf32>,
        tpu.vector_store %arg16[%swap3A_1191, %swap3A_1192], %mul3A_1190 {strides = array<i32>} : memref<128x128xf32, #tpu.memory_space<vmem>>, vector<16xf32>,
        %get3A_1194 = arith.index_cast %add3A_1153 : i32 to index
        %get3A_1195 = arith.constant 80 : index
        %get3A_1196 = tpu.vector_load %arg16[%get3A_1194, %get3A_1195] {strides = array<i32>} : memref<128x128xf32, #tpu.memory_space<vmem>>, vector<16xf32>,
        %mul3A_1197 = vector.broadcast %squeeze3A_1149 : f32 to vector<16xf32>
        %mul3A_1198 = arith.mulf %get3A_1196, %mul3A_1197 : vector<16xf32>
        %swap3A_1199 = arith.index_cast %add3A_1153 : i32 to index
        %swap3A_1200 = arith.constant 80 : index
        %swap3A_1201 = tpu.vector_load %arg16[%swap3A_1199, %swap3A_1200] {strides = array<i32>} : memref<128x128xf32, #tpu.memory_space<vmem>>, vector<16xf32>,
        tpu.vector_store %arg16[%swap3A_1199, %swap3A_1200], %mul3A_1198 {strides = array<i32>} : memref<128x128xf32, #tpu.memory_space<vmem>>, vector<16xf32>,
        %get3A_1202 = arith.index_cast %add3A_1153 : i32 to index
        %get3A_1203 = arith.constant 96 : index
        %get3A_1204 = tpu.vector_load %arg16[%get3A_1202, %get3A_1203] {strides = array<i32>} : memref<128x128xf32, #tpu.memory_space<vmem>>, vector<16xf32>,
        %mul3A_1205 = vector.broadcast %squeeze3A_1149 : f32 to vector<16xf32>
        %mul3A_1206 = arith.mulf %get3A_1204, %mul3A_1205 : vector<16xf32>
        %swap3A_1207 = arith.index_cast %add3A_1153 : i32 to index
        %swap3A_1208 = arith.constant 96 : index
        %swap3A_1209 = tpu.vector_load %arg16[%swap3A_1207, %swap3A_1208] {strides = array<i32>} : memref<128x128xf32, #tpu.memory_space<vmem>>, vector<16xf32>,
        tpu.vector_store %arg16[%swap3A_1207, %swap3A_1208], %mul3A_1206 {strides = array<i32>} : memref<128x128xf32, #tpu.memory_space<vmem>>, vector<16xf32>,
        %get3A_1210 = arith.index_cast %add3A_1153 : i32 to index
        %get3A_1211 = arith.constant 112 : index
        %get3A_1212 = tpu.vector_load %arg16[%get3A_1210, %get3A_1211] {strides = array<i32>} : memref<128x128xf32, #tpu.memory_space<vmem>>, vector<16xf32>,
        %mul3A_1213 = vector.broadcast %squeeze3A_1149 : f32 to vector<16xf32>
        %mul3A_1214 = arith.mulf %get3A_1212, %mul3A_1213 : vector<16xf32>
        %swap3A_1215 = arith.index_cast %add3A_1153 : i32 to index
        %swap3A_1216 = arith.constant 112 : index
        %swap3A_1217 = tpu.vector_load %arg16[%swap3A_1215, %swap3A_1216] {strides = array<i32>} : memref<128x128xf32, #tpu.memory_space<vmem>>, vector<16xf32>,
        tpu.vector_store %arg16[%swap3A_1215, %swap3A_1216], %mul3A_1214 {strides = array<i32>} : memref<128x128xf32, #tpu.memory_space<vmem>>, vector<16xf32>,
        %slice3A_1218 = vector.extract_strided_slice %get3A_310 {offsets = [13], sizes = [1], strides = [1]} : vector<16xf32> to vector<1xf32>
        %squeeze3A_1219 = vector.extract %slice3A_1218[0] : f32 from vector<1xf32>
        %mul3A_1220 = arith.constant 16 : i32
        %mul3A_1221 = arith.muli %scan3A_304, %mul3A_1220 : i32
        %add3A_1222 = arith.constant 13 : i32
        %add3A_1223 = arith.addi %mul3A_1221, %add3A_1222 : i32
        %get3A_1224 = arith.index_cast %add3A_1223 : i32 to index
        %get3A_1225 = arith.constant 0 : index
        %get3A_1226 = tpu.vector_load %arg16[%get3A_1224, %get3A_1225] {strides = array<i32>} : memref<128x128xf32, #tpu.memory_space<vmem>>, vector<16xf32>,
        %mul3A_1227 = vector.broadcast %squeeze3A_1219 : f32 to vector<16xf32>
        %mul3A_1228 = arith.mulf %get3A_1226, %mul3A_1227 : vector<16xf32>
        %swap3A_1229 = arith.index_cast %add3A_1223 : i32 to index
        %swap3A_1230 = arith.constant 0 : index
        %swap3A_1231 = tpu.vector_load %arg16[%swap3A_1229, %swap3A_1230] {strides = array<i32>} : memref<128x128xf32, #tpu.memory_space<vmem>>, vector<16xf32>,
        tpu.vector_store %arg16[%swap3A_1229, %swap3A_1230], %mul3A_1228 {strides = array<i32>} : memref<128x128xf32, #tpu.memory_space<vmem>>, vector<16xf32>,
        %get3A_1232 = arith.index_cast %add3A_1223 : i32 to index
        %get3A_1233 = arith.constant 16 : index
        %get3A_1234 = tpu.vector_load %arg16[%get3A_1232, %get3A_1233] {strides = array<i32>} : memref<128x128xf32, #tpu.memory_space<vmem>>, vector<16xf32>,
        %mul3A_1235 = vector.broadcast %squeeze3A_1219 : f32 to vector<16xf32>
        %mul3A_1236 = arith.mulf %get3A_1234, %mul3A_1235 : vector<16xf32>
        %swap3A_1237 = arith.index_cast %add3A_1223 : i32 to index
        %swap3A_1238 = arith.constant 16 : index
        %swap3A_1239 = tpu.vector_load %arg16[%swap3A_1237, %swap3A_1238] {strides = array<i32>} : memref<128x128xf32, #tpu.memory_space<vmem>>, vector<16xf32>,
        tpu.vector_store %arg16[%swap3A_1237, %swap3A_1238], %mul3A_1236 {strides = array<i32>} : memref<128x128xf32, #tpu.memory_space<vmem>>, vector<16xf32>,
        %get3A_1240 = arith.index_cast %add3A_1223 : i32 to index
        %get3A_1241 = arith.constant 32 : index
        %get3A_1242 = tpu.vector_load %arg16[%get3A_1240, %get3A_1241] {strides = array<i32>} : memref<128x128xf32, #tpu.memory_space<vmem>>, vector<16xf32>,
        %mul3A_1243 = vector.broadcast %squeeze3A_1219 : f32 to vector<16xf32>
        %mul3A_1244 = arith.mulf %get3A_1242, %mul3A_1243 : vector<16xf32>
        %swap3A_1245 = arith.index_cast %add3A_1223 : i32 to index
        %swap3A_1246 = arith.constant 32 : index
        %swap3A_1247 = tpu.vector_load %arg16[%swap3A_1245, %swap3A_1246] {strides = array<i32>} : memref<128x128xf32, #tpu.memory_space<vmem>>, vector<16xf32>,
        tpu.vector_store %arg16[%swap3A_1245, %swap3A_1246], %mul3A_1244 {strides = array<i32>} : memref<128x128xf32, #tpu.memory_space<vmem>>, vector<16xf32>,
        %get3A_1248 = arith.index_cast %add3A_1223 : i32 to index
        %get3A_1249 = arith.constant 48 : index
        %get3A_1250 = tpu.vector_load %arg16[%get3A_1248, %get3A_1249] {strides = array<i32>} : memref<128x128xf32, #tpu.memory_space<vmem>>, vector<16xf32>,
        %mul3A_1251 = vector.broadcast %squeeze3A_1219 : f32 to vector<16xf32>
        %mul3A_1252 = arith.mulf %get3A_1250, %mul3A_1251 : vector<16xf32>
        %swap3A_1253 = arith.index_cast %add3A_1223 : i32 to index
        %swap3A_1254 = arith.constant 48 : index
        %swap3A_1255 = tpu.vector_load %arg16[%swap3A_1253, %swap3A_1254] {strides = array<i32>} : memref<128x128xf32, #tpu.memory_space<vmem>>, vector<16xf32>,
        tpu.vector_store %arg16[%swap3A_1253, %swap3A_1254], %mul3A_1252 {strides = array<i32>} : memref<128x128xf32, #tpu.memory_space<vmem>>, vector<16xf32>,
        %get3A_1256 = arith.index_cast %add3A_1223 : i32 to index
        %get3A_1257 = arith.constant 64 : index
        %get3A_1258 = tpu.vector_load %arg16[%get3A_1256, %get3A_1257] {strides = array<i32>} : memref<128x128xf32, #tpu.memory_space<vmem>>, vector<16xf32>,
        %mul3A_1259 = vector.broadcast %squeeze3A_1219 : f32 to vector<16xf32>
        %mul3A_1260 = arith.mulf %get3A_1258, %mul3A_1259 : vector<16xf32>
        %swap3A_1261 = arith.index_cast %add3A_1223 : i32 to index
        %swap3A_1262 = arith.constant 64 : index
        %swap3A_1263 = tpu.vector_load %arg16[%swap3A_1261, %swap3A_1262] {strides = array<i32>} : memref<128x128xf32, #tpu.memory_space<vmem>>, vector<16xf32>,
        tpu.vector_store %arg16[%swap3A_1261, %swap3A_1262], %mul3A_1260 {strides = array<i32>} : memref<128x128xf32, #tpu.memory_space<vmem>>, vector<16xf32>,
        %get3A_1264 = arith.index_cast %add3A_1223 : i32 to index
        %get3A_1265 = arith.constant 80 : index
        %get3A_1266 = tpu.vector_load %arg16[%get3A_1264, %get3A_1265] {strides = array<i32>} : memref<128x128xf32, #tpu.memory_space<vmem>>, vector<16xf32>,
        %mul3A_1267 = vector.broadcast %squeeze3A_1219 : f32 to vector<16xf32>
        %mul3A_1268 = arith.mulf %get3A_1266, %mul3A_1267 : vector<16xf32>
        %swap3A_1269 = arith.index_cast %add3A_1223 : i32 to index
        %swap3A_1270 = arith.constant 80 : index
        %swap3A_1271 = tpu.vector_load %arg16[%swap3A_1269, %swap3A_1270] {strides = array<i32>} : memref<128x128xf32, #tpu.memory_space<vmem>>, vector<16xf32>,
        tpu.vector_store %arg16[%swap3A_1269, %swap3A_1270], %mul3A_1268 {strides = array<i32>} : memref<128x128xf32, #tpu.memory_space<vmem>>, vector<16xf32>,
        %get3A_1272 = arith.index_cast %add3A_1223 : i32 to index
        %get3A_1273 = arith.constant 96 : index
        %get3A_1274 = tpu.vector_load %arg16[%get3A_1272, %get3A_1273] {strides = array<i32>} : memref<128x128xf32, #tpu.memory_space<vmem>>, vector<16xf32>,
        %mul3A_1275 = vector.broadcast %squeeze3A_1219 : f32 to vector<16xf32>
        %mul3A_1276 = arith.mulf %get3A_1274, %mul3A_1275 : vector<16xf32>
        %swap3A_1277 = arith.index_cast %add3A_1223 : i32 to index
        %swap3A_1278 = arith.constant 96 : index
        %swap3A_1279 = tpu.vector_load %arg16[%swap3A_1277, %swap3A_1278] {strides = array<i32>} : memref<128x128xf32, #tpu.memory_space<vmem>>, vector<16xf32>,
        tpu.vector_store %arg16[%swap3A_1277, %swap3A_1278], %mul3A_1276 {strides = array<i32>} : memref<128x128xf32, #tpu.memory_space<vmem>>, vector<16xf32>,
        %get3A_1280 = arith.index_cast %add3A_1223 : i32 to index
        %get3A_1281 = arith.constant 112 : index
        %get3A_1282 = tpu.vector_load %arg16[%get3A_1280, %get3A_1281] {strides = array<i32>} : memref<128x128xf32, #tpu.memory_space<vmem>>, vector<16xf32>,
        %mul3A_1283 = vector.broadcast %squeeze3A_1219 : f32 to vector<16xf32>
        %mul3A_1284 = arith.mulf %get3A_1282, %mul3A_1283 : vector<16xf32>
        %swap3A_1285 = arith.index_cast %add3A_1223 : i32 to index
        %swap3A_1286 = arith.constant 112 : index
        %swap3A_1287 = tpu.vector_load %arg16[%swap3A_1285, %swap3A_1286] {strides = array<i32>} : memref<128x128xf32, #tpu.memory_space<vmem>>, vector<16xf32>,
        tpu.vector_store %arg16[%swap3A_1285, %swap3A_1286], %mul3A_1284 {strides = array<i32>} : memref<128x128xf32, #tpu.memory_space<vmem>>, vector<16xf32>,
        %slice3A_1288 = vector.extract_strided_slice %get3A_310 {offsets = [14], sizes = [1], strides = [1]} : vector<16xf32> to vector<1xf32>
        %squeeze3A_1289 = vector.extract %slice3A_1288[0] : f32 from vector<1xf32>
        %mul3A_1290 = arith.constant 16 : i32
        %mul3A_1291 = arith.muli %scan3A_304, %mul3A_1290 : i32
        %add3A_1292 = arith.constant 14 : i32
        %add3A_1293 = arith.addi %mul3A_1291, %add3A_1292 : i32
        %get3A_1294 = arith.index_cast %add3A_1293 : i32 to index
        %get3A_1295 = arith.constant 0 : index
        %get3A_1296 = tpu.vector_load %arg16[%get3A_1294, %get3A_1295] {strides = array<i32>} : memref<128x128xf32, #tpu.memory_space<vmem>>, vector<16xf32>,
        %mul3A_1297 = vector.broadcast %squeeze3A_1289 : f32 to vector<16xf32>
        %mul3A_1298 = arith.mulf %get3A_1296, %mul3A_1297 : vector<16xf32>
        %swap3A_1299 = arith.index_cast %add3A_1293 : i32 to index
        %swap3A_1300 = arith.constant 0 : index
        %swap3A_1301 = tpu.vector_load %arg16[%swap3A_1299, %swap3A_1300] {strides = array<i32>} : memref<128x128xf32, #tpu.memory_space<vmem>>, vector<16xf32>,
        tpu.vector_store %arg16[%swap3A_1299, %swap3A_1300], %mul3A_1298 {strides = array<i32>} : memref<128x128xf32, #tpu.memory_space<vmem>>, vector<16xf32>,
        %get3A_1302 = arith.index_cast %add3A_1293 : i32 to index
        %get3A_1303 = arith.constant 16 : index
        %get3A_1304 = tpu.vector_load %arg16[%get3A_1302, %get3A_1303] {strides = array<i32>} : memref<128x128xf32, #tpu.memory_space<vmem>>, vector<16xf32>,
        %mul3A_1305 = vector.broadcast %squeeze3A_1289 : f32 to vector<16xf32>
        %mul3A_1306 = arith.mulf %get3A_1304, %mul3A_1305 : vector<16xf32>
        %swap3A_1307 = arith.index_cast %add3A_1293 : i32 to index
        %swap3A_1308 = arith.constant 16 : index
        %swap3A_1309 = tpu.vector_load %arg16[%swap3A_1307, %swap3A_1308] {strides = array<i32>} : memref<128x128xf32, #tpu.memory_space<vmem>>, vector<16xf32>,
        tpu.vector_store %arg16[%swap3A_1307, %swap3A_1308], %mul3A_1306 {strides = array<i32>} : memref<128x128xf32, #tpu.memory_space<vmem>>, vector<16xf32>,
        %get3A_1310 = arith.index_cast %add3A_1293 : i32 to index
        %get3A_1311 = arith.constant 32 : index
        %get3A_1312 = tpu.vector_load %arg16[%get3A_1310, %get3A_1311] {strides = array<i32>} : memref<128x128xf32, #tpu.memory_space<vmem>>, vector<16xf32>,
        %mul3A_1313 = vector.broadcast %squeeze3A_1289 : f32 to vector<16xf32>
        %mul3A_1314 = arith.mulf %get3A_1312, %mul3A_1313 : vector<16xf32>
        %swap3A_1315 = arith.index_cast %add3A_1293 : i32 to index
        %swap3A_1316 = arith.constant 32 : index
        %swap3A_1317 = tpu.vector_load %arg16[%swap3A_1315, %swap3A_1316] {strides = array<i32>} : memref<128x128xf32, #tpu.memory_space<vmem>>, vector<16xf32>,
        tpu.vector_store %arg16[%swap3A_1315, %swap3A_1316], %mul3A_1314 {strides = array<i32>} : memref<128x128xf32, #tpu.memory_space<vmem>>, vector<16xf32>,
        %get3A_1318 = arith.index_cast %add3A_1293 : i32 to index
        %get3A_1319 = arith.constant 48 : index
        %get3A_1320 = tpu.vector_load %arg16[%get3A_1318, %get3A_1319] {strides = array<i32>} : memref<128x128xf32, #tpu.memory_space<vmem>>, vector<16xf32>,
        %mul3A_1321 = vector.broadcast %squeeze3A_1289 : f32 to vector<16xf32>
        %mul3A_1322 = arith.mulf %get3A_1320, %mul3A_1321 : vector<16xf32>
        %swap3A_1323 = arith.index_cast %add3A_1293 : i32 to index
        %swap3A_1324 = arith.constant 48 : index
        %swap3A_1325 = tpu.vector_load %arg16[%swap3A_1323, %swap3A_1324] {strides = array<i32>} : memref<128x128xf32, #tpu.memory_space<vmem>>, vector<16xf32>,
        tpu.vector_store %arg16[%swap3A_1323, %swap3A_1324], %mul3A_1322 {strides = array<i32>} : memref<128x128xf32, #tpu.memory_space<vmem>>, vector<16xf32>,
        %get3A_1326 = arith.index_cast %add3A_1293 : i32 to index
        %get3A_1327 = arith.constant 64 : index
        %get3A_1328 = tpu.vector_load %arg16[%get3A_1326, %get3A_1327] {strides = array<i32>} : memref<128x128xf32, #tpu.memory_space<vmem>>, vector<16xf32>,
        %mul3A_1329 = vector.broadcast %squeeze3A_1289 : f32 to vector<16xf32>
        %mul3A_1330 = arith.mulf %get3A_1328, %mul3A_1329 : vector<16xf32>
        %swap3A_1331 = arith.index_cast %add3A_1293 : i32 to index
        %swap3A_1332 = arith.constant 64 : index
        %swap3A_1333 = tpu.vector_load %arg16[%swap3A_1331, %swap3A_1332] {strides = array<i32>} : memref<128x128xf32, #tpu.memory_space<vmem>>, vector<16xf32>,
        tpu.vector_store %arg16[%swap3A_1331, %swap3A_1332], %mul3A_1330 {strides = array<i32>} : memref<128x128xf32, #tpu.memory_space<vmem>>, vector<16xf32>,
        %get3A_1334 = arith.index_cast %add3A_1293 : i32 to index
        %get3A_1335 = arith.constant 80 : index
        %get3A_1336 = tpu.vector_load %arg16[%get3A_1334, %get3A_1335] {strides = array<i32>} : memref<128x128xf32, #tpu.memory_space<vmem>>, vector<16xf32>,
        %mul3A_1337 = vector.broadcast %squeeze3A_1289 : f32 to vector<16xf32>
        %mul3A_1338 = arith.mulf %get3A_1336, %mul3A_1337 : vector<16xf32>
        %swap3A_1339 = arith.index_cast %add3A_1293 : i32 to index
        %swap3A_1340 = arith.constant 80 : index
        %swap3A_1341 = tpu.vector_load %arg16[%swap3A_1339, %swap3A_1340] {strides = array<i32>} : memref<128x128xf32, #tpu.memory_space<vmem>>, vector<16xf32>,
        tpu.vector_store %arg16[%swap3A_1339, %swap3A_1340], %mul3A_1338 {strides = array<i32>} : memref<128x128xf32, #tpu.memory_space<vmem>>, vector<16xf32>,
        %get3A_1342 = arith.index_cast %add3A_1293 : i32 to index
        %get3A_1343 = arith.constant 96 : index
        %get3A_1344 = tpu.vector_load %arg16[%get3A_1342, %get3A_1343] {strides = array<i32>} : memref<128x128xf32, #tpu.memory_space<vmem>>, vector<16xf32>,
        %mul3A_1345 = vector.broadcast %squeeze3A_1289 : f32 to vector<16xf32>
        %mul3A_1346 = arith.mulf %get3A_1344, %mul3A_1345 : vector<16xf32>
        %swap3A_1347 = arith.index_cast %add3A_1293 : i32 to index
        %swap3A_1348 = arith.constant 96 : index
        %swap3A_1349 = tpu.vector_load %arg16[%swap3A_1347, %swap3A_1348] {strides = array<i32>} : memref<128x128xf32, #tpu.memory_space<vmem>>, vector<16xf32>,
        tpu.vector_store %arg16[%swap3A_1347, %swap3A_1348], %mul3A_1346 {strides = array<i32>} : memref<128x128xf32, #tpu.memory_space<vmem>>, vector<16xf32>,
        %get3A_1350 = arith.index_cast %add3A_1293 : i32 to index
        %get3A_1351 = arith.constant 112 : index
        %get3A_1352 = tpu.vector_load %arg16[%get3A_1350, %get3A_1351] {strides = array<i32>} : memref<128x128xf32, #tpu.memory_space<vmem>>, vector<16xf32>,
        %mul3A_1353 = vector.broadcast %squeeze3A_1289 : f32 to vector<16xf32>
        %mul3A_1354 = arith.mulf %get3A_1352, %mul3A_1353 : vector<16xf32>
        %swap3A_1355 = arith.index_cast %add3A_1293 : i32 to index
        %swap3A_1356 = arith.constant 112 : index
        %swap3A_1357 = tpu.vector_load %arg16[%swap3A_1355, %swap3A_1356] {strides = array<i32>} : memref<128x128xf32, #tpu.memory_space<vmem>>, vector<16xf32>,
        tpu.vector_store %arg16[%swap3A_1355, %swap3A_1356], %mul3A_1354 {strides = array<i32>} : memref<128x128xf32, #tpu.memory_space<vmem>>, vector<16xf32>,
        %slice3A_1358 = vector.extract_strided_slice %get3A_310 {offsets = [15], sizes = [1], strides = [1]} : vector<16xf32> to vector<1xf32>
        %squeeze3A_1359 = vector.extract %slice3A_1358[0] : f32 from vector<1xf32>
        %mul3A_1360 = arith.constant 16 : i32
        %mul3A_1361 = arith.muli %scan3A_304, %mul3A_1360 : i32
        %add3A_1362 = arith.constant 15 : i32
        %add3A_1363 = arith.addi %mul3A_1361, %add3A_1362 : i32
        %get3A_1364 = arith.index_cast %add3A_1363 : i32 to index
        %get3A_1365 = arith.constant 0 : index
        %get3A_1366 = tpu.vector_load %arg16[%get3A_1364, %get3A_1365] {strides = array<i32>} : memref<128x128xf32, #tpu.memory_space<vmem>>, vector<16xf32>,
        %mul3A_1367 = vector.broadcast %squeeze3A_1359 : f32 to vector<16xf32>
        %mul3A_1368 = arith.mulf %get3A_1366, %mul3A_1367 : vector<16xf32>
        %swap3A_1369 = arith.index_cast %add3A_1363 : i32 to index
        %swap3A_1370 = arith.constant 0 : index
        %swap3A_1371 = tpu.vector_load %arg16[%swap3A_1369, %swap3A_1370] {strides = array<i32>} : memref<128x128xf32, #tpu.memory_space<vmem>>, vector<16xf32>,
        tpu.vector_store %arg16[%swap3A_1369, %swap3A_1370], %mul3A_1368 {strides = array<i32>} : memref<128x128xf32, #tpu.memory_space<vmem>>, vector<16xf32>,
        %get3A_1372 = arith.index_cast %add3A_1363 : i32 to index
        %get3A_1373 = arith.constant 16 : index
        %get3A_1374 = tpu.vector_load %arg16[%get3A_1372, %get3A_1373] {strides = array<i32>} : memref<128x128xf32, #tpu.memory_space<vmem>>, vector<16xf32>,
        %mul3A_1375 = vector.broadcast %squeeze3A_1359 : f32 to vector<16xf32>
        %mul3A_1376 = arith.mulf %get3A_1374, %mul3A_1375 : vector<16xf32>
        %swap3A_1377 = arith.index_cast %add3A_1363 : i32 to index
        %swap3A_1378 = arith.constant 16 : index
        %swap3A_1379 = tpu.vector_load %arg16[%swap3A_1377, %swap3A_1378] {strides = array<i32>} : memref<128x128xf32, #tpu.memory_space<vmem>>, vector<16xf32>,
        tpu.vector_store %arg16[%swap3A_1377, %swap3A_1378], %mul3A_1376 {strides = array<i32>} : memref<128x128xf32, #tpu.memory_space<vmem>>, vector<16xf32>,
        %get3A_1380 = arith.index_cast %add3A_1363 : i32 to index
        %get3A_1381 = arith.constant 32 : index
        %get3A_1382 = tpu.vector_load %arg16[%get3A_1380, %get3A_1381] {strides = array<i32>} : memref<128x128xf32, #tpu.memory_space<vmem>>, vector<16xf32>,
        %mul3A_1383 = vector.broadcast %squeeze3A_1359 : f32 to vector<16xf32>
        %mul3A_1384 = arith.mulf %get3A_1382, %mul3A_1383 : vector<16xf32>
        %swap3A_1385 = arith.index_cast %add3A_1363 : i32 to index
        %swap3A_1386 = arith.constant 32 : index
        %swap3A_1387 = tpu.vector_load %arg16[%swap3A_1385, %swap3A_1386] {strides = array<i32>} : memref<128x128xf32, #tpu.memory_space<vmem>>, vector<16xf32>,
        tpu.vector_store %arg16[%swap3A_1385, %swap3A_1386], %mul3A_1384 {strides = array<i32>} : memref<128x128xf32, #tpu.memory_space<vmem>>, vector<16xf32>,
        %get3A_1388 = arith.index_cast %add3A_1363 : i32 to index
        %get3A_1389 = arith.constant 48 : index
        %get3A_1390 = tpu.vector_load %arg16[%get3A_1388, %get3A_1389] {strides = array<i32>} : memref<128x128xf32, #tpu.memory_space<vmem>>, vector<16xf32>,
        %mul3A_1391 = vector.broadcast %squeeze3A_1359 : f32 to vector<16xf32>
        %mul3A_1392 = arith.mulf %get3A_1390, %mul3A_1391 : vector<16xf32>
        %swap3A_1393 = arith.index_cast %add3A_1363 : i32 to index
        %swap3A_1394 = arith.constant 48 : index
        %swap3A_1395 = tpu.vector_load %arg16[%swap3A_1393, %swap3A_1394] {strides = array<i32>} : memref<128x128xf32, #tpu.memory_space<vmem>>, vector<16xf32>,
        tpu.vector_store %arg16[%swap3A_1393, %swap3A_1394], %mul3A_1392 {strides = array<i32>} : memref<128x128xf32, #tpu.memory_space<vmem>>, vector<16xf32>,
        %get3A_1396 = arith.index_cast %add3A_1363 : i32 to index
        %get3A_1397 = arith.constant 64 : index
        %get3A_1398 = tpu.vector_load %arg16[%get3A_1396, %get3A_1397] {strides = array<i32>} : memref<128x128xf32, #tpu.memory_space<vmem>>, vector<16xf32>,
        %mul3A_1399 = vector.broadcast %squeeze3A_1359 : f32 to vector<16xf32>
        %mul3A_1400 = arith.mulf %get3A_1398, %mul3A_1399 : vector<16xf32>
        %swap3A_1401 = arith.index_cast %add3A_1363 : i32 to index
        %swap3A_1402 = arith.constant 64 : index
        %swap3A_1403 = tpu.vector_load %arg16[%swap3A_1401, %swap3A_1402] {strides = array<i32>} : memref<128x128xf32, #tpu.memory_space<vmem>>, vector<16xf32>,
        tpu.vector_store %arg16[%swap3A_1401, %swap3A_1402], %mul3A_1400 {strides = array<i32>} : memref<128x128xf32, #tpu.memory_space<vmem>>, vector<16xf32>,
        %get3A_1404 = arith.index_cast %add3A_1363 : i32 to index
        %get3A_1405 = arith.constant 80 : index
        %get3A_1406 = tpu.vector_load %arg16[%get3A_1404, %get3A_1405] {strides = array<i32>} : memref<128x128xf32, #tpu.memory_space<vmem>>, vector<16xf32>,
        %mul3A_1407 = vector.broadcast %squeeze3A_1359 : f32 to vector<16xf32>
        %mul3A_1408 = arith.mulf %get3A_1406, %mul3A_1407 : vector<16xf32>
        %swap3A_1409 = arith.index_cast %add3A_1363 : i32 to index
        %swap3A_1410 = arith.constant 80 : index
        %swap3A_1411 = tpu.vector_load %arg16[%swap3A_1409, %swap3A_1410] {strides = array<i32>} : memref<128x128xf32, #tpu.memory_space<vmem>>, vector<16xf32>,
        tpu.vector_store %arg16[%swap3A_1409, %swap3A_1410], %mul3A_1408 {strides = array<i32>} : memref<128x128xf32, #tpu.memory_space<vmem>>, vector<16xf32>,
        %get3A_1412 = arith.index_cast %add3A_1363 : i32 to index
        %get3A_1413 = arith.constant 96 : index
        %get3A_1414 = tpu.vector_load %arg16[%get3A_1412, %get3A_1413] {strides = array<i32>} : memref<128x128xf32, #tpu.memory_space<vmem>>, vector<16xf32>,
        %mul3A_1415 = vector.broadcast %squeeze3A_1359 : f32 to vector<16xf32>
        %mul3A_1416 = arith.mulf %get3A_1414, %mul3A_1415 : vector<16xf32>
        %swap3A_1417 = arith.index_cast %add3A_1363 : i32 to index
        %swap3A_1418 = arith.constant 96 : index
        %swap3A_1419 = tpu.vector_load %arg16[%swap3A_1417, %swap3A_1418] {strides = array<i32>} : memref<128x128xf32, #tpu.memory_space<vmem>>, vector<16xf32>,
        tpu.vector_store %arg16[%swap3A_1417, %swap3A_1418], %mul3A_1416 {strides = array<i32>} : memref<128x128xf32, #tpu.memory_space<vmem>>, vector<16xf32>,
        %get3A_1420 = arith.index_cast %add3A_1363 : i32 to index
        %get3A_1421 = arith.constant 112 : index
        %get3A_1422 = tpu.vector_load %arg16[%get3A_1420, %get3A_1421] {strides = array<i32>} : memref<128x128xf32, #tpu.memory_space<vmem>>, vector<16xf32>,
        %mul3A_1423 = vector.broadcast %squeeze3A_1359 : f32 to vector<16xf32>
        %mul3A_1424 = arith.mulf %get3A_1422, %mul3A_1423 : vector<16xf32>
        %swap3A_1425 = arith.index_cast %add3A_1363 : i32 to index
        %swap3A_1426 = arith.constant 112 : index
        %swap3A_1427 = tpu.vector_load %arg16[%swap3A_1425, %swap3A_1426] {strides = array<i32>} : memref<128x128xf32, #tpu.memory_space<vmem>>, vector<16xf32>,
        tpu.vector_store %arg16[%swap3A_1425, %swap3A_1426], %mul3A_1424 {strides = array<i32>} : memref<128x128xf32, #tpu.memory_space<vmem>>, vector<16xf32>,
        %scan3A_1428 = arith.constant 0 : i32
        scf.yield %scan3A_1428 : i32
      }
      %scan3A_261 = arith.constant 8 : i32
      %add3A_262 = arith.constant 0 : i32
      %add3A_263 = arith.addi %mul3A_32, %add3A_262 : i32
      %multiple_of3A_264 = tpu.assume_multiple %add3A_263, 128 : i32
      %mul3A_265 = arith.constant 128 : i32
      %mul3A_266 = arith.muli %scan3A_175, %mul3A_265 : i32
      %multiple_of3A_267 = tpu.assume_multiple %mul3A_266, 128 : i32
      %dma_start3A_268 = tpu.memref_slice %arg5[%select_n3A, %multiple_of3A_264, %multiple_of3A_267] : memref<4x2048x1024xf32, #tpu.memory_space<hbm>> -> memref<1x128x128xf32, #tpu.memory_space<hbm>>
      %dma_start3A_269 = tpu.memref_squeeze %dma_start3A_268 : memref<1x128x128xf32, #tpu.memory_space<hbm>> -> memref<128x128xf32, #tpu.memory_space<hbm>>
      %dma_start3A_270 = tpu.memref_slice %arg5[%select_n3A, %multiple_of3A_264, %multiple_of3A_267] : memref<4x2048x1024xf32, #tpu.memory_space<hbm>> -> memref<1x128x128xf32, #tpu.memory_space<hbm>>
      %dma_start3A_271 = tpu.memref_squeeze %dma_start3A_270 : memref<1x128x128xf32, #tpu.memory_space<hbm>> -> memref<128x128xf32, #tpu.memory_space<hbm>>
      tpu.enqueue_dma source(%arg16 : memref<128x128xf32, #tpu.memory_space<vmem>>) target(%dma_start3A_271 : memref<128x128xf32, #tpu.memory_space<hbm>>) target_semaphore(%arg26 : memref<!tpu.dma_semaphore, #tpu.memory_space<semaphore_mem>>)
      %add3A_272 = arith.constant 128 : i32
      %add3A_273 = arith.addi %mul3A_34, %add3A_272 : i32
      %multiple_of3A_274 = tpu.assume_multiple %add3A_273, 8 : i32
      %dma_wait3A_275 = arith.constant 0 : i32
      %dma_wait3A_276 = tpu.memref_slice %arg19[%multiple_of3A_274, %dma_wait3A_275] : memref<4224x128xf32, #tpu.memory_space<vmem_shared>> -> memref<128x128xf32, #tpu.memory_space<vmem_shared>>
      %dma_wait3A_277 = arith.constant 0 : i32
      %dma_wait3A_278 = tpu.memref_slice %arg19[%multiple_of3A_274, %dma_wait3A_277] : memref<4224x128xf32, #tpu.memory_space<vmem_shared>> -> memref<128x128xf32, #tpu.memory_space<vmem_shared>>
      tpu.wait_dma2 semaphore(%arg25 : memref<!tpu.dma_semaphore, #tpu.memory_space<semaphore_mem>>) src(%dma_wait3A_278 : memref<128x128xf32, #tpu.memory_space<vmem_shared>>) dst(%arg17 : memref<128x128xf32, #tpu.memory_space<vmem>>)
      %add3A_279 = arith.constant 1 : i32
      %add3A_280 = arith.addi %scan3A_175, %add3A_279 : i32
      %lt3A_281 = arith.constant 8 : i32
      %lt3A_282 = arith.cmpi slt, %add3A_280, %lt3A_281 : i32
      %convert_element_type3A_283 = arith.extui %lt3A_282 : i1 to i32
      %cond3A_284 = arith.constant 0 : i32
      %cond3A_285 = arith.cmpi ne, %convert_element_type3A_283, %cond3A_284 : i32
      scf.if %cond3A_285 {
        %add3A_304 = arith.constant 1 : i32
        %add3A_305 = arith.addi %scan3A_175, %add3A_304 : i32
        %add3A_306 = arith.constant 0 : i32
        %add3A_307 = arith.addi %mul3A_34, %add3A_306 : i32
        %add3A_308 = arith.constant 0 : i32
        %add3A_309 = arith.addi %add3A_307, %add3A_308 : i32
        %multiple_of3A_310 = tpu.assume_multiple %add3A_309, 8 : i32
        %dma_start3A_311 = arith.constant 0 : i32
        %dma_start3A_312 = tpu.memref_slice %arg19[%multiple_of3A_310, %dma_start3A_311] : memref<4224x128xf32, #tpu.memory_space<vmem_shared>> -> memref<64x128xf32, #tpu.memory_space<vmem_shared>>
        %dma_start3A_313 = arith.constant 0 : i32
        %dma_start3A_314 = tpu.memref_slice %arg19[%multiple_of3A_310, %dma_start3A_313] : memref<4224x128xf32, #tpu.memory_space<vmem_shared>> -> memref<64x128xf32, #tpu.memory_space<vmem_shared>>
        tpu.enqueue_dma source(%arg18 : memref<64x128xf32, #tpu.memory_space<vmem>>) target(%dma_start3A_314 : memref<64x128xf32, #tpu.memory_space<vmem_shared>>) target_semaphore(%arg22 : memref<!tpu.dma_semaphore, #tpu.memory_space<semaphore_mem>>)
        %add3A_315 = arith.constant 0 : i32
        %add3A_316 = arith.addi %mul3A_34, %add3A_315 : i32
        %add3A_317 = arith.constant 64 : i32
        %add3A_318 = arith.addi %add3A_316, %add3A_317 : i32
        %multiple_of3A_319 = tpu.assume_multiple %add3A_318, 8 : i32
        %dma_start3A_320 = arith.constant 0 : i32
        %dma_start3A_321 = tpu.memref_slice %arg19[%multiple_of3A_319, %dma_start3A_320] : memref<4224x128xf32, #tpu.memory_space<vmem_shared>> -> memref<64x128xf32, #tpu.memory_space<vmem_shared>>
        %dma_start3A_322 = arith.constant 0 : i32
        %dma_start3A_323 = tpu.memref_slice %arg19[%multiple_of3A_319, %dma_start3A_322] : memref<4224x128xf32, #tpu.memory_space<vmem_shared>> -> memref<64x128xf32, #tpu.memory_space<vmem_shared>>
        tpu.enqueue_dma source(%arg18 : memref<64x128xf32, #tpu.memory_space<vmem>>) target(%dma_start3A_323 : memref<64x128xf32, #tpu.memory_space<vmem_shared>>) target_semaphore(%arg22 : memref<!tpu.dma_semaphore, #tpu.memory_space<semaphore_mem>>)
        %add3A_324 = arith.constant 128 : i32
        %add3A_325 = arith.addi %mul3A_34, %add3A_324 : i32
        %add3A_326 = arith.constant 0 : i32
        %add3A_327 = arith.addi %add3A_325, %add3A_326 : i32
        %multiple_of3A_328 = tpu.assume_multiple %add3A_327, 8 : i32
        %dma_start3A_329 = arith.constant 0 : i32
        %dma_start3A_330 = tpu.memref_slice %arg19[%multiple_of3A_328, %dma_start3A_329] : memref<4224x128xf32, #tpu.memory_space<vmem_shared>> -> memref<64x128xf32, #tpu.memory_space<vmem_shared>>
        %dma_start3A_331 = arith.constant 0 : i32
        %dma_start3A_332 = tpu.memref_slice %arg19[%multiple_of3A_328, %dma_start3A_331] : memref<4224x128xf32, #tpu.memory_space<vmem_shared>> -> memref<64x128xf32, #tpu.memory_space<vmem_shared>>
        tpu.enqueue_dma source(%arg18 : memref<64x128xf32, #tpu.memory_space<vmem>>) target(%dma_start3A_332 : memref<64x128xf32, #tpu.memory_space<vmem_shared>>) target_semaphore(%arg23 : memref<!tpu.dma_semaphore, #tpu.memory_space<semaphore_mem>>)
        %add3A_333 = arith.constant 128 : i32
        %add3A_334 = arith.addi %mul3A_34, %add3A_333 : i32
        %add3A_335 = arith.constant 64 : i32
        %add3A_336 = arith.addi %add3A_334, %add3A_335 : i32
        %multiple_of3A_337 = tpu.assume_multiple %add3A_336, 8 : i32
        %dma_start3A_338 = arith.constant 0 : i32
        %dma_start3A_339 = tpu.memref_slice %arg19[%multiple_of3A_337, %dma_start3A_338] : memref<4224x128xf32, #tpu.memory_space<vmem_shared>> -> memref<64x128xf32, #tpu.memory_space<vmem_shared>>
        %dma_start3A_340 = arith.constant 0 : i32
        %dma_start3A_341 = tpu.memref_slice %arg19[%multiple_of3A_337, %dma_start3A_340] : memref<4224x128xf32, #tpu.memory_space<vmem_shared>> -> memref<64x128xf32, #tpu.memory_space<vmem_shared>>
        tpu.enqueue_dma source(%arg18 : memref<64x128xf32, #tpu.memory_space<vmem>>) target(%dma_start3A_341 : memref<64x128xf32, #tpu.memory_space<vmem_shared>>) target_semaphore(%arg23 : memref<!tpu.dma_semaphore, #tpu.memory_space<semaphore_mem>>)
        %gt3A_342 = arith.constant 0 : i32
        %gt3A_343 = arith.cmpi sgt, %sub3A_113, %gt3A_342 : i32
        %convert_element_type3A_344 = arith.extui %gt3A_343 : i1 to i32
        %cond3A_345 = arith.constant 0 : i32
        %cond3A_346 = arith.cmpi ne, %convert_element_type3A_344, %cond3A_345 : i32
        scf.if %cond3A_346 {
          %add3A_347 = arith.constant 1 : i32
          %add3A_348 = arith.addi %scan3A_175, %add3A_347 : i32
          %mul3A_349 = arith.constant 128 : i32
          %mul3A_350 = arith.muli %div3A_108, %mul3A_349 : i32
          %multiple_of3A_351 = tpu.assume_multiple %mul3A_350, 128 : i32
          %mul3A_352 = arith.constant 128 : i32
          %mul3A_353 = arith.muli %add3A_348, %mul3A_352 : i32
          %multiple_of3A_354 = tpu.assume_multiple %mul3A_353, 128 : i32
          %dma_start3A_355 = tpu.memref_slice %arg2[%select_n3A, %multiple_of3A_351, %multiple_of3A_354] : memref<4x4096x1024xf32, #tpu.memory_space<hbm>> -> memref<1x128x128xf32, #tpu.memory_space<hbm>>
          %dma_start3A_356 = tpu.memref_squeeze %dma_start3A_355 : memref<1x128x128xf32, #tpu.memory_space<hbm>> -> memref<128x128xf32, #tpu.memory_space<hbm>>
          %dma_start3A_357 = tpu.memref_slice %arg2[%select_n3A, %multiple_of3A_351, %multiple_of3A_354] : memref<4x4096x1024xf32, #tpu.memory_space<hbm>> -> memref<1x128x128xf32, #tpu.memory_space<hbm>>
          %dma_start3A_358 = tpu.memref_squeeze %dma_start3A_357 : memref<1x128x128xf32, #tpu.memory_space<hbm>> -> memref<128x128xf32, #tpu.memory_space<hbm>>
          tpu.enqueue_dma source(%dma_start3A_358 : memref<128x128xf32, #tpu.memory_space<hbm>>) target(%arg14 : memref<128x128xf32, #tpu.memory_space<vmem>>) target_semaphore(%arg20 : memref<!tpu.dma_semaphore, #tpu.memory_space<semaphore_mem>>)
        } else {
        }
      } else {
      }
      %scan3A_286 = arith.constant 0 : i32
      %scan3A_287 = arith.constant 0 : i32
      %scan3A_288 = arith.constant 8 : i32
      %scan3A_289 = arith.addi %scan3A_287, %scan3A_288 : i32
      %scan3A_290 = arith.constant 1 : i32
      %scan3A_291 = scf.for %scan3A_304 = %scan3A_287 to %scan3A_289 step %scan3A_290 iter_args(%scan3A_305 = %scan3A_286) -> (i32)  : i32 {
        %mul3A_306 = arith.constant 16 : i32
        %mul3A_307 = arith.muli %scan3A_304, %mul3A_306 : i32
        %add3A_308 = arith.constant 128 : i32
        %add3A_309 = arith.addi %add3A_308, %mul3A_307 : i32
        %get3A = arith.index_cast %add3A_309 : i32 to index
        %get3A_310 = tpu.vector_load %arg11[%get3A] {strides = array<i32>} : memref<256xf32, #tpu.memory_space<vmem>>, vector<16xf32>,
        %slice3A = vector.extract_strided_slice %get3A_310 {offsets = [0], sizes = [1], strides = [1]} : vector<16xf32> to vector<1xf32>
        %squeeze3A = vector.extract %slice3A[0] : f32 from vector<1xf32>
        %mul3A_311 = arith.constant 16 : i32
        %mul3A_312 = arith.muli %scan3A_304, %mul3A_311 : i32
        %add3A_313 = arith.constant 0 : i32
        %add3A_314 = arith.addi %mul3A_312, %add3A_313 : i32
        %get3A_315 = arith.index_cast %add3A_314 : i32 to index
        %get3A_316 = arith.constant 0 : index
        %get3A_317 = tpu.vector_load %arg17[%get3A_315, %get3A_316] {strides = array<i32>} : memref<128x128xf32, #tpu.memory_space<vmem>>, vector<16xf32>,
        %mul3A_318 = vector.broadcast %squeeze3A : f32 to vector<16xf32>
        %mul3A_319 = arith.mulf %get3A_317, %mul3A_318 : vector<16xf32>
        %swap3A = arith.index_cast %add3A_314 : i32 to index
        %swap3A_320 = arith.constant 0 : index
        %swap3A_321 = tpu.vector_load %arg17[%swap3A, %swap3A_320] {strides = array<i32>} : memref<128x128xf32, #tpu.memory_space<vmem>>, vector<16xf32>,
        tpu.vector_store %arg17[%swap3A, %swap3A_320], %mul3A_319 {strides = array<i32>} : memref<128x128xf32, #tpu.memory_space<vmem>>, vector<16xf32>,
        %get3A_322 = arith.index_cast %add3A_314 : i32 to index
        %get3A_323 = arith.constant 16 : index
        %get3A_324 = tpu.vector_load %arg17[%get3A_322, %get3A_323] {strides = array<i32>} : memref<128x128xf32, #tpu.memory_space<vmem>>, vector<16xf32>,
        %mul3A_325 = vector.broadcast %squeeze3A : f32 to vector<16xf32>
        %mul3A_326 = arith.mulf %get3A_324, %mul3A_325 : vector<16xf32>
        %swap3A_327 = arith.index_cast %add3A_314 : i32 to index
        %swap3A_328 = arith.constant 16 : index
        %swap3A_329 = tpu.vector_load %arg17[%swap3A_327, %swap3A_328] {strides = array<i32>} : memref<128x128xf32, #tpu.memory_space<vmem>>, vector<16xf32>,
        tpu.vector_store %arg17[%swap3A_327, %swap3A_328], %mul3A_326 {strides = array<i32>} : memref<128x128xf32, #tpu.memory_space<vmem>>, vector<16xf32>,
        %get3A_330 = arith.index_cast %add3A_314 : i32 to index
        %get3A_331 = arith.constant 32 : index
        %get3A_332 = tpu.vector_load %arg17[%get3A_330, %get3A_331] {strides = array<i32>} : memref<128x128xf32, #tpu.memory_space<vmem>>, vector<16xf32>,
        %mul3A_333 = vector.broadcast %squeeze3A : f32 to vector<16xf32>
        %mul3A_334 = arith.mulf %get3A_332, %mul3A_333 : vector<16xf32>
        %swap3A_335 = arith.index_cast %add3A_314 : i32 to index
        %swap3A_336 = arith.constant 32 : index
        %swap3A_337 = tpu.vector_load %arg17[%swap3A_335, %swap3A_336] {strides = array<i32>} : memref<128x128xf32, #tpu.memory_space<vmem>>, vector<16xf32>,
        tpu.vector_store %arg17[%swap3A_335, %swap3A_336], %mul3A_334 {strides = array<i32>} : memref<128x128xf32, #tpu.memory_space<vmem>>, vector<16xf32>,
        %get3A_338 = arith.index_cast %add3A_314 : i32 to index
        %get3A_339 = arith.constant 48 : index
        %get3A_340 = tpu.vector_load %arg17[%get3A_338, %get3A_339] {strides = array<i32>} : memref<128x128xf32, #tpu.memory_space<vmem>>, vector<16xf32>,
        %mul3A_341 = vector.broadcast %squeeze3A : f32 to vector<16xf32>
        %mul3A_342 = arith.mulf %get3A_340, %mul3A_341 : vector<16xf32>
        %swap3A_343 = arith.index_cast %add3A_314 : i32 to index
        %swap3A_344 = arith.constant 48 : index
        %swap3A_345 = tpu.vector_load %arg17[%swap3A_343, %swap3A_344] {strides = array<i32>} : memref<128x128xf32, #tpu.memory_space<vmem>>, vector<16xf32>,
        tpu.vector_store %arg17[%swap3A_343, %swap3A_344], %mul3A_342 {strides = array<i32>} : memref<128x128xf32, #tpu.memory_space<vmem>>, vector<16xf32>,
        %get3A_346 = arith.index_cast %add3A_314 : i32 to index
        %get3A_347 = arith.constant 64 : index
        %get3A_348 = tpu.vector_load %arg17[%get3A_346, %get3A_347] {strides = array<i32>} : memref<128x128xf32, #tpu.memory_space<vmem>>, vector<16xf32>,
        %mul3A_349 = vector.broadcast %squeeze3A : f32 to vector<16xf32>
        %mul3A_350 = arith.mulf %get3A_348, %mul3A_349 : vector<16xf32>
        %swap3A_351 = arith.index_cast %add3A_314 : i32 to index
        %swap3A_352 = arith.constant 64 : index
        %swap3A_353 = tpu.vector_load %arg17[%swap3A_351, %swap3A_352] {strides = array<i32>} : memref<128x128xf32, #tpu.memory_space<vmem>>, vector<16xf32>,
        tpu.vector_store %arg17[%swap3A_351, %swap3A_352], %mul3A_350 {strides = array<i32>} : memref<128x128xf32, #tpu.memory_space<vmem>>, vector<16xf32>,
        %get3A_354 = arith.index_cast %add3A_314 : i32 to index
        %get3A_355 = arith.constant 80 : index
        %get3A_356 = tpu.vector_load %arg17[%get3A_354, %get3A_355] {strides = array<i32>} : memref<128x128xf32, #tpu.memory_space<vmem>>, vector<16xf32>,
        %mul3A_357 = vector.broadcast %squeeze3A : f32 to vector<16xf32>
        %mul3A_358 = arith.mulf %get3A_356, %mul3A_357 : vector<16xf32>
        %swap3A_359 = arith.index_cast %add3A_314 : i32 to index
        %swap3A_360 = arith.constant 80 : index
        %swap3A_361 = tpu.vector_load %arg17[%swap3A_359, %swap3A_360] {strides = array<i32>} : memref<128x128xf32, #tpu.memory_space<vmem>>, vector<16xf32>,
        tpu.vector_store %arg17[%swap3A_359, %swap3A_360], %mul3A_358 {strides = array<i32>} : memref<128x128xf32, #tpu.memory_space<vmem>>, vector<16xf32>,
        %get3A_362 = arith.index_cast %add3A_314 : i32 to index
        %get3A_363 = arith.constant 96 : index
        %get3A_364 = tpu.vector_load %arg17[%get3A_362, %get3A_363] {strides = array<i32>} : memref<128x128xf32, #tpu.memory_space<vmem>>, vector<16xf32>,
        %mul3A_365 = vector.broadcast %squeeze3A : f32 to vector<16xf32>
        %mul3A_366 = arith.mulf %get3A_364, %mul3A_365 : vector<16xf32>
        %swap3A_367 = arith.index_cast %add3A_314 : i32 to index
        %swap3A_368 = arith.constant 96 : index
        %swap3A_369 = tpu.vector_load %arg17[%swap3A_367, %swap3A_368] {strides = array<i32>} : memref<128x128xf32, #tpu.memory_space<vmem>>, vector<16xf32>,
        tpu.vector_store %arg17[%swap3A_367, %swap3A_368], %mul3A_366 {strides = array<i32>} : memref<128x128xf32, #tpu.memory_space<vmem>>, vector<16xf32>,
        %get3A_370 = arith.index_cast %add3A_314 : i32 to index
        %get3A_371 = arith.constant 112 : index
        %get3A_372 = tpu.vector_load %arg17[%get3A_370, %get3A_371] {strides = array<i32>} : memref<128x128xf32, #tpu.memory_space<vmem>>, vector<16xf32>,
        %mul3A_373 = vector.broadcast %squeeze3A : f32 to vector<16xf32>
        %mul3A_374 = arith.mulf %get3A_372, %mul3A_373 : vector<16xf32>
        %swap3A_375 = arith.index_cast %add3A_314 : i32 to index
        %swap3A_376 = arith.constant 112 : index
        %swap3A_377 = tpu.vector_load %arg17[%swap3A_375, %swap3A_376] {strides = array<i32>} : memref<128x128xf32, #tpu.memory_space<vmem>>, vector<16xf32>,
        tpu.vector_store %arg17[%swap3A_375, %swap3A_376], %mul3A_374 {strides = array<i32>} : memref<128x128xf32, #tpu.memory_space<vmem>>, vector<16xf32>,
        %slice3A_378 = vector.extract_strided_slice %get3A_310 {offsets = [1], sizes = [1], strides = [1]} : vector<16xf32> to vector<1xf32>
        %squeeze3A_379 = vector.extract %slice3A_378[0] : f32 from vector<1xf32>
        %mul3A_380 = arith.constant 16 : i32
        %mul3A_381 = arith.muli %scan3A_304, %mul3A_380 : i32
        %add3A_382 = arith.constant 1 : i32
        %add3A_383 = arith.addi %mul3A_381, %add3A_382 : i32
        %get3A_384 = arith.index_cast %add3A_383 : i32 to index
        %get3A_385 = arith.constant 0 : index
        %get3A_386 = tpu.vector_load %arg17[%get3A_384, %get3A_385] {strides = array<i32>} : memref<128x128xf32, #tpu.memory_space<vmem>>, vector<16xf32>,
        %mul3A_387 = vector.broadcast %squeeze3A_379 : f32 to vector<16xf32>
        %mul3A_388 = arith.mulf %get3A_386, %mul3A_387 : vector<16xf32>
        %swap3A_389 = arith.index_cast %add3A_383 : i32 to index
        %swap3A_390 = arith.constant 0 : index
        %swap3A_391 = tpu.vector_load %arg17[%swap3A_389, %swap3A_390] {strides = array<i32>} : memref<128x128xf32, #tpu.memory_space<vmem>>, vector<16xf32>,
        tpu.vector_store %arg17[%swap3A_389, %swap3A_390], %mul3A_388 {strides = array<i32>} : memref<128x128xf32, #tpu.memory_space<vmem>>, vector<16xf32>,
        %get3A_392 = arith.index_cast %add3A_383 : i32 to index
        %get3A_393 = arith.constant 16 : index
        %get3A_394 = tpu.vector_load %arg17[%get3A_392, %get3A_393] {strides = array<i32>} : memref<128x128xf32, #tpu.memory_space<vmem>>, vector<16xf32>,
        %mul3A_395 = vector.broadcast %squeeze3A_379 : f32 to vector<16xf32>
        %mul3A_396 = arith.mulf %get3A_394, %mul3A_395 : vector<16xf32>
        %swap3A_397 = arith.index_cast %add3A_383 : i32 to index
        %swap3A_398 = arith.constant 16 : index
        %swap3A_399 = tpu.vector_load %arg17[%swap3A_397, %swap3A_398] {strides = array<i32>} : memref<128x128xf32, #tpu.memory_space<vmem>>, vector<16xf32>,
        tpu.vector_store %arg17[%swap3A_397, %swap3A_398], %mul3A_396 {strides = array<i32>} : memref<128x128xf32, #tpu.memory_space<vmem>>, vector<16xf32>,
        %get3A_400 = arith.index_cast %add3A_383 : i32 to index
        %get3A_401 = arith.constant 32 : index
        %get3A_402 = tpu.vector_load %arg17[%get3A_400, %get3A_401] {strides = array<i32>} : memref<128x128xf32, #tpu.memory_space<vmem>>, vector<16xf32>,
        %mul3A_403 = vector.broadcast %squeeze3A_379 : f32 to vector<16xf32>
        %mul3A_404 = arith.mulf %get3A_402, %mul3A_403 : vector<16xf32>
        %swap3A_405 = arith.index_cast %add3A_383 : i32 to index
        %swap3A_406 = arith.constant 32 : index
        %swap3A_407 = tpu.vector_load %arg17[%swap3A_405, %swap3A_406] {strides = array<i32>} : memref<128x128xf32, #tpu.memory_space<vmem>>, vector<16xf32>,
        tpu.vector_store %arg17[%swap3A_405, %swap3A_406], %mul3A_404 {strides = array<i32>} : memref<128x128xf32, #tpu.memory_space<vmem>>, vector<16xf32>,
        %get3A_408 = arith.index_cast %add3A_383 : i32 to index
        %get3A_409 = arith.constant 48 : index
        %get3A_410 = tpu.vector_load %arg17[%get3A_408, %get3A_409] {strides = array<i32>} : memref<128x128xf32, #tpu.memory_space<vmem>>, vector<16xf32>,
        %mul3A_411 = vector.broadcast %squeeze3A_379 : f32 to vector<16xf32>
        %mul3A_412 = arith.mulf %get3A_410, %mul3A_411 : vector<16xf32>
        %swap3A_413 = arith.index_cast %add3A_383 : i32 to index
        %swap3A_414 = arith.constant 48 : index
        %swap3A_415 = tpu.vector_load %arg17[%swap3A_413, %swap3A_414] {strides = array<i32>} : memref<128x128xf32, #tpu.memory_space<vmem>>, vector<16xf32>,
        tpu.vector_store %arg17[%swap3A_413, %swap3A_414], %mul3A_412 {strides = array<i32>} : memref<128x128xf32, #tpu.memory_space<vmem>>, vector<16xf32>,
        %get3A_416 = arith.index_cast %add3A_383 : i32 to index
        %get3A_417 = arith.constant 64 : index
        %get3A_418 = tpu.vector_load %arg17[%get3A_416, %get3A_417] {strides = array<i32>} : memref<128x128xf32, #tpu.memory_space<vmem>>, vector<16xf32>,
        %mul3A_419 = vector.broadcast %squeeze3A_379 : f32 to vector<16xf32>
        %mul3A_420 = arith.mulf %get3A_418, %mul3A_419 : vector<16xf32>
        %swap3A_421 = arith.index_cast %add3A_383 : i32 to index
        %swap3A_422 = arith.constant 64 : index
        %swap3A_423 = tpu.vector_load %arg17[%swap3A_421, %swap3A_422] {strides = array<i32>} : memref<128x128xf32, #tpu.memory_space<vmem>>, vector<16xf32>,
        tpu.vector_store %arg17[%swap3A_421, %swap3A_422], %mul3A_420 {strides = array<i32>} : memref<128x128xf32, #tpu.memory_space<vmem>>, vector<16xf32>,
        %get3A_424 = arith.index_cast %add3A_383 : i32 to index
        %get3A_425 = arith.constant 80 : index
        %get3A_426 = tpu.vector_load %arg17[%get3A_424, %get3A_425] {strides = array<i32>} : memref<128x128xf32, #tpu.memory_space<vmem>>, vector<16xf32>,
        %mul3A_427 = vector.broadcast %squeeze3A_379 : f32 to vector<16xf32>
        %mul3A_428 = arith.mulf %get3A_426, %mul3A_427 : vector<16xf32>
        %swap3A_429 = arith.index_cast %add3A_383 : i32 to index
        %swap3A_430 = arith.constant 80 : index
        %swap3A_431 = tpu.vector_load %arg17[%swap3A_429, %swap3A_430] {strides = array<i32>} : memref<128x128xf32, #tpu.memory_space<vmem>>, vector<16xf32>,
        tpu.vector_store %arg17[%swap3A_429, %swap3A_430], %mul3A_428 {strides = array<i32>} : memref<128x128xf32, #tpu.memory_space<vmem>>, vector<16xf32>,
        %get3A_432 = arith.index_cast %add3A_383 : i32 to index
        %get3A_433 = arith.constant 96 : index
        %get3A_434 = tpu.vector_load %arg17[%get3A_432, %get3A_433] {strides = array<i32>} : memref<128x128xf32, #tpu.memory_space<vmem>>, vector<16xf32>,
        %mul3A_435 = vector.broadcast %squeeze3A_379 : f32 to vector<16xf32>
        %mul3A_436 = arith.mulf %get3A_434, %mul3A_435 : vector<16xf32>
        %swap3A_437 = arith.index_cast %add3A_383 : i32 to index
        %swap3A_438 = arith.constant 96 : index
        %swap3A_439 = tpu.vector_load %arg17[%swap3A_437, %swap3A_438] {strides = array<i32>} : memref<128x128xf32, #tpu.memory_space<vmem>>, vector<16xf32>,
        tpu.vector_store %arg17[%swap3A_437, %swap3A_438], %mul3A_436 {strides = array<i32>} : memref<128x128xf32, #tpu.memory_space<vmem>>, vector<16xf32>,
        %get3A_440 = arith.index_cast %add3A_383 : i32 to index
        %get3A_441 = arith.constant 112 : index
        %get3A_442 = tpu.vector_load %arg17[%get3A_440, %get3A_441] {strides = array<i32>} : memref<128x128xf32, #tpu.memory_space<vmem>>, vector<16xf32>,
        %mul3A_443 = vector.broadcast %squeeze3A_379 : f32 to vector<16xf32>
        %mul3A_444 = arith.mulf %get3A_442, %mul3A_443 : vector<16xf32>
        %swap3A_445 = arith.index_cast %add3A_383 : i32 to index
        %swap3A_446 = arith.constant 112 : index
        %swap3A_447 = tpu.vector_load %arg17[%swap3A_445, %swap3A_446] {strides = array<i32>} : memref<128x128xf32, #tpu.memory_space<vmem>>, vector<16xf32>,
        tpu.vector_store %arg17[%swap3A_445, %swap3A_446], %mul3A_444 {strides = array<i32>} : memref<128x128xf32, #tpu.memory_space<vmem>>, vector<16xf32>,
        %slice3A_448 = vector.extract_strided_slice %get3A_310 {offsets = [2], sizes = [1], strides = [1]} : vector<16xf32> to vector<1xf32>
        %squeeze3A_449 = vector.extract %slice3A_448[0] : f32 from vector<1xf32>
        %mul3A_450 = arith.constant 16 : i32
        %mul3A_451 = arith.muli %scan3A_304, %mul3A_450 : i32
        %add3A_452 = arith.constant 2 : i32
        %add3A_453 = arith.addi %mul3A_451, %add3A_452 : i32
        %get3A_454 = arith.index_cast %add3A_453 : i32 to index
        %get3A_455 = arith.constant 0 : index
        %get3A_456 = tpu.vector_load %arg17[%get3A_454, %get3A_455] {strides = array<i32>} : memref<128x128xf32, #tpu.memory_space<vmem>>, vector<16xf32>,
        %mul3A_457 = vector.broadcast %squeeze3A_449 : f32 to vector<16xf32>
        %mul3A_458 = arith.mulf %get3A_456, %mul3A_457 : vector<16xf32>
        %swap3A_459 = arith.index_cast %add3A_453 : i32 to index
        %swap3A_460 = arith.constant 0 : index
        %swap3A_461 = tpu.vector_load %arg17[%swap3A_459, %swap3A_460] {strides = array<i32>} : memref<128x128xf32, #tpu.memory_space<vmem>>, vector<16xf32>,
        tpu.vector_store %arg17[%swap3A_459, %swap3A_460], %mul3A_458 {strides = array<i32>} : memref<128x128xf32, #tpu.memory_space<vmem>>, vector<16xf32>,
        %get3A_462 = arith.index_cast %add3A_453 : i32 to index
        %get3A_463 = arith.constant 16 : index
        %get3A_464 = tpu.vector_load %arg17[%get3A_462, %get3A_463] {strides = array<i32>} : memref<128x128xf32, #tpu.memory_space<vmem>>, vector<16xf32>,
        %mul3A_465 = vector.broadcast %squeeze3A_449 : f32 to vector<16xf32>
        %mul3A_466 = arith.mulf %get3A_464, %mul3A_465 : vector<16xf32>
        %swap3A_467 = arith.index_cast %add3A_453 : i32 to index
        %swap3A_468 = arith.constant 16 : index
        %swap3A_469 = tpu.vector_load %arg17[%swap3A_467, %swap3A_468] {strides = array<i32>} : memref<128x128xf32, #tpu.memory_space<vmem>>, vector<16xf32>,
        tpu.vector_store %arg17[%swap3A_467, %swap3A_468], %mul3A_466 {strides = array<i32>} : memref<128x128xf32, #tpu.memory_space<vmem>>, vector<16xf32>,
        %get3A_470 = arith.index_cast %add3A_453 : i32 to index
        %get3A_471 = arith.constant 32 : index
        %get3A_472 = tpu.vector_load %arg17[%get3A_470, %get3A_471] {strides = array<i32>} : memref<128x128xf32, #tpu.memory_space<vmem>>, vector<16xf32>,
        %mul3A_473 = vector.broadcast %squeeze3A_449 : f32 to vector<16xf32>
        %mul3A_474 = arith.mulf %get3A_472, %mul3A_473 : vector<16xf32>
        %swap3A_475 = arith.index_cast %add3A_453 : i32 to index
        %swap3A_476 = arith.constant 32 : index
        %swap3A_477 = tpu.vector_load %arg17[%swap3A_475, %swap3A_476] {strides = array<i32>} : memref<128x128xf32, #tpu.memory_space<vmem>>, vector<16xf32>,
        tpu.vector_store %arg17[%swap3A_475, %swap3A_476], %mul3A_474 {strides = array<i32>} : memref<128x128xf32, #tpu.memory_space<vmem>>, vector<16xf32>,
        %get3A_478 = arith.index_cast %add3A_453 : i32 to index
        %get3A_479 = arith.constant 48 : index
        %get3A_480 = tpu.vector_load %arg17[%get3A_478, %get3A_479] {strides = array<i32>} : memref<128x128xf32, #tpu.memory_space<vmem>>, vector<16xf32>,
        %mul3A_481 = vector.broadcast %squeeze3A_449 : f32 to vector<16xf32>
        %mul3A_482 = arith.mulf %get3A_480, %mul3A_481 : vector<16xf32>
        %swap3A_483 = arith.index_cast %add3A_453 : i32 to index
        %swap3A_484 = arith.constant 48 : index
        %swap3A_485 = tpu.vector_load %arg17[%swap3A_483, %swap3A_484] {strides = array<i32>} : memref<128x128xf32, #tpu.memory_space<vmem>>, vector<16xf32>,
        tpu.vector_store %arg17[%swap3A_483, %swap3A_484], %mul3A_482 {strides = array<i32>} : memref<128x128xf32, #tpu.memory_space<vmem>>, vector<16xf32>,
        %get3A_486 = arith.index_cast %add3A_453 : i32 to index
        %get3A_487 = arith.constant 64 : index
        %get3A_488 = tpu.vector_load %arg17[%get3A_486, %get3A_487] {strides = array<i32>} : memref<128x128xf32, #tpu.memory_space<vmem>>, vector<16xf32>,
        %mul3A_489 = vector.broadcast %squeeze3A_449 : f32 to vector<16xf32>
        %mul3A_490 = arith.mulf %get3A_488, %mul3A_489 : vector<16xf32>
        %swap3A_491 = arith.index_cast %add3A_453 : i32 to index
        %swap3A_492 = arith.constant 64 : index
        %swap3A_493 = tpu.vector_load %arg17[%swap3A_491, %swap3A_492] {strides = array<i32>} : memref<128x128xf32, #tpu.memory_space<vmem>>, vector<16xf32>,
        tpu.vector_store %arg17[%swap3A_491, %swap3A_492], %mul3A_490 {strides = array<i32>} : memref<128x128xf32, #tpu.memory_space<vmem>>, vector<16xf32>,
        %get3A_494 = arith.index_cast %add3A_453 : i32 to index
        %get3A_495 = arith.constant 80 : index
        %get3A_496 = tpu.vector_load %arg17[%get3A_494, %get3A_495] {strides = array<i32>} : memref<128x128xf32, #tpu.memory_space<vmem>>, vector<16xf32>,
        %mul3A_497 = vector.broadcast %squeeze3A_449 : f32 to vector<16xf32>
        %mul3A_498 = arith.mulf %get3A_496, %mul3A_497 : vector<16xf32>
        %swap3A_499 = arith.index_cast %add3A_453 : i32 to index
        %swap3A_500 = arith.constant 80 : index
        %swap3A_501 = tpu.vector_load %arg17[%swap3A_499, %swap3A_500] {strides = array<i32>} : memref<128x128xf32, #tpu.memory_space<vmem>>, vector<16xf32>,
        tpu.vector_store %arg17[%swap3A_499, %swap3A_500], %mul3A_498 {strides = array<i32>} : memref<128x128xf32, #tpu.memory_space<vmem>>, vector<16xf32>,
        %get3A_502 = arith.index_cast %add3A_453 : i32 to index
        %get3A_503 = arith.constant 96 : index
        %get3A_504 = tpu.vector_load %arg17[%get3A_502, %get3A_503] {strides = array<i32>} : memref<128x128xf32, #tpu.memory_space<vmem>>, vector<16xf32>,
        %mul3A_505 = vector.broadcast %squeeze3A_449 : f32 to vector<16xf32>
        %mul3A_506 = arith.mulf %get3A_504, %mul3A_505 : vector<16xf32>
        %swap3A_507 = arith.index_cast %add3A_453 : i32 to index
        %swap3A_508 = arith.constant 96 : index
        %swap3A_509 = tpu.vector_load %arg17[%swap3A_507, %swap3A_508] {strides = array<i32>} : memref<128x128xf32, #tpu.memory_space<vmem>>, vector<16xf32>,
        tpu.vector_store %arg17[%swap3A_507, %swap3A_508], %mul3A_506 {strides = array<i32>} : memref<128x128xf32, #tpu.memory_space<vmem>>, vector<16xf32>,
        %get3A_510 = arith.index_cast %add3A_453 : i32 to index
        %get3A_511 = arith.constant 112 : index
        %get3A_512 = tpu.vector_load %arg17[%get3A_510, %get3A_511] {strides = array<i32>} : memref<128x128xf32, #tpu.memory_space<vmem>>, vector<16xf32>,
        %mul3A_513 = vector.broadcast %squeeze3A_449 : f32 to vector<16xf32>
        %mul3A_514 = arith.mulf %get3A_512, %mul3A_513 : vector<16xf32>
        %swap3A_515 = arith.index_cast %add3A_453 : i32 to index
        %swap3A_516 = arith.constant 112 : index
        %swap3A_517 = tpu.vector_load %arg17[%swap3A_515, %swap3A_516] {strides = array<i32>} : memref<128x128xf32, #tpu.memory_space<vmem>>, vector<16xf32>,
        tpu.vector_store %arg17[%swap3A_515, %swap3A_516], %mul3A_514 {strides = array<i32>} : memref<128x128xf32, #tpu.memory_space<vmem>>, vector<16xf32>,
        %slice3A_518 = vector.extract_strided_slice %get3A_310 {offsets = [3], sizes = [1], strides = [1]} : vector<16xf32> to vector<1xf32>
        %squeeze3A_519 = vector.extract %slice3A_518[0] : f32 from vector<1xf32>
        %mul3A_520 = arith.constant 16 : i32
        %mul3A_521 = arith.muli %scan3A_304, %mul3A_520 : i32
        %add3A_522 = arith.constant 3 : i32
        %add3A_523 = arith.addi %mul3A_521, %add3A_522 : i32
        %get3A_524 = arith.index_cast %add3A_523 : i32 to index
        %get3A_525 = arith.constant 0 : index
        %get3A_526 = tpu.vector_load %arg17[%get3A_524, %get3A_525] {strides = array<i32>} : memref<128x128xf32, #tpu.memory_space<vmem>>, vector<16xf32>,
        %mul3A_527 = vector.broadcast %squeeze3A_519 : f32 to vector<16xf32>
        %mul3A_528 = arith.mulf %get3A_526, %mul3A_527 : vector<16xf32>
        %swap3A_529 = arith.index_cast %add3A_523 : i32 to index
        %swap3A_530 = arith.constant 0 : index
        %swap3A_531 = tpu.vector_load %arg17[%swap3A_529, %swap3A_530] {strides = array<i32>} : memref<128x128xf32, #tpu.memory_space<vmem>>, vector<16xf32>,
        tpu.vector_store %arg17[%swap3A_529, %swap3A_530], %mul3A_528 {strides = array<i32>} : memref<128x128xf32, #tpu.memory_space<vmem>>, vector<16xf32>,
        %get3A_532 = arith.index_cast %add3A_523 : i32 to index
        %get3A_533 = arith.constant 16 : index
        %get3A_534 = tpu.vector_load %arg17[%get3A_532, %get3A_533] {strides = array<i32>} : memref<128x128xf32, #tpu.memory_space<vmem>>, vector<16xf32>,
        %mul3A_535 = vector.broadcast %squeeze3A_519 : f32 to vector<16xf32>
        %mul3A_536 = arith.mulf %get3A_534, %mul3A_535 : vector<16xf32>
        %swap3A_537 = arith.index_cast %add3A_523 : i32 to index
        %swap3A_538 = arith.constant 16 : index
        %swap3A_539 = tpu.vector_load %arg17[%swap3A_537, %swap3A_538] {strides = array<i32>} : memref<128x128xf32, #tpu.memory_space<vmem>>, vector<16xf32>,
        tpu.vector_store %arg17[%swap3A_537, %swap3A_538], %mul3A_536 {strides = array<i32>} : memref<128x128xf32, #tpu.memory_space<vmem>>, vector<16xf32>,
        %get3A_540 = arith.index_cast %add3A_523 : i32 to index
        %get3A_541 = arith.constant 32 : index
        %get3A_542 = tpu.vector_load %arg17[%get3A_540, %get3A_541] {strides = array<i32>} : memref<128x128xf32, #tpu.memory_space<vmem>>, vector<16xf32>,
        %mul3A_543 = vector.broadcast %squeeze3A_519 : f32 to vector<16xf32>
        %mul3A_544 = arith.mulf %get3A_542, %mul3A_543 : vector<16xf32>
        %swap3A_545 = arith.index_cast %add3A_523 : i32 to index
        %swap3A_546 = arith.constant 32 : index
        %swap3A_547 = tpu.vector_load %arg17[%swap3A_545, %swap3A_546] {strides = array<i32>} : memref<128x128xf32, #tpu.memory_space<vmem>>, vector<16xf32>,
        tpu.vector_store %arg17[%swap3A_545, %swap3A_546], %mul3A_544 {strides = array<i32>} : memref<128x128xf32, #tpu.memory_space<vmem>>, vector<16xf32>,
        %get3A_548 = arith.index_cast %add3A_523 : i32 to index
        %get3A_549 = arith.constant 48 : index
        %get3A_550 = tpu.vector_load %arg17[%get3A_548, %get3A_549] {strides = array<i32>} : memref<128x128xf32, #tpu.memory_space<vmem>>, vector<16xf32>,
        %mul3A_551 = vector.broadcast %squeeze3A_519 : f32 to vector<16xf32>
        %mul3A_552 = arith.mulf %get3A_550, %mul3A_551 : vector<16xf32>
        %swap3A_553 = arith.index_cast %add3A_523 : i32 to index
        %swap3A_554 = arith.constant 48 : index
        %swap3A_555 = tpu.vector_load %arg17[%swap3A_553, %swap3A_554] {strides = array<i32>} : memref<128x128xf32, #tpu.memory_space<vmem>>, vector<16xf32>,
        tpu.vector_store %arg17[%swap3A_553, %swap3A_554], %mul3A_552 {strides = array<i32>} : memref<128x128xf32, #tpu.memory_space<vmem>>, vector<16xf32>,
        %get3A_556 = arith.index_cast %add3A_523 : i32 to index
        %get3A_557 = arith.constant 64 : index
        %get3A_558 = tpu.vector_load %arg17[%get3A_556, %get3A_557] {strides = array<i32>} : memref<128x128xf32, #tpu.memory_space<vmem>>, vector<16xf32>,
        %mul3A_559 = vector.broadcast %squeeze3A_519 : f32 to vector<16xf32>
        %mul3A_560 = arith.mulf %get3A_558, %mul3A_559 : vector<16xf32>
        %swap3A_561 = arith.index_cast %add3A_523 : i32 to index
        %swap3A_562 = arith.constant 64 : index
        %swap3A_563 = tpu.vector_load %arg17[%swap3A_561, %swap3A_562] {strides = array<i32>} : memref<128x128xf32, #tpu.memory_space<vmem>>, vector<16xf32>,
        tpu.vector_store %arg17[%swap3A_561, %swap3A_562], %mul3A_560 {strides = array<i32>} : memref<128x128xf32, #tpu.memory_space<vmem>>, vector<16xf32>,
        %get3A_564 = arith.index_cast %add3A_523 : i32 to index
        %get3A_565 = arith.constant 80 : index
        %get3A_566 = tpu.vector_load %arg17[%get3A_564, %get3A_565] {strides = array<i32>} : memref<128x128xf32, #tpu.memory_space<vmem>>, vector<16xf32>,
        %mul3A_567 = vector.broadcast %squeeze3A_519 : f32 to vector<16xf32>
        %mul3A_568 = arith.mulf %get3A_566, %mul3A_567 : vector<16xf32>
        %swap3A_569 = arith.index_cast %add3A_523 : i32 to index
        %swap3A_570 = arith.constant 80 : index
        %swap3A_571 = tpu.vector_load %arg17[%swap3A_569, %swap3A_570] {strides = array<i32>} : memref<128x128xf32, #tpu.memory_space<vmem>>, vector<16xf32>,
        tpu.vector_store %arg17[%swap3A_569, %swap3A_570], %mul3A_568 {strides = array<i32>} : memref<128x128xf32, #tpu.memory_space<vmem>>, vector<16xf32>,
        %get3A_572 = arith.index_cast %add3A_523 : i32 to index
        %get3A_573 = arith.constant 96 : index
        %get3A_574 = tpu.vector_load %arg17[%get3A_572, %get3A_573] {strides = array<i32>} : memref<128x128xf32, #tpu.memory_space<vmem>>, vector<16xf32>,
        %mul3A_575 = vector.broadcast %squeeze3A_519 : f32 to vector<16xf32>
        %mul3A_576 = arith.mulf %get3A_574, %mul3A_575 : vector<16xf32>
        %swap3A_577 = arith.index_cast %add3A_523 : i32 to index
        %swap3A_578 = arith.constant 96 : index
        %swap3A_579 = tpu.vector_load %arg17[%swap3A_577, %swap3A_578] {strides = array<i32>} : memref<128x128xf32, #tpu.memory_space<vmem>>, vector<16xf32>,
        tpu.vector_store %arg17[%swap3A_577, %swap3A_578], %mul3A_576 {strides = array<i32>} : memref<128x128xf32, #tpu.memory_space<vmem>>, vector<16xf32>,
        %get3A_580 = arith.index_cast %add3A_523 : i32 to index
        %get3A_581 = arith.constant 112 : index
        %get3A_582 = tpu.vector_load %arg17[%get3A_580, %get3A_581] {strides = array<i32>} : memref<128x128xf32, #tpu.memory_space<vmem>>, vector<16xf32>,
        %mul3A_583 = vector.broadcast %squeeze3A_519 : f32 to vector<16xf32>
        %mul3A_584 = arith.mulf %get3A_582, %mul3A_583 : vector<16xf32>
        %swap3A_585 = arith.index_cast %add3A_523 : i32 to index
        %swap3A_586 = arith.constant 112 : index
        %swap3A_587 = tpu.vector_load %arg17[%swap3A_585, %swap3A_586] {strides = array<i32>} : memref<128x128xf32, #tpu.memory_space<vmem>>, vector<16xf32>,
        tpu.vector_store %arg17[%swap3A_585, %swap3A_586], %mul3A_584 {strides = array<i32>} : memref<128x128xf32, #tpu.memory_space<vmem>>, vector<16xf32>,
        %slice3A_588 = vector.extract_strided_slice %get3A_310 {offsets = [4], sizes = [1], strides = [1]} : vector<16xf32> to vector<1xf32>
        %squeeze3A_589 = vector.extract %slice3A_588[0] : f32 from vector<1xf32>
        %mul3A_590 = arith.constant 16 : i32
        %mul3A_591 = arith.muli %scan3A_304, %mul3A_590 : i32
        %add3A_592 = arith.constant 4 : i32
        %add3A_593 = arith.addi %mul3A_591, %add3A_592 : i32
        %get3A_594 = arith.index_cast %add3A_593 : i32 to index
        %get3A_595 = arith.constant 0 : index
        %get3A_596 = tpu.vector_load %arg17[%get3A_594, %get3A_595] {strides = array<i32>} : memref<128x128xf32, #tpu.memory_space<vmem>>, vector<16xf32>,
        %mul3A_597 = vector.broadcast %squeeze3A_589 : f32 to vector<16xf32>
        %mul3A_598 = arith.mulf %get3A_596, %mul3A_597 : vector<16xf32>
        %swap3A_599 = arith.index_cast %add3A_593 : i32 to index
        %swap3A_600 = arith.constant 0 : index
        %swap3A_601 = tpu.vector_load %arg17[%swap3A_599, %swap3A_600] {strides = array<i32>} : memref<128x128xf32, #tpu.memory_space<vmem>>, vector<16xf32>,
        tpu.vector_store %arg17[%swap3A_599, %swap3A_600], %mul3A_598 {strides = array<i32>} : memref<128x128xf32, #tpu.memory_space<vmem>>, vector<16xf32>,
        %get3A_602 = arith.index_cast %add3A_593 : i32 to index
        %get3A_603 = arith.constant 16 : index
        %get3A_604 = tpu.vector_load %arg17[%get3A_602, %get3A_603] {strides = array<i32>} : memref<128x128xf32, #tpu.memory_space<vmem>>, vector<16xf32>,
        %mul3A_605 = vector.broadcast %squeeze3A_589 : f32 to vector<16xf32>
        %mul3A_606 = arith.mulf %get3A_604, %mul3A_605 : vector<16xf32>
        %swap3A_607 = arith.index_cast %add3A_593 : i32 to index
        %swap3A_608 = arith.constant 16 : index
        %swap3A_609 = tpu.vector_load %arg17[%swap3A_607, %swap3A_608] {strides = array<i32>} : memref<128x128xf32, #tpu.memory_space<vmem>>, vector<16xf32>,
        tpu.vector_store %arg17[%swap3A_607, %swap3A_608], %mul3A_606 {strides = array<i32>} : memref<128x128xf32, #tpu.memory_space<vmem>>, vector<16xf32>,
        %get3A_610 = arith.index_cast %add3A_593 : i32 to index
        %get3A_611 = arith.constant 32 : index
        %get3A_612 = tpu.vector_load %arg17[%get3A_610, %get3A_611] {strides = array<i32>} : memref<128x128xf32, #tpu.memory_space<vmem>>, vector<16xf32>,
        %mul3A_613 = vector.broadcast %squeeze3A_589 : f32 to vector<16xf32>
        %mul3A_614 = arith.mulf %get3A_612, %mul3A_613 : vector<16xf32>
        %swap3A_615 = arith.index_cast %add3A_593 : i32 to index
        %swap3A_616 = arith.constant 32 : index
        %swap3A_617 = tpu.vector_load %arg17[%swap3A_615, %swap3A_616] {strides = array<i32>} : memref<128x128xf32, #tpu.memory_space<vmem>>, vector<16xf32>,
        tpu.vector_store %arg17[%swap3A_615, %swap3A_616], %mul3A_614 {strides = array<i32>} : memref<128x128xf32, #tpu.memory_space<vmem>>, vector<16xf32>,
        %get3A_618 = arith.index_cast %add3A_593 : i32 to index
        %get3A_619 = arith.constant 48 : index
        %get3A_620 = tpu.vector_load %arg17[%get3A_618, %get3A_619] {strides = array<i32>} : memref<128x128xf32, #tpu.memory_space<vmem>>, vector<16xf32>,
        %mul3A_621 = vector.broadcast %squeeze3A_589 : f32 to vector<16xf32>
        %mul3A_622 = arith.mulf %get3A_620, %mul3A_621 : vector<16xf32>
        %swap3A_623 = arith.index_cast %add3A_593 : i32 to index
        %swap3A_624 = arith.constant 48 : index
        %swap3A_625 = tpu.vector_load %arg17[%swap3A_623, %swap3A_624] {strides = array<i32>} : memref<128x128xf32, #tpu.memory_space<vmem>>, vector<16xf32>,
        tpu.vector_store %arg17[%swap3A_623, %swap3A_624], %mul3A_622 {strides = array<i32>} : memref<128x128xf32, #tpu.memory_space<vmem>>, vector<16xf32>,
        %get3A_626 = arith.index_cast %add3A_593 : i32 to index
        %get3A_627 = arith.constant 64 : index
        %get3A_628 = tpu.vector_load %arg17[%get3A_626, %get3A_627] {strides = array<i32>} : memref<128x128xf32, #tpu.memory_space<vmem>>, vector<16xf32>,
        %mul3A_629 = vector.broadcast %squeeze3A_589 : f32 to vector<16xf32>
        %mul3A_630 = arith.mulf %get3A_628, %mul3A_629 : vector<16xf32>
        %swap3A_631 = arith.index_cast %add3A_593 : i32 to index
        %swap3A_632 = arith.constant 64 : index
        %swap3A_633 = tpu.vector_load %arg17[%swap3A_631, %swap3A_632] {strides = array<i32>} : memref<128x128xf32, #tpu.memory_space<vmem>>, vector<16xf32>,
        tpu.vector_store %arg17[%swap3A_631, %swap3A_632], %mul3A_630 {strides = array<i32>} : memref<128x128xf32, #tpu.memory_space<vmem>>, vector<16xf32>,
        %get3A_634 = arith.index_cast %add3A_593 : i32 to index
        %get3A_635 = arith.constant 80 : index
        %get3A_636 = tpu.vector_load %arg17[%get3A_634, %get3A_635] {strides = array<i32>} : memref<128x128xf32, #tpu.memory_space<vmem>>, vector<16xf32>,
        %mul3A_637 = vector.broadcast %squeeze3A_589 : f32 to vector<16xf32>
        %mul3A_638 = arith.mulf %get3A_636, %mul3A_637 : vector<16xf32>
        %swap3A_639 = arith.index_cast %add3A_593 : i32 to index
        %swap3A_640 = arith.constant 80 : index
        %swap3A_641 = tpu.vector_load %arg17[%swap3A_639, %swap3A_640] {strides = array<i32>} : memref<128x128xf32, #tpu.memory_space<vmem>>, vector<16xf32>,
        tpu.vector_store %arg17[%swap3A_639, %swap3A_640], %mul3A_638 {strides = array<i32>} : memref<128x128xf32, #tpu.memory_space<vmem>>, vector<16xf32>,
        %get3A_642 = arith.index_cast %add3A_593 : i32 to index
        %get3A_643 = arith.constant 96 : index
        %get3A_644 = tpu.vector_load %arg17[%get3A_642, %get3A_643] {strides = array<i32>} : memref<128x128xf32, #tpu.memory_space<vmem>>, vector<16xf32>,
        %mul3A_645 = vector.broadcast %squeeze3A_589 : f32 to vector<16xf32>
        %mul3A_646 = arith.mulf %get3A_644, %mul3A_645 : vector<16xf32>
        %swap3A_647 = arith.index_cast %add3A_593 : i32 to index
        %swap3A_648 = arith.constant 96 : index
        %swap3A_649 = tpu.vector_load %arg17[%swap3A_647, %swap3A_648] {strides = array<i32>} : memref<128x128xf32, #tpu.memory_space<vmem>>, vector<16xf32>,
        tpu.vector_store %arg17[%swap3A_647, %swap3A_648], %mul3A_646 {strides = array<i32>} : memref<128x128xf32, #tpu.memory_space<vmem>>, vector<16xf32>,
        %get3A_650 = arith.index_cast %add3A_593 : i32 to index
        %get3A_651 = arith.constant 112 : index
        %get3A_652 = tpu.vector_load %arg17[%get3A_650, %get3A_651] {strides = array<i32>} : memref<128x128xf32, #tpu.memory_space<vmem>>, vector<16xf32>,
        %mul3A_653 = vector.broadcast %squeeze3A_589 : f32 to vector<16xf32>
        %mul3A_654 = arith.mulf %get3A_652, %mul3A_653 : vector<16xf32>
        %swap3A_655 = arith.index_cast %add3A_593 : i32 to index
        %swap3A_656 = arith.constant 112 : index
        %swap3A_657 = tpu.vector_load %arg17[%swap3A_655, %swap3A_656] {strides = array<i32>} : memref<128x128xf32, #tpu.memory_space<vmem>>, vector<16xf32>,
        tpu.vector_store %arg17[%swap3A_655, %swap3A_656], %mul3A_654 {strides = array<i32>} : memref<128x128xf32, #tpu.memory_space<vmem>>, vector<16xf32>,
        %slice3A_658 = vector.extract_strided_slice %get3A_310 {offsets = [5], sizes = [1], strides = [1]} : vector<16xf32> to vector<1xf32>
        %squeeze3A_659 = vector.extract %slice3A_658[0] : f32 from vector<1xf32>
        %mul3A_660 = arith.constant 16 : i32
        %mul3A_661 = arith.muli %scan3A_304, %mul3A_660 : i32
        %add3A_662 = arith.constant 5 : i32
        %add3A_663 = arith.addi %mul3A_661, %add3A_662 : i32
        %get3A_664 = arith.index_cast %add3A_663 : i32 to index
        %get3A_665 = arith.constant 0 : index
        %get3A_666 = tpu.vector_load %arg17[%get3A_664, %get3A_665] {strides = array<i32>} : memref<128x128xf32, #tpu.memory_space<vmem>>, vector<16xf32>,
        %mul3A_667 = vector.broadcast %squeeze3A_659 : f32 to vector<16xf32>
        %mul3A_668 = arith.mulf %get3A_666, %mul3A_667 : vector<16xf32>
        %swap3A_669 = arith.index_cast %add3A_663 : i32 to index
        %swap3A_670 = arith.constant 0 : index
        %swap3A_671 = tpu.vector_load %arg17[%swap3A_669, %swap3A_670] {strides = array<i32>} : memref<128x128xf32, #tpu.memory_space<vmem>>, vector<16xf32>,
        tpu.vector_store %arg17[%swap3A_669, %swap3A_670], %mul3A_668 {strides = array<i32>} : memref<128x128xf32, #tpu.memory_space<vmem>>, vector<16xf32>,
        %get3A_672 = arith.index_cast %add3A_663 : i32 to index
        %get3A_673 = arith.constant 16 : index
        %get3A_674 = tpu.vector_load %arg17[%get3A_672, %get3A_673] {strides = array<i32>} : memref<128x128xf32, #tpu.memory_space<vmem>>, vector<16xf32>,
        %mul3A_675 = vector.broadcast %squeeze3A_659 : f32 to vector<16xf32>
        %mul3A_676 = arith.mulf %get3A_674, %mul3A_675 : vector<16xf32>
        %swap3A_677 = arith.index_cast %add3A_663 : i32 to index
        %swap3A_678 = arith.constant 16 : index
        %swap3A_679 = tpu.vector_load %arg17[%swap3A_677, %swap3A_678] {strides = array<i32>} : memref<128x128xf32, #tpu.memory_space<vmem>>, vector<16xf32>,
        tpu.vector_store %arg17[%swap3A_677, %swap3A_678], %mul3A_676 {strides = array<i32>} : memref<128x128xf32, #tpu.memory_space<vmem>>, vector<16xf32>,
        %get3A_680 = arith.index_cast %add3A_663 : i32 to index
        %get3A_681 = arith.constant 32 : index
        %get3A_682 = tpu.vector_load %arg17[%get3A_680, %get3A_681] {strides = array<i32>} : memref<128x128xf32, #tpu.memory_space<vmem>>, vector<16xf32>,
        %mul3A_683 = vector.broadcast %squeeze3A_659 : f32 to vector<16xf32>
        %mul3A_684 = arith.mulf %get3A_682, %mul3A_683 : vector<16xf32>
        %swap3A_685 = arith.index_cast %add3A_663 : i32 to index
        %swap3A_686 = arith.constant 32 : index
        %swap3A_687 = tpu.vector_load %arg17[%swap3A_685, %swap3A_686] {strides = array<i32>} : memref<128x128xf32, #tpu.memory_space<vmem>>, vector<16xf32>,
        tpu.vector_store %arg17[%swap3A_685, %swap3A_686], %mul3A_684 {strides = array<i32>} : memref<128x128xf32, #tpu.memory_space<vmem>>, vector<16xf32>,
        %get3A_688 = arith.index_cast %add3A_663 : i32 to index
        %get3A_689 = arith.constant 48 : index
        %get3A_690 = tpu.vector_load %arg17[%get3A_688, %get3A_689] {strides = array<i32>} : memref<128x128xf32, #tpu.memory_space<vmem>>, vector<16xf32>,
        %mul3A_691 = vector.broadcast %squeeze3A_659 : f32 to vector<16xf32>
        %mul3A_692 = arith.mulf %get3A_690, %mul3A_691 : vector<16xf32>
        %swap3A_693 = arith.index_cast %add3A_663 : i32 to index
        %swap3A_694 = arith.constant 48 : index
        %swap3A_695 = tpu.vector_load %arg17[%swap3A_693, %swap3A_694] {strides = array<i32>} : memref<128x128xf32, #tpu.memory_space<vmem>>, vector<16xf32>,
        tpu.vector_store %arg17[%swap3A_693, %swap3A_694], %mul3A_692 {strides = array<i32>} : memref<128x128xf32, #tpu.memory_space<vmem>>, vector<16xf32>,
        %get3A_696 = arith.index_cast %add3A_663 : i32 to index
        %get3A_697 = arith.constant 64 : index
        %get3A_698 = tpu.vector_load %arg17[%get3A_696, %get3A_697] {strides = array<i32>} : memref<128x128xf32, #tpu.memory_space<vmem>>, vector<16xf32>,
        %mul3A_699 = vector.broadcast %squeeze3A_659 : f32 to vector<16xf32>
        %mul3A_700 = arith.mulf %get3A_698, %mul3A_699 : vector<16xf32>
        %swap3A_701 = arith.index_cast %add3A_663 : i32 to index
        %swap3A_702 = arith.constant 64 : index
        %swap3A_703 = tpu.vector_load %arg17[%swap3A_701, %swap3A_702] {strides = array<i32>} : memref<128x128xf32, #tpu.memory_space<vmem>>, vector<16xf32>,
        tpu.vector_store %arg17[%swap3A_701, %swap3A_702], %mul3A_700 {strides = array<i32>} : memref<128x128xf32, #tpu.memory_space<vmem>>, vector<16xf32>,
        %get3A_704 = arith.index_cast %add3A_663 : i32 to index
        %get3A_705 = arith.constant 80 : index
        %get3A_706 = tpu.vector_load %arg17[%get3A_704, %get3A_705] {strides = array<i32>} : memref<128x128xf32, #tpu.memory_space<vmem>>, vector<16xf32>,
        %mul3A_707 = vector.broadcast %squeeze3A_659 : f32 to vector<16xf32>
        %mul3A_708 = arith.mulf %get3A_706, %mul3A_707 : vector<16xf32>
        %swap3A_709 = arith.index_cast %add3A_663 : i32 to index
        %swap3A_710 = arith.constant 80 : index
        %swap3A_711 = tpu.vector_load %arg17[%swap3A_709, %swap3A_710] {strides = array<i32>} : memref<128x128xf32, #tpu.memory_space<vmem>>, vector<16xf32>,
        tpu.vector_store %arg17[%swap3A_709, %swap3A_710], %mul3A_708 {strides = array<i32>} : memref<128x128xf32, #tpu.memory_space<vmem>>, vector<16xf32>,
        %get3A_712 = arith.index_cast %add3A_663 : i32 to index
        %get3A_713 = arith.constant 96 : index
        %get3A_714 = tpu.vector_load %arg17[%get3A_712, %get3A_713] {strides = array<i32>} : memref<128x128xf32, #tpu.memory_space<vmem>>, vector<16xf32>,
        %mul3A_715 = vector.broadcast %squeeze3A_659 : f32 to vector<16xf32>
        %mul3A_716 = arith.mulf %get3A_714, %mul3A_715 : vector<16xf32>
        %swap3A_717 = arith.index_cast %add3A_663 : i32 to index
        %swap3A_718 = arith.constant 96 : index
        %swap3A_719 = tpu.vector_load %arg17[%swap3A_717, %swap3A_718] {strides = array<i32>} : memref<128x128xf32, #tpu.memory_space<vmem>>, vector<16xf32>,
        tpu.vector_store %arg17[%swap3A_717, %swap3A_718], %mul3A_716 {strides = array<i32>} : memref<128x128xf32, #tpu.memory_space<vmem>>, vector<16xf32>,
        %get3A_720 = arith.index_cast %add3A_663 : i32 to index
        %get3A_721 = arith.constant 112 : index
        %get3A_722 = tpu.vector_load %arg17[%get3A_720, %get3A_721] {strides = array<i32>} : memref<128x128xf32, #tpu.memory_space<vmem>>, vector<16xf32>,
        %mul3A_723 = vector.broadcast %squeeze3A_659 : f32 to vector<16xf32>
        %mul3A_724 = arith.mulf %get3A_722, %mul3A_723 : vector<16xf32>
        %swap3A_725 = arith.index_cast %add3A_663 : i32 to index
        %swap3A_726 = arith.constant 112 : index
        %swap3A_727 = tpu.vector_load %arg17[%swap3A_725, %swap3A_726] {strides = array<i32>} : memref<128x128xf32, #tpu.memory_space<vmem>>, vector<16xf32>,
        tpu.vector_store %arg17[%swap3A_725, %swap3A_726], %mul3A_724 {strides = array<i32>} : memref<128x128xf32, #tpu.memory_space<vmem>>, vector<16xf32>,
        %slice3A_728 = vector.extract_strided_slice %get3A_310 {offsets = [6], sizes = [1], strides = [1]} : vector<16xf32> to vector<1xf32>
        %squeeze3A_729 = vector.extract %slice3A_728[0] : f32 from vector<1xf32>
        %mul3A_730 = arith.constant 16 : i32
        %mul3A_731 = arith.muli %scan3A_304, %mul3A_730 : i32
        %add3A_732 = arith.constant 6 : i32
        %add3A_733 = arith.addi %mul3A_731, %add3A_732 : i32
        %get3A_734 = arith.index_cast %add3A_733 : i32 to index
        %get3A_735 = arith.constant 0 : index
        %get3A_736 = tpu.vector_load %arg17[%get3A_734, %get3A_735] {strides = array<i32>} : memref<128x128xf32, #tpu.memory_space<vmem>>, vector<16xf32>,
        %mul3A_737 = vector.broadcast %squeeze3A_729 : f32 to vector<16xf32>
        %mul3A_738 = arith.mulf %get3A_736, %mul3A_737 : vector<16xf32>
        %swap3A_739 = arith.index_cast %add3A_733 : i32 to index
        %swap3A_740 = arith.constant 0 : index
        %swap3A_741 = tpu.vector_load %arg17[%swap3A_739, %swap3A_740] {strides = array<i32>} : memref<128x128xf32, #tpu.memory_space<vmem>>, vector<16xf32>,
        tpu.vector_store %arg17[%swap3A_739, %swap3A_740], %mul3A_738 {strides = array<i32>} : memref<128x128xf32, #tpu.memory_space<vmem>>, vector<16xf32>,
        %get3A_742 = arith.index_cast %add3A_733 : i32 to index
        %get3A_743 = arith.constant 16 : index
        %get3A_744 = tpu.vector_load %arg17[%get3A_742, %get3A_743] {strides = array<i32>} : memref<128x128xf32, #tpu.memory_space<vmem>>, vector<16xf32>,
        %mul3A_745 = vector.broadcast %squeeze3A_729 : f32 to vector<16xf32>
        %mul3A_746 = arith.mulf %get3A_744, %mul3A_745 : vector<16xf32>
        %swap3A_747 = arith.index_cast %add3A_733 : i32 to index
        %swap3A_748 = arith.constant 16 : index
        %swap3A_749 = tpu.vector_load %arg17[%swap3A_747, %swap3A_748] {strides = array<i32>} : memref<128x128xf32, #tpu.memory_space<vmem>>, vector<16xf32>,
        tpu.vector_store %arg17[%swap3A_747, %swap3A_748], %mul3A_746 {strides = array<i32>} : memref<128x128xf32, #tpu.memory_space<vmem>>, vector<16xf32>,
        %get3A_750 = arith.index_cast %add3A_733 : i32 to index
        %get3A_751 = arith.constant 32 : index
        %get3A_752 = tpu.vector_load %arg17[%get3A_750, %get3A_751] {strides = array<i32>} : memref<128x128xf32, #tpu.memory_space<vmem>>, vector<16xf32>,
        %mul3A_753 = vector.broadcast %squeeze3A_729 : f32 to vector<16xf32>
        %mul3A_754 = arith.mulf %get3A_752, %mul3A_753 : vector<16xf32>
        %swap3A_755 = arith.index_cast %add3A_733 : i32 to index
        %swap3A_756 = arith.constant 32 : index
        %swap3A_757 = tpu.vector_load %arg17[%swap3A_755, %swap3A_756] {strides = array<i32>} : memref<128x128xf32, #tpu.memory_space<vmem>>, vector<16xf32>,
        tpu.vector_store %arg17[%swap3A_755, %swap3A_756], %mul3A_754 {strides = array<i32>} : memref<128x128xf32, #tpu.memory_space<vmem>>, vector<16xf32>,
        %get3A_758 = arith.index_cast %add3A_733 : i32 to index
        %get3A_759 = arith.constant 48 : index
        %get3A_760 = tpu.vector_load %arg17[%get3A_758, %get3A_759] {strides = array<i32>} : memref<128x128xf32, #tpu.memory_space<vmem>>, vector<16xf32>,
        %mul3A_761 = vector.broadcast %squeeze3A_729 : f32 to vector<16xf32>
        %mul3A_762 = arith.mulf %get3A_760, %mul3A_761 : vector<16xf32>
        %swap3A_763 = arith.index_cast %add3A_733 : i32 to index
        %swap3A_764 = arith.constant 48 : index
        %swap3A_765 = tpu.vector_load %arg17[%swap3A_763, %swap3A_764] {strides = array<i32>} : memref<128x128xf32, #tpu.memory_space<vmem>>, vector<16xf32>,
        tpu.vector_store %arg17[%swap3A_763, %swap3A_764], %mul3A_762 {strides = array<i32>} : memref<128x128xf32, #tpu.memory_space<vmem>>, vector<16xf32>,
        %get3A_766 = arith.index_cast %add3A_733 : i32 to index
        %get3A_767 = arith.constant 64 : index
        %get3A_768 = tpu.vector_load %arg17[%get3A_766, %get3A_767] {strides = array<i32>} : memref<128x128xf32, #tpu.memory_space<vmem>>, vector<16xf32>,
        %mul3A_769 = vector.broadcast %squeeze3A_729 : f32 to vector<16xf32>
        %mul3A_770 = arith.mulf %get3A_768, %mul3A_769 : vector<16xf32>
        %swap3A_771 = arith.index_cast %add3A_733 : i32 to index
        %swap3A_772 = arith.constant 64 : index
        %swap3A_773 = tpu.vector_load %arg17[%swap3A_771, %swap3A_772] {strides = array<i32>} : memref<128x128xf32, #tpu.memory_space<vmem>>, vector<16xf32>,
        tpu.vector_store %arg17[%swap3A_771, %swap3A_772], %mul3A_770 {strides = array<i32>} : memref<128x128xf32, #tpu.memory_space<vmem>>, vector<16xf32>,
        %get3A_774 = arith.index_cast %add3A_733 : i32 to index
        %get3A_775 = arith.constant 80 : index
        %get3A_776 = tpu.vector_load %arg17[%get3A_774, %get3A_775] {strides = array<i32>} : memref<128x128xf32, #tpu.memory_space<vmem>>, vector<16xf32>,
        %mul3A_777 = vector.broadcast %squeeze3A_729 : f32 to vector<16xf32>
        %mul3A_778 = arith.mulf %get3A_776, %mul3A_777 : vector<16xf32>
        %swap3A_779 = arith.index_cast %add3A_733 : i32 to index
        %swap3A_780 = arith.constant 80 : index
        %swap3A_781 = tpu.vector_load %arg17[%swap3A_779, %swap3A_780] {strides = array<i32>} : memref<128x128xf32, #tpu.memory_space<vmem>>, vector<16xf32>,
        tpu.vector_store %arg17[%swap3A_779, %swap3A_780], %mul3A_778 {strides = array<i32>} : memref<128x128xf32, #tpu.memory_space<vmem>>, vector<16xf32>,
        %get3A_782 = arith.index_cast %add3A_733 : i32 to index
        %get3A_783 = arith.constant 96 : index
        %get3A_784 = tpu.vector_load %arg17[%get3A_782, %get3A_783] {strides = array<i32>} : memref<128x128xf32, #tpu.memory_space<vmem>>, vector<16xf32>,
        %mul3A_785 = vector.broadcast %squeeze3A_729 : f32 to vector<16xf32>
        %mul3A_786 = arith.mulf %get3A_784, %mul3A_785 : vector<16xf32>
        %swap3A_787 = arith.index_cast %add3A_733 : i32 to index
        %swap3A_788 = arith.constant 96 : index
        %swap3A_789 = tpu.vector_load %arg17[%swap3A_787, %swap3A_788] {strides = array<i32>} : memref<128x128xf32, #tpu.memory_space<vmem>>, vector<16xf32>,
        tpu.vector_store %arg17[%swap3A_787, %swap3A_788], %mul3A_786 {strides = array<i32>} : memref<128x128xf32, #tpu.memory_space<vmem>>, vector<16xf32>,
        %get3A_790 = arith.index_cast %add3A_733 : i32 to index
        %get3A_791 = arith.constant 112 : index
        %get3A_792 = tpu.vector_load %arg17[%get3A_790, %get3A_791] {strides = array<i32>} : memref<128x128xf32, #tpu.memory_space<vmem>>, vector<16xf32>,
        %mul3A_793 = vector.broadcast %squeeze3A_729 : f32 to vector<16xf32>
        %mul3A_794 = arith.mulf %get3A_792, %mul3A_793 : vector<16xf32>
        %swap3A_795 = arith.index_cast %add3A_733 : i32 to index
        %swap3A_796 = arith.constant 112 : index
        %swap3A_797 = tpu.vector_load %arg17[%swap3A_795, %swap3A_796] {strides = array<i32>} : memref<128x128xf32, #tpu.memory_space<vmem>>, vector<16xf32>,
        tpu.vector_store %arg17[%swap3A_795, %swap3A_796], %mul3A_794 {strides = array<i32>} : memref<128x128xf32, #tpu.memory_space<vmem>>, vector<16xf32>,
        %slice3A_798 = vector.extract_strided_slice %get3A_310 {offsets = [7], sizes = [1], strides = [1]} : vector<16xf32> to vector<1xf32>
        %squeeze3A_799 = vector.extract %slice3A_798[0] : f32 from vector<1xf32>
        %mul3A_800 = arith.constant 16 : i32
        %mul3A_801 = arith.muli %scan3A_304, %mul3A_800 : i32
        %add3A_802 = arith.constant 7 : i32
        %add3A_803 = arith.addi %mul3A_801, %add3A_802 : i32
        %get3A_804 = arith.index_cast %add3A_803 : i32 to index
        %get3A_805 = arith.constant 0 : index
        %get3A_806 = tpu.vector_load %arg17[%get3A_804, %get3A_805] {strides = array<i32>} : memref<128x128xf32, #tpu.memory_space<vmem>>, vector<16xf32>,
        %mul3A_807 = vector.broadcast %squeeze3A_799 : f32 to vector<16xf32>
        %mul3A_808 = arith.mulf %get3A_806, %mul3A_807 : vector<16xf32>
        %swap3A_809 = arith.index_cast %add3A_803 : i32 to index
        %swap3A_810 = arith.constant 0 : index
        %swap3A_811 = tpu.vector_load %arg17[%swap3A_809, %swap3A_810] {strides = array<i32>} : memref<128x128xf32, #tpu.memory_space<vmem>>, vector<16xf32>,
        tpu.vector_store %arg17[%swap3A_809, %swap3A_810], %mul3A_808 {strides = array<i32>} : memref<128x128xf32, #tpu.memory_space<vmem>>, vector<16xf32>,
        %get3A_812 = arith.index_cast %add3A_803 : i32 to index
        %get3A_813 = arith.constant 16 : index
        %get3A_814 = tpu.vector_load %arg17[%get3A_812, %get3A_813] {strides = array<i32>} : memref<128x128xf32, #tpu.memory_space<vmem>>, vector<16xf32>,
        %mul3A_815 = vector.broadcast %squeeze3A_799 : f32 to vector<16xf32>
        %mul3A_816 = arith.mulf %get3A_814, %mul3A_815 : vector<16xf32>
        %swap3A_817 = arith.index_cast %add3A_803 : i32 to index
        %swap3A_818 = arith.constant 16 : index
        %swap3A_819 = tpu.vector_load %arg17[%swap3A_817, %swap3A_818] {strides = array<i32>} : memref<128x128xf32, #tpu.memory_space<vmem>>, vector<16xf32>,
        tpu.vector_store %arg17[%swap3A_817, %swap3A_818], %mul3A_816 {strides = array<i32>} : memref<128x128xf32, #tpu.memory_space<vmem>>, vector<16xf32>,
        %get3A_820 = arith.index_cast %add3A_803 : i32 to index
        %get3A_821 = arith.constant 32 : index
        %get3A_822 = tpu.vector_load %arg17[%get3A_820, %get3A_821] {strides = array<i32>} : memref<128x128xf32, #tpu.memory_space<vmem>>, vector<16xf32>,
        %mul3A_823 = vector.broadcast %squeeze3A_799 : f32 to vector<16xf32>
        %mul3A_824 = arith.mulf %get3A_822, %mul3A_823 : vector<16xf32>
        %swap3A_825 = arith.index_cast %add3A_803 : i32 to index
        %swap3A_826 = arith.constant 32 : index
        %swap3A_827 = tpu.vector_load %arg17[%swap3A_825, %swap3A_826] {strides = array<i32>} : memref<128x128xf32, #tpu.memory_space<vmem>>, vector<16xf32>,
        tpu.vector_store %arg17[%swap3A_825, %swap3A_826], %mul3A_824 {strides = array<i32>} : memref<128x128xf32, #tpu.memory_space<vmem>>, vector<16xf32>,
        %get3A_828 = arith.index_cast %add3A_803 : i32 to index
        %get3A_829 = arith.constant 48 : index
        %get3A_830 = tpu.vector_load %arg17[%get3A_828, %get3A_829] {strides = array<i32>} : memref<128x128xf32, #tpu.memory_space<vmem>>, vector<16xf32>,
        %mul3A_831 = vector.broadcast %squeeze3A_799 : f32 to vector<16xf32>
        %mul3A_832 = arith.mulf %get3A_830, %mul3A_831 : vector<16xf32>
        %swap3A_833 = arith.index_cast %add3A_803 : i32 to index
        %swap3A_834 = arith.constant 48 : index
        %swap3A_835 = tpu.vector_load %arg17[%swap3A_833, %swap3A_834] {strides = array<i32>} : memref<128x128xf32, #tpu.memory_space<vmem>>, vector<16xf32>,
        tpu.vector_store %arg17[%swap3A_833, %swap3A_834], %mul3A_832 {strides = array<i32>} : memref<128x128xf32, #tpu.memory_space<vmem>>, vector<16xf32>,
        %get3A_836 = arith.index_cast %add3A_803 : i32 to index
        %get3A_837 = arith.constant 64 : index
        %get3A_838 = tpu.vector_load %arg17[%get3A_836, %get3A_837] {strides = array<i32>} : memref<128x128xf32, #tpu.memory_space<vmem>>, vector<16xf32>,
        %mul3A_839 = vector.broadcast %squeeze3A_799 : f32 to vector<16xf32>
        %mul3A_840 = arith.mulf %get3A_838, %mul3A_839 : vector<16xf32>
        %swap3A_841 = arith.index_cast %add3A_803 : i32 to index
        %swap3A_842 = arith.constant 64 : index
        %swap3A_843 = tpu.vector_load %arg17[%swap3A_841, %swap3A_842] {strides = array<i32>} : memref<128x128xf32, #tpu.memory_space<vmem>>, vector<16xf32>,
        tpu.vector_store %arg17[%swap3A_841, %swap3A_842], %mul3A_840 {strides = array<i32>} : memref<128x128xf32, #tpu.memory_space<vmem>>, vector<16xf32>,
        %get3A_844 = arith.index_cast %add3A_803 : i32 to index
        %get3A_845 = arith.constant 80 : index
        %get3A_846 = tpu.vector_load %arg17[%get3A_844, %get3A_845] {strides = array<i32>} : memref<128x128xf32, #tpu.memory_space<vmem>>, vector<16xf32>,
        %mul3A_847 = vector.broadcast %squeeze3A_799 : f32 to vector<16xf32>
        %mul3A_848 = arith.mulf %get3A_846, %mul3A_847 : vector<16xf32>
        %swap3A_849 = arith.index_cast %add3A_803 : i32 to index
        %swap3A_850 = arith.constant 80 : index
        %swap3A_851 = tpu.vector_load %arg17[%swap3A_849, %swap3A_850] {strides = array<i32>} : memref<128x128xf32, #tpu.memory_space<vmem>>, vector<16xf32>,
        tpu.vector_store %arg17[%swap3A_849, %swap3A_850], %mul3A_848 {strides = array<i32>} : memref<128x128xf32, #tpu.memory_space<vmem>>, vector<16xf32>,
        %get3A_852 = arith.index_cast %add3A_803 : i32 to index
        %get3A_853 = arith.constant 96 : index
        %get3A_854 = tpu.vector_load %arg17[%get3A_852, %get3A_853] {strides = array<i32>} : memref<128x128xf32, #tpu.memory_space<vmem>>, vector<16xf32>,
        %mul3A_855 = vector.broadcast %squeeze3A_799 : f32 to vector<16xf32>
        %mul3A_856 = arith.mulf %get3A_854, %mul3A_855 : vector<16xf32>
        %swap3A_857 = arith.index_cast %add3A_803 : i32 to index
        %swap3A_858 = arith.constant 96 : index
        %swap3A_859 = tpu.vector_load %arg17[%swap3A_857, %swap3A_858] {strides = array<i32>} : memref<128x128xf32, #tpu.memory_space<vmem>>, vector<16xf32>,
        tpu.vector_store %arg17[%swap3A_857, %swap3A_858], %mul3A_856 {strides = array<i32>} : memref<128x128xf32, #tpu.memory_space<vmem>>, vector<16xf32>,
        %get3A_860 = arith.index_cast %add3A_803 : i32 to index
        %get3A_861 = arith.constant 112 : index
        %get3A_862 = tpu.vector_load %arg17[%get3A_860, %get3A_861] {strides = array<i32>} : memref<128x128xf32, #tpu.memory_space<vmem>>, vector<16xf32>,
        %mul3A_863 = vector.broadcast %squeeze3A_799 : f32 to vector<16xf32>
        %mul3A_864 = arith.mulf %get3A_862, %mul3A_863 : vector<16xf32>
        %swap3A_865 = arith.index_cast %add3A_803 : i32 to index
        %swap3A_866 = arith.constant 112 : index
        %swap3A_867 = tpu.vector_load %arg17[%swap3A_865, %swap3A_866] {strides = array<i32>} : memref<128x128xf32, #tpu.memory_space<vmem>>, vector<16xf32>,
        tpu.vector_store %arg17[%swap3A_865, %swap3A_866], %mul3A_864 {strides = array<i32>} : memref<128x128xf32, #tpu.memory_space<vmem>>, vector<16xf32>,
        %slice3A_868 = vector.extract_strided_slice %get3A_310 {offsets = [8], sizes = [1], strides = [1]} : vector<16xf32> to vector<1xf32>
        %squeeze3A_869 = vector.extract %slice3A_868[0] : f32 from vector<1xf32>
        %mul3A_870 = arith.constant 16 : i32
        %mul3A_871 = arith.muli %scan3A_304, %mul3A_870 : i32
        %add3A_872 = arith.constant 8 : i32
        %add3A_873 = arith.addi %mul3A_871, %add3A_872 : i32
        %get3A_874 = arith.index_cast %add3A_873 : i32 to index
        %get3A_875 = arith.constant 0 : index
        %get3A_876 = tpu.vector_load %arg17[%get3A_874, %get3A_875] {strides = array<i32>} : memref<128x128xf32, #tpu.memory_space<vmem>>, vector<16xf32>,
        %mul3A_877 = vector.broadcast %squeeze3A_869 : f32 to vector<16xf32>
        %mul3A_878 = arith.mulf %get3A_876, %mul3A_877 : vector<16xf32>
        %swap3A_879 = arith.index_cast %add3A_873 : i32 to index
        %swap3A_880 = arith.constant 0 : index
        %swap3A_881 = tpu.vector_load %arg17[%swap3A_879, %swap3A_880] {strides = array<i32>} : memref<128x128xf32, #tpu.memory_space<vmem>>, vector<16xf32>,
        tpu.vector_store %arg17[%swap3A_879, %swap3A_880], %mul3A_878 {strides = array<i32>} : memref<128x128xf32, #tpu.memory_space<vmem>>, vector<16xf32>,
        %get3A_882 = arith.index_cast %add3A_873 : i32 to index
        %get3A_883 = arith.constant 16 : index
        %get3A_884 = tpu.vector_load %arg17[%get3A_882, %get3A_883] {strides = array<i32>} : memref<128x128xf32, #tpu.memory_space<vmem>>, vector<16xf32>,
        %mul3A_885 = vector.broadcast %squeeze3A_869 : f32 to vector<16xf32>
        %mul3A_886 = arith.mulf %get3A_884, %mul3A_885 : vector<16xf32>
        %swap3A_887 = arith.index_cast %add3A_873 : i32 to index
        %swap3A_888 = arith.constant 16 : index
        %swap3A_889 = tpu.vector_load %arg17[%swap3A_887, %swap3A_888] {strides = array<i32>} : memref<128x128xf32, #tpu.memory_space<vmem>>, vector<16xf32>,
        tpu.vector_store %arg17[%swap3A_887, %swap3A_888], %mul3A_886 {strides = array<i32>} : memref<128x128xf32, #tpu.memory_space<vmem>>, vector<16xf32>,
        %get3A_890 = arith.index_cast %add3A_873 : i32 to index
        %get3A_891 = arith.constant 32 : index
        %get3A_892 = tpu.vector_load %arg17[%get3A_890, %get3A_891] {strides = array<i32>} : memref<128x128xf32, #tpu.memory_space<vmem>>, vector<16xf32>,
        %mul3A_893 = vector.broadcast %squeeze3A_869 : f32 to vector<16xf32>
        %mul3A_894 = arith.mulf %get3A_892, %mul3A_893 : vector<16xf32>
        %swap3A_895 = arith.index_cast %add3A_873 : i32 to index
        %swap3A_896 = arith.constant 32 : index
        %swap3A_897 = tpu.vector_load %arg17[%swap3A_895, %swap3A_896] {strides = array<i32>} : memref<128x128xf32, #tpu.memory_space<vmem>>, vector<16xf32>,
        tpu.vector_store %arg17[%swap3A_895, %swap3A_896], %mul3A_894 {strides = array<i32>} : memref<128x128xf32, #tpu.memory_space<vmem>>, vector<16xf32>,
        %get3A_898 = arith.index_cast %add3A_873 : i32 to index
        %get3A_899 = arith.constant 48 : index
        %get3A_900 = tpu.vector_load %arg17[%get3A_898, %get3A_899] {strides = array<i32>} : memref<128x128xf32, #tpu.memory_space<vmem>>, vector<16xf32>,
        %mul3A_901 = vector.broadcast %squeeze3A_869 : f32 to vector<16xf32>
        %mul3A_902 = arith.mulf %get3A_900, %mul3A_901 : vector<16xf32>
        %swap3A_903 = arith.index_cast %add3A_873 : i32 to index
        %swap3A_904 = arith.constant 48 : index
        %swap3A_905 = tpu.vector_load %arg17[%swap3A_903, %swap3A_904] {strides = array<i32>} : memref<128x128xf32, #tpu.memory_space<vmem>>, vector<16xf32>,
        tpu.vector_store %arg17[%swap3A_903, %swap3A_904], %mul3A_902 {strides = array<i32>} : memref<128x128xf32, #tpu.memory_space<vmem>>, vector<16xf32>,
        %get3A_906 = arith.index_cast %add3A_873 : i32 to index
        %get3A_907 = arith.constant 64 : index
        %get3A_908 = tpu.vector_load %arg17[%get3A_906, %get3A_907] {strides = array<i32>} : memref<128x128xf32, #tpu.memory_space<vmem>>, vector<16xf32>,
        %mul3A_909 = vector.broadcast %squeeze3A_869 : f32 to vector<16xf32>
        %mul3A_910 = arith.mulf %get3A_908, %mul3A_909 : vector<16xf32>
        %swap3A_911 = arith.index_cast %add3A_873 : i32 to index
        %swap3A_912 = arith.constant 64 : index
        %swap3A_913 = tpu.vector_load %arg17[%swap3A_911, %swap3A_912] {strides = array<i32>} : memref<128x128xf32, #tpu.memory_space<vmem>>, vector<16xf32>,
        tpu.vector_store %arg17[%swap3A_911, %swap3A_912], %mul3A_910 {strides = array<i32>} : memref<128x128xf32, #tpu.memory_space<vmem>>, vector<16xf32>,
        %get3A_914 = arith.index_cast %add3A_873 : i32 to index
        %get3A_915 = arith.constant 80 : index
        %get3A_916 = tpu.vector_load %arg17[%get3A_914, %get3A_915] {strides = array<i32>} : memref<128x128xf32, #tpu.memory_space<vmem>>, vector<16xf32>,
        %mul3A_917 = vector.broadcast %squeeze3A_869 : f32 to vector<16xf32>
        %mul3A_918 = arith.mulf %get3A_916, %mul3A_917 : vector<16xf32>
        %swap3A_919 = arith.index_cast %add3A_873 : i32 to index
        %swap3A_920 = arith.constant 80 : index
        %swap3A_921 = tpu.vector_load %arg17[%swap3A_919, %swap3A_920] {strides = array<i32>} : memref<128x128xf32, #tpu.memory_space<vmem>>, vector<16xf32>,
        tpu.vector_store %arg17[%swap3A_919, %swap3A_920], %mul3A_918 {strides = array<i32>} : memref<128x128xf32, #tpu.memory_space<vmem>>, vector<16xf32>,
        %get3A_922 = arith.index_cast %add3A_873 : i32 to index
        %get3A_923 = arith.constant 96 : index
        %get3A_924 = tpu.vector_load %arg17[%get3A_922, %get3A_923] {strides = array<i32>} : memref<128x128xf32, #tpu.memory_space<vmem>>, vector<16xf32>,
        %mul3A_925 = vector.broadcast %squeeze3A_869 : f32 to vector<16xf32>
        %mul3A_926 = arith.mulf %get3A_924, %mul3A_925 : vector<16xf32>
        %swap3A_927 = arith.index_cast %add3A_873 : i32 to index
        %swap3A_928 = arith.constant 96 : index
        %swap3A_929 = tpu.vector_load %arg17[%swap3A_927, %swap3A_928] {strides = array<i32>} : memref<128x128xf32, #tpu.memory_space<vmem>>, vector<16xf32>,
        tpu.vector_store %arg17[%swap3A_927, %swap3A_928], %mul3A_926 {strides = array<i32>} : memref<128x128xf32, #tpu.memory_space<vmem>>, vector<16xf32>,
        %get3A_930 = arith.index_cast %add3A_873 : i32 to index
        %get3A_931 = arith.constant 112 : index
        %get3A_932 = tpu.vector_load %arg17[%get3A_930, %get3A_931] {strides = array<i32>} : memref<128x128xf32, #tpu.memory_space<vmem>>, vector<16xf32>,
        %mul3A_933 = vector.broadcast %squeeze3A_869 : f32 to vector<16xf32>
        %mul3A_934 = arith.mulf %get3A_932, %mul3A_933 : vector<16xf32>
        %swap3A_935 = arith.index_cast %add3A_873 : i32 to index
        %swap3A_936 = arith.constant 112 : index
        %swap3A_937 = tpu.vector_load %arg17[%swap3A_935, %swap3A_936] {strides = array<i32>} : memref<128x128xf32, #tpu.memory_space<vmem>>, vector<16xf32>,
        tpu.vector_store %arg17[%swap3A_935, %swap3A_936], %mul3A_934 {strides = array<i32>} : memref<128x128xf32, #tpu.memory_space<vmem>>, vector<16xf32>,
        %slice3A_938 = vector.extract_strided_slice %get3A_310 {offsets = [9], sizes = [1], strides = [1]} : vector<16xf32> to vector<1xf32>
        %squeeze3A_939 = vector.extract %slice3A_938[0] : f32 from vector<1xf32>
        %mul3A_940 = arith.constant 16 : i32
        %mul3A_941 = arith.muli %scan3A_304, %mul3A_940 : i32
        %add3A_942 = arith.constant 9 : i32
        %add3A_943 = arith.addi %mul3A_941, %add3A_942 : i32
        %get3A_944 = arith.index_cast %add3A_943 : i32 to index
        %get3A_945 = arith.constant 0 : index
        %get3A_946 = tpu.vector_load %arg17[%get3A_944, %get3A_945] {strides = array<i32>} : memref<128x128xf32, #tpu.memory_space<vmem>>, vector<16xf32>,
        %mul3A_947 = vector.broadcast %squeeze3A_939 : f32 to vector<16xf32>
        %mul3A_948 = arith.mulf %get3A_946, %mul3A_947 : vector<16xf32>
        %swap3A_949 = arith.index_cast %add3A_943 : i32 to index
        %swap3A_950 = arith.constant 0 : index
        %swap3A_951 = tpu.vector_load %arg17[%swap3A_949, %swap3A_950] {strides = array<i32>} : memref<128x128xf32, #tpu.memory_space<vmem>>, vector<16xf32>,
        tpu.vector_store %arg17[%swap3A_949, %swap3A_950], %mul3A_948 {strides = array<i32>} : memref<128x128xf32, #tpu.memory_space<vmem>>, vector<16xf32>,
        %get3A_952 = arith.index_cast %add3A_943 : i32 to index
        %get3A_953 = arith.constant 16 : index
        %get3A_954 = tpu.vector_load %arg17[%get3A_952, %get3A_953] {strides = array<i32>} : memref<128x128xf32, #tpu.memory_space<vmem>>, vector<16xf32>,
        %mul3A_955 = vector.broadcast %squeeze3A_939 : f32 to vector<16xf32>
        %mul3A_956 = arith.mulf %get3A_954, %mul3A_955 : vector<16xf32>
        %swap3A_957 = arith.index_cast %add3A_943 : i32 to index
        %swap3A_958 = arith.constant 16 : index
        %swap3A_959 = tpu.vector_load %arg17[%swap3A_957, %swap3A_958] {strides = array<i32>} : memref<128x128xf32, #tpu.memory_space<vmem>>, vector<16xf32>,
        tpu.vector_store %arg17[%swap3A_957, %swap3A_958], %mul3A_956 {strides = array<i32>} : memref<128x128xf32, #tpu.memory_space<vmem>>, vector<16xf32>,
        %get3A_960 = arith.index_cast %add3A_943 : i32 to index
        %get3A_961 = arith.constant 32 : index
        %get3A_962 = tpu.vector_load %arg17[%get3A_960, %get3A_961] {strides = array<i32>} : memref<128x128xf32, #tpu.memory_space<vmem>>, vector<16xf32>,
        %mul3A_963 = vector.broadcast %squeeze3A_939 : f32 to vector<16xf32>
        %mul3A_964 = arith.mulf %get3A_962, %mul3A_963 : vector<16xf32>
        %swap3A_965 = arith.index_cast %add3A_943 : i32 to index
        %swap3A_966 = arith.constant 32 : index
        %swap3A_967 = tpu.vector_load %arg17[%swap3A_965, %swap3A_966] {strides = array<i32>} : memref<128x128xf32, #tpu.memory_space<vmem>>, vector<16xf32>,
        tpu.vector_store %arg17[%swap3A_965, %swap3A_966], %mul3A_964 {strides = array<i32>} : memref<128x128xf32, #tpu.memory_space<vmem>>, vector<16xf32>,
        %get3A_968 = arith.index_cast %add3A_943 : i32 to index
        %get3A_969 = arith.constant 48 : index
        %get3A_970 = tpu.vector_load %arg17[%get3A_968, %get3A_969] {strides = array<i32>} : memref<128x128xf32, #tpu.memory_space<vmem>>, vector<16xf32>,
        %mul3A_971 = vector.broadcast %squeeze3A_939 : f32 to vector<16xf32>
        %mul3A_972 = arith.mulf %get3A_970, %mul3A_971 : vector<16xf32>
        %swap3A_973 = arith.index_cast %add3A_943 : i32 to index
        %swap3A_974 = arith.constant 48 : index
        %swap3A_975 = tpu.vector_load %arg17[%swap3A_973, %swap3A_974] {strides = array<i32>} : memref<128x128xf32, #tpu.memory_space<vmem>>, vector<16xf32>,
        tpu.vector_store %arg17[%swap3A_973, %swap3A_974], %mul3A_972 {strides = array<i32>} : memref<128x128xf32, #tpu.memory_space<vmem>>, vector<16xf32>,
        %get3A_976 = arith.index_cast %add3A_943 : i32 to index
        %get3A_977 = arith.constant 64 : index
        %get3A_978 = tpu.vector_load %arg17[%get3A_976, %get3A_977] {strides = array<i32>} : memref<128x128xf32, #tpu.memory_space<vmem>>, vector<16xf32>,
        %mul3A_979 = vector.broadcast %squeeze3A_939 : f32 to vector<16xf32>
        %mul3A_980 = arith.mulf %get3A_978, %mul3A_979 : vector<16xf32>
        %swap3A_981 = arith.index_cast %add3A_943 : i32 to index
        %swap3A_982 = arith.constant 64 : index
        %swap3A_983 = tpu.vector_load %arg17[%swap3A_981, %swap3A_982] {strides = array<i32>} : memref<128x128xf32, #tpu.memory_space<vmem>>, vector<16xf32>,
        tpu.vector_store %arg17[%swap3A_981, %swap3A_982], %mul3A_980 {strides = array<i32>} : memref<128x128xf32, #tpu.memory_space<vmem>>, vector<16xf32>,
        %get3A_984 = arith.index_cast %add3A_943 : i32 to index
        %get3A_985 = arith.constant 80 : index
        %get3A_986 = tpu.vector_load %arg17[%get3A_984, %get3A_985] {strides = array<i32>} : memref<128x128xf32, #tpu.memory_space<vmem>>, vector<16xf32>,
        %mul3A_987 = vector.broadcast %squeeze3A_939 : f32 to vector<16xf32>
        %mul3A_988 = arith.mulf %get3A_986, %mul3A_987 : vector<16xf32>
        %swap3A_989 = arith.index_cast %add3A_943 : i32 to index
        %swap3A_990 = arith.constant 80 : index
        %swap3A_991 = tpu.vector_load %arg17[%swap3A_989, %swap3A_990] {strides = array<i32>} : memref<128x128xf32, #tpu.memory_space<vmem>>, vector<16xf32>,
        tpu.vector_store %arg17[%swap3A_989, %swap3A_990], %mul3A_988 {strides = array<i32>} : memref<128x128xf32, #tpu.memory_space<vmem>>, vector<16xf32>,
        %get3A_992 = arith.index_cast %add3A_943 : i32 to index
        %get3A_993 = arith.constant 96 : index
        %get3A_994 = tpu.vector_load %arg17[%get3A_992, %get3A_993] {strides = array<i32>} : memref<128x128xf32, #tpu.memory_space<vmem>>, vector<16xf32>,
        %mul3A_995 = vector.broadcast %squeeze3A_939 : f32 to vector<16xf32>
        %mul3A_996 = arith.mulf %get3A_994, %mul3A_995 : vector<16xf32>
        %swap3A_997 = arith.index_cast %add3A_943 : i32 to index
        %swap3A_998 = arith.constant 96 : index
        %swap3A_999 = tpu.vector_load %arg17[%swap3A_997, %swap3A_998] {strides = array<i32>} : memref<128x128xf32, #tpu.memory_space<vmem>>, vector<16xf32>,
        tpu.vector_store %arg17[%swap3A_997, %swap3A_998], %mul3A_996 {strides = array<i32>} : memref<128x128xf32, #tpu.memory_space<vmem>>, vector<16xf32>,
        %get3A_1000 = arith.index_cast %add3A_943 : i32 to index
        %get3A_1001 = arith.constant 112 : index
        %get3A_1002 = tpu.vector_load %arg17[%get3A_1000, %get3A_1001] {strides = array<i32>} : memref<128x128xf32, #tpu.memory_space<vmem>>, vector<16xf32>,
        %mul3A_1003 = vector.broadcast %squeeze3A_939 : f32 to vector<16xf32>
        %mul3A_1004 = arith.mulf %get3A_1002, %mul3A_1003 : vector<16xf32>
        %swap3A_1005 = arith.index_cast %add3A_943 : i32 to index
        %swap3A_1006 = arith.constant 112 : index
        %swap3A_1007 = tpu.vector_load %arg17[%swap3A_1005, %swap3A_1006] {strides = array<i32>} : memref<128x128xf32, #tpu.memory_space<vmem>>, vector<16xf32>,
        tpu.vector_store %arg17[%swap3A_1005, %swap3A_1006], %mul3A_1004 {strides = array<i32>} : memref<128x128xf32, #tpu.memory_space<vmem>>, vector<16xf32>,
        %slice3A_1008 = vector.extract_strided_slice %get3A_310 {offsets = [10], sizes = [1], strides = [1]} : vector<16xf32> to vector<1xf32>
        %squeeze3A_1009 = vector.extract %slice3A_1008[0] : f32 from vector<1xf32>
        %mul3A_1010 = arith.constant 16 : i32
        %mul3A_1011 = arith.muli %scan3A_304, %mul3A_1010 : i32
        %add3A_1012 = arith.constant 10 : i32
        %add3A_1013 = arith.addi %mul3A_1011, %add3A_1012 : i32
        %get3A_1014 = arith.index_cast %add3A_1013 : i32 to index
        %get3A_1015 = arith.constant 0 : index
        %get3A_1016 = tpu.vector_load %arg17[%get3A_1014, %get3A_1015] {strides = array<i32>} : memref<128x128xf32, #tpu.memory_space<vmem>>, vector<16xf32>,
        %mul3A_1017 = vector.broadcast %squeeze3A_1009 : f32 to vector<16xf32>
        %mul3A_1018 = arith.mulf %get3A_1016, %mul3A_1017 : vector<16xf32>
        %swap3A_1019 = arith.index_cast %add3A_1013 : i32 to index
        %swap3A_1020 = arith.constant 0 : index
        %swap3A_1021 = tpu.vector_load %arg17[%swap3A_1019, %swap3A_1020] {strides = array<i32>} : memref<128x128xf32, #tpu.memory_space<vmem>>, vector<16xf32>,
        tpu.vector_store %arg17[%swap3A_1019, %swap3A_1020], %mul3A_1018 {strides = array<i32>} : memref<128x128xf32, #tpu.memory_space<vmem>>, vector<16xf32>,
        %get3A_1022 = arith.index_cast %add3A_1013 : i32 to index
        %get3A_1023 = arith.constant 16 : index
        %get3A_1024 = tpu.vector_load %arg17[%get3A_1022, %get3A_1023] {strides = array<i32>} : memref<128x128xf32, #tpu.memory_space<vmem>>, vector<16xf32>,
        %mul3A_1025 = vector.broadcast %squeeze3A_1009 : f32 to vector<16xf32>
        %mul3A_1026 = arith.mulf %get3A_1024, %mul3A_1025 : vector<16xf32>
        %swap3A_1027 = arith.index_cast %add3A_1013 : i32 to index
        %swap3A_1028 = arith.constant 16 : index
        %swap3A_1029 = tpu.vector_load %arg17[%swap3A_1027, %swap3A_1028] {strides = array<i32>} : memref<128x128xf32, #tpu.memory_space<vmem>>, vector<16xf32>,
        tpu.vector_store %arg17[%swap3A_1027, %swap3A_1028], %mul3A_1026 {strides = array<i32>} : memref<128x128xf32, #tpu.memory_space<vmem>>, vector<16xf32>,
        %get3A_1030 = arith.index_cast %add3A_1013 : i32 to index
        %get3A_1031 = arith.constant 32 : index
        %get3A_1032 = tpu.vector_load %arg17[%get3A_1030, %get3A_1031] {strides = array<i32>} : memref<128x128xf32, #tpu.memory_space<vmem>>, vector<16xf32>,
        %mul3A_1033 = vector.broadcast %squeeze3A_1009 : f32 to vector<16xf32>
        %mul3A_1034 = arith.mulf %get3A_1032, %mul3A_1033 : vector<16xf32>
        %swap3A_1035 = arith.index_cast %add3A_1013 : i32 to index
        %swap3A_1036 = arith.constant 32 : index
        %swap3A_1037 = tpu.vector_load %arg17[%swap3A_1035, %swap3A_1036] {strides = array<i32>} : memref<128x128xf32, #tpu.memory_space<vmem>>, vector<16xf32>,
        tpu.vector_store %arg17[%swap3A_1035, %swap3A_1036], %mul3A_1034 {strides = array<i32>} : memref<128x128xf32, #tpu.memory_space<vmem>>, vector<16xf32>,
        %get3A_1038 = arith.index_cast %add3A_1013 : i32 to index
        %get3A_1039 = arith.constant 48 : index
        %get3A_1040 = tpu.vector_load %arg17[%get3A_1038, %get3A_1039] {strides = array<i32>} : memref<128x128xf32, #tpu.memory_space<vmem>>, vector<16xf32>,
        %mul3A_1041 = vector.broadcast %squeeze3A_1009 : f32 to vector<16xf32>
        %mul3A_1042 = arith.mulf %get3A_1040, %mul3A_1041 : vector<16xf32>
        %swap3A_1043 = arith.index_cast %add3A_1013 : i32 to index
        %swap3A_1044 = arith.constant 48 : index
        %swap3A_1045 = tpu.vector_load %arg17[%swap3A_1043, %swap3A_1044] {strides = array<i32>} : memref<128x128xf32, #tpu.memory_space<vmem>>, vector<16xf32>,
        tpu.vector_store %arg17[%swap3A_1043, %swap3A_1044], %mul3A_1042 {strides = array<i32>} : memref<128x128xf32, #tpu.memory_space<vmem>>, vector<16xf32>,
        %get3A_1046 = arith.index_cast %add3A_1013 : i32 to index
        %get3A_1047 = arith.constant 64 : index
        %get3A_1048 = tpu.vector_load %arg17[%get3A_1046, %get3A_1047] {strides = array<i32>} : memref<128x128xf32, #tpu.memory_space<vmem>>, vector<16xf32>,
        %mul3A_1049 = vector.broadcast %squeeze3A_1009 : f32 to vector<16xf32>
        %mul3A_1050 = arith.mulf %get3A_1048, %mul3A_1049 : vector<16xf32>
        %swap3A_1051 = arith.index_cast %add3A_1013 : i32 to index
        %swap3A_1052 = arith.constant 64 : index
        %swap3A_1053 = tpu.vector_load %arg17[%swap3A_1051, %swap3A_1052] {strides = array<i32>} : memref<128x128xf32, #tpu.memory_space<vmem>>, vector<16xf32>,
        tpu.vector_store %arg17[%swap3A_1051, %swap3A_1052], %mul3A_1050 {strides = array<i32>} : memref<128x128xf32, #tpu.memory_space<vmem>>, vector<16xf32>,
        %get3A_1054 = arith.index_cast %add3A_1013 : i32 to index
        %get3A_1055 = arith.constant 80 : index
        %get3A_1056 = tpu.vector_load %arg17[%get3A_1054, %get3A_1055] {strides = array<i32>} : memref<128x128xf32, #tpu.memory_space<vmem>>, vector<16xf32>,
        %mul3A_1057 = vector.broadcast %squeeze3A_1009 : f32 to vector<16xf32>
        %mul3A_1058 = arith.mulf %get3A_1056, %mul3A_1057 : vector<16xf32>
        %swap3A_1059 = arith.index_cast %add3A_1013 : i32 to index
        %swap3A_1060 = arith.constant 80 : index
        %swap3A_1061 = tpu.vector_load %arg17[%swap3A_1059, %swap3A_1060] {strides = array<i32>} : memref<128x128xf32, #tpu.memory_space<vmem>>, vector<16xf32>,
        tpu.vector_store %arg17[%swap3A_1059, %swap3A_1060], %mul3A_1058 {strides = array<i32>} : memref<128x128xf32, #tpu.memory_space<vmem>>, vector<16xf32>,
        %get3A_1062 = arith.index_cast %add3A_1013 : i32 to index
        %get3A_1063 = arith.constant 96 : index
        %get3A_1064 = tpu.vector_load %arg17[%get3A_1062, %get3A_1063] {strides = array<i32>} : memref<128x128xf32, #tpu.memory_space<vmem>>, vector<16xf32>,
        %mul3A_1065 = vector.broadcast %squeeze3A_1009 : f32 to vector<16xf32>
        %mul3A_1066 = arith.mulf %get3A_1064, %mul3A_1065 : vector<16xf32>
        %swap3A_1067 = arith.index_cast %add3A_1013 : i32 to index
        %swap3A_1068 = arith.constant 96 : index
        %swap3A_1069 = tpu.vector_load %arg17[%swap3A_1067, %swap3A_1068] {strides = array<i32>} : memref<128x128xf32, #tpu.memory_space<vmem>>, vector<16xf32>,
        tpu.vector_store %arg17[%swap3A_1067, %swap3A_1068], %mul3A_1066 {strides = array<i32>} : memref<128x128xf32, #tpu.memory_space<vmem>>, vector<16xf32>,
        %get3A_1070 = arith.index_cast %add3A_1013 : i32 to index
        %get3A_1071 = arith.constant 112 : index
        %get3A_1072 = tpu.vector_load %arg17[%get3A_1070, %get3A_1071] {strides = array<i32>} : memref<128x128xf32, #tpu.memory_space<vmem>>, vector<16xf32>,
        %mul3A_1073 = vector.broadcast %squeeze3A_1009 : f32 to vector<16xf32>
        %mul3A_1074 = arith.mulf %get3A_1072, %mul3A_1073 : vector<16xf32>
        %swap3A_1075 = arith.index_cast %add3A_1013 : i32 to index
        %swap3A_1076 = arith.constant 112 : index
        %swap3A_1077 = tpu.vector_load %arg17[%swap3A_1075, %swap3A_1076] {strides = array<i32>} : memref<128x128xf32, #tpu.memory_space<vmem>>, vector<16xf32>,
        tpu.vector_store %arg17[%swap3A_1075, %swap3A_1076], %mul3A_1074 {strides = array<i32>} : memref<128x128xf32, #tpu.memory_space<vmem>>, vector<16xf32>,
        %slice3A_1078 = vector.extract_strided_slice %get3A_310 {offsets = [11], sizes = [1], strides = [1]} : vector<16xf32> to vector<1xf32>
        %squeeze3A_1079 = vector.extract %slice3A_1078[0] : f32 from vector<1xf32>
        %mul3A_1080 = arith.constant 16 : i32
        %mul3A_1081 = arith.muli %scan3A_304, %mul3A_1080 : i32
        %add3A_1082 = arith.constant 11 : i32
        %add3A_1083 = arith.addi %mul3A_1081, %add3A_1082 : i32
        %get3A_1084 = arith.index_cast %add3A_1083 : i32 to index
        %get3A_1085 = arith.constant 0 : index
        %get3A_1086 = tpu.vector_load %arg17[%get3A_1084, %get3A_1085] {strides = array<i32>} : memref<128x128xf32, #tpu.memory_space<vmem>>, vector<16xf32>,
        %mul3A_1087 = vector.broadcast %squeeze3A_1079 : f32 to vector<16xf32>
        %mul3A_1088 = arith.mulf %get3A_1086, %mul3A_1087 : vector<16xf32>
        %swap3A_1089 = arith.index_cast %add3A_1083 : i32 to index
        %swap3A_1090 = arith.constant 0 : index
        %swap3A_1091 = tpu.vector_load %arg17[%swap3A_1089, %swap3A_1090] {strides = array<i32>} : memref<128x128xf32, #tpu.memory_space<vmem>>, vector<16xf32>,
        tpu.vector_store %arg17[%swap3A_1089, %swap3A_1090], %mul3A_1088 {strides = array<i32>} : memref<128x128xf32, #tpu.memory_space<vmem>>, vector<16xf32>,
        %get3A_1092 = arith.index_cast %add3A_1083 : i32 to index
        %get3A_1093 = arith.constant 16 : index
        %get3A_1094 = tpu.vector_load %arg17[%get3A_1092, %get3A_1093] {strides = array<i32>} : memref<128x128xf32, #tpu.memory_space<vmem>>, vector<16xf32>,
        %mul3A_1095 = vector.broadcast %squeeze3A_1079 : f32 to vector<16xf32>
        %mul3A_1096 = arith.mulf %get3A_1094, %mul3A_1095 : vector<16xf32>
        %swap3A_1097 = arith.index_cast %add3A_1083 : i32 to index
        %swap3A_1098 = arith.constant 16 : index
        %swap3A_1099 = tpu.vector_load %arg17[%swap3A_1097, %swap3A_1098] {strides = array<i32>} : memref<128x128xf32, #tpu.memory_space<vmem>>, vector<16xf32>,
        tpu.vector_store %arg17[%swap3A_1097, %swap3A_1098], %mul3A_1096 {strides = array<i32>} : memref<128x128xf32, #tpu.memory_space<vmem>>, vector<16xf32>,
        %get3A_1100 = arith.index_cast %add3A_1083 : i32 to index
        %get3A_1101 = arith.constant 32 : index
        %get3A_1102 = tpu.vector_load %arg17[%get3A_1100, %get3A_1101] {strides = array<i32>} : memref<128x128xf32, #tpu.memory_space<vmem>>, vector<16xf32>,
        %mul3A_1103 = vector.broadcast %squeeze3A_1079 : f32 to vector<16xf32>
        %mul3A_1104 = arith.mulf %get3A_1102, %mul3A_1103 : vector<16xf32>
        %swap3A_1105 = arith.index_cast %add3A_1083 : i32 to index
        %swap3A_1106 = arith.constant 32 : index
        %swap3A_1107 = tpu.vector_load %arg17[%swap3A_1105, %swap3A_1106] {strides = array<i32>} : memref<128x128xf32, #tpu.memory_space<vmem>>, vector<16xf32>,
        tpu.vector_store %arg17[%swap3A_1105, %swap3A_1106], %mul3A_1104 {strides = array<i32>} : memref<128x128xf32, #tpu.memory_space<vmem>>, vector<16xf32>,
        %get3A_1108 = arith.index_cast %add3A_1083 : i32 to index
        %get3A_1109 = arith.constant 48 : index
        %get3A_1110 = tpu.vector_load %arg17[%get3A_1108, %get3A_1109] {strides = array<i32>} : memref<128x128xf32, #tpu.memory_space<vmem>>, vector<16xf32>,
        %mul3A_1111 = vector.broadcast %squeeze3A_1079 : f32 to vector<16xf32>
        %mul3A_1112 = arith.mulf %get3A_1110, %mul3A_1111 : vector<16xf32>
        %swap3A_1113 = arith.index_cast %add3A_1083 : i32 to index
        %swap3A_1114 = arith.constant 48 : index
        %swap3A_1115 = tpu.vector_load %arg17[%swap3A_1113, %swap3A_1114] {strides = array<i32>} : memref<128x128xf32, #tpu.memory_space<vmem>>, vector<16xf32>,
        tpu.vector_store %arg17[%swap3A_1113, %swap3A_1114], %mul3A_1112 {strides = array<i32>} : memref<128x128xf32, #tpu.memory_space<vmem>>, vector<16xf32>,
        %get3A_1116 = arith.index_cast %add3A_1083 : i32 to index
        %get3A_1117 = arith.constant 64 : index
        %get3A_1118 = tpu.vector_load %arg17[%get3A_1116, %get3A_1117] {strides = array<i32>} : memref<128x128xf32, #tpu.memory_space<vmem>>, vector<16xf32>,
        %mul3A_1119 = vector.broadcast %squeeze3A_1079 : f32 to vector<16xf32>
        %mul3A_1120 = arith.mulf %get3A_1118, %mul3A_1119 : vector<16xf32>
        %swap3A_1121 = arith.index_cast %add3A_1083 : i32 to index
        %swap3A_1122 = arith.constant 64 : index
        %swap3A_1123 = tpu.vector_load %arg17[%swap3A_1121, %swap3A_1122] {strides = array<i32>} : memref<128x128xf32, #tpu.memory_space<vmem>>, vector<16xf32>,
        tpu.vector_store %arg17[%swap3A_1121, %swap3A_1122], %mul3A_1120 {strides = array<i32>} : memref<128x128xf32, #tpu.memory_space<vmem>>, vector<16xf32>,
        %get3A_1124 = arith.index_cast %add3A_1083 : i32 to index
        %get3A_1125 = arith.constant 80 : index
        %get3A_1126 = tpu.vector_load %arg17[%get3A_1124, %get3A_1125] {strides = array<i32>} : memref<128x128xf32, #tpu.memory_space<vmem>>, vector<16xf32>,
        %mul3A_1127 = vector.broadcast %squeeze3A_1079 : f32 to vector<16xf32>
        %mul3A_1128 = arith.mulf %get3A_1126, %mul3A_1127 : vector<16xf32>
        %swap3A_1129 = arith.index_cast %add3A_1083 : i32 to index
        %swap3A_1130 = arith.constant 80 : index
        %swap3A_1131 = tpu.vector_load %arg17[%swap3A_1129, %swap3A_1130] {strides = array<i32>} : memref<128x128xf32, #tpu.memory_space<vmem>>, vector<16xf32>,
        tpu.vector_store %arg17[%swap3A_1129, %swap3A_1130], %mul3A_1128 {strides = array<i32>} : memref<128x128xf32, #tpu.memory_space<vmem>>, vector<16xf32>,
        %get3A_1132 = arith.index_cast %add3A_1083 : i32 to index
        %get3A_1133 = arith.constant 96 : index
        %get3A_1134 = tpu.vector_load %arg17[%get3A_1132, %get3A_1133] {strides = array<i32>} : memref<128x128xf32, #tpu.memory_space<vmem>>, vector<16xf32>,
        %mul3A_1135 = vector.broadcast %squeeze3A_1079 : f32 to vector<16xf32>
        %mul3A_1136 = arith.mulf %get3A_1134, %mul3A_1135 : vector<16xf32>
        %swap3A_1137 = arith.index_cast %add3A_1083 : i32 to index
        %swap3A_1138 = arith.constant 96 : index
        %swap3A_1139 = tpu.vector_load %arg17[%swap3A_1137, %swap3A_1138] {strides = array<i32>} : memref<128x128xf32, #tpu.memory_space<vmem>>, vector<16xf32>,
        tpu.vector_store %arg17[%swap3A_1137, %swap3A_1138], %mul3A_1136 {strides = array<i32>} : memref<128x128xf32, #tpu.memory_space<vmem>>, vector<16xf32>,
        %get3A_1140 = arith.index_cast %add3A_1083 : i32 to index
        %get3A_1141 = arith.constant 112 : index
        %get3A_1142 = tpu.vector_load %arg17[%get3A_1140, %get3A_1141] {strides = array<i32>} : memref<128x128xf32, #tpu.memory_space<vmem>>, vector<16xf32>,
        %mul3A_1143 = vector.broadcast %squeeze3A_1079 : f32 to vector<16xf32>
        %mul3A_1144 = arith.mulf %get3A_1142, %mul3A_1143 : vector<16xf32>
        %swap3A_1145 = arith.index_cast %add3A_1083 : i32 to index
        %swap3A_1146 = arith.constant 112 : index
        %swap3A_1147 = tpu.vector_load %arg17[%swap3A_1145, %swap3A_1146] {strides = array<i32>} : memref<128x128xf32, #tpu.memory_space<vmem>>, vector<16xf32>,
        tpu.vector_store %arg17[%swap3A_1145, %swap3A_1146], %mul3A_1144 {strides = array<i32>} : memref<128x128xf32, #tpu.memory_space<vmem>>, vector<16xf32>,
        %slice3A_1148 = vector.extract_strided_slice %get3A_310 {offsets = [12], sizes = [1], strides = [1]} : vector<16xf32> to vector<1xf32>
        %squeeze3A_1149 = vector.extract %slice3A_1148[0] : f32 from vector<1xf32>
        %mul3A_1150 = arith.constant 16 : i32
        %mul3A_1151 = arith.muli %scan3A_304, %mul3A_1150 : i32
        %add3A_1152 = arith.constant 12 : i32
        %add3A_1153 = arith.addi %mul3A_1151, %add3A_1152 : i32
        %get3A_1154 = arith.index_cast %add3A_1153 : i32 to index
        %get3A_1155 = arith.constant 0 : index
        %get3A_1156 = tpu.vector_load %arg17[%get3A_1154, %get3A_1155] {strides = array<i32>} : memref<128x128xf32, #tpu.memory_space<vmem>>, vector<16xf32>,
        %mul3A_1157 = vector.broadcast %squeeze3A_1149 : f32 to vector<16xf32>
        %mul3A_1158 = arith.mulf %get3A_1156, %mul3A_1157 : vector<16xf32>
        %swap3A_1159 = arith.index_cast %add3A_1153 : i32 to index
        %swap3A_1160 = arith.constant 0 : index
        %swap3A_1161 = tpu.vector_load %arg17[%swap3A_1159, %swap3A_1160] {strides = array<i32>} : memref<128x128xf32, #tpu.memory_space<vmem>>, vector<16xf32>,
        tpu.vector_store %arg17[%swap3A_1159, %swap3A_1160], %mul3A_1158 {strides = array<i32>} : memref<128x128xf32, #tpu.memory_space<vmem>>, vector<16xf32>,
        %get3A_1162 = arith.index_cast %add3A_1153 : i32 to index
        %get3A_1163 = arith.constant 16 : index
        %get3A_1164 = tpu.vector_load %arg17[%get3A_1162, %get3A_1163] {strides = array<i32>} : memref<128x128xf32, #tpu.memory_space<vmem>>, vector<16xf32>,
        %mul3A_1165 = vector.broadcast %squeeze3A_1149 : f32 to vector<16xf32>
        %mul3A_1166 = arith.mulf %get3A_1164, %mul3A_1165 : vector<16xf32>
        %swap3A_1167 = arith.index_cast %add3A_1153 : i32 to index
        %swap3A_1168 = arith.constant 16 : index
        %swap3A_1169 = tpu.vector_load %arg17[%swap3A_1167, %swap3A_1168] {strides = array<i32>} : memref<128x128xf32, #tpu.memory_space<vmem>>, vector<16xf32>,
        tpu.vector_store %arg17[%swap3A_1167, %swap3A_1168], %mul3A_1166 {strides = array<i32>} : memref<128x128xf32, #tpu.memory_space<vmem>>, vector<16xf32>,
        %get3A_1170 = arith.index_cast %add3A_1153 : i32 to index
        %get3A_1171 = arith.constant 32 : index
        %get3A_1172 = tpu.vector_load %arg17[%get3A_1170, %get3A_1171] {strides = array<i32>} : memref<128x128xf32, #tpu.memory_space<vmem>>, vector<16xf32>,
        %mul3A_1173 = vector.broadcast %squeeze3A_1149 : f32 to vector<16xf32>
        %mul3A_1174 = arith.mulf %get3A_1172, %mul3A_1173 : vector<16xf32>
        %swap3A_1175 = arith.index_cast %add3A_1153 : i32 to index
        %swap3A_1176 = arith.constant 32 : index
        %swap3A_1177 = tpu.vector_load %arg17[%swap3A_1175, %swap3A_1176] {strides = array<i32>} : memref<128x128xf32, #tpu.memory_space<vmem>>, vector<16xf32>,
        tpu.vector_store %arg17[%swap3A_1175, %swap3A_1176], %mul3A_1174 {strides = array<i32>} : memref<128x128xf32, #tpu.memory_space<vmem>>, vector<16xf32>,
        %get3A_1178 = arith.index_cast %add3A_1153 : i32 to index
        %get3A_1179 = arith.constant 48 : index
        %get3A_1180 = tpu.vector_load %arg17[%get3A_1178, %get3A_1179] {strides = array<i32>} : memref<128x128xf32, #tpu.memory_space<vmem>>, vector<16xf32>,
        %mul3A_1181 = vector.broadcast %squeeze3A_1149 : f32 to vector<16xf32>
        %mul3A_1182 = arith.mulf %get3A_1180, %mul3A_1181 : vector<16xf32>
        %swap3A_1183 = arith.index_cast %add3A_1153 : i32 to index
        %swap3A_1184 = arith.constant 48 : index
        %swap3A_1185 = tpu.vector_load %arg17[%swap3A_1183, %swap3A_1184] {strides = array<i32>} : memref<128x128xf32, #tpu.memory_space<vmem>>, vector<16xf32>,
        tpu.vector_store %arg17[%swap3A_1183, %swap3A_1184], %mul3A_1182 {strides = array<i32>} : memref<128x128xf32, #tpu.memory_space<vmem>>, vector<16xf32>,
        %get3A_1186 = arith.index_cast %add3A_1153 : i32 to index
        %get3A_1187 = arith.constant 64 : index
        %get3A_1188 = tpu.vector_load %arg17[%get3A_1186, %get3A_1187] {strides = array<i32>} : memref<128x128xf32, #tpu.memory_space<vmem>>, vector<16xf32>,
        %mul3A_1189 = vector.broadcast %squeeze3A_1149 : f32 to vector<16xf32>
        %mul3A_1190 = arith.mulf %get3A_1188, %mul3A_1189 : vector<16xf32>
        %swap3A_1191 = arith.index_cast %add3A_1153 : i32 to index
        %swap3A_1192 = arith.constant 64 : index
        %swap3A_1193 = tpu.vector_load %arg17[%swap3A_1191, %swap3A_1192] {strides = array<i32>} : memref<128x128xf32, #tpu.memory_space<vmem>>, vector<16xf32>,
        tpu.vector_store %arg17[%swap3A_1191, %swap3A_1192], %mul3A_1190 {strides = array<i32>} : memref<128x128xf32, #tpu.memory_space<vmem>>, vector<16xf32>,
        %get3A_1194 = arith.index_cast %add3A_1153 : i32 to index
        %get3A_1195 = arith.constant 80 : index
        %get3A_1196 = tpu.vector_load %arg17[%get3A_1194, %get3A_1195] {strides = array<i32>} : memref<128x128xf32, #tpu.memory_space<vmem>>, vector<16xf32>,
        %mul3A_1197 = vector.broadcast %squeeze3A_1149 : f32 to vector<16xf32>
        %mul3A_1198 = arith.mulf %get3A_1196, %mul3A_1197 : vector<16xf32>
        %swap3A_1199 = arith.index_cast %add3A_1153 : i32 to index
        %swap3A_1200 = arith.constant 80 : index
        %swap3A_1201 = tpu.vector_load %arg17[%swap3A_1199, %swap3A_1200] {strides = array<i32>} : memref<128x128xf32, #tpu.memory_space<vmem>>, vector<16xf32>,
        tpu.vector_store %arg17[%swap3A_1199, %swap3A_1200], %mul3A_1198 {strides = array<i32>} : memref<128x128xf32, #tpu.memory_space<vmem>>, vector<16xf32>,
        %get3A_1202 = arith.index_cast %add3A_1153 : i32 to index
        %get3A_1203 = arith.constant 96 : index
        %get3A_1204 = tpu.vector_load %arg17[%get3A_1202, %get3A_1203] {strides = array<i32>} : memref<128x128xf32, #tpu.memory_space<vmem>>, vector<16xf32>,
        %mul3A_1205 = vector.broadcast %squeeze3A_1149 : f32 to vector<16xf32>
        %mul3A_1206 = arith.mulf %get3A_1204, %mul3A_1205 : vector<16xf32>
        %swap3A_1207 = arith.index_cast %add3A_1153 : i32 to index
        %swap3A_1208 = arith.constant 96 : index
        %swap3A_1209 = tpu.vector_load %arg17[%swap3A_1207, %swap3A_1208] {strides = array<i32>} : memref<128x128xf32, #tpu.memory_space<vmem>>, vector<16xf32>,
        tpu.vector_store %arg17[%swap3A_1207, %swap3A_1208], %mul3A_1206 {strides = array<i32>} : memref<128x128xf32, #tpu.memory_space<vmem>>, vector<16xf32>,
        %get3A_1210 = arith.index_cast %add3A_1153 : i32 to index
        %get3A_1211 = arith.constant 112 : index
        %get3A_1212 = tpu.vector_load %arg17[%get3A_1210, %get3A_1211] {strides = array<i32>} : memref<128x128xf32, #tpu.memory_space<vmem>>, vector<16xf32>,
        %mul3A_1213 = vector.broadcast %squeeze3A_1149 : f32 to vector<16xf32>
        %mul3A_1214 = arith.mulf %get3A_1212, %mul3A_1213 : vector<16xf32>
        %swap3A_1215 = arith.index_cast %add3A_1153 : i32 to index
        %swap3A_1216 = arith.constant 112 : index
        %swap3A_1217 = tpu.vector_load %arg17[%swap3A_1215, %swap3A_1216] {strides = array<i32>} : memref<128x128xf32, #tpu.memory_space<vmem>>, vector<16xf32>,
        tpu.vector_store %arg17[%swap3A_1215, %swap3A_1216], %mul3A_1214 {strides = array<i32>} : memref<128x128xf32, #tpu.memory_space<vmem>>, vector<16xf32>,
        %slice3A_1218 = vector.extract_strided_slice %get3A_310 {offsets = [13], sizes = [1], strides = [1]} : vector<16xf32> to vector<1xf32>
        %squeeze3A_1219 = vector.extract %slice3A_1218[0] : f32 from vector<1xf32>
        %mul3A_1220 = arith.constant 16 : i32
        %mul3A_1221 = arith.muli %scan3A_304, %mul3A_1220 : i32
        %add3A_1222 = arith.constant 13 : i32
        %add3A_1223 = arith.addi %mul3A_1221, %add3A_1222 : i32
        %get3A_1224 = arith.index_cast %add3A_1223 : i32 to index
        %get3A_1225 = arith.constant 0 : index
        %get3A_1226 = tpu.vector_load %arg17[%get3A_1224, %get3A_1225] {strides = array<i32>} : memref<128x128xf32, #tpu.memory_space<vmem>>, vector<16xf32>,
        %mul3A_1227 = vector.broadcast %squeeze3A_1219 : f32 to vector<16xf32>
        %mul3A_1228 = arith.mulf %get3A_1226, %mul3A_1227 : vector<16xf32>
        %swap3A_1229 = arith.index_cast %add3A_1223 : i32 to index
        %swap3A_1230 = arith.constant 0 : index
        %swap3A_1231 = tpu.vector_load %arg17[%swap3A_1229, %swap3A_1230] {strides = array<i32>} : memref<128x128xf32, #tpu.memory_space<vmem>>, vector<16xf32>,
        tpu.vector_store %arg17[%swap3A_1229, %swap3A_1230], %mul3A_1228 {strides = array<i32>} : memref<128x128xf32, #tpu.memory_space<vmem>>, vector<16xf32>,
        %get3A_1232 = arith.index_cast %add3A_1223 : i32 to index
        %get3A_1233 = arith.constant 16 : index
        %get3A_1234 = tpu.vector_load %arg17[%get3A_1232, %get3A_1233] {strides = array<i32>} : memref<128x128xf32, #tpu.memory_space<vmem>>, vector<16xf32>,
        %mul3A_1235 = vector.broadcast %squeeze3A_1219 : f32 to vector<16xf32>
        %mul3A_1236 = arith.mulf %get3A_1234, %mul3A_1235 : vector<16xf32>
        %swap3A_1237 = arith.index_cast %add3A_1223 : i32 to index
        %swap3A_1238 = arith.constant 16 : index
        %swap3A_1239 = tpu.vector_load %arg17[%swap3A_1237, %swap3A_1238] {strides = array<i32>} : memref<128x128xf32, #tpu.memory_space<vmem>>, vector<16xf32>,
        tpu.vector_store %arg17[%swap3A_1237, %swap3A_1238], %mul3A_1236 {strides = array<i32>} : memref<128x128xf32, #tpu.memory_space<vmem>>, vector<16xf32>,
        %get3A_1240 = arith.index_cast %add3A_1223 : i32 to index
        %get3A_1241 = arith.constant 32 : index
        %get3A_1242 = tpu.vector_load %arg17[%get3A_1240, %get3A_1241] {strides = array<i32>} : memref<128x128xf32, #tpu.memory_space<vmem>>, vector<16xf32>,
        %mul3A_1243 = vector.broadcast %squeeze3A_1219 : f32 to vector<16xf32>
        %mul3A_1244 = arith.mulf %get3A_1242, %mul3A_1243 : vector<16xf32>
        %swap3A_1245 = arith.index_cast %add3A_1223 : i32 to index
        %swap3A_1246 = arith.constant 32 : index
        %swap3A_1247 = tpu.vector_load %arg17[%swap3A_1245, %swap3A_1246] {strides = array<i32>} : memref<128x128xf32, #tpu.memory_space<vmem>>, vector<16xf32>,
        tpu.vector_store %arg17[%swap3A_1245, %swap3A_1246], %mul3A_1244 {strides = array<i32>} : memref<128x128xf32, #tpu.memory_space<vmem>>, vector<16xf32>,
        %get3A_1248 = arith.index_cast %add3A_1223 : i32 to index
        %get3A_1249 = arith.constant 48 : index
        %get3A_1250 = tpu.vector_load %arg17[%get3A_1248, %get3A_1249] {strides = array<i32>} : memref<128x128xf32, #tpu.memory_space<vmem>>, vector<16xf32>,
        %mul3A_1251 = vector.broadcast %squeeze3A_1219 : f32 to vector<16xf32>
        %mul3A_1252 = arith.mulf %get3A_1250, %mul3A_1251 : vector<16xf32>
        %swap3A_1253 = arith.index_cast %add3A_1223 : i32 to index
        %swap3A_1254 = arith.constant 48 : index
        %swap3A_1255 = tpu.vector_load %arg17[%swap3A_1253, %swap3A_1254] {strides = array<i32>} : memref<128x128xf32, #tpu.memory_space<vmem>>, vector<16xf32>,
        tpu.vector_store %arg17[%swap3A_1253, %swap3A_1254], %mul3A_1252 {strides = array<i32>} : memref<128x128xf32, #tpu.memory_space<vmem>>, vector<16xf32>,
        %get3A_1256 = arith.index_cast %add3A_1223 : i32 to index
        %get3A_1257 = arith.constant 64 : index
        %get3A_1258 = tpu.vector_load %arg17[%get3A_1256, %get3A_1257] {strides = array<i32>} : memref<128x128xf32, #tpu.memory_space<vmem>>, vector<16xf32>,
        %mul3A_1259 = vector.broadcast %squeeze3A_1219 : f32 to vector<16xf32>
        %mul3A_1260 = arith.mulf %get3A_1258, %mul3A_1259 : vector<16xf32>
        %swap3A_1261 = arith.index_cast %add3A_1223 : i32 to index
        %swap3A_1262 = arith.constant 64 : index
        %swap3A_1263 = tpu.vector_load %arg17[%swap3A_1261, %swap3A_1262] {strides = array<i32>} : memref<128x128xf32, #tpu.memory_space<vmem>>, vector<16xf32>,
        tpu.vector_store %arg17[%swap3A_1261, %swap3A_1262], %mul3A_1260 {strides = array<i32>} : memref<128x128xf32, #tpu.memory_space<vmem>>, vector<16xf32>,
        %get3A_1264 = arith.index_cast %add3A_1223 : i32 to index
        %get3A_1265 = arith.constant 80 : index
        %get3A_1266 = tpu.vector_load %arg17[%get3A_1264, %get3A_1265] {strides = array<i32>} : memref<128x128xf32, #tpu.memory_space<vmem>>, vector<16xf32>,
        %mul3A_1267 = vector.broadcast %squeeze3A_1219 : f32 to vector<16xf32>
        %mul3A_1268 = arith.mulf %get3A_1266, %mul3A_1267 : vector<16xf32>
        %swap3A_1269 = arith.index_cast %add3A_1223 : i32 to index
        %swap3A_1270 = arith.constant 80 : index
        %swap3A_1271 = tpu.vector_load %arg17[%swap3A_1269, %swap3A_1270] {strides = array<i32>} : memref<128x128xf32, #tpu.memory_space<vmem>>, vector<16xf32>,
        tpu.vector_store %arg17[%swap3A_1269, %swap3A_1270], %mul3A_1268 {strides = array<i32>} : memref<128x128xf32, #tpu.memory_space<vmem>>, vector<16xf32>,
        %get3A_1272 = arith.index_cast %add3A_1223 : i32 to index
        %get3A_1273 = arith.constant 96 : index
        %get3A_1274 = tpu.vector_load %arg17[%get3A_1272, %get3A_1273] {strides = array<i32>} : memref<128x128xf32, #tpu.memory_space<vmem>>, vector<16xf32>,
        %mul3A_1275 = vector.broadcast %squeeze3A_1219 : f32 to vector<16xf32>
        %mul3A_1276 = arith.mulf %get3A_1274, %mul3A_1275 : vector<16xf32>
        %swap3A_1277 = arith.index_cast %add3A_1223 : i32 to index
        %swap3A_1278 = arith.constant 96 : index
        %swap3A_1279 = tpu.vector_load %arg17[%swap3A_1277, %swap3A_1278] {strides = array<i32>} : memref<128x128xf32, #tpu.memory_space<vmem>>, vector<16xf32>,
        tpu.vector_store %arg17[%swap3A_1277, %swap3A_1278], %mul3A_1276 {strides = array<i32>} : memref<128x128xf32, #tpu.memory_space<vmem>>, vector<16xf32>,
        %get3A_1280 = arith.index_cast %add3A_1223 : i32 to index
        %get3A_1281 = arith.constant 112 : index
        %get3A_1282 = tpu.vector_load %arg17[%get3A_1280, %get3A_1281] {strides = array<i32>} : memref<128x128xf32, #tpu.memory_space<vmem>>, vector<16xf32>,
        %mul3A_1283 = vector.broadcast %squeeze3A_1219 : f32 to vector<16xf32>
        %mul3A_1284 = arith.mulf %get3A_1282, %mul3A_1283 : vector<16xf32>
        %swap3A_1285 = arith.index_cast %add3A_1223 : i32 to index
        %swap3A_1286 = arith.constant 112 : index
        %swap3A_1287 = tpu.vector_load %arg17[%swap3A_1285, %swap3A_1286] {strides = array<i32>} : memref<128x128xf32, #tpu.memory_space<vmem>>, vector<16xf32>,
        tpu.vector_store %arg17[%swap3A_1285, %swap3A_1286], %mul3A_1284 {strides = array<i32>} : memref<128x128xf32, #tpu.memory_space<vmem>>, vector<16xf32>,
        %slice3A_1288 = vector.extract_strided_slice %get3A_310 {offsets = [14], sizes = [1], strides = [1]} : vector<16xf32> to vector<1xf32>
        %squeeze3A_1289 = vector.extract %slice3A_1288[0] : f32 from vector<1xf32>
        %mul3A_1290 = arith.constant 16 : i32
        %mul3A_1291 = arith.muli %scan3A_304, %mul3A_1290 : i32
        %add3A_1292 = arith.constant 14 : i32
        %add3A_1293 = arith.addi %mul3A_1291, %add3A_1292 : i32
        %get3A_1294 = arith.index_cast %add3A_1293 : i32 to index
        %get3A_1295 = arith.constant 0 : index
        %get3A_1296 = tpu.vector_load %arg17[%get3A_1294, %get3A_1295] {strides = array<i32>} : memref<128x128xf32, #tpu.memory_space<vmem>>, vector<16xf32>,
        %mul3A_1297 = vector.broadcast %squeeze3A_1289 : f32 to vector<16xf32>
        %mul3A_1298 = arith.mulf %get3A_1296, %mul3A_1297 : vector<16xf32>
        %swap3A_1299 = arith.index_cast %add3A_1293 : i32 to index
        %swap3A_1300 = arith.constant 0 : index
        %swap3A_1301 = tpu.vector_load %arg17[%swap3A_1299, %swap3A_1300] {strides = array<i32>} : memref<128x128xf32, #tpu.memory_space<vmem>>, vector<16xf32>,
        tpu.vector_store %arg17[%swap3A_1299, %swap3A_1300], %mul3A_1298 {strides = array<i32>} : memref<128x128xf32, #tpu.memory_space<vmem>>, vector<16xf32>,
        %get3A_1302 = arith.index_cast %add3A_1293 : i32 to index
        %get3A_1303 = arith.constant 16 : index
        %get3A_1304 = tpu.vector_load %arg17[%get3A_1302, %get3A_1303] {strides = array<i32>} : memref<128x128xf32, #tpu.memory_space<vmem>>, vector<16xf32>,
        %mul3A_1305 = vector.broadcast %squeeze3A_1289 : f32 to vector<16xf32>
        %mul3A_1306 = arith.mulf %get3A_1304, %mul3A_1305 : vector<16xf32>
        %swap3A_1307 = arith.index_cast %add3A_1293 : i32 to index
        %swap3A_1308 = arith.constant 16 : index
        %swap3A_1309 = tpu.vector_load %arg17[%swap3A_1307, %swap3A_1308] {strides = array<i32>} : memref<128x128xf32, #tpu.memory_space<vmem>>, vector<16xf32>,
        tpu.vector_store %arg17[%swap3A_1307, %swap3A_1308], %mul3A_1306 {strides = array<i32>} : memref<128x128xf32, #tpu.memory_space<vmem>>, vector<16xf32>,
        %get3A_1310 = arith.index_cast %add3A_1293 : i32 to index
        %get3A_1311 = arith.constant 32 : index
        %get3A_1312 = tpu.vector_load %arg17[%get3A_1310, %get3A_1311] {strides = array<i32>} : memref<128x128xf32, #tpu.memory_space<vmem>>, vector<16xf32>,
        %mul3A_1313 = vector.broadcast %squeeze3A_1289 : f32 to vector<16xf32>
        %mul3A_1314 = arith.mulf %get3A_1312, %mul3A_1313 : vector<16xf32>
        %swap3A_1315 = arith.index_cast %add3A_1293 : i32 to index
        %swap3A_1316 = arith.constant 32 : index
        %swap3A_1317 = tpu.vector_load %arg17[%swap3A_1315, %swap3A_1316] {strides = array<i32>} : memref<128x128xf32, #tpu.memory_space<vmem>>, vector<16xf32>,
        tpu.vector_store %arg17[%swap3A_1315, %swap3A_1316], %mul3A_1314 {strides = array<i32>} : memref<128x128xf32, #tpu.memory_space<vmem>>, vector<16xf32>,
        %get3A_1318 = arith.index_cast %add3A_1293 : i32 to index
        %get3A_1319 = arith.constant 48 : index
        %get3A_1320 = tpu.vector_load %arg17[%get3A_1318, %get3A_1319] {strides = array<i32>} : memref<128x128xf32, #tpu.memory_space<vmem>>, vector<16xf32>,
        %mul3A_1321 = vector.broadcast %squeeze3A_1289 : f32 to vector<16xf32>
        %mul3A_1322 = arith.mulf %get3A_1320, %mul3A_1321 : vector<16xf32>
        %swap3A_1323 = arith.index_cast %add3A_1293 : i32 to index
        %swap3A_1324 = arith.constant 48 : index
        %swap3A_1325 = tpu.vector_load %arg17[%swap3A_1323, %swap3A_1324] {strides = array<i32>} : memref<128x128xf32, #tpu.memory_space<vmem>>, vector<16xf32>,
        tpu.vector_store %arg17[%swap3A_1323, %swap3A_1324], %mul3A_1322 {strides = array<i32>} : memref<128x128xf32, #tpu.memory_space<vmem>>, vector<16xf32>,
        %get3A_1326 = arith.index_cast %add3A_1293 : i32 to index
        %get3A_1327 = arith.constant 64 : index
        %get3A_1328 = tpu.vector_load %arg17[%get3A_1326, %get3A_1327] {strides = array<i32>} : memref<128x128xf32, #tpu.memory_space<vmem>>, vector<16xf32>,
        %mul3A_1329 = vector.broadcast %squeeze3A_1289 : f32 to vector<16xf32>
        %mul3A_1330 = arith.mulf %get3A_1328, %mul3A_1329 : vector<16xf32>
        %swap3A_1331 = arith.index_cast %add3A_1293 : i32 to index
        %swap3A_1332 = arith.constant 64 : index
        %swap3A_1333 = tpu.vector_load %arg17[%swap3A_1331, %swap3A_1332] {strides = array<i32>} : memref<128x128xf32, #tpu.memory_space<vmem>>, vector<16xf32>,
        tpu.vector_store %arg17[%swap3A_1331, %swap3A_1332], %mul3A_1330 {strides = array<i32>} : memref<128x128xf32, #tpu.memory_space<vmem>>, vector<16xf32>,
        %get3A_1334 = arith.index_cast %add3A_1293 : i32 to index
        %get3A_1335 = arith.constant 80 : index
        %get3A_1336 = tpu.vector_load %arg17[%get3A_1334, %get3A_1335] {strides = array<i32>} : memref<128x128xf32, #tpu.memory_space<vmem>>, vector<16xf32>,
        %mul3A_1337 = vector.broadcast %squeeze3A_1289 : f32 to vector<16xf32>
        %mul3A_1338 = arith.mulf %get3A_1336, %mul3A_1337 : vector<16xf32>
        %swap3A_1339 = arith.index_cast %add3A_1293 : i32 to index
        %swap3A_1340 = arith.constant 80 : index
        %swap3A_1341 = tpu.vector_load %arg17[%swap3A_1339, %swap3A_1340] {strides = array<i32>} : memref<128x128xf32, #tpu.memory_space<vmem>>, vector<16xf32>,
        tpu.vector_store %arg17[%swap3A_1339, %swap3A_1340], %mul3A_1338 {strides = array<i32>} : memref<128x128xf32, #tpu.memory_space<vmem>>, vector<16xf32>,
        %get3A_1342 = arith.index_cast %add3A_1293 : i32 to index
        %get3A_1343 = arith.constant 96 : index
        %get3A_1344 = tpu.vector_load %arg17[%get3A_1342, %get3A_1343] {strides = array<i32>} : memref<128x128xf32, #tpu.memory_space<vmem>>, vector<16xf32>,
        %mul3A_1345 = vector.broadcast %squeeze3A_1289 : f32 to vector<16xf32>
        %mul3A_1346 = arith.mulf %get3A_1344, %mul3A_1345 : vector<16xf32>
        %swap3A_1347 = arith.index_cast %add3A_1293 : i32 to index
        %swap3A_1348 = arith.constant 96 : index
        %swap3A_1349 = tpu.vector_load %arg17[%swap3A_1347, %swap3A_1348] {strides = array<i32>} : memref<128x128xf32, #tpu.memory_space<vmem>>, vector<16xf32>,
        tpu.vector_store %arg17[%swap3A_1347, %swap3A_1348], %mul3A_1346 {strides = array<i32>} : memref<128x128xf32, #tpu.memory_space<vmem>>, vector<16xf32>,
        %get3A_1350 = arith.index_cast %add3A_1293 : i32 to index
        %get3A_1351 = arith.constant 112 : index
        %get3A_1352 = tpu.vector_load %arg17[%get3A_1350, %get3A_1351] {strides = array<i32>} : memref<128x128xf32, #tpu.memory_space<vmem>>, vector<16xf32>,
        %mul3A_1353 = vector.broadcast %squeeze3A_1289 : f32 to vector<16xf32>
        %mul3A_1354 = arith.mulf %get3A_1352, %mul3A_1353 : vector<16xf32>
        %swap3A_1355 = arith.index_cast %add3A_1293 : i32 to index
        %swap3A_1356 = arith.constant 112 : index
        %swap3A_1357 = tpu.vector_load %arg17[%swap3A_1355, %swap3A_1356] {strides = array<i32>} : memref<128x128xf32, #tpu.memory_space<vmem>>, vector<16xf32>,
        tpu.vector_store %arg17[%swap3A_1355, %swap3A_1356], %mul3A_1354 {strides = array<i32>} : memref<128x128xf32, #tpu.memory_space<vmem>>, vector<16xf32>,
        %slice3A_1358 = vector.extract_strided_slice %get3A_310 {offsets = [15], sizes = [1], strides = [1]} : vector<16xf32> to vector<1xf32>
        %squeeze3A_1359 = vector.extract %slice3A_1358[0] : f32 from vector<1xf32>
        %mul3A_1360 = arith.constant 16 : i32
        %mul3A_1361 = arith.muli %scan3A_304, %mul3A_1360 : i32
        %add3A_1362 = arith.constant 15 : i32
        %add3A_1363 = arith.addi %mul3A_1361, %add3A_1362 : i32
        %get3A_1364 = arith.index_cast %add3A_1363 : i32 to index
        %get3A_1365 = arith.constant 0 : index
        %get3A_1366 = tpu.vector_load %arg17[%get3A_1364, %get3A_1365] {strides = array<i32>} : memref<128x128xf32, #tpu.memory_space<vmem>>, vector<16xf32>,
        %mul3A_1367 = vector.broadcast %squeeze3A_1359 : f32 to vector<16xf32>
        %mul3A_1368 = arith.mulf %get3A_1366, %mul3A_1367 : vector<16xf32>
        %swap3A_1369 = arith.index_cast %add3A_1363 : i32 to index
        %swap3A_1370 = arith.constant 0 : index
        %swap3A_1371 = tpu.vector_load %arg17[%swap3A_1369, %swap3A_1370] {strides = array<i32>} : memref<128x128xf32, #tpu.memory_space<vmem>>, vector<16xf32>,
        tpu.vector_store %arg17[%swap3A_1369, %swap3A_1370], %mul3A_1368 {strides = array<i32>} : memref<128x128xf32, #tpu.memory_space<vmem>>, vector<16xf32>,
        %get3A_1372 = arith.index_cast %add3A_1363 : i32 to index
        %get3A_1373 = arith.constant 16 : index
        %get3A_1374 = tpu.vector_load %arg17[%get3A_1372, %get3A_1373] {strides = array<i32>} : memref<128x128xf32, #tpu.memory_space<vmem>>, vector<16xf32>,
        %mul3A_1375 = vector.broadcast %squeeze3A_1359 : f32 to vector<16xf32>
        %mul3A_1376 = arith.mulf %get3A_1374, %mul3A_1375 : vector<16xf32>
        %swap3A_1377 = arith.index_cast %add3A_1363 : i32 to index
        %swap3A_1378 = arith.constant 16 : index
        %swap3A_1379 = tpu.vector_load %arg17[%swap3A_1377, %swap3A_1378] {strides = array<i32>} : memref<128x128xf32, #tpu.memory_space<vmem>>, vector<16xf32>,
        tpu.vector_store %arg17[%swap3A_1377, %swap3A_1378], %mul3A_1376 {strides = array<i32>} : memref<128x128xf32, #tpu.memory_space<vmem>>, vector<16xf32>,
        %get3A_1380 = arith.index_cast %add3A_1363 : i32 to index
        %get3A_1381 = arith.constant 32 : index
        %get3A_1382 = tpu.vector_load %arg17[%get3A_1380, %get3A_1381] {strides = array<i32>} : memref<128x128xf32, #tpu.memory_space<vmem>>, vector<16xf32>,
        %mul3A_1383 = vector.broadcast %squeeze3A_1359 : f32 to vector<16xf32>
        %mul3A_1384 = arith.mulf %get3A_1382, %mul3A_1383 : vector<16xf32>
        %swap3A_1385 = arith.index_cast %add3A_1363 : i32 to index
        %swap3A_1386 = arith.constant 32 : index
        %swap3A_1387 = tpu.vector_load %arg17[%swap3A_1385, %swap3A_1386] {strides = array<i32>} : memref<128x128xf32, #tpu.memory_space<vmem>>, vector<16xf32>,
        tpu.vector_store %arg17[%swap3A_1385, %swap3A_1386], %mul3A_1384 {strides = array<i32>} : memref<128x128xf32, #tpu.memory_space<vmem>>, vector<16xf32>,
        %get3A_1388 = arith.index_cast %add3A_1363 : i32 to index
        %get3A_1389 = arith.constant 48 : index
        %get3A_1390 = tpu.vector_load %arg17[%get3A_1388, %get3A_1389] {strides = array<i32>} : memref<128x128xf32, #tpu.memory_space<vmem>>, vector<16xf32>,
        %mul3A_1391 = vector.broadcast %squeeze3A_1359 : f32 to vector<16xf32>
        %mul3A_1392 = arith.mulf %get3A_1390, %mul3A_1391 : vector<16xf32>
        %swap3A_1393 = arith.index_cast %add3A_1363 : i32 to index
        %swap3A_1394 = arith.constant 48 : index
        %swap3A_1395 = tpu.vector_load %arg17[%swap3A_1393, %swap3A_1394] {strides = array<i32>} : memref<128x128xf32, #tpu.memory_space<vmem>>, vector<16xf32>,
        tpu.vector_store %arg17[%swap3A_1393, %swap3A_1394], %mul3A_1392 {strides = array<i32>} : memref<128x128xf32, #tpu.memory_space<vmem>>, vector<16xf32>,
        %get3A_1396 = arith.index_cast %add3A_1363 : i32 to index
        %get3A_1397 = arith.constant 64 : index
        %get3A_1398 = tpu.vector_load %arg17[%get3A_1396, %get3A_1397] {strides = array<i32>} : memref<128x128xf32, #tpu.memory_space<vmem>>, vector<16xf32>,
        %mul3A_1399 = vector.broadcast %squeeze3A_1359 : f32 to vector<16xf32>
        %mul3A_1400 = arith.mulf %get3A_1398, %mul3A_1399 : vector<16xf32>
        %swap3A_1401 = arith.index_cast %add3A_1363 : i32 to index
        %swap3A_1402 = arith.constant 64 : index
        %swap3A_1403 = tpu.vector_load %arg17[%swap3A_1401, %swap3A_1402] {strides = array<i32>} : memref<128x128xf32, #tpu.memory_space<vmem>>, vector<16xf32>,
        tpu.vector_store %arg17[%swap3A_1401, %swap3A_1402], %mul3A_1400 {strides = array<i32>} : memref<128x128xf32, #tpu.memory_space<vmem>>, vector<16xf32>,
        %get3A_1404 = arith.index_cast %add3A_1363 : i32 to index
        %get3A_1405 = arith.constant 80 : index
        %get3A_1406 = tpu.vector_load %arg17[%get3A_1404, %get3A_1405] {strides = array<i32>} : memref<128x128xf32, #tpu.memory_space<vmem>>, vector<16xf32>,
        %mul3A_1407 = vector.broadcast %squeeze3A_1359 : f32 to vector<16xf32>
        %mul3A_1408 = arith.mulf %get3A_1406, %mul3A_1407 : vector<16xf32>
        %swap3A_1409 = arith.index_cast %add3A_1363 : i32 to index
        %swap3A_1410 = arith.constant 80 : index
        %swap3A_1411 = tpu.vector_load %arg17[%swap3A_1409, %swap3A_1410] {strides = array<i32>} : memref<128x128xf32, #tpu.memory_space<vmem>>, vector<16xf32>,
        tpu.vector_store %arg17[%swap3A_1409, %swap3A_1410], %mul3A_1408 {strides = array<i32>} : memref<128x128xf32, #tpu.memory_space<vmem>>, vector<16xf32>,
        %get3A_1412 = arith.index_cast %add3A_1363 : i32 to index
        %get3A_1413 = arith.constant 96 : index
        %get3A_1414 = tpu.vector_load %arg17[%get3A_1412, %get3A_1413] {strides = array<i32>} : memref<128x128xf32, #tpu.memory_space<vmem>>, vector<16xf32>,
        %mul3A_1415 = vector.broadcast %squeeze3A_1359 : f32 to vector<16xf32>
        %mul3A_1416 = arith.mulf %get3A_1414, %mul3A_1415 : vector<16xf32>
        %swap3A_1417 = arith.index_cast %add3A_1363 : i32 to index
        %swap3A_1418 = arith.constant 96 : index
        %swap3A_1419 = tpu.vector_load %arg17[%swap3A_1417, %swap3A_1418] {strides = array<i32>} : memref<128x128xf32, #tpu.memory_space<vmem>>, vector<16xf32>,
        tpu.vector_store %arg17[%swap3A_1417, %swap3A_1418], %mul3A_1416 {strides = array<i32>} : memref<128x128xf32, #tpu.memory_space<vmem>>, vector<16xf32>,
        %get3A_1420 = arith.index_cast %add3A_1363 : i32 to index
        %get3A_1421 = arith.constant 112 : index
        %get3A_1422 = tpu.vector_load %arg17[%get3A_1420, %get3A_1421] {strides = array<i32>} : memref<128x128xf32, #tpu.memory_space<vmem>>, vector<16xf32>,
        %mul3A_1423 = vector.broadcast %squeeze3A_1359 : f32 to vector<16xf32>
        %mul3A_1424 = arith.mulf %get3A_1422, %mul3A_1423 : vector<16xf32>
        %swap3A_1425 = arith.index_cast %add3A_1363 : i32 to index
        %swap3A_1426 = arith.constant 112 : index
        %swap3A_1427 = tpu.vector_load %arg17[%swap3A_1425, %swap3A_1426] {strides = array<i32>} : memref<128x128xf32, #tpu.memory_space<vmem>>, vector<16xf32>,
        tpu.vector_store %arg17[%swap3A_1425, %swap3A_1426], %mul3A_1424 {strides = array<i32>} : memref<128x128xf32, #tpu.memory_space<vmem>>, vector<16xf32>,
        %scan3A_1428 = arith.constant 0 : i32
        scf.yield %scan3A_1428 : i32
      }
      %scan3A_292 = arith.constant 8 : i32
      %add3A_293 = arith.constant 128 : i32
      %add3A_294 = arith.addi %mul3A_32, %add3A_293 : i32
      %multiple_of3A_295 = tpu.assume_multiple %add3A_294, 128 : i32
      %mul3A_296 = arith.constant 128 : i32
      %mul3A_297 = arith.muli %scan3A_175, %mul3A_296 : i32
      %multiple_of3A_298 = tpu.assume_multiple %mul3A_297, 128 : i32
      %dma_start3A_299 = tpu.memref_slice %arg5[%select_n3A, %multiple_of3A_295, %multiple_of3A_298] : memref<4x2048x1024xf32, #tpu.memory_space<hbm>> -> memref<1x128x128xf32, #tpu.memory_space<hbm>>
      %dma_start3A_300 = tpu.memref_squeeze %dma_start3A_299 : memref<1x128x128xf32, #tpu.memory_space<hbm>> -> memref<128x128xf32, #tpu.memory_space<hbm>>
      %dma_start3A_301 = tpu.memref_slice %arg5[%select_n3A, %multiple_of3A_295, %multiple_of3A_298] : memref<4x2048x1024xf32, #tpu.memory_space<hbm>> -> memref<1x128x128xf32, #tpu.memory_space<hbm>>
      %dma_start3A_302 = tpu.memref_squeeze %dma_start3A_301 : memref<1x128x128xf32, #tpu.memory_space<hbm>> -> memref<128x128xf32, #tpu.memory_space<hbm>>
      tpu.enqueue_dma source(%arg17 : memref<128x128xf32, #tpu.memory_space<vmem>>) target(%dma_start3A_302 : memref<128x128xf32, #tpu.memory_space<hbm>>) target_semaphore(%arg26 : memref<!tpu.dma_semaphore, #tpu.memory_space<semaphore_mem>>)
      %scan3A_303 = arith.constant 0 : i32
      scf.yield %scan3A_303 : i32
    }
    %scan3A_157 = arith.constant 8 : i32
    %add3A_158 = arith.constant 0 : i32
    %add3A_159 = arith.addi %mul3A_32, %add3A_158 : i32
    %multiple_of3A_160 = tpu.assume_multiple %add3A_159, 128 : i32
    %multiple_of3A_161 = arith.constant 896 : i32
    %multiple_of3A_162 = tpu.assume_multiple %multiple_of3A_161, 128 : i32
    %dma_wait3A = tpu.memref_slice %arg5[%select_n3A, %multiple_of3A_160, %multiple_of3A_162] : memref<4x2048x1024xf32, #tpu.memory_space<hbm>> -> memref<1x128x128xf32, #tpu.memory_space<hbm>>
    %dma_wait3A_163 = tpu.memref_squeeze %dma_wait3A : memref<1x128x128xf32, #tpu.memory_space<hbm>> -> memref<128x128xf32, #tpu.memory_space<hbm>>
    %dma_wait3A_164 = tpu.memref_slice %arg5[%select_n3A, %multiple_of3A_160, %multiple_of3A_162] : memref<4x2048x1024xf32, #tpu.memory_space<hbm>> -> memref<1x128x128xf32, #tpu.memory_space<hbm>>
    %dma_wait3A_165 = tpu.memref_squeeze %dma_wait3A_164 : memref<1x128x128xf32, #tpu.memory_space<hbm>> -> memref<128x128xf32, #tpu.memory_space<hbm>>
    tpu.wait_dma2 semaphore(%arg26 : memref<!tpu.dma_semaphore, #tpu.memory_space<semaphore_mem>>) src(%arg16 : memref<128x128xf32, #tpu.memory_space<vmem>>) dst(%dma_wait3A_165 : memref<128x128xf32, #tpu.memory_space<hbm>>)
    %add3A_166 = arith.constant 128 : i32
    %add3A_167 = arith.addi %mul3A_32, %add3A_166 : i32
    %multiple_of3A_168 = tpu.assume_multiple %add3A_167, 128 : i32
    %multiple_of3A_169 = arith.constant 896 : i32
    %multiple_of3A_170 = tpu.assume_multiple %multiple_of3A_169, 128 : i32
    %dma_wait3A_171 = tpu.memref_slice %arg5[%select_n3A, %multiple_of3A_168, %multiple_of3A_170] : memref<4x2048x1024xf32, #tpu.memory_space<hbm>> -> memref<1x128x128xf32, #tpu.memory_space<hbm>>
    %dma_wait3A_172 = tpu.memref_squeeze %dma_wait3A_171 : memref<1x128x128xf32, #tpu.memory_space<hbm>> -> memref<128x128xf32, #tpu.memory_space<hbm>>
    %dma_wait3A_173 = tpu.memref_slice %arg5[%select_n3A, %multiple_of3A_168, %multiple_of3A_170] : memref<4x2048x1024xf32, #tpu.memory_space<hbm>> -> memref<1x128x128xf32, #tpu.memory_space<hbm>>
    %dma_wait3A_174 = tpu.memref_squeeze %dma_wait3A_173 : memref<1x128x128xf32, #tpu.memory_space<hbm>> -> memref<128x128xf32, #tpu.memory_space<hbm>>
    tpu.wait_dma2 semaphore(%arg26 : memref<!tpu.dma_semaphore, #tpu.memory_space<semaphore_mem>>) src(%arg17 : memref<128x128xf32, #tpu.memory_space<vmem>>) dst(%dma_wait3A_174 : memref<128x128xf32, #tpu.memory_space<hbm>>)
    return
  }
}

</mosaic_0001>

<sc_bundles>
// kernel: _downsample.3.cloned.1.call-start
scs
__scs_entry_jumppad:
0x0: {  	(pc) =	sbr.rel $0x88, $3  }
0x1: {  	(tag) =	ssettag $0x0;
	lr =	simm.s32 $0x1  }
0x2: {  	[smem:$0x3F9E] =	sst lr;
	_ =	strace $0xD0000000  }
0x3: {  	_ = 	snop  }
0x4: {  	_ = 	snop  }
0x5: {  	_ = 	snop  }
0x6: {  	_ = 	snop  }
0x7: {  	_ = 	snop  }
__scs_overlays_trampoline_lowered:
0x8: {  	[smem:$0x3FAD] =	sst s0  }
0x9: {  	[smem:$0x3FAE] =	sst s1  }
0xa: {  	[smem:$0x3FAF] =	sst s2  }
0xb: {  	[smem:$0x3FB0] =	sst s3  }
0xc: {  	[smem:$0x3FB1] =	sst s4  }
0xd: {  	[smem:$0x3FB2] =	sst s5  }
0xe: {  	[smem:$0x3FB3] =	sst s6  }
0xf: {  	[smem:$0x3FB4] =	sst s7  }
0x10: {  	[smem:$0x3FB5] =	sst s8  }
0x11: {  	[smem:$0x3FB6] =	sst s9;
	s0 =	simm.s32 @!p0 $0x0  }
0x12: {  	s1 =	sld [smem:$0x3F9C];
	s0 =	simm.s32 @p0 $0x1  }
0x13: {  	[smem:$0x3FB7] =	sst s0;
	s0 =	simm.s32 @!p1 $0x0  }
0x14: {  	s2 =	sld [smem:$0x3F9B];
	s0 =	simm.s32 @p1 $0x1  }
0x15: {  	[smem:$0x3FB8] =	sst s0;
	s0 =	simm.s32 @!p2 $0x0  }
0x16: {  	s3 =	sld [smem:$0x3FDB];
	s0 =	simm.s32 @p2 $0x1  }
0x17: {  	s4 =	simm.s32 $0x1BF5;
	[smem:$0x3FBA] =	sst s0  }
0x18: {  	s0 =	sld [smem:$0x3F9D];
	_ =	swait.ge [sflag:s4], $0x0  }
0x19: {  	s7 =	sld [smem:$0x3F9E]  }
0x1a: {  	s8 =	sadd.s32 $0xFFFFE003, lr  }
0x1b: {  	s9 =	sadd.s32 $0xFFFFFEF7, lr;
	s5 =	simm.s32 $0xFFFFFFFF;
	p2 =	slt.u32 s8, $0xFFFFF086  }
0x1c: {  	p1 =	slt.u32 s9, $0xF7A;
	s5 =	simm.s32 @!p2 $0x0  }
0x1d: {  	s5 =	simm.s32 @p1 $0x1;
	p0 =	seq.s32 s7, s2  }
0x1e: {  	s7 =	smul.u32 @!p0 $0xF7A, s2;
	p2 =	seq.s32 @!p0 s5, $0x0  }
0x1f: {  	s9 =	smul.u32 $0xF7A, s1;
	s8 =	simm.s32 @!p0 $0x1BF5;
	p2 =	por !p2, p0  }
0x20: {  	[sflag:s8] =	ssyncset.s32 @!p0 $0xFFFFF086;
	s6 =	sadd.s32 @!p0 s3, s7;
	s7 =	simm.s32 @!p0 $0x108  }
0x21: {  	s3 =	sadd.s32 s3, s9;
	s6 =	sadd.s32 @!p0 $0x88, s6;
	s7 =	simm.s32 @p2 $0x1082  }
0x22: {  	[simem:s7], [sflag:s8] =	dma.local @!p0 [hbm:s6], $0xF7A  }
0x23: {  	s9 =	sor.u32 $0xD0000000, s2;
	s6 =	simm.s32 $0x108;
	_ =	swait.ge @!p0 [sflag:s8], $0x0  }
0x24: {  	s3 =	sadd.s32 $0x88, s3;
	s6 =	simm.s32 @!p1 $0x1082;
	[sflag:s4] =	ssyncset.s32 $0xFFFFF086  }
0x25: {  	[simem:s6], [sflag:s4] =	dma.local [hbm:s3], $0xF7A  }
0x26: {  	[smem:$0x3F9E] =	sst s1;
	(tag) =	ssettag s2;
	_ =	strace s9  }
0x27: {  	s1 =	sld [smem:$0x3FAE]  }
0x28: {  	s2 =	sld [smem:$0x3FAF]  }
0x29: {  	s4 =	sld [smem:$0x3FB1]  }
0x2a: {  	p0 =	seq.s32 s5, $0x0;
	s5 =	sld [smem:$0x3FB2]  }
0x2b: {  	s6 =	sld [smem:$0x3FB3]  }
0x2c: {  	s7 =	sld [smem:$0x3FB4]  }
0x2d: {  	s3 =	simm.s32 $0x108;
	s8 =	sld [smem:$0x3FB5]  }
0x2e: {  	s3 =	simm.s32 @!p0 $0x1082;
	s9 =	sld [smem:$0x3FB6]  }
0x2f: {  	lr =	sadd.s32 s0, s3;
	s0 =	sld [smem:$0x3FAD]  }
0x30: {  	s3 =	sld [smem:$0x3FB0]  }
0x31: {  	[smem:$0x3FB9] =	sst s10  }
0x32: {  	s10 =	sld [smem:$0x3FB7];
	_ =	sdelay $0x3  }
0x33: {  	p0 =	seq.s32 s10, $0x1;
	s10 =	sld [smem:$0x3FB9];
	_ =	sdelay $0x3  }
0x34: {  	[smem:$0x3FB9] =	sst s10  }
0x35: {  	s10 =	sld [smem:$0x3FB8];
	_ =	sdelay $0x3  }
0x36: {  	p1 =	seq.s32 s10, $0x1;
	s10 =	sld [smem:$0x3FB9];
	_ =	sdelay $0x3  }
0x37: {  	[smem:$0x3FB9] =	sst s10  }
0x38: {  	s10 =	sld [smem:$0x3FBA]  }
0x39: {  	_ = 	snop;
	(pc) =	sbr.ind lr, $3  }
0x3a: {  	_ = 	snop  }
0x3b: {  	_ = 	snop  }
0x3c: {  	p2 =	seq.s32 s10, $0x1;
	s10 =	sld [smem:$0x3FB9]  }
0x3d: {  	_ =	shalt  }
0x3e: {  	_ =	shalt  }
0x3f: {  	_ =	shalt  }
0x40: {  	_ =	shalt  }
0x41: {  	_ =	shalt  }
0x42: {  	_ =	shalt  }
0x43: {  	_ =	shalt  }
0x44: {  	_ =	shalt  }
0x45: {  	_ =	shalt  }
0x46: {  	_ =	shalt  }
0x47: {  	_ =	shalt  }
0x48: {  	_ =	shalt  }
0x49: {  	_ =	shalt  }
0x4a: {  	_ =	shalt  }
0x4b: {  	_ =	shalt  }
0x4c: {  	_ =	shalt  }
0x4d: {  	_ =	shalt  }
0x4e: {  	_ =	shalt  }
0x4f: {  	_ =	shalt  }
0x50: {  	_ =	shalt  }
0x51: {  	_ =	shalt  }
0x52: {  	_ =	shalt  }
0x53: {  	_ =	shalt  }
0x54: {  	_ =	shalt  }
0x55: {  	_ =	shalt  }
0x56: {  	_ =	shalt  }
0x57: {  	_ =	shalt  }
0x58: {  	_ =	shalt  }
0x59: {  	_ =	shalt  }
0x5a: {  	_ =	shalt  }
0x5b: {  	_ =	shalt  }
0x5c: {  	_ =	shalt  }
0x5d: {  	_ =	shalt  }
0x5e: {  	_ =	shalt  }
0x5f: {  	_ =	shalt  }
0x60: {  	_ =	shalt  }
0x61: {  	_ =	shalt  }
0x62: {  	_ =	shalt  }
0x63: {  	_ =	shalt  }
0x64: {  	_ =	shalt  }
0x65: {  	_ =	shalt  }
0x66: {  	_ =	shalt  }
0x67: {  	_ =	shalt  }
0x68: {  	_ =	shalt  }
0x69: {  	_ =	shalt  }
0x6a: {  	_ =	shalt  }
0x6b: {  	_ =	shalt  }
0x6c: {  	_ =	shalt  }
0x6d: {  	_ =	shalt  }
0x6e: {  	_ =	shalt  }
0x6f: {  	_ =	shalt  }
0x70: {  	_ =	shalt  }
0x71: {  	_ =	shalt  }
0x72: {  	_ =	shalt  }
0x73: {  	_ =	shalt  }
0x74: {  	_ =	shalt  }
0x75: {  	_ =	shalt  }
0x76: {  	_ =	shalt  }
0x77: {  	_ =	shalt  }
0x78: {  	_ =	shalt  }
0x79: {  	_ =	shalt  }
0x7a: {  	_ =	shalt  }
0x7b: {  	_ =	shalt  }
0x7c: {  	_ =	shalt  }
0x7d: {  	_ =	shalt  }
0x7e: {  	_ =	shalt  }
0x7f: {  	_ =	shalt  }
0x80: {  	_ =	shalt  }
0x81: {  	_ =	shalt  }
0x82: {  	_ =	shalt  }
0x83: {  	_ =	shalt  }
0x84: {  	_ =	shalt  }
0x85: {  	_ =	shalt  }
0x86: {  	_ =	shalt  }
0x87: {  	_ =	shalt  }
.Lfunc_end0:
.L_simem_size_0:
called_computation_lowered:
.L_overlay_start_0:
0x88: {  	s2 =	sld [smem:$0x3FD9]  }
0x89: {  	s3 =	sld [smem:$0x3FFE];
	_ =	sdelay $0x1  }
0x8a: {  	s1 =	srdreg.scid  }
0x8b: {  	s0 =	sand.u32 $0x1, s1  }
0x8c: {  	s15 =	sshll.u32 s0, $0xA;
	s2 =	sadd.s32 s3, s2  }
0x8d: {  	s2 =	sadd.s32 s2, s15  }
0x8e: {  	[smem:$0x3FC5] =	sst s2  }
0x8f: {  	_ = 	snop  }
0x90: {  	s2 =	sld [smem:$0x3FD0]  }
0x91: {  	s16 =	sld [smem:$0x3FC9]  }
0x92: {  	s4 =	sld [smem:$0x3FC8]  }
0x93: {  	s6 =	simm.s32 $0xA;
	s7 =	simm.s32 $0x10;
	s5 =	sld [smem:$0x3FC7]  }
0x94: {  	[smem:s7], [sflag:s6] =	dma.local [hbm:s2], $0x1  }
0x95: {  	_ =	swait.eq [sflag:s6], $0x1  }
0x96: {  	[sflag:s6] =	ssyncset.done $0x0  }
0x97: {  	s17 =	sld [smem:$0x10];
	[sflag:s6] =	ssyncadd.s32 $0xFFFFFFFF  }
0x98: {  	s18 =	sld [smem:$0x11];
	(tm) =	ssettm $0x1  }
0x99: {  	s19 =	sld [smem:$0x3FFB];
	_ =	sdelay $0x3  }
0x9a: {  	_ =	strace s19  }
0x9b: {  	s7 =	sld [smem:$0x3FFC];
	_ =	sdelay $0x3  }
0x9c: {  	_ =	strace s7  }
0x9d: {  	s7 =	sld [smem:$0x3FFD];
	_ =	sdelay $0x3  }
0x9e: {  	_ =	strace s7  }
0x9f: {  	_ =	strace $0x8FFFFFFF  }
0xa0: {  	s20 =	sld [smem:$0x3FDB];
	_ =	sdelay $0x1  }
0xa1: {  	s8 =	simm.s32 $_scs_section_size  }
0xa2: {  	s9 =	simm.s32 $_size__tile_overlayer_lowered;
	s10 =	simm.s32 $_tile_overlayer_lowered  }
0xa3: {  	s23 =	simm.s32 $0x1BFF;
	s22 =	sshll.u32 s10, $0x1;
	s7 =	sadd.s32 s8, s20  }
0xa4: {  	s11 =	simm.s32 $0x0;
	s21 =	sshll.u32 s9, $0x1;
	s9 =	sadd.s32 s22, s7  }
0xa5: {  	[timem:s11], [sflag:s23] =	dma.local [hbm:s9], s21  }
0xa6: {  	_ =	swait.ge [sflag:s23], s21  }
0xa7: {  	s8 =	ssub.s32 $0x0, s21;
	[sflag:s23] =	ssyncset.done $0x0  }
0xa8: {  	[sflag:s23] =	ssyncadd.s32 s8;
	_ =	sdelay $0x1  }
0xa9: {  	s24 =	simm.s32 $0x1B8B  }
0xaa: {  	_ =	swait.ge [sflag:s24], $0x1  }
0xab: {  	[sflag:s24] =	ssyncset.done $0x0  }
0xac: {  	s25 =	simm.s32 $0x1B8E;
	[sflag:s24] =	ssyncadd.s32 $0xFFFFFFFF  }
0xad: {  	s26 =	simm.s32 $execute0_lowered;
	[smem:$0x3FD2] =	sst s25  }
0xae: {  	s8 =	sshll.u32 s26, $0x1;
	_ =	strace $0x80000046;
	[dreg:$0x1] =	wrdreg $0xFFFFFFFF  }
0xaf: {  	s28 =	simm.s32 $_size_execute0_lowered;
	s7 =	sadd.s32 s7, s8;
	[dreg:$0x0] =	wrdreg $0x0  }
0xb0: {  	s8 =	sshll.u32 s28, $0x1;
	[dreg:$0x2] =	wrdreg s7  }
0xb1: {  	[dreg:$0x3] =	wrdreg s8  }
0xb2: {  	[dreg:$0x4] =	wrdreg $0xC0  }
0xb3: {  	_ =	task [dreg:s11], $0x5FFFF  }
0xb4: {  	[dreg:$0x1] =	wrdreg $0xFFFFFFFF  }
0xb5: {  	[dreg:$0x0] =	wrdreg $0x60  }
0xb6: {  	[dreg:$0x2] =	wrdreg s16  }
0xb7: {  	[dreg:$0x3] =	wrdreg s4  }
0xb8: {  	[dreg:$0x4] =	wrdreg s5  }
0xb9: {  	[dreg:$0x5] =	wrdreg s17  }
0xba: {  	[dreg:$0x6] =	wrdreg s18  }
0xbb: {  	[dreg:$0x7] =	wrdreg $0x154000  }
0xbc: {  	[dreg:$0x8] =	wrdreg $0x9  }
0xbd: {  	_ =	task.clear_ibuf [dreg:s11], $0x9FFFF;
	_ =	strace $0x90000046  }
0xbe: {  	s29 =	simm.s32 $0x9;
	_ =	strace $0x80000048  }
0xbf: {  	_ =	swait.ge [sflag:s29], $0x1  }
0xc0: {  	[sflag:s29] =	ssyncadd.s32 $0xFFFFFFFF  }
0xc1: {  	_ =	strace $0x90000048  }
0xc2: {  	_ =	sfence  }
0xc3: {  	s30 =	sld [smem:$0x0];
	_ =	sdelay $0x2  }
0xc4: {  	s31 =	sshll.u32 s1, $0xD;
	s1 =	sshrl.u32 s1, $0x2  }
0xc5: {  	s3 =	sand.u32 $0x4000, s31;
	s1 =	sadd.s32 s1, s30  }
0xc6: {  	s0 =	sor.u32 s3, s0;
	s1 =	sshll.u32 s1, $0x11  }
0xc7: {  	s0 =	sor.u32 s1, s0  }
0xc8: {  	s0 =	sadd.s32 $0x8F2B, s0  }
0xc9: {  	[sflag:s0] =	ssyncadd.remote.s32 $0x1  }
0xca: {  	_ =	sfence.sel $0xFFFF  }
0xcb: {  	[dreg:$0x0] =	wrdreg $0xFFFFFFFF;
	(pc) =	sbr.abs _section_cstart, $3  }
0xcc: {  	[dreg:$0x1] =	wrdreg $0xFFFFFFFF  }
0xcd: {  	_ =	task.clear_ibuf [dreg:s11], $0x2FFFF;
	_ =	strace $0x9FFFFFFF  }
0xce: {  	(tm) =	ssettm $0x7FFFFFFF  }
0xcf: {  	_ =	shalt  }
tec
execute0_lowered:
.L_overlay_start_1:
0x0: {  	(tag) =	ssettag $0x1  }
0x1: {  	s0 =	rddreg [dreg:$0x1]  }
0x2: {  	s1 =	rddreg [dreg:$0x2]  }
0x3: {  	s2 =	rddreg [dreg:$0x4]  }
0x4: {  	s11 =	rddreg [dreg:$0x5];
	s3 =	srdreg.scid  }
0x5: {  	s10 =	stileid.u32;
	s5 =	simm.s32 $0x0;
	s28 =	simm.s32 $0x2000  }
0x6: {  	s3 =	sand.u32 $0x1, s3;
	s4 =	sshll.u32 s10, $0x1;
	s9 =	smul.u32 $0x21000, s10  }
0x7: {  	[smem:$0x7FF] =	sst s5;
	s15 =	sshrl.u32 s10, $0x2;
	s10 =	smul.u32 $0x108, s10  }
0x8: {  	s13 =	ssub.s32 $0x2, s3;
	s4 =	sand.u32 $0x6, s4;
	_ =	strace $0x80000047  }
0x9: {  	s7 =	sshll.u32 s15, $0x9;
	s8 =	sshll.u32 s15, $0xB;
	s21 =	sshll.u32 s15, $0x16  }
0xa: {  	s26 =	sshll.u32 s15, $0x15;
	s0 =	sadd.s32 s0, s7;
	[dreg:$0xf] =	wrdreg s21  }
0xb: {  	s6 =	sshrl.u32 s13, $0x1;
	s1 =	sadd.s32 s1, s7;
	[dreg:$0x8] =	wrdreg s0  }
0xc: {  	s18 =	sshrl.u32 s9, $0x2;
	s31 =	sor.u32 $0x20000, s21;
	[dreg:$0x9] =	wrdreg s1  }
0xd: {  	s14 =	ssub.s32 s13, s6;
	s20 =	sadd.s32 s18, s11;
	[dreg:$0x12] =	wrdreg s31  }
0xe: {  	v3 =	vimm.s32 $0x0;
	v4 =	vimm.f32 $0.0e+00;
	v5 =	vlaneseq.u32;
	s3 =	sor.u32 s3, s4;
	s30 =	smax.u32 s14, $0x1;
	[dreg:$0xb] =	wrdreg s20  }
0xf: {  	v6 =	vimm.s32 $0x1;
	vm15 =	vcmask $0x300;
	vm1 =	vcmask $0x704;
	s16 =	sshll.u32 s3, $0x8;
	s22 =	sadd.s32 $0x2000, s20;
	[dreg:$0x11] =	wrdreg s30  }
0x10: {  	vm2 =	vcmask $0xB08;
	vm3 =	vcmask $0xF0C;
	vm4 =	vcmask $0x1310;
	s29 =	sshll.u32 s3, $0x12;
	s23 =	sadd.s32 $0x4000, s20;
	[dreg:$0xc] =	wrdreg s22  }
0x11: {  	vm5 =	vcmask $0x1714;
	vm6 =	vcmask $0x1B18;
	vm7 =	vcmask $0x1F1C;
	s17 =	sor.u32 s8, s16;
	s24 =	sadd.s32 $0x6000, s20;
	[dreg:$0xd] =	wrdreg s23  }
0x12: {  	vm8 =	vcmask $0x2320;
	vm9 =	vcmask $0x2724;
	vm10 =	vcmask $0x2B28;
	s25 =	sor.u32 s26, s29;
	s0 =	sshrl.u32 s17, $0x3;
	[dreg:$0xe] =	wrdreg s24  }
0x13: {  	vm11 =	vcmask $0x2F2C;
	vm12 =	vcmask $0x3330;
	vm13 =	vcmask $0x3734;
	s19 =	sadd.s32 $0x100, s16;
	[dreg:$0x10] =	wrdreg s25;
	s0 =	sadd.s32 s2, s0  }
0x14: {  	v2 =	vmov s10;
	v0 =	vmov s16;
	s26 =	simm.s32 $0x8;
	v1 =	vmov s19;
	s2 =	simm.s32 $0x0;
	[dreg:$0xa] =	wrdreg s0  }
.LBB2_1:
0x15: {  	[dreg:$0x13] =	wrdreg s2  }
0x16: {  	s0 =	simm.s32 $0x0;
	s1 =	rddreg [dreg:$0x8]  }
0x17: {  	[tilespmem:s0], [sflag:$0x8] =	stream.linear.gather [hbm4b:s1+s0], $0x1000, $0x38;
	[tilespmem:$0x1D800] =	vst v63  }
0x18: {  	_ =	swait.ge [sflag:s26], $0x1000  }
0x19: {  	[sflag:s26] =	ssyncset.done $0x0  }
0x1a: {  	s30 =	simm.s32 $0x1000;
	s29 =	rddreg [dreg:$0x9];
	[sflag:s26] =	ssyncadd.s32 $0xFFFFF000  }
0x1b: {  	vm14 =	vmmov vm13;
	[tilespmem:s30], [sflag:$0x8] =	stream.linear.gather [hbm4b:s29+s0], $0x1000, $0x38;
	[tilespmem:$0x1D800] =	vst v63  }
0x1c: {  	vm13 =	vmmov vm12;
	vm12 =	vmmov vm11;
	vm11 =	vmmov vm10;
	_ =	swait.ge [sflag:s26], $0x1000  }
0x1d: {  	vm10 =	vmmov vm9;
	vm9 =	vmmov vm8;
	vm8 =	vmmov vm7;
	[sflag:s26] =	ssyncset.done $0x0  }
0x1e: {  	vm7 =	vmmov vm6;
	vm6 =	vmmov vm5;
	vm5 =	vmmov vm4;
	s31 =	simm.s32 $0x0;
	[sflag:s26] =	ssyncadd.s32 $0xFFFFF000  }
0x1f: {  	vm4 =	vmmov vm3;
	vm3 =	vmmov vm2;
	vm2 =	vmmov vm1;
	v9 =	vld [tilespmem:s31+$0x0]  }
0x20: {  	vm1 =	vmmov vm15;
	v7 =	vimm.s32 $0x0;
	v8 =	vimm.s32 $0x0;
	s0 =	simm.s32 $0x40  }
.LBB2_2:
0x21: {  	p0 =	sne.s32 s0, $0x3FC0  }
.Ltmp0:
0x22: {  	_ = 	snop;
	(pc) =	sbr.rel @p0 .LBB2_2-.Ltmp0, $4  }
0x23: {  	_ = 	snop  }
0x24: {  	s1 =	sshra.s32 s0, $0x2;
	s0 =	sadd.s32 $0x40, s0;
	vm15 =	vlt.s32 v9, v0;
	vm0 =	vlt.s32 v9, v1  }
0x25: {  	v9 =	vld [tilespmem:s1+$0x0];
	v10 =	vsel vm15, $0x1, v3;
	v11 =	vsel vm0, $0x1, v3  }
0x26: {  	v7 =	vadd.s32 v10, v7;
	v8 =	vadd.s32 v11, v8  }
0x27: {  	[tilespmem:$0x2000] =	vst v3  }
0x28: {  	[tilespmem:$0x2100] =	vst v3  }
0x29: {  	[tilespmem:$0x2010] =	vst v3  }
0x2a: {  	[tilespmem:$0x2110] =	vst v3  }
0x2b: {  	[tilespmem:$0x2020] =	vst v3  }
0x2c: {  	[tilespmem:$0x2120] =	vst v3  }
0x2d: {  	[tilespmem:$0x2030] =	vst v3  }
0x2e: {  	[tilespmem:$0x2130] =	vst v3  }
0x2f: {  	[tilespmem:$0x2040] =	vst v3  }
0x30: {  	[tilespmem:$0x2140] =	vst v3  }
0x31: {  	[tilespmem:$0x2050] =	vst v3  }
0x32: {  	[tilespmem:$0x2150] =	vst v3  }
0x33: {  	[tilespmem:$0x2060] =	vst v3  }
0x34: {  	[tilespmem:$0x2160] =	vst v3  }
0x35: {  	[tilespmem:$0x2070] =	vst v3  }
0x36: {  	[tilespmem:$0x2170] =	vst v3  }
0x37: {  	[tilespmem:$0x2080] =	vst v3  }
0x38: {  	[tilespmem:$0x2180] =	vst v3  }
0x39: {  	[tilespmem:$0x2090] =	vst v3  }
0x3a: {  	[tilespmem:$0x2190] =	vst v3  }
0x3b: {  	[tilespmem:$0x20A0] =	vst v3  }
0x3c: {  	[tilespmem:$0x21A0] =	vst v3  }
0x3d: {  	[tilespmem:$0x20B0] =	vst v3  }
0x3e: {  	[tilespmem:$0x21B0] =	vst v3  }
0x3f: {  	[tilespmem:$0x20C0] =	vst v3  }
0x40: {  	[tilespmem:$0x21C0] =	vst v3  }
0x41: {  	[tilespmem:$0x20D0] =	vst v3  }
0x42: {  	[tilespmem:$0x21D0] =	vst v3  }
0x43: {  	[tilespmem:$0x20E0] =	vst v3  }
0x44: {  	[tilespmem:$0x21E0] =	vst v3;
	vm0 =	vlt.s32 v9, v0;
	vm15 =	vlt.s32 v9, v1  }
0x45: {  	[tilespmem:$0x20F0] =	vst v3;
	v9 =	vsel vm0, $0x1, v3;
	v10 =	vsel vm15, $0x1, v3  }
0x46: {  	[tilespmem:$0x21F0] =	vst v3;
	s0 =	simm.s32 $0x0;
	s1 =	simm.s32 $0x200;
	v7 =	vadd.s32 v9, v7;
	v8 =	vadd.s32 v10, v8  }
.LBB2_4:
0x47: {  	p0 =	sne.s32 s1, $0x7E00;
	[tilespmem:s0+$0x13470] =	vst v4  }
0x48: {  	[tilespmem:s0+$0x13400] =	vst v4  }
0x49: {  	[tilespmem:s0+$0x13410] =	vst v4  }
.Ltmp1:
0x4a: {  	[tilespmem:s0+$0x13420] =	vst v4;
	(pc) =	sbr.rel @p0 .LBB2_4-.Ltmp1, $4  }
0x4b: {  	[tilespmem:s0+$0x13430] =	vst v4  }
0x4c: {  	[tilespmem:s0+$0x13440] =	vst v4  }
0x4d: {  	[tilespmem:s0+$0x13450] =	vst v4  }
0x4e: {  	[tilespmem:s0+$0x13460] =	vst v4;
	s0 =	sshra.s32 s1, $0x2;
	s1 =	sadd.s32 $0x200, s1  }
0x4f: {  	(xrf0) =	vadd.scan.msk.s32 $0xffff, v7  }
0x50: {  	(xrf0) =	vadd.scan.msk.s32 $0xffff, v8;
	_ =	sdelay $0x4  }
0x51: {  	v7, _, _ =	vpop (xrf0)  }
0x52: {  	(v2sf) =	vpush v7, $0xF;
	v8, _, _ =	vpop (xrf0)  }
0x53: {  	(v2sf) =	vpush v8, $0xF;
	_ =	sdelay $0xd  }
0x54: {  	s4 =	spop (v2sf)  }
0x55: {  	s1 =	spop (v2sf)  }
0x56: {  	[dreg:$0x15] =	wrdreg s1;
	s1 =	sadd.s32 $0xF, s1  }
0x57: {  	s3 =	sshra.s32 s4, $0x1F;
	s2 =	sshra.s32 s1, $0x1F  }
0x58: {  	[dreg:$0x16] =	wrdreg s3;
	s3 =	sshrl.u32 s3, $0x1C;
	s2 =	sshrl.u32 s2, $0x1C  }
0x59: {  	[tilespmem:s0+$0x13470] =	vst v4;
	s31 =	sadd.s32 s3, s4;
	s2 =	sadd.s32 s2, s1  }
0x5a: {  	[tilespmem:s0+$0x13400] =	vst v4;
	s1 =	sshra.s32 s31, $0x4;
	s2 =	sshra.s32 s2, $0x4  }
0x5b: {  	[tilespmem:s0+$0x13410] =	vst v4;
	p0 =	sle.s32 s2, s1  }
.Ltmp2:
0x5c: {  	[tilespmem:s0+$0x13420] =	vst v4;
	(pc) =	sbr.rel @p0 .LBB2_12-.Ltmp2, $4  }
0x5d: {  	[tilespmem:s0+$0x13430] =	vst v4  }
0x5e: {  	[tilespmem:s0+$0x13440] =	vst v4  }
0x5f: {  	[tilespmem:s0+$0x13450] =	vst v4  }
0x60: {  	[tilespmem:s0+$0x13460] =	vst v4;
	vm15 =	vmmov vm1;
	[dreg:$0x14] =	wrdreg s4  }
0x61: {  	s3 =	ssub.s32 s2, s1  }
0x62: {  	p1 =	sne.s32 s3, $0x1  }
.Ltmp3:
0x63: {  	_ = 	snop;
	(pc) =	sbr.rel @!p1 .LBB2_7-.Ltmp3, $4  }
0x64: {  	_ = 	snop  }
0x65: {  	s0 =	sshll.u32 s1, $0x6  }
0x66: {  	s1 =	sshll.u32 s1, $0x4;
	p0 =	por $0x0, $0x0;
	s2 =	sshra.s32 s0, $0x2  }
0x67: {  	v7 =	vbroadcast v7, $0xF;
	v8 =	vbroadcast v8, $0xF;
	s6 =	simm.s32 $0x2100;
	s3 =	sadd.s32 $0xFFFFFFFF, s3;
	s0 =	sadd.s32 $0x1000, s2;
	v9 =	vld [tilespmem:s2+$0x0]  }
0x68: {  	_ =	sdelay $0x2  }
0x69: {  	v10 =	vor.u32 s1, v5  }
0x6a: {  	vm0 =	vge.s32 v10, v7;
	vm15 =	vlt.s32 v10, v8;
	v10 =	vsub.s32 v9, v0  }
0x6b: {  	vm0 =	vmand vm0, vm15;
	v9 =	vand.u32 $0x7F, v9;
	v10 =	vand.u32 $0xFFFFFF80, v10  }
0x6c: {  	v9 =	vor.u32 v9, v10  }
0x6d: {  	v10 =	vld [tilespmem:s0+$0x0];
	_ =	sdelay $0x1  }
0x6e: {  	p1 =	sne.s32 s3, $0x1  }
.Ltmp4:
0x6f: {  	_ = 	snop;
	(pc) =	sbr.rel @!p1 .LBB2_9-.Ltmp4, $4  }
0x70: {  	[tilespmem:v9+s28+$0x0] =	vst.idx.add.s32.msk vm0, v6  }
0x71: {  	s4 =	sadd.s32 $0x10, s2;
	[tilespmem:v9+s6+$0x0] =	vst.idx.add.s32.msk vm0, v10  }
0x72: {  	s5 =	sadd.s32 $0xFFFFFFFF, s3;
	v9 =	vld [tilespmem:s4+$0x0]  }
0x73: {  	p0 =	por $0x1, $0x1;
	s3 =	smov.u32 s1;
	s2 =	smov.u32 s0  }
.LBB2_10:
0x74: {  	p1 =	sne.s32 s5, $0x1  }
0x75: {  	s3 =	sadd.s32 $0x10, s3  }
0x76: {  	v10 =	vor.u32 s3, v5  }
0x77: {  	vm0 =	vge.s32 v10, v7;
	vm15 =	vlt.s32 v10, v8;
	v10 =	vsub.s32 v9, v0  }
0x78: {  	vm0 =	vmand vm0, vm15;
	v9 =	vand.u32 $0x7F, v9;
	v10 =	vand.u32 $0xFFFFFF80, v10  }
0x79: {  	s2 =	sadd.s32 $0x10, s2;
	v9 =	vor.u32 v9, v10  }
0x7a: {  	v10 =	vld [tilespmem:s2+$0x0];
	_ =	sdelay $0x2  }
.Ltmp5:
0x7b: {  	(pc) =	sbr.rel @p1 .LBB2_10-.Ltmp5, $4  }
0x7c: {  	[tilespmem:v9+s28+$0x0] =	vst.idx.add.s32.msk vm0, v6  }
0x7d: {  	s4 =	sadd.s32 $0x10, s4;
	[tilespmem:v9+s6+$0x0] =	vst.idx.add.s32.msk vm0, v10  }
0x7e: {  	v9 =	vld [tilespmem:s4+$0x0]  }
0x7f: {  	s5 =	sadd.s32 $0xFFFFFFFF, s5  }
.LBB2_11:
0x80: {  	s3 =	sadd.s32 @p0 $0x10, s3  }
0x81: {  	s1 =	smov.u32 @p0 s3  }
0x82: {  	v10 =	vor.u32 s1, v5  }
0x83: {  	vm0 =	vge.s32 v10, v7;
	vm15 =	vlt.s32 v10, v8;
	v7 =	vsub.s32 v9, v0  }
0x84: {  	s1 =	sadd.s32 @p0 $0x10, s2;
	v8 =	vand.u32 $0x7F, v9;
	vm0 =	vmand vm0, vm15;
	v7 =	vand.u32 $0xFFFFFF80, v7  }
0x85: {  	s0 =	smov.u32 @p0 s1;
	v7 =	vor.u32 v8, v7  }
0x86: {  	v8 =	vld [tilespmem:s0+$0x0];
	_ =	sdelay $0x3  }
0x87: {  	[tilespmem:v7+s28+$0x0] =	vst.idx.add.s32.msk vm0, v6  }
0x88: {  	vm15 =	vmmov vm1;
	[tilespmem:v7+s6+$0x0] =	vst.idx.add.s32.msk vm0, v8  }
.LBB2_12:
0x89: {  	vm1 =	vmmov vm2;
	vm2 =	vmmov vm3  }
0x8a: {  	vm3 =	vmmov vm4;
	vm4 =	vmmov vm5;
	vm5 =	vmmov vm6  }
0x8b: {  	vm6 =	vmmov vm7;
	vm7 =	vmmov vm8;
	vm8 =	vmmov vm9  }
0x8c: {  	vm9 =	vmmov vm10;
	vm10 =	vmmov vm11;
	vm11 =	vmmov vm12  }
0x8d: {  	s17 =	simm.s32 $0x0;
	vm12 =	vmmov vm13;
	vm13 =	vmmov vm14;
	vm14 =	vcmask $0x3B38  }
.LBB2_13:
0x8e: {  	s0 =	sshra.s32 s17, $0x2  }
0x8f: {  	v7 =	vld [tilespmem:s0+$0x2000];
	_ =	sdelay $0x3  }
0x90: {  	v8 =	vld [tilespmem:s0+$0x2100]  }
0x91: {  	vm0 =	vgt.s32 v7, $0x1  }
0x92: {  	v9 =	vnsel vm0, $0x1, v7  }
0x93: {  	(v2sf) =	vpush v9, $0x0;
	_ =	sdelay $0x1  }
0x94: {  	(v2sf) =	vpush v8, $0x0  }
0x95: {  	(v2sf) =	vpush v9, $0xF  }
0x96: {  	(v2sf) =	vpush v8, $0xF;
	_ =	sdelay $0x1  }
0x97: {  	(v2sf) =	vpush v9, $0x1  }
0x98: {  	(v2sf) =	vpush v8, $0x1;
	_ =	sdelay $0x1  }
0x99: {  	(v2sf) =	vpush v9, $0x2;
	_ =	sdelay $0x1  }
0x9a: {  	(v2sf) =	vpush v8, $0x2  }
0x9b: {  	(v2sf) =	vpush v9, $0x3;
	_ =	sdelay $0x1  }
0x9c: {  	(v2sf) =	vpush v8, $0x3  }
0x9d: {  	s20 =	spop (v2sf)  }
0x9e: {  	p0 =	sne.s32 s17, $0x3C0;
	(v2sf) =	vpush v9, $0x4;
	s22 =	sshra.s32 s20, $0x1F  }
0x9f: {  	[dreg:$0x17] =	wrdreg s0;
	(v2sf) =	vpush v8, $0x4;
	s1 =	spop (v2sf);
	s0 =	sxor.u32 s22, s20  }
0xa0: {  	s31 =	sshra.s32 s1, $0x1F;
	s2 =	spop (v2sf);
	s0 =	ssub.s32 s0, s22  }
0xa1: {  	(v2sf) =	vpush v9, $0x5;
	s1 =	sxor.u32 s31, s1;
	s3 =	spop (v2sf);
	s15 =	sshra.s32 s2, $0x1F  }
0xa2: {  	(v2sf) =	vpush v8, $0x5;
	s1 =	ssub.s32 s1, s31;
	s13 =	sshra.s32 s3, $0x1F;
	s21 =	sxor.u32 s15, s2  }
0xa3: {  	s24 =	spop (v2sf);
	(drf) =	sdiv.u32 s1, s0;
	s23 =	sxor.u32 s13, s3  }
0xa4: {  	(v2sf) =	vpush v9, $0x6;
	s0 =	ssub.s32 s21, s15;
	s25 =	sshra.s32 s24, $0x1F;
	s26 =	spop (v2sf)  }
0xa5: {  	(v2sf) =	vpush v8, $0x6;
	s1 =	ssub.s32 s23, s13;
	[dreg:$0x18] =	wrdreg s25;
	s28 =	sxor.u32 s25, s24  }
0xa6: {  	s4 =	sshra.s32 s26, $0x1F;
	s29 =	spop (v2sf);
	(drf) =	sdiv.u32 s1, s0  }
0xa7: {  	(v2sf) =	vpush v9, $0x7;
	[dreg:$0x19] =	wrdreg s4;
	s1 =	ssub.s32 s28, s25;
	s0 =	sxor.u32 s4, s26  }
0xa8: {  	(v2sf) =	vpush v8, $0x7;
	s30 =	spop (v2sf);
	s6 =	sshra.s32 s29, $0x1F;
	s0 =	ssub.s32 s0, s4  }
0xa9: {  	[dreg:$0x1a] =	wrdreg s6;
	s5 =	sshra.s32 s30, $0x1F;
	s9 =	spop (v2sf)  }
0xaa: {  	(v2sf) =	vpush v9, $0x8;
	s7 =	sxor.u32 s6, s29;
	[dreg:$0x1b] =	wrdreg s5;
	(drf) =	sdiv.u32 s0, s1  }
0xab: {  	(v2sf) =	vpush v8, $0x8;
	s8 =	sxor.u32 s5, s30;
	s0 =	ssub.s32 s7, s6;
	s10 =	spop (v2sf)  }
0xac: {  	s1 =	ssub.s32 s8, s5;
	s8 =	sshra.s32 s9, $0x1F;
	s3 =	sshra.s32 s10, $0x1F  }
0xad: {  	s12 =	spop (v2sf);
	(drf) =	sdiv.u32 s1, s0;
	s11 =	sxor.u32 s8, s9  }
0xae: {  	s14 =	sxor.u32 s3, s10;
	s5 =	sshra.s32 s12, $0x1F;
	s16 =	spop (v2sf);
	(v2sf) =	vpush v9, $0x9  }
0xaf: {  	s0 =	ssub.s32 s11, s8;
	s2 =	ssub.s32 s14, s3;
	s18 =	sxor.u32 s5, s12;
	(v2sf) =	vpush v8, $0x9  }
0xb0: {  	(drf) =	sdiv.u32 s2, s0;
	s6 =	sshra.s32 s16, $0x1F;
	s20 =	spop (v2sf);
	(v2sf) =	vpush v9, $0xA  }
0xb1: {  	s19 =	sxor.u32 s6, s16;
	s2 =	sshra.s32 s20, $0x1F;
	s21 =	spop (v2sf);
	(v2sf) =	vpush v8, $0xA  }
0xb2: {  	s0 =	ssub.s32 s18, s5;
	s1 =	ssub.s32 s19, s6;
	s23 =	sxor.u32 s2, s20  }
0xb3: {  	s14 =	sshra.s32 s21, $0x1F;
	s24 =	spop (v2sf);
	(drf) =	sdiv.u32 s1, s0;
	(v2sf) =	vpush v9, $0xB  }
0xb4: {  	s1 =	ssub.s32 s23, s2;
	s0 =	sxor.u32 s14, s21;
	s9 =	spop (v2sf);
	(v2sf) =	vpush v8, $0xB  }
0xb5: {  	s25 =	sshra.s32 s24, $0x1F;
	s0 =	ssub.s32 s0, s14;
	s29 =	sshra.s32 s9, $0x1F  }
0xb6: {  	s26 =	sxor.u32 s25, s24;
	s30 =	spop (v2sf);
	(drf) =	sdiv.u32 s0, s1;
	(v2sf) =	vpush v9, $0xC  }
0xb7: {  	s28 =	sxor.u32 s29, s9;
	s0 =	ssub.s32 s26, s25;
	s7 =	spop (v2sf)  }
0xb8: {  	s26 =	sshra.s32 s30, $0x1F;
	s1 =	ssub.s32 s28, s29;
	(v2sf) =	vpush v8, $0xC;
	s10 =	sshra.s32 s7, $0x1F  }
0xb9: {  	s9 =	spop (v2sf);
	s4 =	sxor.u32 s26, s30;
	(drf) =	sdiv.u32 s1, s0;
	(v2sf) =	vpush v9, $0xD  }
0xba: {  	s0 =	sxor.u32 s10, s7;
	s11 =	spop (v2sf);
	s4 =	ssub.s32 s4, s26;
	(v2sf) =	vpush v8, $0xD  }
0xbb: {  	s12 =	sshra.s32 s9, $0x1F;
	s0 =	ssub.s32 s0, s10;
	s28 =	sshra.s32 s11, $0x1F  }
0xbc: {  	s16 =	sxor.u32 s12, s9;
	(drf) =	sdiv.u32 s0, s4;
	s18 =	sxor.u32 s28, s11  }
0xbd: {  	s0 =	ssub.s32 s16, s12;
	s1 =	ssub.s32 s18, s28;
	s19 =	spop (v2sf)  }
0xbe: {  	(drf) =	sdiv.u32 s1, s0;
	(v2sf) =	vpush v9, $0xE;
	s11 =	sshra.s32 s19, $0x1F;
	s20 =	spop (v2sf)  }
0xbf: {  	(v2sf) =	vpush v8, $0xE;
	s21 =	sxor.u32 s11, s19;
	s24 =	sshra.s32 s20, $0x1F;
	s23 =	spop (v2sf)  }
0xc0: {  	s0 =	ssub.s32 s21, s11;
	s30 =	sxor.u32 s24, s20;
	s19 =	spop (v2sf)  }
0xc1: {  	s4 =	ssub.s32 s30, s24;
	s30 =	sshra.s32 s23, $0x1F;
	s9 =	sshra.s32 s19, $0x1F  }
0xc2: {  	s7 =	spop (v2sf);
	(drf) =	sdiv.u32 s4, s0;
	s1 =	sxor.u32 s30, s23  }
0xc3: {  	s4 =	sxor.u32 s9, s19;
	s16 =	spop (v2sf);
	s23 =	sshra.s32 s7, $0x1F  }
0xc4: {  	s0 =	ssub.s32 s1, s30;
	s1 =	ssub.s32 s4, s9;
	s18 =	sxor.u32 s23, s7  }
0xc5: {  	s20 =	sshra.s32 s16, $0x1F;
	s21 =	spop (v2sf);
	(drf) =	sdiv.u32 s1, s0  }
0xc6: {  	s0 =	ssub.s32 s18, s23;
	s19 =	sxor.u32 s20, s16;
	s1 =	sshra.s32 s21, $0x1F  }
0xc7: {  	s7 =	spop (v2sf);
	s19 =	ssub.s32 s19, s20;
	s4 =	sxor.u32 s1, s21  }
0xc8: {  	s16 =	spop (v2sf);
	(drf) =	sdiv.u32 s19, s0;
	s0 =	sshra.s32 s7, $0x1F  }
0xc9: {  	s18 =	ssub.s32 s4, s1;
	s21 =	spop (v2sf);
	s7 =	sxor.u32 s0, s7  }
0xca: {  	s19 =	sshra.s32 s16, $0x1F;
	s4 =	sshra.s32 s21, $0x1F;
	s7 =	ssub.s32 s7, s0  }
0xcb: {  	s16 =	sxor.u32 s19, s16;
	s21 =	sxor.u32 s4, s21;
	(drf) =	sdiv.u32 s7, s18  }
0xcc: {  	s18 =	ssub.s32 s16, s19;
	s16 =	sxor.u32 s22, s31;
	s31 =	spop (drf)  }
0xcd: {  	s3 =	sxor.u32 s8, s3;
	s21 =	ssub.s32 s21, s4;
	s7 =	spop (v2sf)  }
0xce: {  	s5 =	sxor.u32 s5, s6;
	(drf) =	sdiv.u32 s21, s18;
	s21 =	spop (v2sf)  }
0xcf: {  	s18 =	sxor.u32 s15, s13;
	s13 =	sshra.s32 s7, $0x1F;
	s15 =	sshra.s32 s21, $0x1F  }
0xd0: {  	s22 =	sxor.u32 s16, s31;
	s7 =	sxor.u32 s13, s7;
	s21 =	sxor.u32 s15, s21  }
0xd1: {  	s31 =	spop (drf);
	s7 =	ssub.s32 s7, s13;
	s21 =	ssub.s32 s21, s15  }
0xd2: {  	s2 =	sxor.u32 s2, s14;
	(drf) =	sdiv.u32 s21, s7;
	s21 =	rddreg [dreg:$0x18]  }
0xd3: {  	s31 =	sxor.u32 s18, s31;
	s7 =	ssub.s32 s22, s16;
	s22 =	rddreg [dreg:$0x19]  }
0xd4: {  	s25 =	sxor.u32 s25, s29;
	s16 =	ssub.s32 s31, s18;
	s31 =	rddreg [dreg:$0x1b]  }
0xd5: {  	s18 =	sxor.u32 s21, s22;
	s21 =	spop (drf);
	s22 =	rddreg [dreg:$0x1a]  }
0xd6: {  	s14 =	sxor.u32 s23, s20;
	s22 =	sxor.u32 s22, s31;
	s31 =	spop (drf)  }
0xd7: {  	s21 =	sxor.u32 s18, s21;
	s8 =	sxor.u32 s22, s31;
	s31 =	spop (drf)  }
0xd8: {  	s0 =	sxor.u32 s1, s0;
	s18 =	ssub.s32 s21, s18;
	s31 =	sxor.u32 s3, s31  }
0xd9: {  	v8 =	vmov s16;
	s8 =	ssub.s32 s8, s22;
	s22 =	spop (drf);
	s3 =	ssub.s32 s31, s3  }
0xda: {  	v8 =	vsel vm15, s7, v8;
	s29 =	spop (drf);
	s6 =	sxor.u32 s5, s22;
	s22 =	sxor.u32 s26, s10  }
0xdb: {  	v7 =	vcvt.s32.f32 v7;
	v8 =	vsel vm1, s18, v8;
	s26 =	sxor.u32 s12, s28;
	s28 =	sxor.u32 s11, s24;
	s31 =	spop (drf)  }
0xdc: {  	v8 =	vsel vm2, s8, v8;
	s16 =	sxor.u32 s2, s29;
	s5 =	ssub.s32 s6, s5;
	s21 =	sxor.u32 s25, s31  }
0xdd: {  	v7 =	vmax.f32 v7, $1.000000000e+00;
	v8 =	vsel vm3, s3, v8;
	s2 =	ssub.s32 s16, s2;
	s6 =	ssub.s32 s21, s25;
	s25 =	spop (drf)  }
0xde: {  	(erf) = vrcp.f32 v7;
	v8 =	vsel vm4, s5, v8;
	s29 =	spop (drf);
	s8 =	sxor.u32 s22, s25;
	s25 =	sxor.u32 s13, s15  }
0xdf: {  	v7 =	vsel vm5, s2, v8;
	s31 =	spop (drf);
	s11 =	sxor.u32 s26, s29;
	s8 =	ssub.s32 s8, s22  }
0xe0: {  	v7 =	vsel vm6, s6, v7;
	s22 =	sxor.u32 s19, s4;
	s3 =	ssub.s32 s11, s26;
	s12 =	spop (drf)  }
0xe1: {  	s5 =	sxor.u32 s28, s31;
	s11 =	sxor.u32 s30, s9;
	v7 =	vsel vm7, s8, v7;
	s16 =	spop (drf)  }
0xe2: {  	s5 =	ssub.s32 s5, s28;
	v7 =	vsel vm8, s3, v7;
	s7 =	sxor.u32 s11, s12;
	s18 =	spop (drf)  }
0xe3: {  	s1 =	sxor.u32 s14, s16;
	v7 =	vsel vm9, s5, v7;
	s20 =	ssub.s32 s7, s11;
	s21 =	sxor.u32 s0, s18  }
0xe4: {  	s1 =	ssub.s32 s1, s14;
	v7 =	vsel vm10, s20, v7;
	s23 =	spop (drf);
	s0 =	ssub.s32 s21, s0  }
.Ltmp6:
0xe5: {  	v7 =	vsel vm11, s1, v7;
	s24 =	sxor.u32 s22, s23;
	s26 =	spop (drf);
	(pc) =	sbr.rel @p0 .LBB2_13-.Ltmp6, $4  }
0xe6: {  	v7 =	vsel vm12, s0, v7;
	s28 =	ssub.s32 s24, s22;
	s29 =	sxor.u32 s25, s26  }
0xe7: {  	v8 =	vpop (erf);
	s31 =	rddreg [dreg:$0x17];
	v7 =	vsel vm13, s28, v7;
	s30 =	ssub.s32 s29, s25  }
0xe8: {  	[tilespmem:s31+$0x2200] =	vst v8;
	v7 =	vsel vm14, s30, v7  }
0xe9: {  	s17 =	sadd.s32 $0x40, s17;
	[tilespmem:s31+$0x2300] =	vst v7  }
0xea: {  	s0 =	simm.s32 $0x0  }
0xeb: {  	s1 =	rddreg [dreg:$0xa];
	s2 =	simm.s32 $0x2300;
	s26 =	simm.s32 $0x8  }
0xec: {  	[hbm4b:s1+s0] =	stream.linear.scatter [tilespmem:s2], [sflag:$0x8], $0x100, $0x38;
	[tilespmem:$0x1D800] =	vst v63  }
0xed: {  	_ =	swait.ge [sflag:s26], $0x100  }
0xee: {  	[sflag:s26] =	ssyncset.done $0x0  }
0xef: {  	s2 =	simm.s32 $0x0;
	[sflag:s26] =	ssyncadd.s32 $0xFFFFFF00  }
0xf0: {  	v7 =	vld [tilespmem:s2+$0x70]  }
0xf1: {  	v9 =	vld [tilespmem:s2+$0x0]  }
0xf2: {  	v12 =	vld [tilespmem:s2+$0x10]  }
0xf3: {  	v11 =	vld [tilespmem:s2+$0x20]  }
0xf4: {  	v10 =	vld [tilespmem:s2+$0x30]  }
0xf5: {  	v8 =	vld [tilespmem:s2+$0x40];
	v13 =	vsub.s32 v7, v0  }
0xf6: {  	v9 =	vsub.s32 v9, v0;
	v7 =	vld [tilespmem:s2+$0x50];
	v14 =	vmin.u32 v13, $0x100  }
0xf7: {  	s0 =	simm.s32 $0x80;
	s1 =	simm.s32 $0x400;
	v12 =	vsub.s32 v12, v0;
	v13 =	vmin.u32 v9, $0x100;
	v9 =	vld [tilespmem:s2+$0x60];
	v14 =	vadd.s32 v2, v14  }
.LBB2_15:
0xf8: {  	p0 =	sne.s32 s1, $0x3E00;
	v15 =	vld [tilespmem:s0+$0x70];
	v13 =	vadd.s32 v2, v13;
	v12 =	vmin.u32 v12, $0x100;
	v11 =	vsub.s32 v11, v0;
	[tilespmem:s2+$0x2470] =	vst v14  }
0xf9: {  	v14 =	vld [tilespmem:s0+$0x0];
	[tilespmem:s2+$0x2400] =	vst v13;
	v12 =	vadd.s32 v2, v12;
	v11 =	vmin.u32 v11, $0x100;
	v10 =	vsub.s32 v10, v0  }
0xfa: {  	v16 =	vld [tilespmem:s0+$0x10];
	[tilespmem:s2+$0x2410] =	vst v12;
	v12 =	vadd.s32 v2, v11;
	v10 =	vmin.u32 v10, $0x100;
	v8 =	vsub.s32 v8, v0  }
.Ltmp7:
0xfb: {  	v11 =	vld [tilespmem:s0+$0x20];
	[tilespmem:s2+$0x2420] =	vst v12;
	v12 =	vadd.s32 v2, v10;
	v8 =	vmin.u32 v8, $0x100;
	v7 =	vsub.s32 v7, v0;
	(pc) =	sbr.rel @p0 .LBB2_15-.Ltmp7, $4  }
0xfc: {  	v10 =	vld [tilespmem:s0+$0x30];
	[tilespmem:s2+$0x2430] =	vst v12;
	v12 =	vadd.s32 v2, v8;
	v7 =	vmin.u32 v7, $0x100;
	v9 =	vsub.s32 v9, v0  }
0xfd: {  	v8 =	vld [tilespmem:s0+$0x40];
	v13 =	vsub.s32 v15, v0;
	[tilespmem:s2+$0x2440] =	vst v12;
	v12 =	vadd.s32 v2, v7;
	v9 =	vmin.u32 v9, $0x100  }
0xfe: {  	v14 =	vsub.s32 v14, v0;
	v7 =	vld [tilespmem:s0+$0x50];
	v15 =	vmin.u32 v13, $0x100;
	[tilespmem:s2+$0x2450] =	vst v12;
	v17 =	vadd.s32 v2, v9  }
0xff: {  	v13 =	vmin.u32 v14, $0x100;
	v12 =	vsub.s32 v16, v0;
	v9 =	vld [tilespmem:s0+$0x60];
	v14 =	vadd.s32 v2, v15;
	[tilespmem:s2+$0x2460] =	vst v17;
	s2 =	smov.u32 s0;
	s0 =	sshra.s32 s1, $0x2;
	s1 =	sadd.s32 $0x200, s1  }
0x100: {  	v15 =	vld [tilespmem:s0+$0x70];
	[tilespmem:s2+$0x2470] =	vst v14;
	v13 =	vadd.s32 v2, v13;
	v12 =	vmin.u32 v12, $0x100;
	v11 =	vsub.s32 v11, v0  }
0x101: {  	v14 =	vld [tilespmem:s0+$0x0];
	[tilespmem:s2+$0x2400] =	vst v13;
	v12 =	vadd.s32 v2, v12;
	v11 =	vmin.u32 v11, $0x100;
	v10 =	vsub.s32 v10, v0  }
0x102: {  	v13 =	vld [tilespmem:s0+$0x10];
	[tilespmem:s2+$0x2410] =	vst v12;
	v11 =	vadd.s32 v2, v11;
	v10 =	vmin.u32 v10, $0x100;
	v8 =	vsub.s32 v8, v0  }
0x103: {  	v12 =	vld [tilespmem:s0+$0x20];
	[tilespmem:s2+$0x2420] =	vst v11;
	v10 =	vadd.s32 v2, v10;
	v8 =	vmin.u32 v8, $0x100  }
0x104: {  	v7 =	vsub.s32 v7, v0;
	v11 =	vld [tilespmem:s0+$0x30];
	[tilespmem:s2+$0x2430] =	vst v10;
	v8 =	vadd.s32 v2, v8  }
0x105: {  	v7 =	vmin.u32 v7, $0x100;
	v10 =	vld [tilespmem:s0+$0x40];
	[tilespmem:s2+$0x2440] =	vst v8;
	v8 =	vsub.s32 v9, v0  }
0x106: {  	v7 =	vadd.s32 v2, v7;
	v15 =	vsub.s32 v15, v0;
	v8 =	vmin.u32 v8, $0x100  }
0x107: {  	v60 =	vld [tilespmem:s0+$0x50];
	[tilespmem:s2+$0x2450] =	vst v7;
	v7 =	vsub.s32 v14, v0;
	v61 =	vmin.u32 v15, $0x100;
	v8 =	vadd.s32 v2, v8  }
0x108: {  	v62 =	vld [tilespmem:s0+$0x60];
	v7 =	vmin.u32 v7, $0x100;
	v13 =	vsub.s32 v13, v0;
	v14 =	vadd.s32 v2, v61;
	[tilespmem:s2+$0x2460] =	vst v8  }
0x109: {  	v7 =	vadd.s32 v2, v7;
	v8 =	vmin.u32 v13, $0x100;
	v12 =	vsub.s32 v12, v0;
	[tilespmem:s0+$0x2470] =	vst v14  }
0x10a: {  	[tilespmem:s0+$0x2400] =	vst v7;
	v7 =	vadd.s32 v2, v8;
	v8 =	vmin.u32 v12, $0x100;
	v11 =	vsub.s32 v11, v0  }
0x10b: {  	s1 =	rddreg [dreg:$0x15];
	[tilespmem:s0+$0x2410] =	vst v7;
	v7 =	vadd.s32 v2, v8;
	v8 =	vmin.u32 v11, $0x100;
	v10 =	vsub.s32 v10, v0  }
0x10c: {  	s20 =	rddreg [dreg:$0xb];
	[tilespmem:s0+$0x2420] =	vst v7;
	v7 =	vadd.s32 v2, v8;
	v8 =	vmin.u32 v10, $0x100;
	v9 =	vsub.s32 v60, v0  }
0x10d: {  	s12 =	rddreg [dreg:$0x16];
	[tilespmem:s0+$0x2430] =	vst v7;
	v7 =	vadd.s32 v2, v8;
	v8 =	vmin.u32 v9, $0x100;
	v63 =	vsub.s32 v62, v0  }
0x10e: {  	s4 =	simm.s32 $0x13400;
	s22 =	rddreg [dreg:$0xc];
	s1 =	sadd.s32 $0x7F, s1;
	[tilespmem:s0+$0x2440] =	vst v7;
	v7 =	vadd.s32 v2, v8;
	v8 =	vmin.u32 v63, $0x100  }
0x10f: {  	s3 =	rddreg [dreg:$0x14];
	s11 =	sshra.s32 s1, $0x1F;
	s2 =	sshrl.u32 s12, $0x19;
	[tilespmem:s0+$0x2450] =	vst v7;
	v7 =	vadd.s32 v2, v8  }
0x110: {  	s23 =	rddreg [dreg:$0xd];
	s2 =	sadd.s32 s2, s3;
	[tilespmem:s0+$0x2460] =	vst v7;
	s0 =	sshrl.u32 s11, $0x19  }
0x111: {  	[spmem:s20] =	stream.linear.scatter [tilespmem:s4], [sflag:$0x3], $0x2000, $0x38;
	[tilespmem:$0x1D800] =	vst v63  }
0x112: {  	s24 =	rddreg [dreg:$0xe];
	s3 =	sshra.s32 s2, $0x7;
	s0 =	sadd.s32 s0, s1  }
0x113: {  	s14 =	rddreg [dreg:$0xf];
	s13 =	sshll.u32 s3, $0x11;
	s18 =	sshra.s32 s0, $0x7  }
0x114: {  	[spmem:s22] =	stream.linear.scatter [tilespmem:s4], [sflag:$0x3], $0x2000, $0x38;
	[tilespmem:$0x1D800] =	vst v63  }
0x115: {  	s25 =	rddreg [dreg:$0x12];
	s5 =	sadd.s32 s14, s13;
	s21 =	ssub.s32 s18, s3  }
0x116: {  	s14 =	rddreg [dreg:$0x0];
	p0 =	slt.s32 s21, $0x1;
	s15 =	sadd.s32 $0x1, s21  }
0x117: {  	[spmem:s23] =	stream.linear.scatter [tilespmem:s4], [sflag:$0x4], $0x2000, $0x38;
	[tilespmem:$0x1D800] =	vst v63  }
0x118: {  	s1 =	sshrl.u32 @!p0 s5, $0x3;
	s2 =	simm.s32 @!p0 $0x400;
	s6 =	simm.s32 @!p0 $0x3400  }
0x119: {  	[spmem:s24] =	stream.linear.scatter [tilespmem:s4], [sflag:$0x4], $0x2000, $0x38;
	[tilespmem:$0x1D800] =	vst v63  }
0x11a: {  	s16 =	sshrl.u32 s15, $0x1F;
	s1 =	sadd.s32 @!p0 s14, s1;
	s4 =	simm.s32 @!p0 $0x2000  }
0x11b: {  	[tilespmem:s6], [sflag:$0x1] =	stream.strided.gather @!p0 [hbm4b:s1+s2], $0x4000, s4, s2, $0x38;
	[tilespmem:$0x1D800] =	vst v63  }
0x11c: {  	s8 =	simm.s32 $0x0;
	s28 =	simm.s32 $0x2000;
	s1 =	sadd.s32 s16, s15  }
0x11d: {  	s29 =	simm.s32 $0x3;
	s17 =	sshll.u32 s3, $0x9;
	s1 =	sshra.s32 s1, $0x1  }
0x11e: {  	s19 =	sshra.s32 s17, $0x2;
	s17 =	rddreg [dreg:$0x3];
	p1 =	sgt.s32 s1, $0x1  }
0x11f: {  	s7 =	sadd.s32 s13, s25;
	s25 =	rddreg [dreg:$0x10];
	s1 =	simm.s32 @!p1 $0x1  }
0x120: {  	s6 =	sadd.s32 $0x2480, s19;
	s19 =	rddreg [dreg:$0x5];
	s1 =	sshll.u32 s1, $0x1  }
0x121: {  	s30 =	simm.s32 $0x4;
	s31 =	simm.s32 $0xB400;
	[dreg:$0x7] =	wrdreg s1  }
.LBB2_17:
0x122: {  	_ =	swait.ge [sflag:s29], $0x2000  }
0x123: {  	[sflag:s29] =	ssyncset.done $0x0  }
0x124: {  	[sflag:s29] =	ssyncadd.s32 $0xFFFFE000  }
0x125: {  	_ =	swait.ge [sflag:s29], $0x2000  }
0x126: {  	[sflag:s29] =	ssyncset.done $0x0  }
0x127: {  	[sflag:s29] =	ssyncadd.s32 $0xFFFFE000  }
0x128: {  	_ =	swait.ge [sflag:s30], $0x2000  }
.Ltmp8:
0x129: {  	[sflag:s30] =	ssyncset.done $0x0;
	(pc) =	sbr.rel @p0 .LBB2_19-.Ltmp8, $4  }
0x12a: {  	[sflag:s30] =	ssyncadd.s32 $0xFFFFE000  }
0x12b: {  	_ =	swait.ge [sflag:s30], $0x2000  }
0x12c: {  	s0 =	smov.u32 s7;
	[sflag:s30] =	ssyncset.done $0x0  }
0x12d: {  	s1 =	smov.u32 s6;
	s2 =	simm.s32 $0x0;
	[sflag:s30] =	ssyncadd.s32 $0xFFFFE000  }
.LBB2_18:
0x12e: {  	s4 =	sadd.s32 s2, s3  }
0x12f: {  	p2 =	sge.s32 s4, s18  }
0x130: {  	s9 =	sadd.s32 @!p2 s2, s3  }
0x131: {  	s10 =	simm.s32 @!p2 $0x1;
	s9 =	sadd.s32 @!p2 $0x1, s9  }
0x132: {  	_ =	swait.ge @!p2 [sflag:s10], $0x4000;
	p1 =	sge.s32 @!p2 s9, s18  }
0x133: {  	[sflag:s10] =	ssyncset.done @!p2 $0x0;
	p1 =	por p1, p2  }
0x134: {  	[sflag:s10] =	ssyncadd.s32 @!p2 $0xFFFFC000;
	s9 =	sshrl.u32 @!p1 s0, $0x3;
	s10 =	simm.s32 @!p1 $0x400  }
0x135: {  	s11 =	simm.s32 @!p1 $0x2000;
	s12 =	simm.s32 @!p1 $0x7400;
	s9 =	sadd.s32 @!p1 s14, s9  }
0x136: {  	[tilespmem:s12], [sflag:$0x2] =	stream.strided.gather @!p1 [hbm4b:s9+s10], $0x4000, s11, s10, $0x38;
	[tilespmem:$0x1D800] =	vst v63  }
0x137: {  	s4 =	sadd.s32 $0x1, s4;
	s9 =	sadd.s32 @!p2 $0xFFFFFF80, s1  }
0x138: {  	s10 =	simm.s32 @!p2 $0x80;
	s11 =	simm.s32 @!p2 $0x3400;
	p1 =	sge.s32 s4, s18  }
0x139: {  	[spmem:s19] =	stream.indirect.scatter.add.f32 @!p2 [tilespmem:s11], [sflag:$0x9], $0x80, s9, s10, $0xb8;
	[tilespmem:$0x1D800] =	vst v63  }
0x13a: {  	s4 =	simm.s32 @!p2 $0x9;
	s9 =	sadd.s32 @!p1 s2, s3  }
0x13b: {  	_ =	swait.ge @!p2 [sflag:s4], $0x4000;
	s9 =	sadd.s32 @!p1 $0x2, s9  }
0x13c: {  	[sflag:s4] =	ssyncset.done @!p2 $0x0;
	p3 =	sge.s32 @!p1 s9, s18  }
0x13d: {  	[sflag:s4] =	ssyncadd.s32 @!p2 $0xFFFFC000;
	s4 =	simm.s32 @!p1 $0x2;
	p2 =	por p3, p1  }
0x13e: {  	_ =	swait.ge @!p1 [sflag:s4], $0x4000;
	s9 =	sadd.s32 @!p2 $0x20000, s0;
	s10 =	simm.s32 @!p2 $0x2000  }
0x13f: {  	s11 =	simm.s32 @!p2 $0x3400;
	[sflag:s4] =	ssyncset.done @!p1 $0x0;
	s9 =	sshrl.u32 @!p2 s9, $0x3  }
0x140: {  	[sflag:s4] =	ssyncadd.s32 @!p1 $0xFFFFC000;
	s4 =	sadd.s32 @!p2 s14, s9;
	s9 =	simm.s32 @!p2 $0x400  }
0x141: {  	[tilespmem:s11], [sflag:$0x1] =	stream.strided.gather @!p2 [hbm4b:s4+s9], $0x4000, s10, s9, $0x38;
	[tilespmem:$0x1D800] =	vst v63  }
0x142: {  	s4 =	simm.s32 @!p1 $0x80;
	s9 =	simm.s32 @!p1 $0x7400  }
0x143: {  	[spmem:s19] =	stream.indirect.scatter.add.f32 @!p1 [tilespmem:s9], [sflag:$0x8], $0x80, s1, s4, $0xb8;
	[tilespmem:$0x1D800] =	vst v63  }
0x144: {  	s4 =	simm.s32 @!p1 $0x8  }
0x145: {  	_ =	swait.ge @!p1 [sflag:s4], $0x4000  }
0x146: {  	s2 =	sadd.s32 $0x2, s2;
	s16 =	rddreg [dreg:$0x7]  }
0x147: {  	p2 =	sne.s32 s16, s2  }
.Ltmp9:
0x148: {  	_ = 	snop;
	(pc) =	sbr.rel @p2 .LBB2_18-.Ltmp9, $3  }
0x149: {  	_ =	sdelay $0x1  }
0x14a: {  	[sflag:s4] =	ssyncset.done @!p1 $0x0  }
0x14b: {  	s0 =	sadd.s32 $0x40000, s0;
	s1 =	sadd.s32 $0x100, s1;
	[sflag:s4] =	ssyncadd.s32 @!p1 $0xFFFFC000  }
.LBB2_19:
0x14c: {  	p1 =	seq.s32 s8, $0x0  }
0x14d: {  	s0 =	simm.s32 @!p1 $0x7  }
0x14e: {  	_ =	swait.ge @!p1 [sflag:s0], $0x4000  }
0x14f: {  	[sflag:s0] =	ssyncset.done @!p1 $0x0  }
0x150: {  	[sflag:s0] =	ssyncadd.s32 @!p1 $0xFFFFC000  }
0x151: {  	_ =	swait.ge @!p1 [sflag:s0], $0x4000  }
0x152: {  	[sflag:s0] =	ssyncset.done @!p1 $0x0  }
0x153: {  	[sflag:s0] =	ssyncadd.s32 @!p1 $0xFFFFC000  }
0x154: {  	[tilespmem:s31], [sflag:$0x5] =	stream.linear.gather [spmem:s20], $0x4000, $0x38;
	[tilespmem:$0x1D800] =	vst v63  }
0x155: {  	s13 =	simm.s32 $0xF400;
	s1 =	simm.s32 $0x5  }
0x156: {  	[tilespmem:s13], [sflag:$0x6] =	stream.linear.gather [spmem:s23], $0x4000, $0x38;
	[tilespmem:$0x1D800] =	vst v63  }
0x157: {  	_ =	swait.ge [sflag:s1], $0x4000  }
0x158: {  	s15 =	simm.s32 $0x0;
	[sflag:s1] =	ssyncset.done $0x0  }
0x159: {  	s16 =	simm.s32 $0x0;
	s0 =	sand.u32 $0x3FFFFFF0, s15;
	[sflag:s1] =	ssyncadd.s32 $0xFFFFC000  }
0x15a: {  	s16 =	sand.u32 $0x3FFFF800, s16;
	v7 =	vld [tilespmem:s0+$0x2200]  }
0x15b: {  	v13 =	vld [tilespmem:s16+$0xB4C0]  }
0x15c: {  	v14 =	vld [tilespmem:s16+$0xB4D0]  }
0x15d: {  	v9 =	vld [tilespmem:s16+$0xB420]  }
0x15e: {  	v10 =	vld [tilespmem:s16+$0xB430]  }
0x15f: {  	v16 =	vld [tilespmem:s16+$0xB460]  }
0x160: {  	v17 =	vld [tilespmem:s16+$0xB470];
	v8 =	vbroadcast v7, $0x0  }
0x161: {  	v18 =	vld [tilespmem:s16+$0xB480]  }
0x162: {  	v19 =	vld [tilespmem:s16+$0xB490];
	v9 =	vmul.f32 v9, v8  }
0x163: {  	v20 =	vld [tilespmem:s16+$0xB4A0];
	v10 =	vmul.f32 v10, v8  }
0x164: {  	v15 =	vld [tilespmem:s16+$0xB4B0];
	v59 =	vbroadcast v7, $0x1;
	v58 =	vmul.f32 v16, v8;
	[tilespmem:s16+$0xB420] =	vst v9  }
0x165: {  	v12 =	vld [tilespmem:s16+$0xB970];
	v17 =	vmul.f32 v17, v8;
	[tilespmem:s16+$0xB430] =	vst v10  }
0x166: {  	v60 =	vld [tilespmem:s16+$0xB4E0];
	v18 =	vmul.f32 v18, v59;
	[tilespmem:s16+$0xB460] =	vst v58  }
0x167: {  	v61 =	vld [tilespmem:s16+$0xB4F0];
	v19 =	vmul.f32 v19, v59;
	[tilespmem:s16+$0xB470] =	vst v17  }
0x168: {  	v62 =	vld [tilespmem:s16+$0xB500];
	v20 =	vmul.f32 v20, v59;
	[tilespmem:s16+$0xB480] =	vst v18  }
0x169: {  	v63 =	vld [tilespmem:s16+$0xB510];
	v15 =	vmul.f32 v15, v59;
	[tilespmem:s16+$0xB490] =	vst v19  }
0x16a: {  	v24 =	vld [tilespmem:s16+$0xB520];
	v13 =	vmul.f32 v13, v59;
	[tilespmem:s16+$0xB4A0] =	vst v20  }
0x16b: {  	v25 =	vld [tilespmem:s16+$0xB530];
	v21 =	vbroadcast v7, $0x2;
	v14 =	vmul.f32 v14, v59;
	[tilespmem:s16+$0xB4B0] =	vst v15  }
0x16c: {  	v26 =	vld [tilespmem:s16+$0xB540];
	v16 =	vmul.f32 v61, v59;
	[tilespmem:s16+$0xB4C0] =	vst v13  }
0x16d: {  	v27 =	vld [tilespmem:s16+$0xB550];
	v11 =	vbroadcast v7, $0xA;
	v28 =	vmul.f32 v62, v21;
	[tilespmem:s16+$0xB4D0] =	vst v14  }
0x16e: {  	v29 =	vld [tilespmem:s16+$0xB560];
	v30 =	vmul.f32 v63, v21;
	[tilespmem:s16+$0xB4F0] =	vst v16  }
0x16f: {  	v31 =	vld [tilespmem:s16+$0xB570];
	v9 =	vmul.f32 v12, v11;
	[tilespmem:s16+$0xB500] =	vst v28  }
0x170: {  	v32 =	vld [tilespmem:s16+$0xB580];
	v17 =	vmul.f32 v60, v59;
	[tilespmem:s16+$0xB510] =	vst v30  }
0x171: {  	v33 =	vld [tilespmem:s16+$0xB590];
	v15 =	vmul.f32 v24, v21;
	[tilespmem:s16+$0xB970] =	vst v9  }
0x172: {  	v34 =	vld [tilespmem:s16+$0xB5A0];
	v13 =	vmul.f32 v25, v21;
	[tilespmem:s16+$0xB4E0] =	vst v17  }
0x173: {  	v35 =	vld [tilespmem:s16+$0xB5B0];
	v14 =	vmul.f32 v26, v21;
	[tilespmem:s16+$0xB520] =	vst v15  }
0x174: {  	v36 =	vld [tilespmem:s16+$0xB5C0];
	v37 =	vbroadcast v7, $0x3;
	v16 =	vmul.f32 v29, v21;
	[tilespmem:s16+$0xB530] =	vst v13  }
0x175: {  	v38 =	vld [tilespmem:s16+$0xB5D0];
	v18 =	vmul.f32 v31, v21;
	[tilespmem:s16+$0xB540] =	vst v14  }
0x176: {  	v39 =	vld [tilespmem:s16+$0xB5E0];
	v19 =	vmul.f32 v32, v37;
	[tilespmem:s16+$0xB560] =	vst v16  }
0x177: {  	v40 =	vld [tilespmem:s16+$0xB5F0];
	v17 =	vmul.f32 v27, v21;
	[tilespmem:s16+$0xB570] =	vst v18  }
0x178: {  	v41 =	vld [tilespmem:s16+$0xB600];
	v15 =	vmul.f32 v33, v37;
	[tilespmem:s16+$0xB580] =	vst v19  }
0x179: {  	v42 =	vld [tilespmem:s16+$0xB610];
	v13 =	vmul.f32 v34, v37;
	[tilespmem:s16+$0xB550] =	vst v17  }
0x17a: {  	v43 =	vld [tilespmem:s16+$0xB620];
	v14 =	vmul.f32 v35, v37;
	[tilespmem:s16+$0xB590] =	vst v15  }
0x17b: {  	v44 =	vld [tilespmem:s16+$0xB630];
	v16 =	vmul.f32 v38, v37;
	[tilespmem:s16+$0xB5A0] =	vst v13  }
0x17c: {  	v45 =	vld [tilespmem:s16+$0xB640];
	v18 =	vmul.f32 v39, v37;
	[tilespmem:s16+$0xB5B0] =	vst v14  }
0x17d: {  	v47 =	vld [tilespmem:s16+$0xB650];
	v46 =	vbroadcast v7, $0x4;
	v19 =	vmul.f32 v40, v37;
	[tilespmem:s16+$0xB5D0] =	vst v16  }
0x17e: {  	v48 =	vld [tilespmem:s16+$0xB660];
	v17 =	vmul.f32 v36, v37;
	[tilespmem:s16+$0xB5E0] =	vst v18  }
0x17f: {  	v49 =	vld [tilespmem:s16+$0xB670];
	v15 =	vmul.f32 v41, v46;
	[tilespmem:s16+$0xB5F0] =	vst v19  }
0x180: {  	v50 =	vld [tilespmem:s16+$0xB680];
	v13 =	vmul.f32 v42, v46;
	[tilespmem:s16+$0xB5C0] =	vst v17  }
0x181: {  	v51 =	vld [tilespmem:s16+$0xB690];
	v14 =	vmul.f32 v43, v46;
	[tilespmem:s16+$0xB600] =	vst v15  }
0x182: {  	v52 =	vld [tilespmem:s16+$0xB6A0];
	v16 =	vmul.f32 v45, v46;
	[tilespmem:s16+$0xB610] =	vst v13  }
0x183: {  	v53 =	vld [tilespmem:s16+$0xB6B0];
	v18 =	vmul.f32 v47, v46;
	[tilespmem:s16+$0xB620] =	vst v14  }
0x184: {  	v54 =	vld [tilespmem:s16+$0xB6C0];
	v19 =	vmul.f32 v48, v46;
	[tilespmem:s16+$0xB640] =	vst v16  }
0x185: {  	v56 =	vld [tilespmem:s16+$0xB6D0];
	v55 =	vbroadcast v7, $0x5;
	v17 =	vmul.f32 v44, v46;
	[tilespmem:s16+$0xB650] =	vst v18  }
0x186: {  	v57 =	vld [tilespmem:s16+$0xB6E0];
	v15 =	vmul.f32 v49, v46;
	[tilespmem:s16+$0xB660] =	vst v19  }
0x187: {  	v61 =	vld [tilespmem:s16+$0xB720];
	v13 =	vmul.f32 v50, v55;
	[tilespmem:s16+$0xB630] =	vst v17  }
0x188: {  	v62 =	vld [tilespmem:s16+$0xB730];
	v14 =	vmul.f32 v51, v55;
	[tilespmem:s16+$0xB670] =	vst v15  }
0x189: {  	v58 =	vld [tilespmem:s16+$0xB6F0];
	v16 =	vmul.f32 v53, v55;
	[tilespmem:s16+$0xB680] =	vst v13  }
0x18a: {  	v59 =	vld [tilespmem:s16+$0xB700];
	v18 =	vmul.f32 v54, v55;
	[tilespmem:s16+$0xB690] =	vst v14  }
0x18b: {  	v63 =	vld [tilespmem:s16+$0xB740];
	v19 =	vmul.f32 v56, v55;
	[tilespmem:s16+$0xB6B0] =	vst v16  }
0x18c: {  	v10 =	vld [tilespmem:s16+$0xB980];
	v17 =	vmul.f32 v52, v55;
	[tilespmem:s16+$0xB6C0] =	vst v18  }
0x18d: {  	v12 =	vld [tilespmem:s16+$0xB990];
	v24 =	vbroadcast v7, $0x6;
	v15 =	vmul.f32 v57, v55;
	[tilespmem:s16+$0xB6D0] =	vst v19  }
0x18e: {  	v60 =	vld [tilespmem:s16+$0xB710];
	v13 =	vmul.f32 v58, v55;
	[tilespmem:s16+$0xB6A0] =	vst v17  }
0x18f: {  	v25 =	vld [tilespmem:s16+$0xB750];
	v14 =	vmul.f32 v59, v24;
	[tilespmem:s16+$0xB6E0] =	vst v15  }
0x190: {  	v26 =	vld [tilespmem:s16+$0xB760];
	v16 =	vmul.f32 v61, v24;
	[tilespmem:s16+$0xB6F0] =	vst v13  }
0x191: {  	v27 =	vld [tilespmem:s16+$0xB770];
	v18 =	vmul.f32 v62, v24;
	[tilespmem:s16+$0xB700] =	vst v14  }
0x192: {  	v29 =	vld [tilespmem:s16+$0xB790];
	v19 =	vmul.f32 v63, v24;
	[tilespmem:s16+$0xB720] =	vst v16  }
0x193: {  	v30 =	vld [tilespmem:s16+$0xB7A0];
	v17 =	vmul.f32 v60, v24;
	[tilespmem:s16+$0xB730] =	vst v18  }
0x194: {  	v31 =	vld [tilespmem:s16+$0xB7B0];
	v15 =	vmul.f32 v25, v24;
	[tilespmem:s16+$0xB740] =	vst v19  }
0x195: {  	v28 =	vld [tilespmem:s16+$0xB780];
	v33 =	vbroadcast v7, $0x7;
	v13 =	vmul.f32 v26, v24;
	[tilespmem:s16+$0xB710] =	vst v17  }
0x196: {  	v32 =	vld [tilespmem:s16+$0xB7C0];
	v14 =	vmul.f32 v27, v24;
	[tilespmem:s16+$0xB750] =	vst v15  }
0x197: {  	v34 =	vld [tilespmem:s16+$0xB7D0];
	v16 =	vmul.f32 v29, v33;
	[tilespmem:s16+$0xB760] =	vst v13  }
0x198: {  	v35 =	vld [tilespmem:s16+$0xB7E0];
	v18 =	vmul.f32 v30, v33;
	[tilespmem:s16+$0xB770] =	vst v14  }
0x199: {  	v37 =	vld [tilespmem:s16+$0xB800];
	v19 =	vmul.f32 v31, v33;
	[tilespmem:s16+$0xB790] =	vst v16  }
0x19a: {  	v38 =	vld [tilespmem:s16+$0xB810];
	v17 =	vmul.f32 v28, v33;
	[tilespmem:s16+$0xB7A0] =	vst v18  }
0x19b: {  	v39 =	vld [tilespmem:s16+$0xB820];
	v15 =	vmul.f32 v32, v33;
	[tilespmem:s16+$0xB7B0] =	vst v19  }
0x19c: {  	v9 =	vld [tilespmem:s16+$0xBBD0];
	v42 =	vbroadcast v7, $0x8;
	v13 =	vmul.f32 v34, v33;
	[tilespmem:s16+$0xB780] =	vst v17  }
0x19d: {  	v40 =	vld [tilespmem:s16+$0xB830];
	v14 =	vmul.f32 v35, v33;
	[tilespmem:s16+$0xB7C0] =	vst v15  }
0x19e: {  	v55 =	vld [tilespmem:s16+$0xB900];
	v16 =	vmul.f32 v37, v42;
	[tilespmem:s16+$0xB7D0] =	vst v13  }
0x19f: {  	v59 =	vld [tilespmem:s16+$0xB940];
	v31 =	vbroadcast v7, $0xB;
	v18 =	vmul.f32 v38, v42;
	[tilespmem:s16+$0xB7E0] =	vst v14  }
0x1a0: {  	v63 =	vld [tilespmem:s16+$0xB400];
	v19 =	vmul.f32 v39, v42;
	[tilespmem:s16+$0xB800] =	vst v16  }
0x1a1: {  	v36 =	vld [tilespmem:s16+$0xB7F0];
	v10 =	vmul.f32 v10, v31;
	[tilespmem:s16+$0xB810] =	vst v18  }
0x1a2: {  	v41 =	vld [tilespmem:s16+$0xB840];
	v12 =	vmul.f32 v12, v31;
	[tilespmem:s16+$0xB820] =	vst v19  }
0x1a3: {  	v43 =	vld [tilespmem:s16+$0xB850];
	v61 =	vmul.f32 v55, v11;
	[tilespmem:s16+$0xB980] =	vst v10  }
0x1a4: {  	v45 =	vld [tilespmem:s16+$0xB870];
	v26 =	vmul.f32 v59, v11;
	[tilespmem:s16+$0xB990] =	vst v12  }
0x1a5: {  	v47 =	vld [tilespmem:s16+$0xB890];
	v32 =	vmul.f32 v8, v63;
	[tilespmem:s16+$0xB900] =	vst v61  }
0x1a6: {  	v46 =	vld [tilespmem:s16+$0xB880];
	v17 =	vmul.f32 v36, v33;
	[tilespmem:s16+$0xB940] =	vst v26  }
0x1a7: {  	v48 =	vld [tilespmem:s16+$0xB8A0];
	v15 =	vmul.f32 v40, v42;
	[tilespmem:s16+$0xB400] =	vst v32  }
0x1a8: {  	v60 =	vld [tilespmem:s16+$0xB950];
	v13 =	vmul.f32 v41, v42;
	[tilespmem:s16+$0xB7F0] =	vst v17  }
0x1a9: {  	v44 =	vld [tilespmem:s16+$0xB860];
	v51 =	vbroadcast v7, $0x9;
	v14 =	vmul.f32 v43, v42;
	[tilespmem:s16+$0xB830] =	vst v15  }
0x1aa: {  	v49 =	vld [tilespmem:s16+$0xB8B0];
	v16 =	vmul.f32 v45, v42;
	[tilespmem:s16+$0xB840] =	vst v13  }
0x1ab: {  	v50 =	vld [tilespmem:s16+$0xB8C0];
	v18 =	vmul.f32 v46, v51;
	[tilespmem:s16+$0xB850] =	vst v14  }
0x1ac: {  	v53 =	vld [tilespmem:s16+$0xB8E0];
	v19 =	vmul.f32 v47, v51;
	[tilespmem:s16+$0xB870] =	vst v16  }
0x1ad: {  	v54 =	vld [tilespmem:s16+$0xB8F0];
	v28 =	vmul.f32 v60, v11;
	[tilespmem:s16+$0xB880] =	vst v18  }
0x1ae: {  	v56 =	vld [tilespmem:s16+$0xB910];
	v17 =	vmul.f32 v44, v42;
	[tilespmem:s16+$0xB890] =	vst v19  }
0x1af: {  	v52 =	vld [tilespmem:s16+$0xB8D0];
	v15 =	vmul.f32 v48, v51;
	[tilespmem:s16+$0xB950] =	vst v28  }
0x1b0: {  	v34 =	vld [tilespmem:s16+$0xB9E0];
	v13 =	vmul.f32 v49, v51;
	[tilespmem:s16+$0xB860] =	vst v17  }
0x1b1: {  	v35 =	vld [tilespmem:s16+$0xB9F0];
	v14 =	vmul.f32 v50, v51;
	[tilespmem:s16+$0xB8A0] =	vst v15  }
0x1b2: {  	v57 =	vld [tilespmem:s16+$0xB920];
	v10 =	vbroadcast v7, $0xF;
	v16 =	vmul.f32 v53, v51;
	[tilespmem:s16+$0xB8B0] =	vst v13  }
0x1b3: {  	v58 =	vld [tilespmem:s16+$0xB930];
	v18 =	vmul.f32 v54, v51;
	[tilespmem:s16+$0xB8C0] =	vst v14  }
0x1b4: {  	v62 =	vld [tilespmem:s16+$0xB960];
	v9 =	vmul.f32 v9, v10;
	[tilespmem:s16+$0xB8E0] =	vst v16  }
0x1b5: {  	v45 =	vmul.f32 v34, v31;
	[tilespmem:s16+$0xB8F0] =	vst v18  }
0x1b6: {  	v12 =	vmul.f32 v35, v31;
	[tilespmem:s16+$0xBBD0] =	vst v9  }
0x1b7: {  	v24 =	vld [tilespmem:s16+$0xB410];
	v17 =	vmul.f32 v52, v51;
	[tilespmem:s16+$0xB9E0] =	vst v45  }
0x1b8: {  	v25 =	vld [tilespmem:s16+$0xB440];
	v15 =	vmul.f32 v56, v11;
	v13 =	vmul.f32 v57, v11;
	[tilespmem:s16+$0xB9F0] =	vst v12  }
0x1b9: {  	v27 =	vld [tilespmem:s16+$0xB450];
	v14 =	vmul.f32 v58, v11;
	v11 =	vmul.f32 v62, v11;
	[tilespmem:s16+$0xB8D0] =	vst v17  }
0x1ba: {  	v33 =	vld [tilespmem:s16+$0xB9D0];
	[tilespmem:s16+$0xB910] =	vst v15  }
0x1bb: {  	[tilespmem:s16+$0xB960] =	vst v11;
	v11 =	vld [tilespmem:s16+$0xB9C0]  }
0x1bc: {  	v36 =	vld [tilespmem:s16+$0xBA00];
	v18 =	vmul.f32 v24, v8;
	[tilespmem:s16+$0xB920] =	vst v13  }
0x1bd: {  	v29 =	vld [tilespmem:s16+$0xB9A0];
	v9 =	vmul.f32 v25, v8;
	[tilespmem:s16+$0xB930] =	vst v14  }
0x1be: {  	v30 =	vld [tilespmem:s16+$0xB9B0];
	v8 =	vmul.f32 v27, v8;
	[tilespmem:s16+$0xB410] =	vst v18  }
0x1bf: {  	v37 =	vld [tilespmem:s16+$0xBA10];
	v41 =	vbroadcast v7, $0xC;
	v38 =	vmul.f32 v33, v31;
	[tilespmem:s16+$0xB440] =	vst v9  }
0x1c0: {  	v40 =	vld [tilespmem:s16+$0xBA40];
	[tilespmem:s16+$0xB450] =	vst v8;
	v11 =	vmul.f32 v11, v31  }
0x1c1: {  	v46 =	vld [tilespmem:s16+$0xBAA0];
	v21 =	vmul.f32 v36, v41;
	[tilespmem:s16+$0xB9D0] =	vst v38  }
0x1c2: {  	v13 =	vmul.f32 v29, v31;
	[tilespmem:s16+$0xB9C0] =	vst v11;
	v11 =	vld [tilespmem:s16+$0xBA60]  }
0x1c3: {  	v43 =	vld [tilespmem:s16+$0xBA70];
	v14 =	vmul.f32 v30, v31;
	[tilespmem:s16+$0xBA00] =	vst v21  }
0x1c4: {  	v49 =	vbroadcast v7, $0xD;
	v50 =	vld [tilespmem:s16+$0xBAE0];
	v15 =	vmul.f32 v37, v41;
	[tilespmem:s16+$0xB9A0] =	vst v13  }
0x1c5: {  	v8 =	vld [tilespmem:s16+$0xBA90];
	v18 =	vmul.f32 v40, v41;
	[tilespmem:s16+$0xB9B0] =	vst v14  }
0x1c6: {  	v53 =	vld [tilespmem:s16+$0xBB20];
	v17 =	vmul.f32 v46, v49;
	[tilespmem:s16+$0xBA10] =	vst v15  }
0x1c7: {  	v54 =	vld [tilespmem:s16+$0xBB30];
	[tilespmem:s16+$0xBA40] =	vst v18;
	v11 =	vmul.f32 v11, v41  }
0x1c8: {  	v42 =	vld [tilespmem:s16+$0xBA50];
	v21 =	vmul.f32 v43, v41;
	[tilespmem:s16+$0xBAA0] =	vst v17  }
0x1c9: {  	v7 =	vbroadcast v7, $0xE;
	v55 =	vmul.f32 v50, v49;
	[tilespmem:s16+$0xBA60] =	vst v11;
	v11 =	vld [tilespmem:s16+$0xBAD0]  }
0x1ca: {  	v44 =	vld [tilespmem:s16+$0xBA80];
	[tilespmem:s16+$0xBA70] =	vst v21;
	v8 =	vmul.f32 v8, v49  }
0x1cb: {  	v47 =	vld [tilespmem:s16+$0xBAB0];
	v16 =	vmul.f32 v53, v7;
	[tilespmem:s16+$0xBAE0] =	vst v55  }
0x1cc: {  	v12 =	vmul.f32 v54, v7;
	[tilespmem:s16+$0xBA90] =	vst v8;
	v8 =	vld [tilespmem:s16+$0xBB00]  }
0x1cd: {  	v52 =	vld [tilespmem:s16+$0xBB10];
	v14 =	vmul.f32 v42, v41;
	[tilespmem:s16+$0xBB20] =	vst v16  }
0x1ce: {  	v60 =	vld [tilespmem:s16+$0xBBA0];
	[tilespmem:s16+$0xBB30] =	vst v12;
	v11 =	vmul.f32 v11, v49  }
0x1cf: {  	v51 =	vld [tilespmem:s16+$0xBAF0];
	v15 =	vmul.f32 v44, v49;
	[tilespmem:s16+$0xBA50] =	vst v14  }
0x1d0: {  	v18 =	vmul.f32 v47, v49;
	[tilespmem:s16+$0xBAD0] =	vst v11;
	v11 =	vld [tilespmem:s16+$0xBB40]  }
0x1d1: {  	v48 =	vld [tilespmem:s16+$0xBAC0];
	[tilespmem:s16+$0xBA80] =	vst v15;
	v8 =	vmul.f32 v8, v7  }
0x1d2: {  	v58 =	vld [tilespmem:s16+$0xBB80];
	v17 =	vmul.f32 v52, v7;
	[tilespmem:s16+$0xBAB0] =	vst v18  }
0x1d3: {  	v12 =	vmul.f32 v60, v10;
	[tilespmem:s16+$0xBB00] =	vst v8;
	v8 =	vld [tilespmem:s16+$0xBB70]  }
0x1d4: {  	v57 =	vld [tilespmem:s16+$0xBB60];
	v15 =	vmul.f32 v51, v49;
	[tilespmem:s16+$0xBB10] =	vst v17  }
0x1d5: {  	v59 =	vld [tilespmem:s16+$0xBB90];
	[tilespmem:s16+$0xBBA0] =	vst v12;
	v11 =	vmul.f32 v11, v7  }
0x1d6: {  	v56 =	vld [tilespmem:s16+$0xBB50];
	v14 =	vmul.f32 v48, v49;
	[tilespmem:s16+$0xBAF0] =	vst v15  }
0x1d7: {  	v17 =	vmul.f32 v58, v10;
	[tilespmem:s16+$0xBB40] =	vst v11;
	v11 =	vld [tilespmem:s16+$0xBBB0]  }
0x1d8: {  	v39 =	vld [tilespmem:s16+$0xBA30];
	[tilespmem:s16+$0xBAC0] =	vst v14;
	v8 =	vmul.f32 v8, v7  }
0x1d9: {  	v61 =	vld [tilespmem:s16+$0xBBC0];
	v15 =	vmul.f32 v57, v7;
	[tilespmem:s16+$0xBB80] =	vst v17  }
0x1da: {  	v63 =	vld [tilespmem:s16+$0xBBF0];
	[tilespmem:s16+$0xBB70] =	vst v8;
	v8 =	vmul.f32 v59, v10  }
0x1db: {  	v62 =	vld [tilespmem:s16+$0xBBE0];
	[tilespmem:s16+$0xBB60] =	vst v15;
	v7 =	vmul.f32 v56, v7  }
0x1dc: {  	[tilespmem:s16+$0xBB90] =	vst v8;
	v8 =	vmul.f32 v11, v10  }
0x1dd: {  	v9 =	vld [tilespmem:s16+$0xBA20];
	[tilespmem:s16+$0xBB50] =	vst v7;
	v11 =	vmul.f32 v39, v41  }
0x1de: {  	[tilespmem:s16+$0xBBB0] =	vst v8;
	v8 =	vmul.f32 v61, v10  }
0x1df: {  	[tilespmem:s16+$0xBA30] =	vst v11;
	v11 =	vmul.f32 v63, v10  }
0x1e0: {  	v10 =	vmul.f32 v62, v10;
	[tilespmem:s16+$0xBBC0] =	vst v8  }
0x1e1: {  	[tilespmem:s16+$0xBBF0] =	vst v11  }
0x1e2: {  	s15 =	simm.s32 $0x1;
	v8 =	vmul.f32 v9, v41;
	[tilespmem:s16+$0xBBE0] =	vst v10  }
.LBB2_20:
0x1e3: {  	s0 =	sshll.u32 s15, $0x4  }
0x1e4: {  	p1 =	sne.s32 s15, $0x7;
	[tilespmem:s16+$0xBA20] =	vst v8;
	s1 =	smov.u32 s15;
	s15 =	sadd.s32 $0x1, s15  }
0x1e5: {  	s0 =	sand.u32 $0x3FFFFFF0, s0  }
0x1e6: {  	v7 =	vld [tilespmem:s0+$0x2200];
	s0 =	sshll.u32 s1, $0xB  }
0x1e7: {  	s16 =	sand.u32 $0x3FFFF800, s0  }
0x1e8: {  	v14 =	vld [tilespmem:s16+$0xB4C0]  }
0x1e9: {  	v15 =	vld [tilespmem:s16+$0xB4D0]  }
0x1ea: {  	v16 =	vld [tilespmem:s16+$0xB4B0]  }
0x1eb: {  	v8 =	vbroadcast v7, $0x0;
	v9 =	vld [tilespmem:s16+$0xB420];
	v13 =	vbroadcast v7, $0x4  }
0x1ec: {  	v11 =	vld [tilespmem:s16+$0xB430]  }
0x1ed: {  	v12 =	vld [tilespmem:s16+$0xB970]  }
0x1ee: {  	v17 =	vld [tilespmem:s16+$0xB460]  }
0x1ef: {  	v18 =	vld [tilespmem:s16+$0xB470]  }
0x1f0: {  	v10 =	vbroadcast v7, $0xA;
	v9 =	vmul.f32 v9, v8;
	v19 =	vld [tilespmem:s16+$0xB480]  }
0x1f1: {  	v11 =	vmul.f32 v11, v8;
	v20 =	vld [tilespmem:s16+$0xB490]  }
0x1f2: {  	[tilespmem:s16+$0xB420] =	vst v9;
	v21 =	vld [tilespmem:s16+$0xB4A0];
	v9 =	vmul.f32 v12, v10  }
0x1f3: {  	[tilespmem:s16+$0xB430] =	vst v11;
	v12 =	vmul.f32 v17, v8;
	v17 =	vbroadcast v7, $0x1;
	v11 =	vld [tilespmem:s16+$0xB980]  }
0x1f4: {  	v18 =	vmul.f32 v18, v8;
	[tilespmem:s16+$0xB970] =	vst v9;
	v9 =	vld [tilespmem:s16+$0xBBD0]  }
0x1f5: {  	[tilespmem:s16+$0xB460] =	vst v12;
	v19 =	vmul.f32 v19, v17;
	v12 =	vld [tilespmem:s16+$0xB990]  }
0x1f6: {  	[tilespmem:s16+$0xB470] =	vst v18;
	v18 =	vmul.f32 v20, v17;
	v20 =	vld [tilespmem:s16+$0xB4E0]  }
0x1f7: {  	[tilespmem:s16+$0xB480] =	vst v19;
	v19 =	vmul.f32 v21, v17;
	v21 =	vld [tilespmem:s16+$0xB4F0]  }
0x1f8: {  	v16 =	vmul.f32 v16, v17;
	[tilespmem:s16+$0xB490] =	vst v18;
	v18 =	vld [tilespmem:s16+$0xB500]  }
0x1f9: {  	v14 =	vmul.f32 v14, v17;
	[tilespmem:s16+$0xB4A0] =	vst v19;
	v19 =	vld [tilespmem:s16+$0xB510]  }
0x1fa: {  	v15 =	vmul.f32 v15, v17;
	[tilespmem:s16+$0xB4B0] =	vst v16;
	v16 =	vld [tilespmem:s16+$0xB520]  }
0x1fb: {  	[tilespmem:s16+$0xB4C0] =	vst v14;
	v14 =	vmul.f32 v20, v17;
	v20 =	vbroadcast v7, $0x2;
	v22 =	vld [tilespmem:s16+$0xB530]  }
0x1fc: {  	[tilespmem:s16+$0xB4D0] =	vst v15;
	v15 =	vmul.f32 v21, v17;
	v17 =	vld [tilespmem:s16+$0xB540]  }
0x1fd: {  	[tilespmem:s16+$0xB4E0] =	vst v14;
	v14 =	vmul.f32 v18, v20;
	v18 =	vld [tilespmem:s16+$0xB550]  }
0x1fe: {  	[tilespmem:s16+$0xB4F0] =	vst v15;
	v15 =	vmul.f32 v19, v20;
	v19 =	vld [tilespmem:s16+$0xB560]  }
0x1ff: {  	[tilespmem:s16+$0xB500] =	vst v14;
	v14 =	vmul.f32 v16, v20;
	v16 =	vld [tilespmem:s16+$0xB570]  }
0x200: {  	[tilespmem:s16+$0xB510] =	vst v15;
	v15 =	vmul.f32 v22, v20;
	v21 =	vld [tilespmem:s16+$0xB580]  }
0x201: {  	[tilespmem:s16+$0xB520] =	vst v14;
	v14 =	vmul.f32 v17, v20;
	v17 =	vld [tilespmem:s16+$0xB590]  }
0x202: {  	[tilespmem:s16+$0xB530] =	vst v15;
	v15 =	vmul.f32 v18, v20;
	v18 =	vld [tilespmem:s16+$0xB5A0]  }
0x203: {  	[tilespmem:s16+$0xB540] =	vst v14;
	v14 =	vmul.f32 v19, v20;
	v19 =	vbroadcast v7, $0x3;
	v22 =	vld [tilespmem:s16+$0xB5B0]  }
0x204: {  	[tilespmem:s16+$0xB550] =	vst v15;
	v15 =	vmul.f32 v16, v20;
	v16 =	vld [tilespmem:s16+$0xB5C0]  }
0x205: {  	[tilespmem:s16+$0xB560] =	vst v14;
	v14 =	vmul.f32 v21, v19;
	v20 =	vld [tilespmem:s16+$0xB5D0]  }
0x206: {  	[tilespmem:s16+$0xB570] =	vst v15;
	v15 =	vmul.f32 v17, v19;
	v17 =	vld [tilespmem:s16+$0xB5E0]  }
0x207: {  	[tilespmem:s16+$0xB580] =	vst v14;
	v14 =	vmul.f32 v18, v19;
	v18 =	vld [tilespmem:s16+$0xB5F0]  }
0x208: {  	[tilespmem:s16+$0xB590] =	vst v15;
	v15 =	vmul.f32 v22, v19;
	v21 =	vld [tilespmem:s16+$0xB600]  }
0x209: {  	[tilespmem:s16+$0xB5A0] =	vst v14;
	v14 =	vmul.f32 v16, v19;
	v16 =	vld [tilespmem:s16+$0xB610]  }
0x20a: {  	[tilespmem:s16+$0xB5B0] =	vst v15;
	v15 =	vmul.f32 v20, v19;
	v20 =	vld [tilespmem:s16+$0xB620]  }
0x20b: {  	[tilespmem:s16+$0xB5C0] =	vst v14;
	v14 =	vmul.f32 v17, v19;
	v17 =	vld [tilespmem:s16+$0xB630]  }
0x20c: {  	[tilespmem:s16+$0xB5D0] =	vst v15;
	v15 =	vmul.f32 v18, v19;
	v18 =	vld [tilespmem:s16+$0xB640]  }
0x20d: {  	[tilespmem:s16+$0xB5E0] =	vst v14;
	v14 =	vmul.f32 v21, v13;
	v19 =	vld [tilespmem:s16+$0xB650]  }
0x20e: {  	[tilespmem:s16+$0xB5F0] =	vst v15;
	v15 =	vmul.f32 v16, v13;
	v16 =	vld [tilespmem:s16+$0xB660]  }
0x20f: {  	[tilespmem:s16+$0xB600] =	vst v14;
	v14 =	vmul.f32 v20, v13;
	v20 =	vld [tilespmem:s16+$0xB670]  }
0x210: {  	[tilespmem:s16+$0xB610] =	vst v15;
	v15 =	vmul.f32 v17, v13;
	v17 =	vld [tilespmem:s16+$0xB680]  }
0x211: {  	[tilespmem:s16+$0xB620] =	vst v14;
	v14 =	vmul.f32 v18, v13;
	v18 =	vld [tilespmem:s16+$0xB690]  }
0x212: {  	[tilespmem:s16+$0xB630] =	vst v15;
	v15 =	vmul.f32 v19, v13;
	v19 =	vld [tilespmem:s16+$0xB6A0]  }
0x213: {  	[tilespmem:s16+$0xB640] =	vst v14;
	v14 =	vmul.f32 v16, v13;
	v16 =	vbroadcast v7, $0x5;
	v21 =	vld [tilespmem:s16+$0xB6B0]  }
0x214: {  	[tilespmem:s16+$0xB650] =	vst v15;
	v13 =	vmul.f32 v20, v13;
	v15 =	vld [tilespmem:s16+$0xB6C0]  }
0x215: {  	[tilespmem:s16+$0xB660] =	vst v14;
	v14 =	vmul.f32 v17, v16;
	v17 =	vld [tilespmem:s16+$0xB6D0]  }
0x216: {  	[tilespmem:s16+$0xB670] =	vst v13;
	v13 =	vmul.f32 v18, v16;
	v18 =	vld [tilespmem:s16+$0xB6E0]  }
0x217: {  	[tilespmem:s16+$0xB680] =	vst v14;
	v14 =	vmul.f32 v19, v16;
	v19 =	vld [tilespmem:s16+$0xB6F0]  }
0x218: {  	[tilespmem:s16+$0xB690] =	vst v13;
	v13 =	vmul.f32 v21, v16;
	v20 =	vld [tilespmem:s16+$0xB700]  }
0x219: {  	[tilespmem:s16+$0xB6A0] =	vst v14;
	v14 =	vmul.f32 v15, v16;
	v15 =	vld [tilespmem:s16+$0xB710]  }
0x21a: {  	[tilespmem:s16+$0xB6B0] =	vst v13;
	v13 =	vmul.f32 v17, v16;
	v17 =	vld [tilespmem:s16+$0xB720]  }
0x21b: {  	[tilespmem:s16+$0xB6C0] =	vst v14;
	v14 =	vmul.f32 v18, v16;
	v18 =	vbroadcast v7, $0x6;
	v21 =	vld [tilespmem:s16+$0xB730]  }
0x21c: {  	[tilespmem:s16+$0xB6D0] =	vst v13;
	v13 =	vmul.f32 v19, v16;
	v16 =	vld [tilespmem:s16+$0xB740]  }
0x21d: {  	[tilespmem:s16+$0xB6E0] =	vst v14;
	v14 =	vmul.f32 v20, v18;
	v19 =	vld [tilespmem:s16+$0xB750]  }
0x21e: {  	[tilespmem:s16+$0xB6F0] =	vst v13;
	v13 =	vmul.f32 v15, v18;
	v15 =	vld [tilespmem:s16+$0xB760]  }
0x21f: {  	[tilespmem:s16+$0xB700] =	vst v14;
	v14 =	vmul.f32 v17, v18;
	v17 =	vld [tilespmem:s16+$0xB770]  }
0x220: {  	[tilespmem:s16+$0xB710] =	vst v13;
	v13 =	vmul.f32 v21, v18;
	v20 =	vld [tilespmem:s16+$0xB780]  }
0x221: {  	[tilespmem:s16+$0xB720] =	vst v14;
	v14 =	vmul.f32 v16, v18;
	v16 =	vld [tilespmem:s16+$0xB790]  }
0x222: {  	[tilespmem:s16+$0xB730] =	vst v13;
	v13 =	vmul.f32 v19, v18;
	v19 =	vld [tilespmem:s16+$0xB7A0]  }
0x223: {  	[tilespmem:s16+$0xB740] =	vst v14;
	v14 =	vmul.f32 v15, v18;
	v15 =	vbroadcast v7, $0x7;
	v21 =	vld [tilespmem:s16+$0xB7B0]  }
0x224: {  	[tilespmem:s16+$0xB750] =	vst v13;
	v13 =	vmul.f32 v17, v18;
	v17 =	vld [tilespmem:s16+$0xB7C0]  }
0x225: {  	[tilespmem:s16+$0xB760] =	vst v14;
	v14 =	vmul.f32 v20, v15;
	v18 =	vld [tilespmem:s16+$0xB7D0]  }
0x226: {  	[tilespmem:s16+$0xB770] =	vst v13;
	v13 =	vmul.f32 v16, v15;
	v16 =	vld [tilespmem:s16+$0xB7E0]  }
0x227: {  	[tilespmem:s16+$0xB780] =	vst v14;
	v14 =	vmul.f32 v19, v15;
	v19 =	vld [tilespmem:s16+$0xB7F0]  }
0x228: {  	[tilespmem:s16+$0xB790] =	vst v13;
	v13 =	vmul.f32 v21, v15;
	v20 =	vld [tilespmem:s16+$0xB800]  }
0x229: {  	[tilespmem:s16+$0xB7A0] =	vst v14;
	v14 =	vmul.f32 v17, v15;
	v17 =	vld [tilespmem:s16+$0xB810]  }
0x22a: {  	[tilespmem:s16+$0xB7B0] =	vst v13;
	v13 =	vmul.f32 v18, v15;
	v18 =	vld [tilespmem:s16+$0xB820]  }
0x22b: {  	[tilespmem:s16+$0xB7C0] =	vst v14;
	v14 =	vmul.f32 v16, v15;
	v16 =	vbroadcast v7, $0x8;
	v21 =	vld [tilespmem:s16+$0xB830]  }
0x22c: {  	[tilespmem:s16+$0xB7D0] =	vst v13;
	v13 =	vmul.f32 v19, v15;
	v15 =	vld [tilespmem:s16+$0xB840]  }
0x22d: {  	[tilespmem:s16+$0xB7E0] =	vst v14;
	v14 =	vmul.f32 v20, v16;
	v19 =	vld [tilespmem:s16+$0xB850]  }
0x22e: {  	[tilespmem:s16+$0xB7F0] =	vst v13;
	v13 =	vmul.f32 v17, v16;
	v17 =	vld [tilespmem:s16+$0xB860]  }
0x22f: {  	[tilespmem:s16+$0xB800] =	vst v14;
	v14 =	vmul.f32 v18, v16;
	v18 =	vld [tilespmem:s16+$0xB870]  }
0x230: {  	[tilespmem:s16+$0xB810] =	vst v13;
	v13 =	vmul.f32 v21, v16;
	v20 =	vld [tilespmem:s16+$0xB880]  }
0x231: {  	[tilespmem:s16+$0xB820] =	vst v14;
	v14 =	vmul.f32 v15, v16;
	v15 =	vld [tilespmem:s16+$0xB890]  }
0x232: {  	[tilespmem:s16+$0xB830] =	vst v13;
	v13 =	vmul.f32 v19, v16;
	v19 =	vld [tilespmem:s16+$0xB8A0]  }
0x233: {  	[tilespmem:s16+$0xB840] =	vst v14;
	v14 =	vmul.f32 v17, v16;
	v17 =	vbroadcast v7, $0x9;
	v21 =	vld [tilespmem:s16+$0xB8B0]  }
0x234: {  	[tilespmem:s16+$0xB850] =	vst v13;
	v13 =	vmul.f32 v18, v16;
	v16 =	vld [tilespmem:s16+$0xB8C0]  }
0x235: {  	[tilespmem:s16+$0xB860] =	vst v14;
	v14 =	vmul.f32 v20, v17;
	v18 =	vld [tilespmem:s16+$0xB8D0]  }
0x236: {  	[tilespmem:s16+$0xB870] =	vst v13;
	v13 =	vmul.f32 v15, v17;
	v15 =	vld [tilespmem:s16+$0xB8E0]  }
0x237: {  	[tilespmem:s16+$0xB880] =	vst v14;
	v14 =	vmul.f32 v19, v17;
	v19 =	vld [tilespmem:s16+$0xB8F0]  }
0x238: {  	[tilespmem:s16+$0xB890] =	vst v13;
	v13 =	vmul.f32 v21, v17;
	v20 =	vld [tilespmem:s16+$0xB900]  }
0x239: {  	[tilespmem:s16+$0xB8A0] =	vst v14;
	v14 =	vmul.f32 v16, v17;
	v16 =	vld [tilespmem:s16+$0xB910]  }
0x23a: {  	[tilespmem:s16+$0xB8B0] =	vst v13;
	v13 =	vmul.f32 v18, v17;
	v18 =	vld [tilespmem:s16+$0xB920]  }
0x23b: {  	[tilespmem:s16+$0xB8C0] =	vst v14;
	v14 =	vmul.f32 v15, v17;
	v15 =	vld [tilespmem:s16+$0xB930]  }
0x23c: {  	[tilespmem:s16+$0xB8D0] =	vst v13;
	v13 =	vmul.f32 v19, v17;
	v17 =	vld [tilespmem:s16+$0xB940]  }
0x23d: {  	[tilespmem:s16+$0xB8E0] =	vst v14;
	v14 =	vmul.f32 v20, v10;
	v19 =	vld [tilespmem:s16+$0xB950]  }
0x23e: {  	[tilespmem:s16+$0xB8F0] =	vst v13;
	v13 =	vmul.f32 v16, v10;
	v16 =	vld [tilespmem:s16+$0xB960]  }
0x23f: {  	v20 =	vld [tilespmem:s16+$0xB400];
	[tilespmem:s16+$0xB900] =	vst v14;
	v14 =	vmul.f32 v18, v10  }
0x240: {  	v18 =	vld [tilespmem:s16+$0xB410];
	[tilespmem:s16+$0xB910] =	vst v13;
	v13 =	vmul.f32 v15, v10  }
0x241: {  	v15 =	vld [tilespmem:s16+$0xB440];
	[tilespmem:s16+$0xB920] =	vst v14;
	v14 =	vmul.f32 v17, v10  }
0x242: {  	v17 =	vld [tilespmem:s16+$0xB450];
	[tilespmem:s16+$0xB930] =	vst v13;
	v13 =	vmul.f32 v19, v10  }
0x243: {  	[tilespmem:s16+$0xB940] =	vst v14;
	v14 =	vmul.f32 v16, v10;
	v16 =	vbroadcast v7, $0xB;
	v19 =	vld [tilespmem:s16+$0xB9A0]  }
0x244: {  	v10 =	vbroadcast v7, $0xF;
	v20 =	vmul.f32 v8, v20;
	[tilespmem:s16+$0xB950] =	vst v13;
	v13 =	vld [tilespmem:s16+$0xB9B0]  }
0x245: {  	v18 =	vmul.f32 v18, v8;
	[tilespmem:s16+$0xB960] =	vst v14;
	v11 =	vmul.f32 v11, v16;
	v14 =	vld [tilespmem:s16+$0xB9C0]  }
0x246: {  	v12 =	vmul.f32 v12, v16;
	[tilespmem:s16+$0xB400] =	vst v20;
	v15 =	vmul.f32 v15, v8;
	v20 =	vld [tilespmem:s16+$0xB9D0]  }
0x247: {  	v9 =	vmul.f32 v9, v10;
	v17 =	vmul.f32 v17, v8;
	[tilespmem:s16+$0xB980] =	vst v11;
	v8 =	vld [tilespmem:s16+$0xB9E0]  }
0x248: {  	[tilespmem:s16+$0xB990] =	vst v12;
	v11 =	vmul.f32 v19, v16;
	v12 =	vld [tilespmem:s16+$0xB9F0]  }
0x249: {  	v13 =	vmul.f32 v13, v16;
	v19 =	vld [tilespmem:s16+$0xBA00];
	[tilespmem:s16+$0xBBD0] =	vst v9  }
0x24a: {  	[tilespmem:s16+$0xB410] =	vst v18;
	v9 =	vmul.f32 v14, v16;
	v14 =	vld [tilespmem:s16+$0xBA10]  }
0x24b: {  	[tilespmem:s16+$0xB440] =	vst v15;
	v15 =	vmul.f32 v20, v16;
	v18 =	vld [tilespmem:s16+$0xBA20]  }
0x24c: {  	v20 =	vbroadcast v7, $0xC;
	[tilespmem:s16+$0xB9A0] =	vst v11;
	v11 =	vmul.f32 v8, v16;
	v21 =	vld [tilespmem:s16+$0xBA30]  }
0x24d: {  	[tilespmem:s16+$0xB9D0] =	vst v15;
	v12 =	vmul.f32 v12, v16;
	v15 =	vld [tilespmem:s16+$0xBA40]  }
0x24e: {  	[tilespmem:s16+$0xB9B0] =	vst v13;
	v8 =	vmul.f32 v19, v20;
	v13 =	vld [tilespmem:s16+$0xBA50]  }
0x24f: {  	[tilespmem:s16+$0xB9C0] =	vst v9;
	v9 =	vmul.f32 v14, v20;
	v14 =	vld [tilespmem:s16+$0xBA60]  }
0x250: {  	[tilespmem:s16+$0xBA00] =	vst v8;
	v8 =	vmul.f32 v18, v20;
	v16 =	vld [tilespmem:s16+$0xBA70]  }
0x251: {  	[tilespmem:s16+$0xBA10] =	vst v9;
	v9 =	vld [tilespmem:s16+$0xBA80]  }
0x252: {  	[tilespmem:s16+$0xB450] =	vst v17;
	v15 =	vmul.f32 v15, v20;
	v17 =	vld [tilespmem:s16+$0xBA90]  }
0x253: {  	[tilespmem:s16+$0xB9E0] =	vst v11;
	v11 =	vmul.f32 v13, v20;
	v13 =	vld [tilespmem:s16+$0xBAA0]  }
0x254: {  	[tilespmem:s16+$0xBA40] =	vst v15;
	v14 =	vmul.f32 v14, v20;
	v15 =	vbroadcast v7, $0xD;
	v18 =	vld [tilespmem:s16+$0xBAB0]  }
0x255: {  	[tilespmem:s16+$0xBA50] =	vst v11;
	v11 =	vmul.f32 v16, v20;
	v16 =	vld [tilespmem:s16+$0xBAC0]  }
0x256: {  	[tilespmem:s16+$0xBA60] =	vst v14;
	v9 =	vmul.f32 v9, v15;
	v14 =	vld [tilespmem:s16+$0xBAD0]  }
0x257: {  	[tilespmem:s16+$0xBA70] =	vst v11;
	v11 =	vmul.f32 v17, v15;
	v17 =	vld [tilespmem:s16+$0xBAE0]  }
0x258: {  	[tilespmem:s16+$0xBA80] =	vst v9;
	v9 =	vmul.f32 v13, v15;
	v13 =	vld [tilespmem:s16+$0xBAF0]  }
0x259: {  	[tilespmem:s16+$0xBA90] =	vst v11;
	v11 =	vmul.f32 v18, v15;
	v18 =	vld [tilespmem:s16+$0xBB00]  }
0x25a: {  	[tilespmem:s16+$0xBAA0] =	vst v9;
	v9 =	vmul.f32 v16, v15;
	v16 =	vld [tilespmem:s16+$0xBB10]  }
0x25b: {  	[tilespmem:s16+$0xBAB0] =	vst v11;
	v11 =	vmul.f32 v14, v15;
	v14 =	vld [tilespmem:s16+$0xBB20]  }
0x25c: {  	v7 =	vbroadcast v7, $0xE;
	[tilespmem:s16+$0xB9F0] =	vst v12;
	v12 =	vmul.f32 v17, v15;
	v17 =	vld [tilespmem:s16+$0xBB30]  }
0x25d: {  	[tilespmem:s16+$0xBAD0] =	vst v11;
	v11 =	vmul.f32 v13, v15;
	v13 =	vld [tilespmem:s16+$0xBB40]  }
0x25e: {  	[tilespmem:s16+$0xBAE0] =	vst v12;
	v12 =	vmul.f32 v18, v7;
	v15 =	vld [tilespmem:s16+$0xBB50]  }
0x25f: {  	[tilespmem:s16+$0xBAF0] =	vst v11;
	v11 =	vmul.f32 v16, v7;
	v16 =	vld [tilespmem:s16+$0xBB60]  }
0x260: {  	[tilespmem:s16+$0xBB00] =	vst v12;
	v12 =	vmul.f32 v14, v7;
	v14 =	vld [tilespmem:s16+$0xBB70]  }
0x261: {  	[tilespmem:s16+$0xBB10] =	vst v11;
	v11 =	vmul.f32 v17, v7;
	v17 =	vld [tilespmem:s16+$0xBB80]  }
0x262: {  	[tilespmem:s16+$0xBB20] =	vst v12;
	v12 =	vmul.f32 v13, v7;
	v13 =	vld [tilespmem:s16+$0xBB90]  }
0x263: {  	[tilespmem:s16+$0xBB30] =	vst v11;
	v11 =	vmul.f32 v15, v7;
	v15 =	vld [tilespmem:s16+$0xBBA0]  }
0x264: {  	[tilespmem:s16+$0xBB40] =	vst v12;
	v12 =	vmul.f32 v16, v7;
	v16 =	vld [tilespmem:s16+$0xBBB0]  }
0x265: {  	[tilespmem:s16+$0xBAC0] =	vst v9;
	v7 =	vmul.f32 v14, v7;
	v9 =	vld [tilespmem:s16+$0xBBC0]  }
0x266: {  	[tilespmem:s16+$0xBB60] =	vst v12;
	v12 =	vmul.f32 v17, v10;
	v14 =	vld [tilespmem:s16+$0xBBE0]  }
0x267: {  	[tilespmem:s16+$0xBB70] =	vst v7;
	v7 =	vmul.f32 v13, v10;
	v13 =	vld [tilespmem:s16+$0xBBF0]  }
0x268: {  	[tilespmem:s16+$0xBB80] =	vst v12;
	v12 =	vmul.f32 v15, v10  }
0x269: {  	[tilespmem:s16+$0xBB90] =	vst v7;
	v7 =	vmul.f32 v16, v10  }
0x26a: {  	v15 =	vmul.f32 v21, v20;
	[tilespmem:s16+$0xBBA0] =	vst v12  }
0x26b: {  	[tilespmem:s16+$0xBBB0] =	vst v7;
	v7 =	vmul.f32 v9, v10  }
.Ltmp10:
0x26c: {  	[tilespmem:s16+$0xBA30] =	vst v15;
	v9 =	vmul.f32 v13, v10;
	(pc) =	sbr.rel @p1 .LBB2_20-.Ltmp10, $4  }
0x26d: {  	[tilespmem:s16+$0xBBC0] =	vst v7  }
0x26e: {  	v7 =	vmul.f32 v14, v10;
	[tilespmem:s16+$0xBBF0] =	vst v9  }
0x26f: {  	[tilespmem:s16+$0xBB50] =	vst v11  }
0x270: {  	[tilespmem:s16+$0xBBE0] =	vst v7  }
0x271: {  	s0 =	sshll.u32 s8, $0xA  }
0x272: {  	s0 =	sor.u32 s0, s25  }
0x273: {  	s15 =	sshrl.u32 s0, $0x3  }
0x274: {  	[tilespmem:s16+$0xBA20] =	vst v8;
	s1 =	simm.s32 $0x400;
	s12 =	simm.s32 $0x6;
	s0 =	sadd.s32 s17, s15  }
0x275: {  	[hbm4b:s0+s1] =	stream.strided.scatter [tilespmem:s31], [sflag:$0x7], $0x4000, s28, s1, $0x38;
	[tilespmem:$0x1D800] =	vst v63  }
0x276: {  	_ =	swait.ge [sflag:s12], $0x4000  }
0x277: {  	p1 =	seq.s32 s8, $0x7;
	[sflag:s12] =	ssyncset.done $0x0  }
0x278: {  	s0 =	simm.s32 @!p1 $0x13400;
	[sflag:s12] =	ssyncadd.s32 $0xFFFFC000  }
0x279: {  	[spmem:s20] =	stream.linear.scatter @!p1 [tilespmem:s0], [sflag:$0x3], $0x2000, $0x38;
	[tilespmem:$0x1D800] =	vst v63  }
0x27a: {  	_ = 	snop  }
0x27b: {  	[spmem:s22] =	stream.linear.scatter @!p1 [tilespmem:s0], [sflag:$0x3], $0x2000, $0x38;
	[tilespmem:$0x1D800] =	vst v63  }
0x27c: {  	_ = 	snop  }
0x27d: {  	[spmem:s23] =	stream.linear.scatter @!p1 [tilespmem:s0], [sflag:$0x4], $0x2000, $0x38;
	[tilespmem:$0x1D800] =	vst v63  }
0x27e: {  	p2 =	slt.s32 @!p1 s21, $0x1  }
0x27f: {  	[spmem:s24] =	stream.linear.scatter @!p1 [tilespmem:s0], [sflag:$0x4], $0x2000, $0x38;
	[tilespmem:$0x1D800] =	vst v63  }
0x280: {  	s8 =	sadd.s32 $0x1, s8;
	p1 =	por p2, p1  }
0x281: {  	s0 =	sshll.u32 @!p1 s8, $0xA  }
0x282: {  	s0 =	sadd.s32 @!p1 s5, s0  }
0x283: {  	s13 =	simm.s32 $0x0;
	s1 =	simm.s32 @!p1 $0x400;
	s0 =	sshrl.u32 @!p1 s0, $0x3  }
0x284: {  	s2 =	simm.s32 @!p1 $0x2000;
	s4 =	simm.s32 @!p1 $0x3400;
	s0 =	sadd.s32 @!p1 s14, s0  }
0x285: {  	[tilespmem:s4], [sflag:$0x1] =	stream.strided.gather @!p1 [hbm4b:s0+s1], $0x4000, s2, s1, $0x38;
	[tilespmem:$0x1D800] =	vst v63  }
0x286: {  	s16 =	simm.s32 $0x0;
	s0 =	sand.u32 $0x3FFFFFF0, s13  }
0x287: {  	s16 =	sand.u32 $0x3FFFF800, s16;
	v7 =	vld [tilespmem:s0+$0x2280]  }
0x288: {  	v13 =	vld [tilespmem:s16+$0xF4C0]  }
0x289: {  	v14 =	vld [tilespmem:s16+$0xF4D0]  }
0x28a: {  	v9 =	vld [tilespmem:s16+$0xF420]  }
0x28b: {  	v10 =	vld [tilespmem:s16+$0xF430]  }
0x28c: {  	v16 =	vld [tilespmem:s16+$0xF460]  }
0x28d: {  	v17 =	vld [tilespmem:s16+$0xF470];
	v8 =	vbroadcast v7, $0x0  }
0x28e: {  	v18 =	vld [tilespmem:s16+$0xF480]  }
0x28f: {  	v19 =	vld [tilespmem:s16+$0xF490];
	v9 =	vmul.f32 v9, v8  }
0x290: {  	v20 =	vld [tilespmem:s16+$0xF4A0];
	v10 =	vmul.f32 v10, v8  }
0x291: {  	v15 =	vld [tilespmem:s16+$0xF4B0];
	v59 =	vbroadcast v7, $0x1;
	v58 =	vmul.f32 v16, v8;
	[tilespmem:s16+$0xF420] =	vst v9  }
0x292: {  	v12 =	vld [tilespmem:s16+$0xF970];
	v17 =	vmul.f32 v17, v8;
	[tilespmem:s16+$0xF430] =	vst v10  }
0x293: {  	v60 =	vld [tilespmem:s16+$0xF4E0];
	v18 =	vmul.f32 v18, v59;
	[tilespmem:s16+$0xF460] =	vst v58  }
0x294: {  	v61 =	vld [tilespmem:s16+$0xF4F0];
	v19 =	vmul.f32 v19, v59;
	[tilespmem:s16+$0xF470] =	vst v17  }
0x295: {  	v62 =	vld [tilespmem:s16+$0xF500];
	v20 =	vmul.f32 v20, v59;
	[tilespmem:s16+$0xF480] =	vst v18  }
0x296: {  	v63 =	vld [tilespmem:s16+$0xF510];
	v15 =	vmul.f32 v15, v59;
	[tilespmem:s16+$0xF490] =	vst v19  }
0x297: {  	v24 =	vld [tilespmem:s16+$0xF520];
	v13 =	vmul.f32 v13, v59;
	[tilespmem:s16+$0xF4A0] =	vst v20  }
0x298: {  	v25 =	vld [tilespmem:s16+$0xF530];
	v21 =	vbroadcast v7, $0x2;
	v14 =	vmul.f32 v14, v59;
	[tilespmem:s16+$0xF4B0] =	vst v15  }
0x299: {  	v26 =	vld [tilespmem:s16+$0xF540];
	v16 =	vmul.f32 v61, v59;
	[tilespmem:s16+$0xF4C0] =	vst v13  }
0x29a: {  	v27 =	vld [tilespmem:s16+$0xF550];
	v11 =	vbroadcast v7, $0xA;
	v28 =	vmul.f32 v62, v21;
	[tilespmem:s16+$0xF4D0] =	vst v14  }
0x29b: {  	v29 =	vld [tilespmem:s16+$0xF560];
	v30 =	vmul.f32 v63, v21;
	[tilespmem:s16+$0xF4F0] =	vst v16  }
0x29c: {  	v31 =	vld [tilespmem:s16+$0xF570];
	v9 =	vmul.f32 v12, v11;
	[tilespmem:s16+$0xF500] =	vst v28  }
0x29d: {  	v32 =	vld [tilespmem:s16+$0xF580];
	v17 =	vmul.f32 v60, v59;
	[tilespmem:s16+$0xF510] =	vst v30  }
0x29e: {  	v33 =	vld [tilespmem:s16+$0xF590];
	v15 =	vmul.f32 v24, v21;
	[tilespmem:s16+$0xF970] =	vst v9  }
0x29f: {  	v34 =	vld [tilespmem:s16+$0xF5A0];
	v13 =	vmul.f32 v25, v21;
	[tilespmem:s16+$0xF4E0] =	vst v17  }
0x2a0: {  	v35 =	vld [tilespmem:s16+$0xF5B0];
	v14 =	vmul.f32 v26, v21;
	[tilespmem:s16+$0xF520] =	vst v15  }
0x2a1: {  	v36 =	vld [tilespmem:s16+$0xF5C0];
	v37 =	vbroadcast v7, $0x3;
	v16 =	vmul.f32 v29, v21;
	[tilespmem:s16+$0xF530] =	vst v13  }
0x2a2: {  	v38 =	vld [tilespmem:s16+$0xF5D0];
	v18 =	vmul.f32 v31, v21;
	[tilespmem:s16+$0xF540] =	vst v14  }
0x2a3: {  	v39 =	vld [tilespmem:s16+$0xF5E0];
	v19 =	vmul.f32 v32, v37;
	[tilespmem:s16+$0xF560] =	vst v16  }
0x2a4: {  	v40 =	vld [tilespmem:s16+$0xF5F0];
	v17 =	vmul.f32 v27, v21;
	[tilespmem:s16+$0xF570] =	vst v18  }
0x2a5: {  	v41 =	vld [tilespmem:s16+$0xF600];
	v15 =	vmul.f32 v33, v37;
	[tilespmem:s16+$0xF580] =	vst v19  }
0x2a6: {  	v42 =	vld [tilespmem:s16+$0xF610];
	v13 =	vmul.f32 v34, v37;
	[tilespmem:s16+$0xF550] =	vst v17  }
0x2a7: {  	v43 =	vld [tilespmem:s16+$0xF620];
	v14 =	vmul.f32 v35, v37;
	[tilespmem:s16+$0xF590] =	vst v15  }
0x2a8: {  	v44 =	vld [tilespmem:s16+$0xF630];
	v16 =	vmul.f32 v38, v37;
	[tilespmem:s16+$0xF5A0] =	vst v13  }
0x2a9: {  	v45 =	vld [tilespmem:s16+$0xF640];
	v18 =	vmul.f32 v39, v37;
	[tilespmem:s16+$0xF5B0] =	vst v14  }
0x2aa: {  	v47 =	vld [tilespmem:s16+$0xF650];
	v46 =	vbroadcast v7, $0x4;
	v19 =	vmul.f32 v40, v37;
	[tilespmem:s16+$0xF5D0] =	vst v16  }
0x2ab: {  	v48 =	vld [tilespmem:s16+$0xF660];
	v17 =	vmul.f32 v36, v37;
	[tilespmem:s16+$0xF5E0] =	vst v18  }
0x2ac: {  	v49 =	vld [tilespmem:s16+$0xF670];
	v15 =	vmul.f32 v41, v46;
	[tilespmem:s16+$0xF5F0] =	vst v19  }
0x2ad: {  	v50 =	vld [tilespmem:s16+$0xF680];
	v13 =	vmul.f32 v42, v46;
	[tilespmem:s16+$0xF5C0] =	vst v17  }
0x2ae: {  	v51 =	vld [tilespmem:s16+$0xF690];
	v14 =	vmul.f32 v43, v46;
	[tilespmem:s16+$0xF600] =	vst v15  }
0x2af: {  	v52 =	vld [tilespmem:s16+$0xF6A0];
	v16 =	vmul.f32 v45, v46;
	[tilespmem:s16+$0xF610] =	vst v13  }
0x2b0: {  	v53 =	vld [tilespmem:s16+$0xF6B0];
	v18 =	vmul.f32 v47, v46;
	[tilespmem:s16+$0xF620] =	vst v14  }
0x2b1: {  	v54 =	vld [tilespmem:s16+$0xF6C0];
	v19 =	vmul.f32 v48, v46;
	[tilespmem:s16+$0xF640] =	vst v16  }
0x2b2: {  	v56 =	vld [tilespmem:s16+$0xF6D0];
	v55 =	vbroadcast v7, $0x5;
	v17 =	vmul.f32 v44, v46;
	[tilespmem:s16+$0xF650] =	vst v18  }
0x2b3: {  	v57 =	vld [tilespmem:s16+$0xF6E0];
	v15 =	vmul.f32 v49, v46;
	[tilespmem:s16+$0xF660] =	vst v19  }
0x2b4: {  	v61 =	vld [tilespmem:s16+$0xF720];
	v13 =	vmul.f32 v50, v55;
	[tilespmem:s16+$0xF630] =	vst v17  }
0x2b5: {  	v62 =	vld [tilespmem:s16+$0xF730];
	v14 =	vmul.f32 v51, v55;
	[tilespmem:s16+$0xF670] =	vst v15  }
0x2b6: {  	v58 =	vld [tilespmem:s16+$0xF6F0];
	v16 =	vmul.f32 v53, v55;
	[tilespmem:s16+$0xF680] =	vst v13  }
0x2b7: {  	v59 =	vld [tilespmem:s16+$0xF700];
	v18 =	vmul.f32 v54, v55;
	[tilespmem:s16+$0xF690] =	vst v14  }
0x2b8: {  	v63 =	vld [tilespmem:s16+$0xF740];
	v19 =	vmul.f32 v56, v55;
	[tilespmem:s16+$0xF6B0] =	vst v16  }
0x2b9: {  	v10 =	vld [tilespmem:s16+$0xF980];
	v17 =	vmul.f32 v52, v55;
	[tilespmem:s16+$0xF6C0] =	vst v18  }
0x2ba: {  	v12 =	vld [tilespmem:s16+$0xF990];
	v24 =	vbroadcast v7, $0x6;
	v15 =	vmul.f32 v57, v55;
	[tilespmem:s16+$0xF6D0] =	vst v19  }
0x2bb: {  	v60 =	vld [tilespmem:s16+$0xF710];
	v13 =	vmul.f32 v58, v55;
	[tilespmem:s16+$0xF6A0] =	vst v17  }
0x2bc: {  	v25 =	vld [tilespmem:s16+$0xF750];
	v14 =	vmul.f32 v59, v24;
	[tilespmem:s16+$0xF6E0] =	vst v15  }
0x2bd: {  	v26 =	vld [tilespmem:s16+$0xF760];
	v16 =	vmul.f32 v61, v24;
	[tilespmem:s16+$0xF6F0] =	vst v13  }
0x2be: {  	v27 =	vld [tilespmem:s16+$0xF770];
	v18 =	vmul.f32 v62, v24;
	[tilespmem:s16+$0xF700] =	vst v14  }
0x2bf: {  	v29 =	vld [tilespmem:s16+$0xF790];
	v19 =	vmul.f32 v63, v24;
	[tilespmem:s16+$0xF720] =	vst v16  }
0x2c0: {  	v30 =	vld [tilespmem:s16+$0xF7A0];
	v17 =	vmul.f32 v60, v24;
	[tilespmem:s16+$0xF730] =	vst v18  }
0x2c1: {  	v31 =	vld [tilespmem:s16+$0xF7B0];
	v15 =	vmul.f32 v25, v24;
	[tilespmem:s16+$0xF740] =	vst v19  }
0x2c2: {  	v28 =	vld [tilespmem:s16+$0xF780];
	v33 =	vbroadcast v7, $0x7;
	v13 =	vmul.f32 v26, v24;
	[tilespmem:s16+$0xF710] =	vst v17  }
0x2c3: {  	v32 =	vld [tilespmem:s16+$0xF7C0];
	v14 =	vmul.f32 v27, v24;
	[tilespmem:s16+$0xF750] =	vst v15  }
0x2c4: {  	v34 =	vld [tilespmem:s16+$0xF7D0];
	v16 =	vmul.f32 v29, v33;
	[tilespmem:s16+$0xF760] =	vst v13  }
0x2c5: {  	v35 =	vld [tilespmem:s16+$0xF7E0];
	v18 =	vmul.f32 v30, v33;
	[tilespmem:s16+$0xF770] =	vst v14  }
0x2c6: {  	v37 =	vld [tilespmem:s16+$0xF800];
	v19 =	vmul.f32 v31, v33;
	[tilespmem:s16+$0xF790] =	vst v16  }
0x2c7: {  	v38 =	vld [tilespmem:s16+$0xF810];
	v17 =	vmul.f32 v28, v33;
	[tilespmem:s16+$0xF7A0] =	vst v18  }
0x2c8: {  	v39 =	vld [tilespmem:s16+$0xF820];
	v15 =	vmul.f32 v32, v33;
	[tilespmem:s16+$0xF7B0] =	vst v19  }
0x2c9: {  	v9 =	vld [tilespmem:s16+$0xFBD0];
	v42 =	vbroadcast v7, $0x8;
	v13 =	vmul.f32 v34, v33;
	[tilespmem:s16+$0xF780] =	vst v17  }
0x2ca: {  	v40 =	vld [tilespmem:s16+$0xF830];
	v14 =	vmul.f32 v35, v33;
	[tilespmem:s16+$0xF7C0] =	vst v15  }
0x2cb: {  	v55 =	vld [tilespmem:s16+$0xF900];
	v16 =	vmul.f32 v37, v42;
	[tilespmem:s16+$0xF7D0] =	vst v13  }
0x2cc: {  	v59 =	vld [tilespmem:s16+$0xF940];
	v31 =	vbroadcast v7, $0xB;
	v18 =	vmul.f32 v38, v42;
	[tilespmem:s16+$0xF7E0] =	vst v14  }
0x2cd: {  	v63 =	vld [tilespmem:s16+$0xF400];
	v19 =	vmul.f32 v39, v42;
	[tilespmem:s16+$0xF800] =	vst v16  }
0x2ce: {  	v36 =	vld [tilespmem:s16+$0xF7F0];
	v10 =	vmul.f32 v10, v31;
	[tilespmem:s16+$0xF810] =	vst v18  }
0x2cf: {  	v41 =	vld [tilespmem:s16+$0xF840];
	v12 =	vmul.f32 v12, v31;
	[tilespmem:s16+$0xF820] =	vst v19  }
0x2d0: {  	v43 =	vld [tilespmem:s16+$0xF850];
	v61 =	vmul.f32 v55, v11;
	[tilespmem:s16+$0xF980] =	vst v10  }
0x2d1: {  	v45 =	vld [tilespmem:s16+$0xF870];
	v26 =	vmul.f32 v59, v11;
	[tilespmem:s16+$0xF990] =	vst v12  }
0x2d2: {  	v47 =	vld [tilespmem:s16+$0xF890];
	v32 =	vmul.f32 v8, v63;
	[tilespmem:s16+$0xF900] =	vst v61  }
0x2d3: {  	v46 =	vld [tilespmem:s16+$0xF880];
	v17 =	vmul.f32 v36, v33;
	[tilespmem:s16+$0xF940] =	vst v26  }
0x2d4: {  	v48 =	vld [tilespmem:s16+$0xF8A0];
	v15 =	vmul.f32 v40, v42;
	[tilespmem:s16+$0xF400] =	vst v32  }
0x2d5: {  	v60 =	vld [tilespmem:s16+$0xF950];
	v13 =	vmul.f32 v41, v42;
	[tilespmem:s16+$0xF7F0] =	vst v17  }
0x2d6: {  	v44 =	vld [tilespmem:s16+$0xF860];
	v51 =	vbroadcast v7, $0x9;
	v14 =	vmul.f32 v43, v42;
	[tilespmem:s16+$0xF830] =	vst v15  }
0x2d7: {  	v49 =	vld [tilespmem:s16+$0xF8B0];
	v16 =	vmul.f32 v45, v42;
	[tilespmem:s16+$0xF840] =	vst v13  }
0x2d8: {  	v50 =	vld [tilespmem:s16+$0xF8C0];
	v18 =	vmul.f32 v46, v51;
	[tilespmem:s16+$0xF850] =	vst v14  }
0x2d9: {  	v53 =	vld [tilespmem:s16+$0xF8E0];
	v19 =	vmul.f32 v47, v51;
	[tilespmem:s16+$0xF870] =	vst v16  }
0x2da: {  	v54 =	vld [tilespmem:s16+$0xF8F0];
	v28 =	vmul.f32 v60, v11;
	[tilespmem:s16+$0xF880] =	vst v18  }
0x2db: {  	v56 =	vld [tilespmem:s16+$0xF910];
	v17 =	vmul.f32 v44, v42;
	[tilespmem:s16+$0xF890] =	vst v19  }
0x2dc: {  	v52 =	vld [tilespmem:s16+$0xF8D0];
	v15 =	vmul.f32 v48, v51;
	[tilespmem:s16+$0xF950] =	vst v28  }
0x2dd: {  	v34 =	vld [tilespmem:s16+$0xF9E0];
	v13 =	vmul.f32 v49, v51;
	[tilespmem:s16+$0xF860] =	vst v17  }
0x2de: {  	v35 =	vld [tilespmem:s16+$0xF9F0];
	v14 =	vmul.f32 v50, v51;
	[tilespmem:s16+$0xF8A0] =	vst v15  }
0x2df: {  	v57 =	vld [tilespmem:s16+$0xF920];
	v10 =	vbroadcast v7, $0xF;
	v16 =	vmul.f32 v53, v51;
	[tilespmem:s16+$0xF8B0] =	vst v13  }
0x2e0: {  	v58 =	vld [tilespmem:s16+$0xF930];
	v18 =	vmul.f32 v54, v51;
	[tilespmem:s16+$0xF8C0] =	vst v14  }
0x2e1: {  	v62 =	vld [tilespmem:s16+$0xF960];
	v9 =	vmul.f32 v9, v10;
	[tilespmem:s16+$0xF8E0] =	vst v16  }
0x2e2: {  	v45 =	vmul.f32 v34, v31;
	[tilespmem:s16+$0xF8F0] =	vst v18  }
0x2e3: {  	v12 =	vmul.f32 v35, v31;
	[tilespmem:s16+$0xFBD0] =	vst v9  }
0x2e4: {  	v24 =	vld [tilespmem:s16+$0xF410];
	v17 =	vmul.f32 v52, v51;
	[tilespmem:s16+$0xF9E0] =	vst v45  }
0x2e5: {  	v25 =	vld [tilespmem:s16+$0xF440];
	v15 =	vmul.f32 v56, v11;
	v13 =	vmul.f32 v57, v11;
	[tilespmem:s16+$0xF9F0] =	vst v12  }
0x2e6: {  	v27 =	vld [tilespmem:s16+$0xF450];
	v14 =	vmul.f32 v58, v11;
	v11 =	vmul.f32 v62, v11;
	[tilespmem:s16+$0xF8D0] =	vst v17  }
0x2e7: {  	v33 =	vld [tilespmem:s16+$0xF9D0];
	[tilespmem:s16+$0xF910] =	vst v15  }
0x2e8: {  	[tilespmem:s16+$0xF960] =	vst v11;
	v11 =	vld [tilespmem:s16+$0xF9C0]  }
0x2e9: {  	v36 =	vld [tilespmem:s16+$0xFA00];
	v18 =	vmul.f32 v24, v8;
	[tilespmem:s16+$0xF920] =	vst v13  }
0x2ea: {  	v29 =	vld [tilespmem:s16+$0xF9A0];
	v9 =	vmul.f32 v25, v8;
	[tilespmem:s16+$0xF930] =	vst v14  }
0x2eb: {  	v30 =	vld [tilespmem:s16+$0xF9B0];
	v8 =	vmul.f32 v27, v8;
	[tilespmem:s16+$0xF410] =	vst v18  }
0x2ec: {  	v37 =	vld [tilespmem:s16+$0xFA10];
	v41 =	vbroadcast v7, $0xC;
	v38 =	vmul.f32 v33, v31;
	[tilespmem:s16+$0xF440] =	vst v9  }
0x2ed: {  	v40 =	vld [tilespmem:s16+$0xFA40];
	[tilespmem:s16+$0xF450] =	vst v8;
	v11 =	vmul.f32 v11, v31  }
0x2ee: {  	v46 =	vld [tilespmem:s16+$0xFAA0];
	v21 =	vmul.f32 v36, v41;
	[tilespmem:s16+$0xF9D0] =	vst v38  }
0x2ef: {  	v13 =	vmul.f32 v29, v31;
	[tilespmem:s16+$0xF9C0] =	vst v11;
	v11 =	vld [tilespmem:s16+$0xFA60]  }
0x2f0: {  	v43 =	vld [tilespmem:s16+$0xFA70];
	v14 =	vmul.f32 v30, v31;
	[tilespmem:s16+$0xFA00] =	vst v21  }
0x2f1: {  	v49 =	vbroadcast v7, $0xD;
	v50 =	vld [tilespmem:s16+$0xFAE0];
	v15 =	vmul.f32 v37, v41;
	[tilespmem:s16+$0xF9A0] =	vst v13  }
0x2f2: {  	v8 =	vld [tilespmem:s16+$0xFA90];
	v18 =	vmul.f32 v40, v41;
	[tilespmem:s16+$0xF9B0] =	vst v14  }
0x2f3: {  	v53 =	vld [tilespmem:s16+$0xFB20];
	v17 =	vmul.f32 v46, v49;
	[tilespmem:s16+$0xFA10] =	vst v15  }
0x2f4: {  	v54 =	vld [tilespmem:s16+$0xFB30];
	[tilespmem:s16+$0xFA40] =	vst v18;
	v11 =	vmul.f32 v11, v41  }
0x2f5: {  	v42 =	vld [tilespmem:s16+$0xFA50];
	v21 =	vmul.f32 v43, v41;
	[tilespmem:s16+$0xFAA0] =	vst v17  }
0x2f6: {  	v7 =	vbroadcast v7, $0xE;
	v55 =	vmul.f32 v50, v49;
	[tilespmem:s16+$0xFA60] =	vst v11;
	v11 =	vld [tilespmem:s16+$0xFAD0]  }
0x2f7: {  	v44 =	vld [tilespmem:s16+$0xFA80];
	[tilespmem:s16+$0xFA70] =	vst v21;
	v8 =	vmul.f32 v8, v49  }
0x2f8: {  	v47 =	vld [tilespmem:s16+$0xFAB0];
	v16 =	vmul.f32 v53, v7;
	[tilespmem:s16+$0xFAE0] =	vst v55  }
0x2f9: {  	v12 =	vmul.f32 v54, v7;
	[tilespmem:s16+$0xFA90] =	vst v8;
	v8 =	vld [tilespmem:s16+$0xFB00]  }
0x2fa: {  	v52 =	vld [tilespmem:s16+$0xFB10];
	v14 =	vmul.f32 v42, v41;
	[tilespmem:s16+$0xFB20] =	vst v16  }
0x2fb: {  	v60 =	vld [tilespmem:s16+$0xFBA0];
	[tilespmem:s16+$0xFB30] =	vst v12;
	v11 =	vmul.f32 v11, v49  }
0x2fc: {  	v51 =	vld [tilespmem:s16+$0xFAF0];
	v15 =	vmul.f32 v44, v49;
	[tilespmem:s16+$0xFA50] =	vst v14  }
0x2fd: {  	v18 =	vmul.f32 v47, v49;
	[tilespmem:s16+$0xFAD0] =	vst v11;
	v11 =	vld [tilespmem:s16+$0xFB40]  }
0x2fe: {  	v48 =	vld [tilespmem:s16+$0xFAC0];
	[tilespmem:s16+$0xFA80] =	vst v15;
	v8 =	vmul.f32 v8, v7  }
0x2ff: {  	v58 =	vld [tilespmem:s16+$0xFB80];
	v17 =	vmul.f32 v52, v7;
	[tilespmem:s16+$0xFAB0] =	vst v18  }
0x300: {  	v12 =	vmul.f32 v60, v10;
	[tilespmem:s16+$0xFB00] =	vst v8;
	v8 =	vld [tilespmem:s16+$0xFB70]  }
0x301: {  	v57 =	vld [tilespmem:s16+$0xFB60];
	v15 =	vmul.f32 v51, v49;
	[tilespmem:s16+$0xFB10] =	vst v17  }
0x302: {  	v59 =	vld [tilespmem:s16+$0xFB90];
	[tilespmem:s16+$0xFBA0] =	vst v12;
	v11 =	vmul.f32 v11, v7  }
0x303: {  	v56 =	vld [tilespmem:s16+$0xFB50];
	v14 =	vmul.f32 v48, v49;
	[tilespmem:s16+$0xFAF0] =	vst v15  }
0x304: {  	v17 =	vmul.f32 v58, v10;
	[tilespmem:s16+$0xFB40] =	vst v11;
	v11 =	vld [tilespmem:s16+$0xFBB0]  }
0x305: {  	v39 =	vld [tilespmem:s16+$0xFA30];
	[tilespmem:s16+$0xFAC0] =	vst v14;
	v8 =	vmul.f32 v8, v7  }
0x306: {  	v61 =	vld [tilespmem:s16+$0xFBC0];
	v15 =	vmul.f32 v57, v7;
	[tilespmem:s16+$0xFB80] =	vst v17  }
0x307: {  	v63 =	vld [tilespmem:s16+$0xFBF0];
	[tilespmem:s16+$0xFB70] =	vst v8;
	v8 =	vmul.f32 v59, v10  }
0x308: {  	v62 =	vld [tilespmem:s16+$0xFBE0];
	[tilespmem:s16+$0xFB60] =	vst v15;
	v7 =	vmul.f32 v56, v7  }
0x309: {  	[tilespmem:s16+$0xFB90] =	vst v8;
	v8 =	vmul.f32 v11, v10  }
0x30a: {  	v9 =	vld [tilespmem:s16+$0xFA20];
	[tilespmem:s16+$0xFB50] =	vst v7;
	v11 =	vmul.f32 v39, v41  }
0x30b: {  	[tilespmem:s16+$0xFBB0] =	vst v8;
	v8 =	vmul.f32 v61, v10  }
0x30c: {  	[tilespmem:s16+$0xFA30] =	vst v11;
	v11 =	vmul.f32 v63, v10  }
0x30d: {  	v10 =	vmul.f32 v62, v10;
	[tilespmem:s16+$0xFBC0] =	vst v8  }
0x30e: {  	[tilespmem:s16+$0xFBF0] =	vst v11  }
0x30f: {  	s13 =	simm.s32 $0x1;
	v8 =	vmul.f32 v9, v41;
	[tilespmem:s16+$0xFBE0] =	vst v10  }
.LBB2_22:
0x310: {  	s0 =	sshll.u32 s13, $0x4  }
0x311: {  	p1 =	sne.s32 s13, $0x7;
	[tilespmem:s16+$0xFA20] =	vst v8;
	s1 =	smov.u32 s13;
	s13 =	sadd.s32 $0x1, s13  }
0x312: {  	s0 =	sand.u32 $0x3FFFFFF0, s0  }
0x313: {  	v7 =	vld [tilespmem:s0+$0x2280];
	s0 =	sshll.u32 s1, $0xB  }
0x314: {  	s16 =	sand.u32 $0x3FFFF800, s0  }
0x315: {  	v14 =	vld [tilespmem:s16+$0xF4C0]  }
0x316: {  	v15 =	vld [tilespmem:s16+$0xF4D0]  }
0x317: {  	v16 =	vld [tilespmem:s16+$0xF4B0]  }
0x318: {  	v8 =	vbroadcast v7, $0x0;
	v9 =	vld [tilespmem:s16+$0xF420];
	v13 =	vbroadcast v7, $0x4  }
0x319: {  	v11 =	vld [tilespmem:s16+$0xF430]  }
0x31a: {  	v12 =	vld [tilespmem:s16+$0xF970]  }
0x31b: {  	v17 =	vld [tilespmem:s16+$0xF460]  }
0x31c: {  	v18 =	vld [tilespmem:s16+$0xF470]  }
0x31d: {  	v10 =	vbroadcast v7, $0xA;
	v9 =	vmul.f32 v9, v8;
	v19 =	vld [tilespmem:s16+$0xF480]  }
0x31e: {  	v11 =	vmul.f32 v11, v8;
	v20 =	vld [tilespmem:s16+$0xF490]  }
0x31f: {  	[tilespmem:s16+$0xF420] =	vst v9;
	v21 =	vld [tilespmem:s16+$0xF4A0];
	v9 =	vmul.f32 v12, v10  }
0x320: {  	[tilespmem:s16+$0xF430] =	vst v11;
	v12 =	vmul.f32 v17, v8;
	v17 =	vbroadcast v7, $0x1;
	v11 =	vld [tilespmem:s16+$0xF980]  }
0x321: {  	v18 =	vmul.f32 v18, v8;
	[tilespmem:s16+$0xF970] =	vst v9;
	v9 =	vld [tilespmem:s16+$0xFBD0]  }
0x322: {  	[tilespmem:s16+$0xF460] =	vst v12;
	v19 =	vmul.f32 v19, v17;
	v12 =	vld [tilespmem:s16+$0xF990]  }
0x323: {  	[tilespmem:s16+$0xF470] =	vst v18;
	v18 =	vmul.f32 v20, v17;
	v20 =	vld [tilespmem:s16+$0xF4E0]  }
0x324: {  	[tilespmem:s16+$0xF480] =	vst v19;
	v19 =	vmul.f32 v21, v17;
	v21 =	vld [tilespmem:s16+$0xF4F0]  }
0x325: {  	v16 =	vmul.f32 v16, v17;
	[tilespmem:s16+$0xF490] =	vst v18;
	v18 =	vld [tilespmem:s16+$0xF500]  }
0x326: {  	v14 =	vmul.f32 v14, v17;
	[tilespmem:s16+$0xF4A0] =	vst v19;
	v19 =	vld [tilespmem:s16+$0xF510]  }
0x327: {  	v15 =	vmul.f32 v15, v17;
	[tilespmem:s16+$0xF4B0] =	vst v16;
	v16 =	vld [tilespmem:s16+$0xF520]  }
0x328: {  	[tilespmem:s16+$0xF4C0] =	vst v14;
	v14 =	vmul.f32 v20, v17;
	v20 =	vbroadcast v7, $0x2;
	v22 =	vld [tilespmem:s16+$0xF530]  }
0x329: {  	[tilespmem:s16+$0xF4D0] =	vst v15;
	v15 =	vmul.f32 v21, v17;
	v17 =	vld [tilespmem:s16+$0xF540]  }
0x32a: {  	[tilespmem:s16+$0xF4E0] =	vst v14;
	v14 =	vmul.f32 v18, v20;
	v18 =	vld [tilespmem:s16+$0xF550]  }
0x32b: {  	[tilespmem:s16+$0xF4F0] =	vst v15;
	v15 =	vmul.f32 v19, v20;
	v19 =	vld [tilespmem:s16+$0xF560]  }
0x32c: {  	[tilespmem:s16+$0xF500] =	vst v14;
	v14 =	vmul.f32 v16, v20;
	v16 =	vld [tilespmem:s16+$0xF570]  }
0x32d: {  	[tilespmem:s16+$0xF510] =	vst v15;
	v15 =	vmul.f32 v22, v20;
	v21 =	vld [tilespmem:s16+$0xF580]  }
0x32e: {  	[tilespmem:s16+$0xF520] =	vst v14;
	v14 =	vmul.f32 v17, v20;
	v17 =	vld [tilespmem:s16+$0xF590]  }
0x32f: {  	[tilespmem:s16+$0xF530] =	vst v15;
	v15 =	vmul.f32 v18, v20;
	v18 =	vld [tilespmem:s16+$0xF5A0]  }
0x330: {  	[tilespmem:s16+$0xF540] =	vst v14;
	v14 =	vmul.f32 v19, v20;
	v19 =	vbroadcast v7, $0x3;
	v22 =	vld [tilespmem:s16+$0xF5B0]  }
0x331: {  	[tilespmem:s16+$0xF550] =	vst v15;
	v15 =	vmul.f32 v16, v20;
	v16 =	vld [tilespmem:s16+$0xF5C0]  }
0x332: {  	[tilespmem:s16+$0xF560] =	vst v14;
	v14 =	vmul.f32 v21, v19;
	v20 =	vld [tilespmem:s16+$0xF5D0]  }
0x333: {  	[tilespmem:s16+$0xF570] =	vst v15;
	v15 =	vmul.f32 v17, v19;
	v17 =	vld [tilespmem:s16+$0xF5E0]  }
0x334: {  	[tilespmem:s16+$0xF580] =	vst v14;
	v14 =	vmul.f32 v18, v19;
	v18 =	vld [tilespmem:s16+$0xF5F0]  }
0x335: {  	[tilespmem:s16+$0xF590] =	vst v15;
	v15 =	vmul.f32 v22, v19;
	v21 =	vld [tilespmem:s16+$0xF600]  }
0x336: {  	[tilespmem:s16+$0xF5A0] =	vst v14;
	v14 =	vmul.f32 v16, v19;
	v16 =	vld [tilespmem:s16+$0xF610]  }
0x337: {  	[tilespmem:s16+$0xF5B0] =	vst v15;
	v15 =	vmul.f32 v20, v19;
	v20 =	vld [tilespmem:s16+$0xF620]  }
0x338: {  	[tilespmem:s16+$0xF5C0] =	vst v14;
	v14 =	vmul.f32 v17, v19;
	v17 =	vld [tilespmem:s16+$0xF630]  }
0x339: {  	[tilespmem:s16+$0xF5D0] =	vst v15;
	v15 =	vmul.f32 v18, v19;
	v18 =	vld [tilespmem:s16+$0xF640]  }
0x33a: {  	[tilespmem:s16+$0xF5E0] =	vst v14;
	v14 =	vmul.f32 v21, v13;
	v19 =	vld [tilespmem:s16+$0xF650]  }
0x33b: {  	[tilespmem:s16+$0xF5F0] =	vst v15;
	v15 =	vmul.f32 v16, v13;
	v16 =	vld [tilespmem:s16+$0xF660]  }
0x33c: {  	[tilespmem:s16+$0xF600] =	vst v14;
	v14 =	vmul.f32 v20, v13;
	v20 =	vld [tilespmem:s16+$0xF670]  }
0x33d: {  	[tilespmem:s16+$0xF610] =	vst v15;
	v15 =	vmul.f32 v17, v13;
	v17 =	vld [tilespmem:s16+$0xF680]  }
0x33e: {  	[tilespmem:s16+$0xF620] =	vst v14;
	v14 =	vmul.f32 v18, v13;
	v18 =	vld [tilespmem:s16+$0xF690]  }
0x33f: {  	[tilespmem:s16+$0xF630] =	vst v15;
	v15 =	vmul.f32 v19, v13;
	v19 =	vld [tilespmem:s16+$0xF6A0]  }
0x340: {  	[tilespmem:s16+$0xF640] =	vst v14;
	v14 =	vmul.f32 v16, v13;
	v16 =	vbroadcast v7, $0x5;
	v21 =	vld [tilespmem:s16+$0xF6B0]  }
0x341: {  	[tilespmem:s16+$0xF650] =	vst v15;
	v13 =	vmul.f32 v20, v13;
	v15 =	vld [tilespmem:s16+$0xF6C0]  }
0x342: {  	[tilespmem:s16+$0xF660] =	vst v14;
	v14 =	vmul.f32 v17, v16;
	v17 =	vld [tilespmem:s16+$0xF6D0]  }
0x343: {  	[tilespmem:s16+$0xF670] =	vst v13;
	v13 =	vmul.f32 v18, v16;
	v18 =	vld [tilespmem:s16+$0xF6E0]  }
0x344: {  	[tilespmem:s16+$0xF680] =	vst v14;
	v14 =	vmul.f32 v19, v16;
	v19 =	vld [tilespmem:s16+$0xF6F0]  }
0x345: {  	[tilespmem:s16+$0xF690] =	vst v13;
	v13 =	vmul.f32 v21, v16;
	v20 =	vld [tilespmem:s16+$0xF700]  }
0x346: {  	[tilespmem:s16+$0xF6A0] =	vst v14;
	v14 =	vmul.f32 v15, v16;
	v15 =	vld [tilespmem:s16+$0xF710]  }
0x347: {  	[tilespmem:s16+$0xF6B0] =	vst v13;
	v13 =	vmul.f32 v17, v16;
	v17 =	vld [tilespmem:s16+$0xF720]  }
0x348: {  	[tilespmem:s16+$0xF6C0] =	vst v14;
	v14 =	vmul.f32 v18, v16;
	v18 =	vbroadcast v7, $0x6;
	v21 =	vld [tilespmem:s16+$0xF730]  }
0x349: {  	[tilespmem:s16+$0xF6D0] =	vst v13;
	v13 =	vmul.f32 v19, v16;
	v16 =	vld [tilespmem:s16+$0xF740]  }
0x34a: {  	[tilespmem:s16+$0xF6E0] =	vst v14;
	v14 =	vmul.f32 v20, v18;
	v19 =	vld [tilespmem:s16+$0xF750]  }
0x34b: {  	[tilespmem:s16+$0xF6F0] =	vst v13;
	v13 =	vmul.f32 v15, v18;
	v15 =	vld [tilespmem:s16+$0xF760]  }
0x34c: {  	[tilespmem:s16+$0xF700] =	vst v14;
	v14 =	vmul.f32 v17, v18;
	v17 =	vld [tilespmem:s16+$0xF770]  }
0x34d: {  	[tilespmem:s16+$0xF710] =	vst v13;
	v13 =	vmul.f32 v21, v18;
	v20 =	vld [tilespmem:s16+$0xF780]  }
0x34e: {  	[tilespmem:s16+$0xF720] =	vst v14;
	v14 =	vmul.f32 v16, v18;
	v16 =	vld [tilespmem:s16+$0xF790]  }
0x34f: {  	[tilespmem:s16+$0xF730] =	vst v13;
	v13 =	vmul.f32 v19, v18;
	v19 =	vld [tilespmem:s16+$0xF7A0]  }
0x350: {  	[tilespmem:s16+$0xF740] =	vst v14;
	v14 =	vmul.f32 v15, v18;
	v15 =	vbroadcast v7, $0x7;
	v21 =	vld [tilespmem:s16+$0xF7B0]  }
0x351: {  	[tilespmem:s16+$0xF750] =	vst v13;
	v13 =	vmul.f32 v17, v18;
	v17 =	vld [tilespmem:s16+$0xF7C0]  }
0x352: {  	[tilespmem:s16+$0xF760] =	vst v14;
	v14 =	vmul.f32 v20, v15;
	v18 =	vld [tilespmem:s16+$0xF7D0]  }
0x353: {  	[tilespmem:s16+$0xF770] =	vst v13;
	v13 =	vmul.f32 v16, v15;
	v16 =	vld [tilespmem:s16+$0xF7E0]  }
0x354: {  	[tilespmem:s16+$0xF780] =	vst v14;
	v14 =	vmul.f32 v19, v15;
	v19 =	vld [tilespmem:s16+$0xF7F0]  }
0x355: {  	[tilespmem:s16+$0xF790] =	vst v13;
	v13 =	vmul.f32 v21, v15;
	v20 =	vld [tilespmem:s16+$0xF800]  }
0x356: {  	[tilespmem:s16+$0xF7A0] =	vst v14;
	v14 =	vmul.f32 v17, v15;
	v17 =	vld [tilespmem:s16+$0xF810]  }
0x357: {  	[tilespmem:s16+$0xF7B0] =	vst v13;
	v13 =	vmul.f32 v18, v15;
	v18 =	vld [tilespmem:s16+$0xF820]  }
0x358: {  	[tilespmem:s16+$0xF7C0] =	vst v14;
	v14 =	vmul.f32 v16, v15;
	v16 =	vbroadcast v7, $0x8;
	v21 =	vld [tilespmem:s16+$0xF830]  }
0x359: {  	[tilespmem:s16+$0xF7D0] =	vst v13;
	v13 =	vmul.f32 v19, v15;
	v15 =	vld [tilespmem:s16+$0xF840]  }
0x35a: {  	[tilespmem:s16+$0xF7E0] =	vst v14;
	v14 =	vmul.f32 v20, v16;
	v19 =	vld [tilespmem:s16+$0xF850]  }
0x35b: {  	[tilespmem:s16+$0xF7F0] =	vst v13;
	v13 =	vmul.f32 v17, v16;
	v17 =	vld [tilespmem:s16+$0xF860]  }
0x35c: {  	[tilespmem:s16+$0xF800] =	vst v14;
	v14 =	vmul.f32 v18, v16;
	v18 =	vld [tilespmem:s16+$0xF870]  }
0x35d: {  	[tilespmem:s16+$0xF810] =	vst v13;
	v13 =	vmul.f32 v21, v16;
	v20 =	vld [tilespmem:s16+$0xF880]  }
0x35e: {  	[tilespmem:s16+$0xF820] =	vst v14;
	v14 =	vmul.f32 v15, v16;
	v15 =	vld [tilespmem:s16+$0xF890]  }
0x35f: {  	[tilespmem:s16+$0xF830] =	vst v13;
	v13 =	vmul.f32 v19, v16;
	v19 =	vld [tilespmem:s16+$0xF8A0]  }
0x360: {  	[tilespmem:s16+$0xF840] =	vst v14;
	v14 =	vmul.f32 v17, v16;
	v17 =	vbroadcast v7, $0x9;
	v21 =	vld [tilespmem:s16+$0xF8B0]  }
0x361: {  	[tilespmem:s16+$0xF850] =	vst v13;
	v13 =	vmul.f32 v18, v16;
	v16 =	vld [tilespmem:s16+$0xF8C0]  }
0x362: {  	[tilespmem:s16+$0xF860] =	vst v14;
	v14 =	vmul.f32 v20, v17;
	v18 =	vld [tilespmem:s16+$0xF8D0]  }
0x363: {  	[tilespmem:s16+$0xF870] =	vst v13;
	v13 =	vmul.f32 v15, v17;
	v15 =	vld [tilespmem:s16+$0xF8E0]  }
0x364: {  	[tilespmem:s16+$0xF880] =	vst v14;
	v14 =	vmul.f32 v19, v17;
	v19 =	vld [tilespmem:s16+$0xF8F0]  }
0x365: {  	[tilespmem:s16+$0xF890] =	vst v13;
	v13 =	vmul.f32 v21, v17;
	v20 =	vld [tilespmem:s16+$0xF900]  }
0x366: {  	[tilespmem:s16+$0xF8A0] =	vst v14;
	v14 =	vmul.f32 v16, v17;
	v16 =	vld [tilespmem:s16+$0xF910]  }
0x367: {  	[tilespmem:s16+$0xF8B0] =	vst v13;
	v13 =	vmul.f32 v18, v17;
	v18 =	vld [tilespmem:s16+$0xF920]  }
0x368: {  	[tilespmem:s16+$0xF8C0] =	vst v14;
	v14 =	vmul.f32 v15, v17;
	v15 =	vld [tilespmem:s16+$0xF930]  }
0x369: {  	[tilespmem:s16+$0xF8D0] =	vst v13;
	v13 =	vmul.f32 v19, v17;
	v17 =	vld [tilespmem:s16+$0xF940]  }
0x36a: {  	[tilespmem:s16+$0xF8E0] =	vst v14;
	v14 =	vmul.f32 v20, v10;
	v19 =	vld [tilespmem:s16+$0xF950]  }
0x36b: {  	[tilespmem:s16+$0xF8F0] =	vst v13;
	v13 =	vmul.f32 v16, v10;
	v16 =	vld [tilespmem:s16+$0xF960]  }
0x36c: {  	v20 =	vld [tilespmem:s16+$0xF400];
	[tilespmem:s16+$0xF900] =	vst v14;
	v14 =	vmul.f32 v18, v10  }
0x36d: {  	v18 =	vld [tilespmem:s16+$0xF410];
	[tilespmem:s16+$0xF910] =	vst v13;
	v13 =	vmul.f32 v15, v10  }
0x36e: {  	v15 =	vld [tilespmem:s16+$0xF440];
	[tilespmem:s16+$0xF920] =	vst v14;
	v14 =	vmul.f32 v17, v10  }
0x36f: {  	v17 =	vld [tilespmem:s16+$0xF450];
	[tilespmem:s16+$0xF930] =	vst v13;
	v13 =	vmul.f32 v19, v10  }
0x370: {  	[tilespmem:s16+$0xF940] =	vst v14;
	v14 =	vmul.f32 v16, v10;
	v16 =	vbroadcast v7, $0xB;
	v19 =	vld [tilespmem:s16+$0xF9A0]  }
0x371: {  	v10 =	vbroadcast v7, $0xF;
	v20 =	vmul.f32 v8, v20;
	[tilespmem:s16+$0xF950] =	vst v13;
	v13 =	vld [tilespmem:s16+$0xF9B0]  }
0x372: {  	v18 =	vmul.f32 v18, v8;
	[tilespmem:s16+$0xF960] =	vst v14;
	v11 =	vmul.f32 v11, v16;
	v14 =	vld [tilespmem:s16+$0xF9C0]  }
0x373: {  	v12 =	vmul.f32 v12, v16;
	[tilespmem:s16+$0xF400] =	vst v20;
	v15 =	vmul.f32 v15, v8;
	v20 =	vld [tilespmem:s16+$0xF9D0]  }
0x374: {  	v9 =	vmul.f32 v9, v10;
	v17 =	vmul.f32 v17, v8;
	[tilespmem:s16+$0xF980] =	vst v11;
	v8 =	vld [tilespmem:s16+$0xF9E0]  }
0x375: {  	[tilespmem:s16+$0xF990] =	vst v12;
	v11 =	vmul.f32 v19, v16;
	v12 =	vld [tilespmem:s16+$0xF9F0]  }
0x376: {  	v13 =	vmul.f32 v13, v16;
	v19 =	vld [tilespmem:s16+$0xFA00];
	[tilespmem:s16+$0xFBD0] =	vst v9  }
0x377: {  	[tilespmem:s16+$0xF410] =	vst v18;
	v9 =	vmul.f32 v14, v16;
	v14 =	vld [tilespmem:s16+$0xFA10]  }
0x378: {  	[tilespmem:s16+$0xF440] =	vst v15;
	v15 =	vmul.f32 v20, v16;
	v18 =	vld [tilespmem:s16+$0xFA20]  }
0x379: {  	v20 =	vbroadcast v7, $0xC;
	[tilespmem:s16+$0xF9A0] =	vst v11;
	v11 =	vmul.f32 v8, v16;
	v21 =	vld [tilespmem:s16+$0xFA30]  }
0x37a: {  	[tilespmem:s16+$0xF9D0] =	vst v15;
	v12 =	vmul.f32 v12, v16;
	v15 =	vld [tilespmem:s16+$0xFA40]  }
0x37b: {  	[tilespmem:s16+$0xF9B0] =	vst v13;
	v8 =	vmul.f32 v19, v20;
	v13 =	vld [tilespmem:s16+$0xFA50]  }
0x37c: {  	[tilespmem:s16+$0xF9C0] =	vst v9;
	v9 =	vmul.f32 v14, v20;
	v14 =	vld [tilespmem:s16+$0xFA60]  }
0x37d: {  	[tilespmem:s16+$0xFA00] =	vst v8;
	v8 =	vmul.f32 v18, v20;
	v16 =	vld [tilespmem:s16+$0xFA70]  }
0x37e: {  	[tilespmem:s16+$0xFA10] =	vst v9;
	v9 =	vld [tilespmem:s16+$0xFA80]  }
0x37f: {  	[tilespmem:s16+$0xF450] =	vst v17;
	v15 =	vmul.f32 v15, v20;
	v17 =	vld [tilespmem:s16+$0xFA90]  }
0x380: {  	[tilespmem:s16+$0xF9E0] =	vst v11;
	v11 =	vmul.f32 v13, v20;
	v13 =	vld [tilespmem:s16+$0xFAA0]  }
0x381: {  	[tilespmem:s16+$0xFA40] =	vst v15;
	v14 =	vmul.f32 v14, v20;
	v15 =	vbroadcast v7, $0xD;
	v18 =	vld [tilespmem:s16+$0xFAB0]  }
0x382: {  	[tilespmem:s16+$0xFA50] =	vst v11;
	v11 =	vmul.f32 v16, v20;
	v16 =	vld [tilespmem:s16+$0xFAC0]  }
0x383: {  	[tilespmem:s16+$0xFA60] =	vst v14;
	v9 =	vmul.f32 v9, v15;
	v14 =	vld [tilespmem:s16+$0xFAD0]  }
0x384: {  	[tilespmem:s16+$0xFA70] =	vst v11;
	v11 =	vmul.f32 v17, v15;
	v17 =	vld [tilespmem:s16+$0xFAE0]  }
0x385: {  	[tilespmem:s16+$0xFA80] =	vst v9;
	v9 =	vmul.f32 v13, v15;
	v13 =	vld [tilespmem:s16+$0xFAF0]  }
0x386: {  	[tilespmem:s16+$0xFA90] =	vst v11;
	v11 =	vmul.f32 v18, v15;
	v18 =	vld [tilespmem:s16+$0xFB00]  }
0x387: {  	[tilespmem:s16+$0xFAA0] =	vst v9;
	v9 =	vmul.f32 v16, v15;
	v16 =	vld [tilespmem:s16+$0xFB10]  }
0x388: {  	[tilespmem:s16+$0xFAB0] =	vst v11;
	v11 =	vmul.f32 v14, v15;
	v14 =	vld [tilespmem:s16+$0xFB20]  }
0x389: {  	v7 =	vbroadcast v7, $0xE;
	[tilespmem:s16+$0xF9F0] =	vst v12;
	v12 =	vmul.f32 v17, v15;
	v17 =	vld [tilespmem:s16+$0xFB30]  }
0x38a: {  	[tilespmem:s16+$0xFAD0] =	vst v11;
	v11 =	vmul.f32 v13, v15;
	v13 =	vld [tilespmem:s16+$0xFB40]  }
0x38b: {  	[tilespmem:s16+$0xFAE0] =	vst v12;
	v12 =	vmul.f32 v18, v7;
	v15 =	vld [tilespmem:s16+$0xFB50]  }
0x38c: {  	[tilespmem:s16+$0xFAF0] =	vst v11;
	v11 =	vmul.f32 v16, v7;
	v16 =	vld [tilespmem:s16+$0xFB60]  }
0x38d: {  	[tilespmem:s16+$0xFB00] =	vst v12;
	v12 =	vmul.f32 v14, v7;
	v14 =	vld [tilespmem:s16+$0xFB70]  }
0x38e: {  	[tilespmem:s16+$0xFB10] =	vst v11;
	v11 =	vmul.f32 v17, v7;
	v17 =	vld [tilespmem:s16+$0xFB80]  }
0x38f: {  	[tilespmem:s16+$0xFB20] =	vst v12;
	v12 =	vmul.f32 v13, v7;
	v13 =	vld [tilespmem:s16+$0xFB90]  }
0x390: {  	[tilespmem:s16+$0xFB30] =	vst v11;
	v11 =	vmul.f32 v15, v7;
	v15 =	vld [tilespmem:s16+$0xFBA0]  }
0x391: {  	[tilespmem:s16+$0xFB40] =	vst v12;
	v12 =	vmul.f32 v16, v7;
	v16 =	vld [tilespmem:s16+$0xFBB0]  }
0x392: {  	[tilespmem:s16+$0xFAC0] =	vst v9;
	v7 =	vmul.f32 v14, v7;
	v9 =	vld [tilespmem:s16+$0xFBC0]  }
0x393: {  	[tilespmem:s16+$0xFB60] =	vst v12;
	v12 =	vmul.f32 v17, v10;
	v14 =	vld [tilespmem:s16+$0xFBE0]  }
0x394: {  	[tilespmem:s16+$0xFB70] =	vst v7;
	v7 =	vmul.f32 v13, v10;
	v13 =	vld [tilespmem:s16+$0xFBF0]  }
0x395: {  	[tilespmem:s16+$0xFB80] =	vst v12;
	v12 =	vmul.f32 v15, v10  }
0x396: {  	[tilespmem:s16+$0xFB90] =	vst v7;
	v7 =	vmul.f32 v16, v10  }
0x397: {  	v15 =	vmul.f32 v21, v20;
	[tilespmem:s16+$0xFBA0] =	vst v12  }
0x398: {  	[tilespmem:s16+$0xFBB0] =	vst v7;
	v7 =	vmul.f32 v9, v10  }
.Ltmp11:
0x399: {  	[tilespmem:s16+$0xFA30] =	vst v15;
	v9 =	vmul.f32 v13, v10;
	(pc) =	sbr.rel @p1 .LBB2_22-.Ltmp11, $4  }
0x39a: {  	[tilespmem:s16+$0xFBC0] =	vst v7  }
0x39b: {  	v7 =	vmul.f32 v14, v10;
	[tilespmem:s16+$0xFBF0] =	vst v9  }
0x39c: {  	[tilespmem:s16+$0xFB50] =	vst v11  }
0x39d: {  	[tilespmem:s16+$0xFBE0] =	vst v7  }
0x39e: {  	p1 =	sne.s32 s8, $0x8  }
.Ltmp12:
0x39f: {  	_ = 	snop;
	(pc) =	sbr.rel @p1 .LBB2_17-.Ltmp12, $4  }
0x3a0: {  	_ = 	snop  }
0x3a1: {  	s0 =	sor.u32 $0x4000, s15;
	s1 =	simm.s32 $0xF400  }
0x3a2: {  	[tilespmem:s16+$0xFA20] =	vst v8;
	s2 =	simm.s32 $0x400;
	s7 =	sadd.s32 $0x400, s7;
	s0 =	sadd.s32 s17, s0  }
0x3a3: {  	[hbm4b:s0+s2] =	stream.strided.scatter [tilespmem:s1], [sflag:$0x7], $0x4000, s28, s2, $0x38;
	[tilespmem:$0x1D800] =	vst v63  }
0x3a4: {  	s1 =	simm.s32 $0x7  }
0x3a5: {  	_ =	swait.ge [sflag:s1], $0x4000  }
0x3a6: {  	[sflag:s1] =	ssyncset.done $0x0  }
0x3a7: {  	[sflag:s1] =	ssyncadd.s32 $0xFFFFC000  }
0x3a8: {  	_ =	swait.ge [sflag:s1], $0x4000  }
0x3a9: {  	s2 =	rddreg [dreg:$0x13]  }
0x3aa: {  	s0 =	rddreg [dreg:$0x11];
	s2 =	sadd.s32 $0x1, s2  }
0x3ab: {  	p0 =	sne.s32 s2, s0  }
.Ltmp13:
0x3ac: {  	_ = 	snop;
	(pc) =	sbr.rel @p0 .LBB2_1-.Ltmp13, $4  }
.Ltmp14:
0x3ad: {  	_ = 	snop;
	(pc) =	sbr.rel @!p0 .LBB2_25-.Ltmp14, $4  }
0x3ae: {  	_ = 	snop  }
0x3af: {  	[sflag:s1] =	ssyncset.done $0x0  }
0x3b0: {  	[sflag:s1] =	ssyncadd.s32 $0xFFFFC000  }
0x3b1: {  	_ = 	snop  }
.LBB2_7:
.Ltmp15:
0x3b2: {  	(pc) =	sbr.rel .LBB2_11-.Ltmp15, $2  }
0x3b3: {  	_ =	sdelay $0x2  }
0x3b4: {  	s3 =	smov.u32 s1;
	s2 =	smov.u32 s0  }
.LBB2_9:
.Ltmp16:
0x3b5: {  	(pc) =	sbr.rel .LBB2_11-.Ltmp16, $2  }
0x3b6: {  	_ =	sdelay $0x2  }
0x3b7: {  	s3 =	smov.u32 s1;
	s2 =	smov.u32 s0  }
.LBB2_25:
0x3b8: {  	_ =	sfence.sel $0x180000  }
0x3b9: {  	[bflag:$0x0] =	sbarrier.arrive $0xFFFF  }
0x3ba: {  	_ =	strace $0x90000047  }
0x3bb: {  	s0 =	stileid.u32;
	[bflag:$0x2] =	sbarrier.arrive $0xFFFF  }
0x3bc: {  	p0 =	sne.s32 s0, $0x0;
	s0 =	rddreg [dreg:$0x6]  }
0x3bd: {  	s0 =	sadd.s32 @!p0 $0x100000, s0  }
0x3be: {  	[sflag:s0] =	ssyncadd.tile.s32 @!p0 $0x1;
	_ =	shalt  }
.Lfunc_end2:
_tile_overlayer_lowered:
.L_overlay_start_2:
0x3bf: {  	(tag) =	ssettag $0x2  }
0x3c0: {  	s0 =	rddreg [dreg:$0x0];
	s2 =	stileid.u32  }
0x3c1: {  	s1 =	rddreg [dreg:$0x1];
	p0 =	sne.s32 s2, $0x0  }
0x3c2: {  	s3 =	rddreg [dreg:$0x2];
	[bflag:$0x3] =	sbarrier.arrive $0xFFFF;
	s2 =	simm.s32 @!p0 $0x1C08  }
0x3c3: {  	[timem:s3], [sflag:s2] =	dma.local @!p0 [hbm:s0], s1  }
0x3c4: {  	s0 =	simm.s32 @!p0 $0x8  }
0x3c5: {  	_ =	swait.ge @!p0 [sflag:s0], s1  }
0x3c6: {  	s1 =	ssub.s32 @!p0 $0x0, s1;
	[sflag:s0] =	ssyncset.done @!p0 $0x0  }
0x3c7: {  	[sflag:s0] =	ssyncadd.s32 @!p0 s1  }
0x3c8: {  	[bflag:$0x3] =	sbarrier.arrive $0xFFFF  }
0x3c9: {  	_ =	shalt  }

</sc_bundles>
